<compile_context>
chip_gen: v7x
topology: tpu7x:2x2x1
jax: 0.10.2.dev20260603
libtpu: 0.0.44.dev20260713+nightly
codegen_flags: <defaults>
</compile_context>

<pallas_src>
import functools

import numpy as np

import jax
import jax.numpy as jnp
from jax import lax
from jax.experimental import pallas as pl
from jax.experimental.pallas import tpu as pltpu
from jax.experimental.pallas import tpu_sc as plsc

T = 3
N = 100000
D = 128
B = 10000
S1, S2 = 5, 2
H1, H2 = 512, 10
OUT = 32
VTH = 1.0

NC, NS = 2, 16
NW = NC * NS
ROWS_T = B * (1 + S1 + S1 * S2)
CHUNK = 128
KCH = 40
RPW = CHUNK * KCH
GT = RPW * NW

BLK = 1000
NB = B // BLK

def _build_oidx() -> np.ndarray:
    p = np.arange(GT, dtype=np.int64)
    out = p.copy()
    s1lo, s1hi = B, B + B * S1
    q = p - s1lo
    sel = (p >= s1lo) & (p < s1hi)
    out[sel] = s1lo + (q[sel] % S1) * B + q[sel] // S1
    s2lo, s2hi = s1hi, s1hi + B * S1 * S2
    q = p - s2lo
    sel = (p >= s2lo) & (p < s2hi)
    out[sel] = s2lo + (q[sel] % (S1 * S2)) * B + q[sel] // (S1 * S2)
    return out.reshape(NW, KCH, CHUNK).astype(np.int32)


_OIDX = _build_oidx()
_PADIDX = np.arange(GT - ROWS_T, dtype=np.int32)


def _sc_gather_build():
    mesh = plsc.VectorSubcoreMesh(core_axis_name="c", subcore_axis_name="s")

    @functools.partial(
        pl.kernel,
        out_type=jax.ShapeDtypeStruct((GT, D), jnp.float32),
        mesh=mesh,
        scratch_types=[
            pltpu.VMEM((RPW,), jnp.int32),
            pltpu.VMEM((KCH, CHUNK), jnp.int32),
            pltpu.VMEM((4, CHUNK, D), jnp.float32),
            pltpu.SemaphoreType.DMA,
            pltpu.SemaphoreType.DMA,
            pltpu.SemaphoreType.DMA,
            pltpu.SemaphoreType.DMA,
            pltpu.SemaphoreType.DMA,
            pltpu.SemaphoreType.DMA,
            pltpu.SemaphoreType.DMA,
            pltpu.SemaphoreType.DMA,
        ],
    )
    def sc_gather(table, idx, oidx, out, iv, ov, rv,
                  g0, g1, g2, g3, w0, w1, w2, w3):
        wid = lax.axis_index("s") * NC + lax.axis_index("c")
        pltpu.sync_copy(idx.at[pl.ds(wid * RPW, RPW)], iv)
        pltpu.sync_copy(oidx.at[wid], ov)
        gsem = (g0, g1, g2, g3)
        wsem = (w0, w1, w2, w3)

        def gstart(c, s):
            pltpu.make_async_copy(
                table.at[iv.at[pl.ds(c * CHUNK, CHUNK)]],
                rv.at[s], gsem[s]).start()

        def gwait(s):
            pltpu.make_async_copy(
                table.at[iv.at[pl.ds(0, CHUNK)]], rv.at[s], gsem[s]).wait()

        def wstart(c, s):
            pltpu.make_async_copy(rv.at[s], out.at[ov.at[c]],
                                  wsem[s]).start()

        def wwait(s):
            pltpu.make_async_copy(rv.at[0], out.at[ov.at[0]],
                                  wsem[s]).wait()

        gstart(0, 0)
        gstart(1, 1)
        for s in range(4):
            c = s
            gwait(s)
            wstart(c, s)
            if c >= 2:
                wwait((c + 2) % 4)
            gstart(c + 2, (s + 2) % 4)

        def body(j, carry):
            for s in range(4):
                c = 4 * j + s
                gwait(s)
                wstart(c, s)
                wwait((s + 2) % 4)
                gstart(c + 2, (s + 2) % 4)
            return carry

        lax.fori_loop(1, KCH // 4 - 1, body, 0)
        for s in range(4):
            c = KCH - 4 + s
            gwait(s)
            wstart(c, s)
            wwait((s + 2) % 4)
            if c + 2 < KCH:
                gstart(c + 2, (s + 2) % 4)
        wwait(2)
        wwait(3)

    return sc_gather


_sc_gather = _sc_gather_build()


def _tc_body_build(t: int):
    def body(h0, h10, h11, h12, h13, h14,
             h20, h21, h22, h23, h24, h25, h26, h27, h28, h29,
             w1, w2, wp, prev, out):
        h1b = (h10, h11, h12, h13, h14)
        h2b = (h20, h21, h22, h23, h24, h25, h26, h27, h28, h29)
        w1v = w1[...]
        n0 = h1b[0][...]
        for k in range(1, S1):
            n0 = n0 + h1b[k][...]
        a0 = h0[...] + n0 * (1.0 / S1)
        g = (jnp.dot(a0, w1v, preferred_element_type=jnp.float32)
             >= VTH).astype(jnp.float32)
        gs = jnp.zeros((BLK, H1), jnp.float32)
        for k in range(S1):
            a1 = h1b[k][...] + 0.5 * (h2b[2 * k][...] + h2b[2 * k + 1][...])
            s1 = (jnp.dot(a1, w1v, preferred_element_type=jnp.float32)
                  >= VTH).astype(jnp.float32)
            gs = gs + s1
        g2 = g + gs * (1.0 / S1)
        o2 = jnp.dot(g2, w2[...], preferred_element_type=jnp.float32)
        s2 = (o2 >= VTH).astype(jnp.float32)
        out[...] = prev[...] + jnp.dot(s2, wp[0],
                                       preferred_element_type=jnp.float32)

    return body


def _tc_net_build(t: int):
    prev_spec = (pl.BlockSpec((1, OUT), lambda i: (0, 0)) if t == 0
                 else pl.BlockSpec((BLK, OUT), lambda i: (i, 0)))
    in_specs = (
        [pl.BlockSpec((BLK, D), lambda i: (i, 0))]
        + [pl.BlockSpec((BLK, D), lambda i, k=k: ((1 + k) * NB + i, 0))
           for k in range(S1)]
        + [pl.BlockSpec((BLK, D),
                        lambda i, m=m: ((1 + S1 + m) * NB + i, 0))
           for m in range(S1 * S2)]
        + [
            pl.BlockSpec((D, H1), lambda i: (0, 0)),
            pl.BlockSpec((H1, H2), lambda i: (0, 0)),
            pl.BlockSpec((1, H2, OUT), lambda i, t=t: (t, 0, 0)),
            prev_spec,
        ]
    )
    return pl.pallas_call(
        _tc_body_build(t),
        grid=(NB,),
        in_specs=in_specs,
        out_specs=pl.BlockSpec((BLK, OUT), lambda i: (i, 0)),
        out_shape=jax.ShapeDtypeStruct((B, OUT), jnp.float32),
    )


_tc_net_t = [_tc_net_build(t) for t in range(T)]


def kernel(x, nodes, nbr1, nbr2, W1, W2, Wp, bp):
    table = x.reshape(T * N, D)
    nodes_i = nodes.astype(jnp.int32)
    oidx = jnp.asarray(_OIDX)
    pad = jnp.asarray(_PADIDX)
    wp3 = Wp.reshape(T, H2, OUT)

    prev = bp.reshape(1, OUT)
    for t in range(T):
        idx_t = jnp.concatenate(
            [nodes_i, nbr1[t].astype(jnp.int32),
             nbr2[t].astype(jnp.int32), pad]) + (t * N)
        hg = _sc_gather(table, idx_t, oidx)
        args = [hg] * 16 + [W1, W2, wp3, prev]
        prev = _tc_net_t[t](*args)
    return prev

# --- scband reference (transcript-rebuilt; emitter-appended) ---
"""Pipeline reference for scband-spike-net-26465588478203 (READ-ONLY COPY).

The authoritative reference and input builder live on the scoring server;
editing this copy changes nothing except your own understanding.
"""

import jax, jax.numpy as jnp
import numpy as np

T = 3
N = 100000
D = 128
B = 10000
S1, S2 = 5, 2
H1, H2 = 512, 10
OUT = 32
TAU = 1.0
VTH = 1.0
ALPHA = 1.0


@jax.custom_vjp
def spike_fn(v):
    # heaviside fire with triangle surrogate gradient
    return (v >= VTH).astype(jnp.float32)


def _spike_fwd(v):
    return spike_fn(v), v


def _spike_bwd(v, g):
    grad = g * ALPHA * jnp.clip(1.0 - jnp.abs(v - VTH), 0.0, None)
    return (grad,)


spike_fn.defvjp(_spike_fwd, _spike_bwd)


def setup_inputs(seed: int = 0) -> dict:
    key = jax.random.key(seed)
    ks = jax.random.split(key, 8)
    x = jax.random.normal(ks[0], (T, N, D), dtype=jnp.float32)
    nodes = jax.random.randint(ks[1], (B,), 0, N)
    nbr1 = jax.random.randint(ks[2], (T, B * S1), 0, N)
    nbr2 = jax.random.randint(ks[3], (T, B * S1 * S2), 0, N)
    W1 = jax.random.normal(ks[4], (D, H1), dtype=jnp.float32) * (1.0 / np.sqrt(D))
    W2 = jax.random.normal(ks[5], (H1, H2), dtype=jnp.float32) * (1.0 / np.sqrt(H1))
    Wp = jax.random.normal(ks[6], (T * H2, OUT), dtype=jnp.float32) * (1.0 / np.sqrt(T * H2))
    bp = jnp.zeros((OUT,), dtype=jnp.float32)
    return {"x": x, "nodes": nodes, "nbr1": nbr1, "nbr2": nbr2,
            "W1": W1, "W2": W2, "Wp": Wp, "bp": bp}


def reference(x, nodes, nbr1, nbr2, W1, W2, Wp, bp):
    # SpikeNet.encode + pooling, eval mode (dropout = identity).
    # LIF membrane state persists across the T snapshots (reset_net at end).
    v1 = jnp.zeros((B * (1 + S1), H1), dtype=jnp.float32)
    v2 = jnp.zeros((B, H2), dtype=jnp.float32)
    spikes = []
    for t in range(T):
        xt = x[t]
        h0 = jnp.take(xt, nodes, axis=0)        # (B, D)
        h1 = jnp.take(xt, nbr1[t], axis=0)      # (B*S1, D)
        h2 = jnp.take(xt, nbr2[t], axis=0)      # (B*S1*S2, D)
        # SAGEConv layer 1 (concat=False, mean aggr, no bias):
        # out_j = lin(self_j + mean(neigh_j)) for each hop level, cat along dim 0
        n0 = h1.reshape(B, S1, D).mean(axis=1)
        n1 = h2.reshape(B * S1, S2, D).mean(axis=1)
        o0 = (h0 + n0) @ W1
        o1 = (h1 + n1) @ W1
        out = jnp.concatenate([o0, o1], axis=0)  # (B*(1+S1), H1)
        # LIF neuron (tau=1, v_reset=0, hard reset)
        v1 = v1 + (out - v1) / TAU
        s1 = spike_fn(v1)
        v1 = (1.0 - s1) * v1
        g0 = s1[:B]
        g1 = s1[B:]
        # SAGEConv layer 2
        n = g1.reshape(B, S1, H1).mean(axis=1)
        o = (g0 + n) @ W2
        v2 = v2 + (o - v2) / TAU
        s2 = spike_fn(v2)
        v2 = (1.0 - s2) * v2
        spikes.append(s2)
    spk = jnp.concatenate(spikes, axis=1)  # (B, T*H2)
    return spk @ Wp + bp

if __name__ == "__main__":
    import jax
    _d = setup_inputs()
    print(jax.jit(kernel)(*tuple(_d.values())))

</pallas_src>

<mosaic_0001>
#map = affine_map<(d0, d1) -> (0, 0)>
#map1 = affine_map<(d0, d1) -> (0)>
#map2 = affine_map<(d0, d1) -> (0, 0, 0)>
module attributes {stable_mosaic.version = 14 : i64} {
  func.func @sc_gather(%arg0: i32, %arg1: i32, %arg2: memref<300000x128xf32, #tpu.memory_space<hbm>>, %arg3: memref<163840xi32, #tpu.memory_space<hbm>>, %arg4: memref<32x40x128xi32, #tpu.memory_space<hbm>>, %arg5: memref<163840x128xf32, #tpu.memory_space<hbm>>, %arg6: memref<5120xi32, #tpu.memory_space<vmem>>, %arg7: memref<40x128xi32, #tpu.memory_space<vmem>>, %arg8: memref<4x128x128xf32, #tpu.memory_space<vmem>>, %arg9: memref<!tpu.dma_semaphore, #tpu.memory_space<semaphore_mem>>, %arg10: memref<!tpu.dma_semaphore, #tpu.memory_space<semaphore_mem>>, %arg11: memref<!tpu.dma_semaphore, #tpu.memory_space<semaphore_mem>>, %arg12: memref<!tpu.dma_semaphore, #tpu.memory_space<semaphore_mem>>, %arg13: memref<!tpu.dma_semaphore, #tpu.memory_space<semaphore_mem>>, %arg14: memref<!tpu.dma_semaphore, #tpu.memory_space<semaphore_mem>>, %arg15: memref<!tpu.dma_semaphore, #tpu.memory_space<semaphore_mem>>, %arg16: memref<!tpu.dma_semaphore, #tpu.memory_space<semaphore_mem>>) attributes {dimension_semantics = [#tpu.dimension_semantics<core_parallel>, #tpu.dimension_semantics<subcore_parallel>], iteration_bounds = array<i64: 2, 16>, scalar_prefetch = 0 : i64, scratch_operands = 11 : i64, tpu.core_type = #tpu.core_type<sc_vector_subcore>, window_params = [{transform_indices = #map}, {transform_indices = #map1}, {transform_indices = #map2}, {transform_indices = #map}]} {
    %mul3A = arith.constant 2 : i32
    %mul3A_0 = arith.muli %arg1, %mul3A : i32
    %add3A = arith.addi %mul3A_0, %arg0 : i32
    %mul3A_1 = arith.constant 5120 : i32
    %mul3A_2 = arith.muli %add3A, %mul3A_1 : i32
    "tpu.region"() ({
      %run_scoped3A = tpu.sem_alloc : memref<!tpu.dma_semaphore, #tpu.memory_space<semaphore_mem>>
      %dma_start3A_358 = tpu.memref_slice %arg3[%mul3A_2] : memref<163840xi32, #tpu.memory_space<hbm>> -> memref<5120xi32, #tpu.memory_space<hbm>>
      %dma_start3A_359 = tpu.memref_slice %arg3[%mul3A_2] : memref<163840xi32, #tpu.memory_space<hbm>> -> memref<5120xi32, #tpu.memory_space<hbm>>
      tpu.enqueue_dma source(%dma_start3A_359 : memref<5120xi32, #tpu.memory_space<hbm>>) target(%arg6 : memref<5120xi32, #tpu.memory_space<vmem>>) target_semaphore(%run_scoped3A : memref<!tpu.dma_semaphore, #tpu.memory_space<semaphore_mem>>)
      %dma_wait3A_360 = tpu.memref_slice %arg3[%mul3A_2] : memref<163840xi32, #tpu.memory_space<hbm>> -> memref<5120xi32, #tpu.memory_space<hbm>>
      %dma_wait3A_361 = tpu.memref_slice %arg3[%mul3A_2] : memref<163840xi32, #tpu.memory_space<hbm>> -> memref<5120xi32, #tpu.memory_space<hbm>>
      tpu.wait_dma2 semaphore(%run_scoped3A : memref<!tpu.dma_semaphore, #tpu.memory_space<semaphore_mem>>) src(%dma_wait3A_361 : memref<5120xi32, #tpu.memory_space<hbm>>) dst(%arg6 : memref<5120xi32, #tpu.memory_space<vmem>>)
      tpu.yield
    }) : () -> ()
    "tpu.region"() ({
      %run_scoped3A = tpu.sem_alloc : memref<!tpu.dma_semaphore, #tpu.memory_space<semaphore_mem>>
      %dma_start3A_358 = arith.constant 0 : i32
      %dma_start3A_359 = arith.constant 0 : i32
      %dma_start3A_360 = tpu.memref_slice %arg4[%add3A, %dma_start3A_358, %dma_start3A_359] : memref<32x40x128xi32, #tpu.memory_space<hbm>> -> memref<1x40x128xi32, #tpu.memory_space<hbm>>
      %dma_start3A_361 = tpu.memref_squeeze %dma_start3A_360 : memref<1x40x128xi32, #tpu.memory_space<hbm>> -> memref<40x128xi32, #tpu.memory_space<hbm>>
      %dma_start3A_362 = arith.constant 0 : i32
      %dma_start3A_363 = arith.constant 0 : i32
      %dma_start3A_364 = tpu.memref_slice %arg4[%add3A, %dma_start3A_362, %dma_start3A_363] : memref<32x40x128xi32, #tpu.memory_space<hbm>> -> memref<1x40x128xi32, #tpu.memory_space<hbm>>
      %dma_start3A_365 = tpu.memref_squeeze %dma_start3A_364 : memref<1x40x128xi32, #tpu.memory_space<hbm>> -> memref<40x128xi32, #tpu.memory_space<hbm>>
      tpu.enqueue_dma source(%dma_start3A_365 : memref<40x128xi32, #tpu.memory_space<hbm>>) target(%arg7 : memref<40x128xi32, #tpu.memory_space<vmem>>) target_semaphore(%run_scoped3A : memref<!tpu.dma_semaphore, #tpu.memory_space<semaphore_mem>>)
      %dma_wait3A_366 = arith.constant 0 : i32
      %dma_wait3A_367 = arith.constant 0 : i32
      %dma_wait3A_368 = tpu.memref_slice %arg4[%add3A, %dma_wait3A_366, %dma_wait3A_367] : memref<32x40x128xi32, #tpu.memory_space<hbm>> -> memref<1x40x128xi32, #tpu.memory_space<hbm>>
      %dma_wait3A_369 = tpu.memref_squeeze %dma_wait3A_368 : memref<1x40x128xi32, #tpu.memory_space<hbm>> -> memref<40x128xi32, #tpu.memory_space<hbm>>
      %dma_wait3A_370 = arith.constant 0 : i32
      %dma_wait3A_371 = arith.constant 0 : i32
      %dma_wait3A_372 = tpu.memref_slice %arg4[%add3A, %dma_wait3A_370, %dma_wait3A_371] : memref<32x40x128xi32, #tpu.memory_space<hbm>> -> memref<1x40x128xi32, #tpu.memory_space<hbm>>
      %dma_wait3A_373 = tpu.memref_squeeze %dma_wait3A_372 : memref<1x40x128xi32, #tpu.memory_space<hbm>> -> memref<40x128xi32, #tpu.memory_space<hbm>>
      tpu.wait_dma2 semaphore(%run_scoped3A : memref<!tpu.dma_semaphore, #tpu.memory_space<semaphore_mem>>) src(%dma_wait3A_373 : memref<40x128xi32, #tpu.memory_space<hbm>>) dst(%arg7 : memref<40x128xi32, #tpu.memory_space<vmem>>)
      tpu.yield
    }) : () -> ()
    %dma_start3A = arith.constant 0 : i32
    %dma_start3A_3 = arith.constant 0 : i32
    %dma_start3A_4 = arith.constant 0 : i32
    %dma_start3A_5 = tpu.memref_slice %arg8[%dma_start3A, %dma_start3A_3, %dma_start3A_4] : memref<4x128x128xf32, #tpu.memory_space<vmem>> -> memref<1x128x128xf32, #tpu.memory_space<vmem>>
    %dma_start3A_6 = tpu.memref_squeeze %dma_start3A_5 : memref<1x128x128xf32, #tpu.memory_space<vmem>> -> memref<128x128xf32, #tpu.memory_space<vmem>>
    %dma_start3A_7 = arith.constant 0 : i32
    %dma_start3A_8 = tpu.memref_slice %arg6[%dma_start3A_7] : memref<5120xi32, #tpu.memory_space<vmem>> -> memref<128xi32, #tpu.memory_space<vmem>>
    %dma_start3A_9 = arith.constant 0 : i32
    %dma_start3A_10 = arith.constant 0 : i32
    %dma_start3A_11 = tpu.memref_slice %arg2[%dma_start3A_9, %dma_start3A_10] : memref<300000x128xf32, #tpu.memory_space<hbm>> -> memref<300000x128xf32, #tpu.memory_space<hbm>>
    tpu.enqueue_indirect_dma source(%dma_start3A_11 : memref<300000x128xf32, #tpu.memory_space<hbm>>) target(%dma_start3A_6 : memref<128x128xf32, #tpu.memory_space<vmem>>) offsets(%dma_start3A_8 : memref<128xi32, #tpu.memory_space<vmem>>) semaphore(%arg9 : memref<!tpu.dma_semaphore, #tpu.memory_space<semaphore_mem>>)
    %dma_start3A_12 = arith.constant 1 : i32
    %dma_start3A_13 = arith.constant 0 : i32
    %dma_start3A_14 = arith.constant 0 : i32
    %dma_start3A_15 = tpu.memref_slice %arg8[%dma_start3A_12, %dma_start3A_13, %dma_start3A_14] : memref<4x128x128xf32, #tpu.memory_space<vmem>> -> memref<1x128x128xf32, #tpu.memory_space<vmem>>
    %dma_start3A_16 = tpu.memref_squeeze %dma_start3A_15 : memref<1x128x128xf32, #tpu.memory_space<vmem>> -> memref<128x128xf32, #tpu.memory_space<vmem>>
    %dma_start3A_17 = arith.constant 128 : i32
    %dma_start3A_18 = tpu.memref_slice %arg6[%dma_start3A_17] : memref<5120xi32, #tpu.memory_space<vmem>> -> memref<128xi32, #tpu.memory_space<vmem>>
    %dma_start3A_19 = arith.constant 0 : i32
    %dma_start3A_20 = arith.constant 0 : i32
    %dma_start3A_21 = tpu.memref_slice %arg2[%dma_start3A_19, %dma_start3A_20] : memref<300000x128xf32, #tpu.memory_space<hbm>> -> memref<300000x128xf32, #tpu.memory_space<hbm>>
    tpu.enqueue_indirect_dma source(%dma_start3A_21 : memref<300000x128xf32, #tpu.memory_space<hbm>>) target(%dma_start3A_16 : memref<128x128xf32, #tpu.memory_space<vmem>>) offsets(%dma_start3A_18 : memref<128xi32, #tpu.memory_space<vmem>>) semaphore(%arg10 : memref<!tpu.dma_semaphore, #tpu.memory_space<semaphore_mem>>)
    %dma_wait3A = arith.constant 0 : i32
    %dma_wait3A_22 = arith.constant 0 : i32
    %dma_wait3A_23 = arith.constant 0 : i32
    %dma_wait3A_24 = tpu.memref_slice %arg8[%dma_wait3A, %dma_wait3A_22, %dma_wait3A_23] : memref<4x128x128xf32, #tpu.memory_space<vmem>> -> memref<1x128x128xf32, #tpu.memory_space<vmem>>
    %dma_wait3A_25 = tpu.memref_squeeze %dma_wait3A_24 : memref<1x128x128xf32, #tpu.memory_space<vmem>> -> memref<128x128xf32, #tpu.memory_space<vmem>>
    %dma_wait3A_26 = arith.constant 0 : i32
    %dma_wait3A_27 = tpu.memref_slice %arg6[%dma_wait3A_26] : memref<5120xi32, #tpu.memory_space<vmem>> -> memref<128xi32, #tpu.memory_space<vmem>>
    %dma_wait3A_28 = arith.constant 0 : i32
    %dma_wait3A_29 = arith.constant 0 : i32
    %dma_wait3A_30 = tpu.memref_slice %arg2[%dma_wait3A_28, %dma_wait3A_29] : memref<300000x128xf32, #tpu.memory_space<hbm>> -> memref<300000x128xf32, #tpu.memory_space<hbm>>
    tpu.wait_indirect_dma semaphore(%arg9 : memref<!tpu.dma_semaphore, #tpu.memory_space<semaphore_mem>>) src(%dma_wait3A_30 : memref<300000x128xf32, #tpu.memory_space<hbm>>) dst(%dma_wait3A_25 : memref<128x128xf32, #tpu.memory_space<vmem>>)
    %dma_start3A_31 = arith.constant 0 : i32
    %dma_start3A_32 = arith.constant 0 : i32
    %dma_start3A_33 = arith.constant 0 : i32
    %dma_start3A_34 = arith.constant 0 : i32
    %dma_start3A_35 = tpu.memref_slice %arg8[%dma_start3A_31, %dma_start3A_33, %dma_start3A_34] : memref<4x128x128xf32, #tpu.memory_space<vmem>> -> memref<1x128x128xf32, #tpu.memory_space<vmem>>
    %dma_start3A_36 = tpu.memref_squeeze %dma_start3A_35 : memref<1x128x128xf32, #tpu.memory_space<vmem>> -> memref<128x128xf32, #tpu.memory_space<vmem>>
    %dma_start3A_37 = arith.constant 0 : i32
    %dma_start3A_38 = tpu.memref_slice %arg7[%dma_start3A_32, %dma_start3A_37] : memref<40x128xi32, #tpu.memory_space<vmem>> -> memref<1x128xi32, #tpu.memory_space<vmem>>
    %dma_start3A_39 = tpu.memref_squeeze %dma_start3A_38 : memref<1x128xi32, #tpu.memory_space<vmem>> -> memref<128xi32, #tpu.memory_space<vmem>>
    %dma_start3A_40 = arith.constant 0 : i32
    %dma_start3A_41 = arith.constant 0 : i32
    %dma_start3A_42 = tpu.memref_slice %arg5[%dma_start3A_40, %dma_start3A_41] : memref<163840x128xf32, #tpu.memory_space<hbm>> -> memref<163840x128xf32, #tpu.memory_space<hbm>>
    tpu.enqueue_indirect_dma source(%dma_start3A_36 : memref<128x128xf32, #tpu.memory_space<vmem>>) target(%dma_start3A_42 : memref<163840x128xf32, #tpu.memory_space<hbm>>) offsets(%dma_start3A_39 : memref<128xi32, #tpu.memory_space<vmem>>) semaphore(%arg13 : memref<!tpu.dma_semaphore, #tpu.memory_space<semaphore_mem>>)
    %dma_start3A_43 = arith.constant 2 : i32
    %dma_start3A_44 = arith.constant 0 : i32
    %dma_start3A_45 = arith.constant 0 : i32
    %dma_start3A_46 = tpu.memref_slice %arg8[%dma_start3A_43, %dma_start3A_44, %dma_start3A_45] : memref<4x128x128xf32, #tpu.memory_space<vmem>> -> memref<1x128x128xf32, #tpu.memory_space<vmem>>
    %dma_start3A_47 = tpu.memref_squeeze %dma_start3A_46 : memref<1x128x128xf32, #tpu.memory_space<vmem>> -> memref<128x128xf32, #tpu.memory_space<vmem>>
    %dma_start3A_48 = arith.constant 256 : i32
    %dma_start3A_49 = tpu.memref_slice %arg6[%dma_start3A_48] : memref<5120xi32, #tpu.memory_space<vmem>> -> memref<128xi32, #tpu.memory_space<vmem>>
    %dma_start3A_50 = arith.constant 0 : i32
    %dma_start3A_51 = arith.constant 0 : i32
    %dma_start3A_52 = tpu.memref_slice %arg2[%dma_start3A_50, %dma_start3A_51] : memref<300000x128xf32, #tpu.memory_space<hbm>> -> memref<300000x128xf32, #tpu.memory_space<hbm>>
    tpu.enqueue_indirect_dma source(%dma_start3A_52 : memref<300000x128xf32, #tpu.memory_space<hbm>>) target(%dma_start3A_47 : memref<128x128xf32, #tpu.memory_space<vmem>>) offsets(%dma_start3A_49 : memref<128xi32, #tpu.memory_space<vmem>>) semaphore(%arg11 : memref<!tpu.dma_semaphore, #tpu.memory_space<semaphore_mem>>)
    %dma_wait3A_53 = arith.constant 1 : i32
    %dma_wait3A_54 = arith.constant 0 : i32
    %dma_wait3A_55 = arith.constant 0 : i32
    %dma_wait3A_56 = tpu.memref_slice %arg8[%dma_wait3A_53, %dma_wait3A_54, %dma_wait3A_55] : memref<4x128x128xf32, #tpu.memory_space<vmem>> -> memref<1x128x128xf32, #tpu.memory_space<vmem>>
    %dma_wait3A_57 = tpu.memref_squeeze %dma_wait3A_56 : memref<1x128x128xf32, #tpu.memory_space<vmem>> -> memref<128x128xf32, #tpu.memory_space<vmem>>
    %dma_wait3A_58 = arith.constant 0 : i32
    %dma_wait3A_59 = tpu.memref_slice %arg6[%dma_wait3A_58] : memref<5120xi32, #tpu.memory_space<vmem>> -> memref<128xi32, #tpu.memory_space<vmem>>
    %dma_wait3A_60 = arith.constant 0 : i32
    %dma_wait3A_61 = arith.constant 0 : i32
    %dma_wait3A_62 = tpu.memref_slice %arg2[%dma_wait3A_60, %dma_wait3A_61] : memref<300000x128xf32, #tpu.memory_space<hbm>> -> memref<300000x128xf32, #tpu.memory_space<hbm>>
    tpu.wait_indirect_dma semaphore(%arg10 : memref<!tpu.dma_semaphore, #tpu.memory_space<semaphore_mem>>) src(%dma_wait3A_62 : memref<300000x128xf32, #tpu.memory_space<hbm>>) dst(%dma_wait3A_57 : memref<128x128xf32, #tpu.memory_space<vmem>>)
    %dma_start3A_63 = arith.constant 1 : i32
    %dma_start3A_64 = arith.constant 1 : i32
    %dma_start3A_65 = arith.constant 0 : i32
    %dma_start3A_66 = arith.constant 0 : i32
    %dma_start3A_67 = tpu.memref_slice %arg8[%dma_start3A_63, %dma_start3A_65, %dma_start3A_66] : memref<4x128x128xf32, #tpu.memory_space<vmem>> -> memref<1x128x128xf32, #tpu.memory_space<vmem>>
    %dma_start3A_68 = tpu.memref_squeeze %dma_start3A_67 : memref<1x128x128xf32, #tpu.memory_space<vmem>> -> memref<128x128xf32, #tpu.memory_space<vmem>>
    %dma_start3A_69 = arith.constant 0 : i32
    %dma_start3A_70 = tpu.memref_slice %arg7[%dma_start3A_64, %dma_start3A_69] : memref<40x128xi32, #tpu.memory_space<vmem>> -> memref<1x128xi32, #tpu.memory_space<vmem>>
    %dma_start3A_71 = tpu.memref_squeeze %dma_start3A_70 : memref<1x128xi32, #tpu.memory_space<vmem>> -> memref<128xi32, #tpu.memory_space<vmem>>
    %dma_start3A_72 = arith.constant 0 : i32
    %dma_start3A_73 = arith.constant 0 : i32
    %dma_start3A_74 = tpu.memref_slice %arg5[%dma_start3A_72, %dma_start3A_73] : memref<163840x128xf32, #tpu.memory_space<hbm>> -> memref<163840x128xf32, #tpu.memory_space<hbm>>
    tpu.enqueue_indirect_dma source(%dma_start3A_68 : memref<128x128xf32, #tpu.memory_space<vmem>>) target(%dma_start3A_74 : memref<163840x128xf32, #tpu.memory_space<hbm>>) offsets(%dma_start3A_71 : memref<128xi32, #tpu.memory_space<vmem>>) semaphore(%arg14 : memref<!tpu.dma_semaphore, #tpu.memory_space<semaphore_mem>>)
    %dma_start3A_75 = arith.constant 3 : i32
    %dma_start3A_76 = arith.constant 0 : i32
    %dma_start3A_77 = arith.constant 0 : i32
    %dma_start3A_78 = tpu.memref_slice %arg8[%dma_start3A_75, %dma_start3A_76, %dma_start3A_77] : memref<4x128x128xf32, #tpu.memory_space<vmem>> -> memref<1x128x128xf32, #tpu.memory_space<vmem>>
    %dma_start3A_79 = tpu.memref_squeeze %dma_start3A_78 : memref<1x128x128xf32, #tpu.memory_space<vmem>> -> memref<128x128xf32, #tpu.memory_space<vmem>>
    %dma_start3A_80 = arith.constant 384 : i32
    %dma_start3A_81 = tpu.memref_slice %arg6[%dma_start3A_80] : memref<5120xi32, #tpu.memory_space<vmem>> -> memref<128xi32, #tpu.memory_space<vmem>>
    %dma_start3A_82 = arith.constant 0 : i32
    %dma_start3A_83 = arith.constant 0 : i32
    %dma_start3A_84 = tpu.memref_slice %arg2[%dma_start3A_82, %dma_start3A_83] : memref<300000x128xf32, #tpu.memory_space<hbm>> -> memref<300000x128xf32, #tpu.memory_space<hbm>>
    tpu.enqueue_indirect_dma source(%dma_start3A_84 : memref<300000x128xf32, #tpu.memory_space<hbm>>) target(%dma_start3A_79 : memref<128x128xf32, #tpu.memory_space<vmem>>) offsets(%dma_start3A_81 : memref<128xi32, #tpu.memory_space<vmem>>) semaphore(%arg12 : memref<!tpu.dma_semaphore, #tpu.memory_space<semaphore_mem>>)
    %dma_wait3A_85 = arith.constant 2 : i32
    %dma_wait3A_86 = arith.constant 0 : i32
    %dma_wait3A_87 = arith.constant 0 : i32
    %dma_wait3A_88 = tpu.memref_slice %arg8[%dma_wait3A_85, %dma_wait3A_86, %dma_wait3A_87] : memref<4x128x128xf32, #tpu.memory_space<vmem>> -> memref<1x128x128xf32, #tpu.memory_space<vmem>>
    %dma_wait3A_89 = tpu.memref_squeeze %dma_wait3A_88 : memref<1x128x128xf32, #tpu.memory_space<vmem>> -> memref<128x128xf32, #tpu.memory_space<vmem>>
    %dma_wait3A_90 = arith.constant 0 : i32
    %dma_wait3A_91 = tpu.memref_slice %arg6[%dma_wait3A_90] : memref<5120xi32, #tpu.memory_space<vmem>> -> memref<128xi32, #tpu.memory_space<vmem>>
    %dma_wait3A_92 = arith.constant 0 : i32
    %dma_wait3A_93 = arith.constant 0 : i32
    %dma_wait3A_94 = tpu.memref_slice %arg2[%dma_wait3A_92, %dma_wait3A_93] : memref<300000x128xf32, #tpu.memory_space<hbm>> -> memref<300000x128xf32, #tpu.memory_space<hbm>>
    tpu.wait_indirect_dma semaphore(%arg11 : memref<!tpu.dma_semaphore, #tpu.memory_space<semaphore_mem>>) src(%dma_wait3A_94 : memref<300000x128xf32, #tpu.memory_space<hbm>>) dst(%dma_wait3A_89 : memref<128x128xf32, #tpu.memory_space<vmem>>)
    %dma_start3A_95 = arith.constant 2 : i32
    %dma_start3A_96 = arith.constant 2 : i32
    %dma_start3A_97 = arith.constant 0 : i32
    %dma_start3A_98 = arith.constant 0 : i32
    %dma_start3A_99 = tpu.memref_slice %arg8[%dma_start3A_95, %dma_start3A_97, %dma_start3A_98] : memref<4x128x128xf32, #tpu.memory_space<vmem>> -> memref<1x128x128xf32, #tpu.memory_space<vmem>>
    %dma_start3A_100 = tpu.memref_squeeze %dma_start3A_99 : memref<1x128x128xf32, #tpu.memory_space<vmem>> -> memref<128x128xf32, #tpu.memory_space<vmem>>
    %dma_start3A_101 = arith.constant 0 : i32
    %dma_start3A_102 = tpu.memref_slice %arg7[%dma_start3A_96, %dma_start3A_101] : memref<40x128xi32, #tpu.memory_space<vmem>> -> memref<1x128xi32, #tpu.memory_space<vmem>>
    %dma_start3A_103 = tpu.memref_squeeze %dma_start3A_102 : memref<1x128xi32, #tpu.memory_space<vmem>> -> memref<128xi32, #tpu.memory_space<vmem>>
    %dma_start3A_104 = arith.constant 0 : i32
    %dma_start3A_105 = arith.constant 0 : i32
    %dma_start3A_106 = tpu.memref_slice %arg5[%dma_start3A_104, %dma_start3A_105] : memref<163840x128xf32, #tpu.memory_space<hbm>> -> memref<163840x128xf32, #tpu.memory_space<hbm>>
    tpu.enqueue_indirect_dma source(%dma_start3A_100 : memref<128x128xf32, #tpu.memory_space<vmem>>) target(%dma_start3A_106 : memref<163840x128xf32, #tpu.memory_space<hbm>>) offsets(%dma_start3A_103 : memref<128xi32, #tpu.memory_space<vmem>>) semaphore(%arg15 : memref<!tpu.dma_semaphore, #tpu.memory_space<semaphore_mem>>)
    %dma_wait3A_107 = arith.constant 0 : i32
    %dma_wait3A_108 = arith.constant 0 : i32
    %dma_wait3A_109 = arith.constant 0 : i32
    %dma_wait3A_110 = arith.constant 0 : i32
    %dma_wait3A_111 = tpu.memref_slice %arg8[%dma_wait3A_107, %dma_wait3A_109, %dma_wait3A_110] : memref<4x128x128xf32, #tpu.memory_space<vmem>> -> memref<1x128x128xf32, #tpu.memory_space<vmem>>
    %dma_wait3A_112 = tpu.memref_squeeze %dma_wait3A_111 : memref<1x128x128xf32, #tpu.memory_space<vmem>> -> memref<128x128xf32, #tpu.memory_space<vmem>>
    %dma_wait3A_113 = arith.constant 0 : i32
    %dma_wait3A_114 = tpu.memref_slice %arg7[%dma_wait3A_108, %dma_wait3A_113] : memref<40x128xi32, #tpu.memory_space<vmem>> -> memref<1x128xi32, #tpu.memory_space<vmem>>
    %dma_wait3A_115 = tpu.memref_squeeze %dma_wait3A_114 : memref<1x128xi32, #tpu.memory_space<vmem>> -> memref<128xi32, #tpu.memory_space<vmem>>
    %dma_wait3A_116 = arith.constant 0 : i32
    %dma_wait3A_117 = arith.constant 0 : i32
    %dma_wait3A_118 = tpu.memref_slice %arg5[%dma_wait3A_116, %dma_wait3A_117] : memref<163840x128xf32, #tpu.memory_space<hbm>> -> memref<163840x128xf32, #tpu.memory_space<hbm>>
    tpu.wait_indirect_dma semaphore(%arg13 : memref<!tpu.dma_semaphore, #tpu.memory_space<semaphore_mem>>) src(%dma_wait3A_112 : memref<128x128xf32, #tpu.memory_space<vmem>>) dst(%dma_wait3A_118 : memref<163840x128xf32, #tpu.memory_space<hbm>>)
    %dma_start3A_119 = arith.constant 0 : i32
    %dma_start3A_120 = arith.constant 0 : i32
    %dma_start3A_121 = arith.constant 0 : i32
    %dma_start3A_122 = tpu.memref_slice %arg8[%dma_start3A_119, %dma_start3A_120, %dma_start3A_121] : memref<4x128x128xf32, #tpu.memory_space<vmem>> -> memref<1x128x128xf32, #tpu.memory_space<vmem>>
    %dma_start3A_123 = tpu.memref_squeeze %dma_start3A_122 : memref<1x128x128xf32, #tpu.memory_space<vmem>> -> memref<128x128xf32, #tpu.memory_space<vmem>>
    %dma_start3A_124 = arith.constant 512 : i32
    %dma_start3A_125 = tpu.memref_slice %arg6[%dma_start3A_124] : memref<5120xi32, #tpu.memory_space<vmem>> -> memref<128xi32, #tpu.memory_space<vmem>>
    %dma_start3A_126 = arith.constant 0 : i32
    %dma_start3A_127 = arith.constant 0 : i32
    %dma_start3A_128 = tpu.memref_slice %arg2[%dma_start3A_126, %dma_start3A_127] : memref<300000x128xf32, #tpu.memory_space<hbm>> -> memref<300000x128xf32, #tpu.memory_space<hbm>>
    tpu.enqueue_indirect_dma source(%dma_start3A_128 : memref<300000x128xf32, #tpu.memory_space<hbm>>) target(%dma_start3A_123 : memref<128x128xf32, #tpu.memory_space<vmem>>) offsets(%dma_start3A_125 : memref<128xi32, #tpu.memory_space<vmem>>) semaphore(%arg9 : memref<!tpu.dma_semaphore, #tpu.memory_space<semaphore_mem>>)
    %dma_wait3A_129 = arith.constant 3 : i32
    %dma_wait3A_130 = arith.constant 0 : i32
    %dma_wait3A_131 = arith.constant 0 : i32
    %dma_wait3A_132 = tpu.memref_slice %arg8[%dma_wait3A_129, %dma_wait3A_130, %dma_wait3A_131] : memref<4x128x128xf32, #tpu.memory_space<vmem>> -> memref<1x128x128xf32, #tpu.memory_space<vmem>>
    %dma_wait3A_133 = tpu.memref_squeeze %dma_wait3A_132 : memref<1x128x128xf32, #tpu.memory_space<vmem>> -> memref<128x128xf32, #tpu.memory_space<vmem>>
    %dma_wait3A_134 = arith.constant 0 : i32
    %dma_wait3A_135 = tpu.memref_slice %arg6[%dma_wait3A_134] : memref<5120xi32, #tpu.memory_space<vmem>> -> memref<128xi32, #tpu.memory_space<vmem>>
    %dma_wait3A_136 = arith.constant 0 : i32
    %dma_wait3A_137 = arith.constant 0 : i32
    %dma_wait3A_138 = tpu.memref_slice %arg2[%dma_wait3A_136, %dma_wait3A_137] : memref<300000x128xf32, #tpu.memory_space<hbm>> -> memref<300000x128xf32, #tpu.memory_space<hbm>>
    tpu.wait_indirect_dma semaphore(%arg12 : memref<!tpu.dma_semaphore, #tpu.memory_space<semaphore_mem>>) src(%dma_wait3A_138 : memref<300000x128xf32, #tpu.memory_space<hbm>>) dst(%dma_wait3A_133 : memref<128x128xf32, #tpu.memory_space<vmem>>)
    %dma_start3A_139 = arith.constant 3 : i32
    %dma_start3A_140 = arith.constant 3 : i32
    %dma_start3A_141 = arith.constant 0 : i32
    %dma_start3A_142 = arith.constant 0 : i32
    %dma_start3A_143 = tpu.memref_slice %arg8[%dma_start3A_139, %dma_start3A_141, %dma_start3A_142] : memref<4x128x128xf32, #tpu.memory_space<vmem>> -> memref<1x128x128xf32, #tpu.memory_space<vmem>>
    %dma_start3A_144 = tpu.memref_squeeze %dma_start3A_143 : memref<1x128x128xf32, #tpu.memory_space<vmem>> -> memref<128x128xf32, #tpu.memory_space<vmem>>
    %dma_start3A_145 = arith.constant 0 : i32
    %dma_start3A_146 = tpu.memref_slice %arg7[%dma_start3A_140, %dma_start3A_145] : memref<40x128xi32, #tpu.memory_space<vmem>> -> memref<1x128xi32, #tpu.memory_space<vmem>>
    %dma_start3A_147 = tpu.memref_squeeze %dma_start3A_146 : memref<1x128xi32, #tpu.memory_space<vmem>> -> memref<128xi32, #tpu.memory_space<vmem>>
    %dma_start3A_148 = arith.constant 0 : i32
    %dma_start3A_149 = arith.constant 0 : i32
    %dma_start3A_150 = tpu.memref_slice %arg5[%dma_start3A_148, %dma_start3A_149] : memref<163840x128xf32, #tpu.memory_space<hbm>> -> memref<163840x128xf32, #tpu.memory_space<hbm>>
    tpu.enqueue_indirect_dma source(%dma_start3A_144 : memref<128x128xf32, #tpu.memory_space<vmem>>) target(%dma_start3A_150 : memref<163840x128xf32, #tpu.memory_space<hbm>>) offsets(%dma_start3A_147 : memref<128xi32, #tpu.memory_space<vmem>>) semaphore(%arg16 : memref<!tpu.dma_semaphore, #tpu.memory_space<semaphore_mem>>)
    %dma_wait3A_151 = arith.constant 0 : i32
    %dma_wait3A_152 = arith.constant 0 : i32
    %dma_wait3A_153 = arith.constant 0 : i32
    %dma_wait3A_154 = arith.constant 0 : i32
    %dma_wait3A_155 = tpu.memref_slice %arg8[%dma_wait3A_151, %dma_wait3A_153, %dma_wait3A_154] : memref<4x128x128xf32, #tpu.memory_space<vmem>> -> memref<1x128x128xf32, #tpu.memory_space<vmem>>
    %dma_wait3A_156 = tpu.memref_squeeze %dma_wait3A_155 : memref<1x128x128xf32, #tpu.memory_space<vmem>> -> memref<128x128xf32, #tpu.memory_space<vmem>>
    %dma_wait3A_157 = arith.constant 0 : i32
    %dma_wait3A_158 = tpu.memref_slice %arg7[%dma_wait3A_152, %dma_wait3A_157] : memref<40x128xi32, #tpu.memory_space<vmem>> -> memref<1x128xi32, #tpu.memory_space<vmem>>
    %dma_wait3A_159 = tpu.memref_squeeze %dma_wait3A_158 : memref<1x128xi32, #tpu.memory_space<vmem>> -> memref<128xi32, #tpu.memory_space<vmem>>
    %dma_wait3A_160 = arith.constant 0 : i32
    %dma_wait3A_161 = arith.constant 0 : i32
    %dma_wait3A_162 = tpu.memref_slice %arg5[%dma_wait3A_160, %dma_wait3A_161] : memref<163840x128xf32, #tpu.memory_space<hbm>> -> memref<163840x128xf32, #tpu.memory_space<hbm>>
    tpu.wait_indirect_dma semaphore(%arg14 : memref<!tpu.dma_semaphore, #tpu.memory_space<semaphore_mem>>) src(%dma_wait3A_156 : memref<128x128xf32, #tpu.memory_space<vmem>>) dst(%dma_wait3A_162 : memref<163840x128xf32, #tpu.memory_space<hbm>>)
    %dma_start3A_163 = arith.constant 1 : i32
    %dma_start3A_164 = arith.constant 0 : i32
    %dma_start3A_165 = arith.constant 0 : i32
    %dma_start3A_166 = tpu.memref_slice %arg8[%dma_start3A_163, %dma_start3A_164, %dma_start3A_165] : memref<4x128x128xf32, #tpu.memory_space<vmem>> -> memref<1x128x128xf32, #tpu.memory_space<vmem>>
    %dma_start3A_167 = tpu.memref_squeeze %dma_start3A_166 : memref<1x128x128xf32, #tpu.memory_space<vmem>> -> memref<128x128xf32, #tpu.memory_space<vmem>>
    %dma_start3A_168 = arith.constant 640 : i32
    %dma_start3A_169 = tpu.memref_slice %arg6[%dma_start3A_168] : memref<5120xi32, #tpu.memory_space<vmem>> -> memref<128xi32, #tpu.memory_space<vmem>>
    %dma_start3A_170 = arith.constant 0 : i32
    %dma_start3A_171 = arith.constant 0 : i32
    %dma_start3A_172 = tpu.memref_slice %arg2[%dma_start3A_170, %dma_start3A_171] : memref<300000x128xf32, #tpu.memory_space<hbm>> -> memref<300000x128xf32, #tpu.memory_space<hbm>>
    tpu.enqueue_indirect_dma source(%dma_start3A_172 : memref<300000x128xf32, #tpu.memory_space<hbm>>) target(%dma_start3A_167 : memref<128x128xf32, #tpu.memory_space<vmem>>) offsets(%dma_start3A_169 : memref<128xi32, #tpu.memory_space<vmem>>) semaphore(%arg10 : memref<!tpu.dma_semaphore, #tpu.memory_space<semaphore_mem>>)
    %scan3A = arith.constant 0 : i32
    %scan3A_173 = arith.constant 1 : i32
    %scan3A_174 = arith.constant 8 : i32
    %scan3A_175 = arith.addi %scan3A_173, %scan3A_174 : i32
    %scan3A_176 = arith.constant 1 : i32
    scf.for %scan3A_358 = %scan3A_173 to %scan3A_175 step %scan3A_176  : i32 {
      %mul3A_359 = arith.constant 4 : i32
      %mul3A_360 = arith.muli %mul3A_359, %scan3A_358 : i32
      %add3A_361 = arith.constant 0 : i32
      %add3A_362 = arith.addi %mul3A_360, %add3A_361 : i32
      %dma_wait3A_363 = arith.constant 0 : i32
      %dma_wait3A_364 = arith.constant 0 : i32
      %dma_wait3A_365 = arith.constant 0 : i32
      %dma_wait3A_366 = tpu.memref_slice %arg8[%dma_wait3A_363, %dma_wait3A_364, %dma_wait3A_365] : memref<4x128x128xf32, #tpu.memory_space<vmem>> -> memref<1x128x128xf32, #tpu.memory_space<vmem>>
      %dma_wait3A_367 = tpu.memref_squeeze %dma_wait3A_366 : memref<1x128x128xf32, #tpu.memory_space<vmem>> -> memref<128x128xf32, #tpu.memory_space<vmem>>
      %dma_wait3A_368 = arith.constant 0 : i32
      %dma_wait3A_369 = tpu.memref_slice %arg6[%dma_wait3A_368] : memref<5120xi32, #tpu.memory_space<vmem>> -> memref<128xi32, #tpu.memory_space<vmem>>
      %dma_wait3A_370 = arith.constant 0 : i32
      %dma_wait3A_371 = arith.constant 0 : i32
      %dma_wait3A_372 = tpu.memref_slice %arg2[%dma_wait3A_370, %dma_wait3A_371] : memref<300000x128xf32, #tpu.memory_space<hbm>> -> memref<300000x128xf32, #tpu.memory_space<hbm>>
      tpu.wait_indirect_dma semaphore(%arg9 : memref<!tpu.dma_semaphore, #tpu.memory_space<semaphore_mem>>) src(%dma_wait3A_372 : memref<300000x128xf32, #tpu.memory_space<hbm>>) dst(%dma_wait3A_367 : memref<128x128xf32, #tpu.memory_space<vmem>>)
      %dma_start3A_373 = arith.constant 0 : i32
      %dma_start3A_374 = arith.constant 0 : i32
      %dma_start3A_375 = arith.constant 0 : i32
      %dma_start3A_376 = tpu.memref_slice %arg8[%dma_start3A_373, %dma_start3A_374, %dma_start3A_375] : memref<4x128x128xf32, #tpu.memory_space<vmem>> -> memref<1x128x128xf32, #tpu.memory_space<vmem>>
      %dma_start3A_377 = tpu.memref_squeeze %dma_start3A_376 : memref<1x128x128xf32, #tpu.memory_space<vmem>> -> memref<128x128xf32, #tpu.memory_space<vmem>>
      %dma_start3A_378 = arith.constant 0 : i32
      %dma_start3A_379 = tpu.memref_slice %arg7[%add3A_362, %dma_start3A_378] : memref<40x128xi32, #tpu.memory_space<vmem>> -> memref<1x128xi32, #tpu.memory_space<vmem>>
      %dma_start3A_380 = tpu.memref_squeeze %dma_start3A_379 : memref<1x128xi32, #tpu.memory_space<vmem>> -> memref<128xi32, #tpu.memory_space<vmem>>
      %dma_start3A_381 = arith.constant 0 : i32
      %dma_start3A_382 = arith.constant 0 : i32
      %dma_start3A_383 = tpu.memref_slice %arg5[%dma_start3A_381, %dma_start3A_382] : memref<163840x128xf32, #tpu.memory_space<hbm>> -> memref<163840x128xf32, #tpu.memory_space<hbm>>
      tpu.enqueue_indirect_dma source(%dma_start3A_377 : memref<128x128xf32, #tpu.memory_space<vmem>>) target(%dma_start3A_383 : memref<163840x128xf32, #tpu.memory_space<hbm>>) offsets(%dma_start3A_380 : memref<128xi32, #tpu.memory_space<vmem>>) semaphore(%arg13 : memref<!tpu.dma_semaphore, #tpu.memory_space<semaphore_mem>>)
      %dma_wait3A_384 = arith.constant 0 : i32
      %dma_wait3A_385 = arith.constant 0 : i32
      %dma_wait3A_386 = arith.constant 0 : i32
      %dma_wait3A_387 = arith.constant 0 : i32
      %dma_wait3A_388 = tpu.memref_slice %arg8[%dma_wait3A_384, %dma_wait3A_386, %dma_wait3A_387] : memref<4x128x128xf32, #tpu.memory_space<vmem>> -> memref<1x128x128xf32, #tpu.memory_space<vmem>>
      %dma_wait3A_389 = tpu.memref_squeeze %dma_wait3A_388 : memref<1x128x128xf32, #tpu.memory_space<vmem>> -> memref<128x128xf32, #tpu.memory_space<vmem>>
      %dma_wait3A_390 = arith.constant 0 : i32
      %dma_wait3A_391 = tpu.memref_slice %arg7[%dma_wait3A_385, %dma_wait3A_390] : memref<40x128xi32, #tpu.memory_space<vmem>> -> memref<1x128xi32, #tpu.memory_space<vmem>>
      %dma_wait3A_392 = tpu.memref_squeeze %dma_wait3A_391 : memref<1x128xi32, #tpu.memory_space<vmem>> -> memref<128xi32, #tpu.memory_space<vmem>>
      %dma_wait3A_393 = arith.constant 0 : i32
      %dma_wait3A_394 = arith.constant 0 : i32
      %dma_wait3A_395 = tpu.memref_slice %arg5[%dma_wait3A_393, %dma_wait3A_394] : memref<163840x128xf32, #tpu.memory_space<hbm>> -> memref<163840x128xf32, #tpu.memory_space<hbm>>
      tpu.wait_indirect_dma semaphore(%arg15 : memref<!tpu.dma_semaphore, #tpu.memory_space<semaphore_mem>>) src(%dma_wait3A_389 : memref<128x128xf32, #tpu.memory_space<vmem>>) dst(%dma_wait3A_395 : memref<163840x128xf32, #tpu.memory_space<hbm>>)
      %add3A_396 = arith.constant 2 : i32
      %add3A_397 = arith.addi %add3A_362, %add3A_396 : i32
      %mul3A_398 = arith.constant 128 : i32
      %mul3A_399 = arith.muli %add3A_397, %mul3A_398 : i32
      %dma_start3A_400 = arith.constant 2 : i32
      %dma_start3A_401 = arith.constant 0 : i32
      %dma_start3A_402 = arith.constant 0 : i32
      %dma_start3A_403 = tpu.memref_slice %arg8[%dma_start3A_400, %dma_start3A_401, %dma_start3A_402] : memref<4x128x128xf32, #tpu.memory_space<vmem>> -> memref<1x128x128xf32, #tpu.memory_space<vmem>>
      %dma_start3A_404 = tpu.memref_squeeze %dma_start3A_403 : memref<1x128x128xf32, #tpu.memory_space<vmem>> -> memref<128x128xf32, #tpu.memory_space<vmem>>
      %dma_start3A_405 = tpu.memref_slice %arg6[%mul3A_399] : memref<5120xi32, #tpu.memory_space<vmem>> -> memref<128xi32, #tpu.memory_space<vmem>>
      %dma_start3A_406 = arith.constant 0 : i32
      %dma_start3A_407 = arith.constant 0 : i32
      %dma_start3A_408 = tpu.memref_slice %arg2[%dma_start3A_406, %dma_start3A_407] : memref<300000x128xf32, #tpu.memory_space<hbm>> -> memref<300000x128xf32, #tpu.memory_space<hbm>>
      tpu.enqueue_indirect_dma source(%dma_start3A_408 : memref<300000x128xf32, #tpu.memory_space<hbm>>) target(%dma_start3A_404 : memref<128x128xf32, #tpu.memory_space<vmem>>) offsets(%dma_start3A_405 : memref<128xi32, #tpu.memory_space<vmem>>) semaphore(%arg11 : memref<!tpu.dma_semaphore, #tpu.memory_space<semaphore_mem>>)
      %mul3A_409 = arith.constant 4 : i32
      %mul3A_410 = arith.muli %mul3A_409, %scan3A_358 : i32
      %add3A_411 = arith.constant 1 : i32
      %add3A_412 = arith.addi %mul3A_410, %add3A_411 : i32
      %dma_wait3A_413 = arith.constant 1 : i32
      %dma_wait3A_414 = arith.constant 0 : i32
      %dma_wait3A_415 = arith.constant 0 : i32
      %dma_wait3A_416 = tpu.memref_slice %arg8[%dma_wait3A_413, %dma_wait3A_414, %dma_wait3A_415] : memref<4x128x128xf32, #tpu.memory_space<vmem>> -> memref<1x128x128xf32, #tpu.memory_space<vmem>>
      %dma_wait3A_417 = tpu.memref_squeeze %dma_wait3A_416 : memref<1x128x128xf32, #tpu.memory_space<vmem>> -> memref<128x128xf32, #tpu.memory_space<vmem>>
      %dma_wait3A_418 = arith.constant 0 : i32
      %dma_wait3A_419 = tpu.memref_slice %arg6[%dma_wait3A_418] : memref<5120xi32, #tpu.memory_space<vmem>> -> memref<128xi32, #tpu.memory_space<vmem>>
      %dma_wait3A_420 = arith.constant 0 : i32
      %dma_wait3A_421 = arith.constant 0 : i32
      %dma_wait3A_422 = tpu.memref_slice %arg2[%dma_wait3A_420, %dma_wait3A_421] : memref<300000x128xf32, #tpu.memory_space<hbm>> -> memref<300000x128xf32, #tpu.memory_space<hbm>>
      tpu.wait_indirect_dma semaphore(%arg10 : memref<!tpu.dma_semaphore, #tpu.memory_space<semaphore_mem>>) src(%dma_wait3A_422 : memref<300000x128xf32, #tpu.memory_space<hbm>>) dst(%dma_wait3A_417 : memref<128x128xf32, #tpu.memory_space<vmem>>)
      %dma_start3A_423 = arith.constant 1 : i32
      %dma_start3A_424 = arith.constant 0 : i32
      %dma_start3A_425 = arith.constant 0 : i32
      %dma_start3A_426 = tpu.memref_slice %arg8[%dma_start3A_423, %dma_start3A_424, %dma_start3A_425] : memref<4x128x128xf32, #tpu.memory_space<vmem>> -> memref<1x128x128xf32, #tpu.memory_space<vmem>>
      %dma_start3A_427 = tpu.memref_squeeze %dma_start3A_426 : memref<1x128x128xf32, #tpu.memory_space<vmem>> -> memref<128x128xf32, #tpu.memory_space<vmem>>
      %dma_start3A_428 = arith.constant 0 : i32
      %dma_start3A_429 = tpu.memref_slice %arg7[%add3A_412, %dma_start3A_428] : memref<40x128xi32, #tpu.memory_space<vmem>> -> memref<1x128xi32, #tpu.memory_space<vmem>>
      %dma_start3A_430 = tpu.memref_squeeze %dma_start3A_429 : memref<1x128xi32, #tpu.memory_space<vmem>> -> memref<128xi32, #tpu.memory_space<vmem>>
      %dma_start3A_431 = arith.constant 0 : i32
      %dma_start3A_432 = arith.constant 0 : i32
      %dma_start3A_433 = tpu.memref_slice %arg5[%dma_start3A_431, %dma_start3A_432] : memref<163840x128xf32, #tpu.memory_space<hbm>> -> memref<163840x128xf32, #tpu.memory_space<hbm>>
      tpu.enqueue_indirect_dma source(%dma_start3A_427 : memref<128x128xf32, #tpu.memory_space<vmem>>) target(%dma_start3A_433 : memref<163840x128xf32, #tpu.memory_space<hbm>>) offsets(%dma_start3A_430 : memref<128xi32, #tpu.memory_space<vmem>>) semaphore(%arg14 : memref<!tpu.dma_semaphore, #tpu.memory_space<semaphore_mem>>)
      %dma_wait3A_434 = arith.constant 0 : i32
      %dma_wait3A_435 = arith.constant 0 : i32
      %dma_wait3A_436 = arith.constant 0 : i32
      %dma_wait3A_437 = arith.constant 0 : i32
      %dma_wait3A_438 = tpu.memref_slice %arg8[%dma_wait3A_434, %dma_wait3A_436, %dma_wait3A_437] : memref<4x128x128xf32, #tpu.memory_space<vmem>> -> memref<1x128x128xf32, #tpu.memory_space<vmem>>
      %dma_wait3A_439 = tpu.memref_squeeze %dma_wait3A_438 : memref<1x128x128xf32, #tpu.memory_space<vmem>> -> memref<128x128xf32, #tpu.memory_space<vmem>>
      %dma_wait3A_440 = arith.constant 0 : i32
      %dma_wait3A_441 = tpu.memref_slice %arg7[%dma_wait3A_435, %dma_wait3A_440] : memref<40x128xi32, #tpu.memory_space<vmem>> -> memref<1x128xi32, #tpu.memory_space<vmem>>
      %dma_wait3A_442 = tpu.memref_squeeze %dma_wait3A_441 : memref<1x128xi32, #tpu.memory_space<vmem>> -> memref<128xi32, #tpu.memory_space<vmem>>
      %dma_wait3A_443 = arith.constant 0 : i32
      %dma_wait3A_444 = arith.constant 0 : i32
      %dma_wait3A_445 = tpu.memref_slice %arg5[%dma_wait3A_443, %dma_wait3A_444] : memref<163840x128xf32, #tpu.memory_space<hbm>> -> memref<163840x128xf32, #tpu.memory_space<hbm>>
      tpu.wait_indirect_dma semaphore(%arg16 : memref<!tpu.dma_semaphore, #tpu.memory_space<semaphore_mem>>) src(%dma_wait3A_439 : memref<128x128xf32, #tpu.memory_space<vmem>>) dst(%dma_wait3A_445 : memref<163840x128xf32, #tpu.memory_space<hbm>>)
      %add3A_446 = arith.constant 2 : i32
      %add3A_447 = arith.addi %add3A_412, %add3A_446 : i32
      %mul3A_448 = arith.constant 128 : i32
      %mul3A_449 = arith.muli %add3A_447, %mul3A_448 : i32
      %dma_start3A_450 = arith.constant 3 : i32
      %dma_start3A_451 = arith.constant 0 : i32
      %dma_start3A_452 = arith.constant 0 : i32
      %dma_start3A_453 = tpu.memref_slice %arg8[%dma_start3A_450, %dma_start3A_451, %dma_start3A_452] : memref<4x128x128xf32, #tpu.memory_space<vmem>> -> memref<1x128x128xf32, #tpu.memory_space<vmem>>
      %dma_start3A_454 = tpu.memref_squeeze %dma_start3A_453 : memref<1x128x128xf32, #tpu.memory_space<vmem>> -> memref<128x128xf32, #tpu.memory_space<vmem>>
      %dma_start3A_455 = tpu.memref_slice %arg6[%mul3A_449] : memref<5120xi32, #tpu.memory_space<vmem>> -> memref<128xi32, #tpu.memory_space<vmem>>
      %dma_start3A_456 = arith.constant 0 : i32
      %dma_start3A_457 = arith.constant 0 : i32
      %dma_start3A_458 = tpu.memref_slice %arg2[%dma_start3A_456, %dma_start3A_457] : memref<300000x128xf32, #tpu.memory_space<hbm>> -> memref<300000x128xf32, #tpu.memory_space<hbm>>
      tpu.enqueue_indirect_dma source(%dma_start3A_458 : memref<300000x128xf32, #tpu.memory_space<hbm>>) target(%dma_start3A_454 : memref<128x128xf32, #tpu.memory_space<vmem>>) offsets(%dma_start3A_455 : memref<128xi32, #tpu.memory_space<vmem>>) semaphore(%arg12 : memref<!tpu.dma_semaphore, #tpu.memory_space<semaphore_mem>>)
      %mul3A_459 = arith.constant 4 : i32
      %mul3A_460 = arith.muli %mul3A_459, %scan3A_358 : i32
      %add3A_461 = arith.constant 2 : i32
      %add3A_462 = arith.addi %mul3A_460, %add3A_461 : i32
      %dma_wait3A_463 = arith.constant 2 : i32
      %dma_wait3A_464 = arith.constant 0 : i32
      %dma_wait3A_465 = arith.constant 0 : i32
      %dma_wait3A_466 = tpu.memref_slice %arg8[%dma_wait3A_463, %dma_wait3A_464, %dma_wait3A_465] : memref<4x128x128xf32, #tpu.memory_space<vmem>> -> memref<1x128x128xf32, #tpu.memory_space<vmem>>
      %dma_wait3A_467 = tpu.memref_squeeze %dma_wait3A_466 : memref<1x128x128xf32, #tpu.memory_space<vmem>> -> memref<128x128xf32, #tpu.memory_space<vmem>>
      %dma_wait3A_468 = arith.constant 0 : i32
      %dma_wait3A_469 = tpu.memref_slice %arg6[%dma_wait3A_468] : memref<5120xi32, #tpu.memory_space<vmem>> -> memref<128xi32, #tpu.memory_space<vmem>>
      %dma_wait3A_470 = arith.constant 0 : i32
      %dma_wait3A_471 = arith.constant 0 : i32
      %dma_wait3A_472 = tpu.memref_slice %arg2[%dma_wait3A_470, %dma_wait3A_471] : memref<300000x128xf32, #tpu.memory_space<hbm>> -> memref<300000x128xf32, #tpu.memory_space<hbm>>
      tpu.wait_indirect_dma semaphore(%arg11 : memref<!tpu.dma_semaphore, #tpu.memory_space<semaphore_mem>>) src(%dma_wait3A_472 : memref<300000x128xf32, #tpu.memory_space<hbm>>) dst(%dma_wait3A_467 : memref<128x128xf32, #tpu.memory_space<vmem>>)
      %dma_start3A_473 = arith.constant 2 : i32
      %dma_start3A_474 = arith.constant 0 : i32
      %dma_start3A_475 = arith.constant 0 : i32
      %dma_start3A_476 = tpu.memref_slice %arg8[%dma_start3A_473, %dma_start3A_474, %dma_start3A_475] : memref<4x128x128xf32, #tpu.memory_space<vmem>> -> memref<1x128x128xf32, #tpu.memory_space<vmem>>
      %dma_start3A_477 = tpu.memref_squeeze %dma_start3A_476 : memref<1x128x128xf32, #tpu.memory_space<vmem>> -> memref<128x128xf32, #tpu.memory_space<vmem>>
      %dma_start3A_478 = arith.constant 0 : i32
      %dma_start3A_479 = tpu.memref_slice %arg7[%add3A_462, %dma_start3A_478] : memref<40x128xi32, #tpu.memory_space<vmem>> -> memref<1x128xi32, #tpu.memory_space<vmem>>
      %dma_start3A_480 = tpu.memref_squeeze %dma_start3A_479 : memref<1x128xi32, #tpu.memory_space<vmem>> -> memref<128xi32, #tpu.memory_space<vmem>>
      %dma_start3A_481 = arith.constant 0 : i32
      %dma_start3A_482 = arith.constant 0 : i32
      %dma_start3A_483 = tpu.memref_slice %arg5[%dma_start3A_481, %dma_start3A_482] : memref<163840x128xf32, #tpu.memory_space<hbm>> -> memref<163840x128xf32, #tpu.memory_space<hbm>>
      tpu.enqueue_indirect_dma source(%dma_start3A_477 : memref<128x128xf32, #tpu.memory_space<vmem>>) target(%dma_start3A_483 : memref<163840x128xf32, #tpu.memory_space<hbm>>) offsets(%dma_start3A_480 : memref<128xi32, #tpu.memory_space<vmem>>) semaphore(%arg15 : memref<!tpu.dma_semaphore, #tpu.memory_space<semaphore_mem>>)
      %dma_wait3A_484 = arith.constant 0 : i32
      %dma_wait3A_485 = arith.constant 0 : i32
      %dma_wait3A_486 = arith.constant 0 : i32
      %dma_wait3A_487 = arith.constant 0 : i32
      %dma_wait3A_488 = tpu.memref_slice %arg8[%dma_wait3A_484, %dma_wait3A_486, %dma_wait3A_487] : memref<4x128x128xf32, #tpu.memory_space<vmem>> -> memref<1x128x128xf32, #tpu.memory_space<vmem>>
      %dma_wait3A_489 = tpu.memref_squeeze %dma_wait3A_488 : memref<1x128x128xf32, #tpu.memory_space<vmem>> -> memref<128x128xf32, #tpu.memory_space<vmem>>
      %dma_wait3A_490 = arith.constant 0 : i32
      %dma_wait3A_491 = tpu.memref_slice %arg7[%dma_wait3A_485, %dma_wait3A_490] : memref<40x128xi32, #tpu.memory_space<vmem>> -> memref<1x128xi32, #tpu.memory_space<vmem>>
      %dma_wait3A_492 = tpu.memref_squeeze %dma_wait3A_491 : memref<1x128xi32, #tpu.memory_space<vmem>> -> memref<128xi32, #tpu.memory_space<vmem>>
      %dma_wait3A_493 = arith.constant 0 : i32
      %dma_wait3A_494 = arith.constant 0 : i32
      %dma_wait3A_495 = tpu.memref_slice %arg5[%dma_wait3A_493, %dma_wait3A_494] : memref<163840x128xf32, #tpu.memory_space<hbm>> -> memref<163840x128xf32, #tpu.memory_space<hbm>>
      tpu.wait_indirect_dma semaphore(%arg13 : memref<!tpu.dma_semaphore, #tpu.memory_space<semaphore_mem>>) src(%dma_wait3A_489 : memref<128x128xf32, #tpu.memory_space<vmem>>) dst(%dma_wait3A_495 : memref<163840x128xf32, #tpu.memory_space<hbm>>)
      %add3A_496 = arith.constant 2 : i32
      %add3A_497 = arith.addi %add3A_462, %add3A_496 : i32
      %mul3A_498 = arith.constant 128 : i32
      %mul3A_499 = arith.muli %add3A_497, %mul3A_498 : i32
      %dma_start3A_500 = arith.constant 0 : i32
      %dma_start3A_501 = arith.constant 0 : i32
      %dma_start3A_502 = arith.constant 0 : i32
      %dma_start3A_503 = tpu.memref_slice %arg8[%dma_start3A_500, %dma_start3A_501, %dma_start3A_502] : memref<4x128x128xf32, #tpu.memory_space<vmem>> -> memref<1x128x128xf32, #tpu.memory_space<vmem>>
      %dma_start3A_504 = tpu.memref_squeeze %dma_start3A_503 : memref<1x128x128xf32, #tpu.memory_space<vmem>> -> memref<128x128xf32, #tpu.memory_space<vmem>>
      %dma_start3A_505 = tpu.memref_slice %arg6[%mul3A_499] : memref<5120xi32, #tpu.memory_space<vmem>> -> memref<128xi32, #tpu.memory_space<vmem>>
      %dma_start3A_506 = arith.constant 0 : i32
      %dma_start3A_507 = arith.constant 0 : i32
      %dma_start3A_508 = tpu.memref_slice %arg2[%dma_start3A_506, %dma_start3A_507] : memref<300000x128xf32, #tpu.memory_space<hbm>> -> memref<300000x128xf32, #tpu.memory_space<hbm>>
      tpu.enqueue_indirect_dma source(%dma_start3A_508 : memref<300000x128xf32, #tpu.memory_space<hbm>>) target(%dma_start3A_504 : memref<128x128xf32, #tpu.memory_space<vmem>>) offsets(%dma_start3A_505 : memref<128xi32, #tpu.memory_space<vmem>>) semaphore(%arg9 : memref<!tpu.dma_semaphore, #tpu.memory_space<semaphore_mem>>)
      %mul3A_509 = arith.constant 4 : i32
      %mul3A_510 = arith.muli %mul3A_509, %scan3A_358 : i32
      %add3A_511 = arith.constant 3 : i32
      %add3A_512 = arith.addi %mul3A_510, %add3A_511 : i32
      %dma_wait3A_513 = arith.constant 3 : i32
      %dma_wait3A_514 = arith.constant 0 : i32
      %dma_wait3A_515 = arith.constant 0 : i32
      %dma_wait3A_516 = tpu.memref_slice %arg8[%dma_wait3A_513, %dma_wait3A_514, %dma_wait3A_515] : memref<4x128x128xf32, #tpu.memory_space<vmem>> -> memref<1x128x128xf32, #tpu.memory_space<vmem>>
      %dma_wait3A_517 = tpu.memref_squeeze %dma_wait3A_516 : memref<1x128x128xf32, #tpu.memory_space<vmem>> -> memref<128x128xf32, #tpu.memory_space<vmem>>
      %dma_wait3A_518 = arith.constant 0 : i32
      %dma_wait3A_519 = tpu.memref_slice %arg6[%dma_wait3A_518] : memref<5120xi32, #tpu.memory_space<vmem>> -> memref<128xi32, #tpu.memory_space<vmem>>
      %dma_wait3A_520 = arith.constant 0 : i32
      %dma_wait3A_521 = arith.constant 0 : i32
      %dma_wait3A_522 = tpu.memref_slice %arg2[%dma_wait3A_520, %dma_wait3A_521] : memref<300000x128xf32, #tpu.memory_space<hbm>> -> memref<300000x128xf32, #tpu.memory_space<hbm>>
      tpu.wait_indirect_dma semaphore(%arg12 : memref<!tpu.dma_semaphore, #tpu.memory_space<semaphore_mem>>) src(%dma_wait3A_522 : memref<300000x128xf32, #tpu.memory_space<hbm>>) dst(%dma_wait3A_517 : memref<128x128xf32, #tpu.memory_space<vmem>>)
      %dma_start3A_523 = arith.constant 3 : i32
      %dma_start3A_524 = arith.constant 0 : i32
      %dma_start3A_525 = arith.constant 0 : i32
      %dma_start3A_526 = tpu.memref_slice %arg8[%dma_start3A_523, %dma_start3A_524, %dma_start3A_525] : memref<4x128x128xf32, #tpu.memory_space<vmem>> -> memref<1x128x128xf32, #tpu.memory_space<vmem>>
      %dma_start3A_527 = tpu.memref_squeeze %dma_start3A_526 : memref<1x128x128xf32, #tpu.memory_space<vmem>> -> memref<128x128xf32, #tpu.memory_space<vmem>>
      %dma_start3A_528 = arith.constant 0 : i32
      %dma_start3A_529 = tpu.memref_slice %arg7[%add3A_512, %dma_start3A_528] : memref<40x128xi32, #tpu.memory_space<vmem>> -> memref<1x128xi32, #tpu.memory_space<vmem>>
      %dma_start3A_530 = tpu.memref_squeeze %dma_start3A_529 : memref<1x128xi32, #tpu.memory_space<vmem>> -> memref<128xi32, #tpu.memory_space<vmem>>
      %dma_start3A_531 = arith.constant 0 : i32
      %dma_start3A_532 = arith.constant 0 : i32
      %dma_start3A_533 = tpu.memref_slice %arg5[%dma_start3A_531, %dma_start3A_532] : memref<163840x128xf32, #tpu.memory_space<hbm>> -> memref<163840x128xf32, #tpu.memory_space<hbm>>
      tpu.enqueue_indirect_dma source(%dma_start3A_527 : memref<128x128xf32, #tpu.memory_space<vmem>>) target(%dma_start3A_533 : memref<163840x128xf32, #tpu.memory_space<hbm>>) offsets(%dma_start3A_530 : memref<128xi32, #tpu.memory_space<vmem>>) semaphore(%arg16 : memref<!tpu.dma_semaphore, #tpu.memory_space<semaphore_mem>>)
      %dma_wait3A_534 = arith.constant 0 : i32
      %dma_wait3A_535 = arith.constant 0 : i32
      %dma_wait3A_536 = arith.constant 0 : i32
      %dma_wait3A_537 = arith.constant 0 : i32
      %dma_wait3A_538 = tpu.memref_slice %arg8[%dma_wait3A_534, %dma_wait3A_536, %dma_wait3A_537] : memref<4x128x128xf32, #tpu.memory_space<vmem>> -> memref<1x128x128xf32, #tpu.memory_space<vmem>>
      %dma_wait3A_539 = tpu.memref_squeeze %dma_wait3A_538 : memref<1x128x128xf32, #tpu.memory_space<vmem>> -> memref<128x128xf32, #tpu.memory_space<vmem>>
      %dma_wait3A_540 = arith.constant 0 : i32
      %dma_wait3A_541 = tpu.memref_slice %arg7[%dma_wait3A_535, %dma_wait3A_540] : memref<40x128xi32, #tpu.memory_space<vmem>> -> memref<1x128xi32, #tpu.memory_space<vmem>>
      %dma_wait3A_542 = tpu.memref_squeeze %dma_wait3A_541 : memref<1x128xi32, #tpu.memory_space<vmem>> -> memref<128xi32, #tpu.memory_space<vmem>>
      %dma_wait3A_543 = arith.constant 0 : i32
      %dma_wait3A_544 = arith.constant 0 : i32
      %dma_wait3A_545 = tpu.memref_slice %arg5[%dma_wait3A_543, %dma_wait3A_544] : memref<163840x128xf32, #tpu.memory_space<hbm>> -> memref<163840x128xf32, #tpu.memory_space<hbm>>
      tpu.wait_indirect_dma semaphore(%arg14 : memref<!tpu.dma_semaphore, #tpu.memory_space<semaphore_mem>>) src(%dma_wait3A_539 : memref<128x128xf32, #tpu.memory_space<vmem>>) dst(%dma_wait3A_545 : memref<163840x128xf32, #tpu.memory_space<hbm>>)
      %add3A_546 = arith.constant 2 : i32
      %add3A_547 = arith.addi %add3A_512, %add3A_546 : i32
      %mul3A_548 = arith.constant 128 : i32
      %mul3A_549 = arith.muli %add3A_547, %mul3A_548 : i32
      %dma_start3A_550 = arith.constant 1 : i32
      %dma_start3A_551 = arith.constant 0 : i32
      %dma_start3A_552 = arith.constant 0 : i32
      %dma_start3A_553 = tpu.memref_slice %arg8[%dma_start3A_550, %dma_start3A_551, %dma_start3A_552] : memref<4x128x128xf32, #tpu.memory_space<vmem>> -> memref<1x128x128xf32, #tpu.memory_space<vmem>>
      %dma_start3A_554 = tpu.memref_squeeze %dma_start3A_553 : memref<1x128x128xf32, #tpu.memory_space<vmem>> -> memref<128x128xf32, #tpu.memory_space<vmem>>
      %dma_start3A_555 = tpu.memref_slice %arg6[%mul3A_549] : memref<5120xi32, #tpu.memory_space<vmem>> -> memref<128xi32, #tpu.memory_space<vmem>>
      %dma_start3A_556 = arith.constant 0 : i32
      %dma_start3A_557 = arith.constant 0 : i32
      %dma_start3A_558 = tpu.memref_slice %arg2[%dma_start3A_556, %dma_start3A_557] : memref<300000x128xf32, #tpu.memory_space<hbm>> -> memref<300000x128xf32, #tpu.memory_space<hbm>>
      tpu.enqueue_indirect_dma source(%dma_start3A_558 : memref<300000x128xf32, #tpu.memory_space<hbm>>) target(%dma_start3A_554 : memref<128x128xf32, #tpu.memory_space<vmem>>) offsets(%dma_start3A_555 : memref<128xi32, #tpu.memory_space<vmem>>) semaphore(%arg10 : memref<!tpu.dma_semaphore, #tpu.memory_space<semaphore_mem>>)
    }
    %scan3A_177 = arith.constant 8 : i32
    %dma_wait3A_178 = arith.constant 0 : i32
    %dma_wait3A_179 = arith.constant 0 : i32
    %dma_wait3A_180 = arith.constant 0 : i32
    %dma_wait3A_181 = tpu.memref_slice %arg8[%dma_wait3A_178, %dma_wait3A_179, %dma_wait3A_180] : memref<4x128x128xf32, #tpu.memory_space<vmem>> -> memref<1x128x128xf32, #tpu.memory_space<vmem>>
    %dma_wait3A_182 = tpu.memref_squeeze %dma_wait3A_181 : memref<1x128x128xf32, #tpu.memory_space<vmem>> -> memref<128x128xf32, #tpu.memory_space<vmem>>
    %dma_wait3A_183 = arith.constant 0 : i32
    %dma_wait3A_184 = tpu.memref_slice %arg6[%dma_wait3A_183] : memref<5120xi32, #tpu.memory_space<vmem>> -> memref<128xi32, #tpu.memory_space<vmem>>
    %dma_wait3A_185 = arith.constant 0 : i32
    %dma_wait3A_186 = arith.constant 0 : i32
    %dma_wait3A_187 = tpu.memref_slice %arg2[%dma_wait3A_185, %dma_wait3A_186] : memref<300000x128xf32, #tpu.memory_space<hbm>> -> memref<300000x128xf32, #tpu.memory_space<hbm>>
    tpu.wait_indirect_dma semaphore(%arg9 : memref<!tpu.dma_semaphore, #tpu.memory_space<semaphore_mem>>) src(%dma_wait3A_187 : memref<300000x128xf32, #tpu.memory_space<hbm>>) dst(%dma_wait3A_182 : memref<128x128xf32, #tpu.memory_space<vmem>>)
    %dma_start3A_188 = arith.constant 0 : i32
    %dma_start3A_189 = arith.constant 36 : i32
    %dma_start3A_190 = arith.constant 0 : i32
    %dma_start3A_191 = arith.constant 0 : i32
    %dma_start3A_192 = tpu.memref_slice %arg8[%dma_start3A_188, %dma_start3A_190, %dma_start3A_191] : memref<4x128x128xf32, #tpu.memory_space<vmem>> -> memref<1x128x128xf32, #tpu.memory_space<vmem>>
    %dma_start3A_193 = tpu.memref_squeeze %dma_start3A_192 : memref<1x128x128xf32, #tpu.memory_space<vmem>> -> memref<128x128xf32, #tpu.memory_space<vmem>>
    %dma_start3A_194 = arith.constant 0 : i32
    %dma_start3A_195 = tpu.memref_slice %arg7[%dma_start3A_189, %dma_start3A_194] : memref<40x128xi32, #tpu.memory_space<vmem>> -> memref<1x128xi32, #tpu.memory_space<vmem>>
    %dma_start3A_196 = tpu.memref_squeeze %dma_start3A_195 : memref<1x128xi32, #tpu.memory_space<vmem>> -> memref<128xi32, #tpu.memory_space<vmem>>
    %dma_start3A_197 = arith.constant 0 : i32
    %dma_start3A_198 = arith.constant 0 : i32
    %dma_start3A_199 = tpu.memref_slice %arg5[%dma_start3A_197, %dma_start3A_198] : memref<163840x128xf32, #tpu.memory_space<hbm>> -> memref<163840x128xf32, #tpu.memory_space<hbm>>
    tpu.enqueue_indirect_dma source(%dma_start3A_193 : memref<128x128xf32, #tpu.memory_space<vmem>>) target(%dma_start3A_199 : memref<163840x128xf32, #tpu.memory_space<hbm>>) offsets(%dma_start3A_196 : memref<128xi32, #tpu.memory_space<vmem>>) semaphore(%arg13 : memref<!tpu.dma_semaphore, #tpu.memory_space<semaphore_mem>>)
    %dma_wait3A_200 = arith.constant 0 : i32
    %dma_wait3A_201 = arith.constant 0 : i32
    %dma_wait3A_202 = arith.constant 0 : i32
    %dma_wait3A_203 = arith.constant 0 : i32
    %dma_wait3A_204 = tpu.memref_slice %arg8[%dma_wait3A_200, %dma_wait3A_202, %dma_wait3A_203] : memref<4x128x128xf32, #tpu.memory_space<vmem>> -> memref<1x128x128xf32, #tpu.memory_space<vmem>>
    %dma_wait3A_205 = tpu.memref_squeeze %dma_wait3A_204 : memref<1x128x128xf32, #tpu.memory_space<vmem>> -> memref<128x128xf32, #tpu.memory_space<vmem>>
    %dma_wait3A_206 = arith.constant 0 : i32
    %dma_wait3A_207 = tpu.memref_slice %arg7[%dma_wait3A_201, %dma_wait3A_206] : memref<40x128xi32, #tpu.memory_space<vmem>> -> memref<1x128xi32, #tpu.memory_space<vmem>>
    %dma_wait3A_208 = tpu.memref_squeeze %dma_wait3A_207 : memref<1x128xi32, #tpu.memory_space<vmem>> -> memref<128xi32, #tpu.memory_space<vmem>>
    %dma_wait3A_209 = arith.constant 0 : i32
    %dma_wait3A_210 = arith.constant 0 : i32
    %dma_wait3A_211 = tpu.memref_slice %arg5[%dma_wait3A_209, %dma_wait3A_210] : memref<163840x128xf32, #tpu.memory_space<hbm>> -> memref<163840x128xf32, #tpu.memory_space<hbm>>
    tpu.wait_indirect_dma semaphore(%arg15 : memref<!tpu.dma_semaphore, #tpu.memory_space<semaphore_mem>>) src(%dma_wait3A_205 : memref<128x128xf32, #tpu.memory_space<vmem>>) dst(%dma_wait3A_211 : memref<163840x128xf32, #tpu.memory_space<hbm>>)
    %dma_start3A_212 = arith.constant 2 : i32
    %dma_start3A_213 = arith.constant 0 : i32
    %dma_start3A_214 = arith.constant 0 : i32
    %dma_start3A_215 = tpu.memref_slice %arg8[%dma_start3A_212, %dma_start3A_213, %dma_start3A_214] : memref<4x128x128xf32, #tpu.memory_space<vmem>> -> memref<1x128x128xf32, #tpu.memory_space<vmem>>
    %dma_start3A_216 = tpu.memref_squeeze %dma_start3A_215 : memref<1x128x128xf32, #tpu.memory_space<vmem>> -> memref<128x128xf32, #tpu.memory_space<vmem>>
    %dma_start3A_217 = arith.constant 4864 : i32
    %dma_start3A_218 = tpu.memref_slice %arg6[%dma_start3A_217] : memref<5120xi32, #tpu.memory_space<vmem>> -> memref<128xi32, #tpu.memory_space<vmem>>
    %dma_start3A_219 = arith.constant 0 : i32
    %dma_start3A_220 = arith.constant 0 : i32
    %dma_start3A_221 = tpu.memref_slice %arg2[%dma_start3A_219, %dma_start3A_220] : memref<300000x128xf32, #tpu.memory_space<hbm>> -> memref<300000x128xf32, #tpu.memory_space<hbm>>
    tpu.enqueue_indirect_dma source(%dma_start3A_221 : memref<300000x128xf32, #tpu.memory_space<hbm>>) target(%dma_start3A_216 : memref<128x128xf32, #tpu.memory_space<vmem>>) offsets(%dma_start3A_218 : memref<128xi32, #tpu.memory_space<vmem>>) semaphore(%arg11 : memref<!tpu.dma_semaphore, #tpu.memory_space<semaphore_mem>>)
    %dma_wait3A_222 = arith.constant 1 : i32
    %dma_wait3A_223 = arith.constant 0 : i32
    %dma_wait3A_224 = arith.constant 0 : i32
    %dma_wait3A_225 = tpu.memref_slice %arg8[%dma_wait3A_222, %dma_wait3A_223, %dma_wait3A_224] : memref<4x128x128xf32, #tpu.memory_space<vmem>> -> memref<1x128x128xf32, #tpu.memory_space<vmem>>
    %dma_wait3A_226 = tpu.memref_squeeze %dma_wait3A_225 : memref<1x128x128xf32, #tpu.memory_space<vmem>> -> memref<128x128xf32, #tpu.memory_space<vmem>>
    %dma_wait3A_227 = arith.constant 0 : i32
    %dma_wait3A_228 = tpu.memref_slice %arg6[%dma_wait3A_227] : memref<5120xi32, #tpu.memory_space<vmem>> -> memref<128xi32, #tpu.memory_space<vmem>>
    %dma_wait3A_229 = arith.constant 0 : i32
    %dma_wait3A_230 = arith.constant 0 : i32
    %dma_wait3A_231 = tpu.memref_slice %arg2[%dma_wait3A_229, %dma_wait3A_230] : memref<300000x128xf32, #tpu.memory_space<hbm>> -> memref<300000x128xf32, #tpu.memory_space<hbm>>
    tpu.wait_indirect_dma semaphore(%arg10 : memref<!tpu.dma_semaphore, #tpu.memory_space<semaphore_mem>>) src(%dma_wait3A_231 : memref<300000x128xf32, #tpu.memory_space<hbm>>) dst(%dma_wait3A_226 : memref<128x128xf32, #tpu.memory_space<vmem>>)
    %dma_start3A_232 = arith.constant 1 : i32
    %dma_start3A_233 = arith.constant 37 : i32
    %dma_start3A_234 = arith.constant 0 : i32
    %dma_start3A_235 = arith.constant 0 : i32
    %dma_start3A_236 = tpu.memref_slice %arg8[%dma_start3A_232, %dma_start3A_234, %dma_start3A_235] : memref<4x128x128xf32, #tpu.memory_space<vmem>> -> memref<1x128x128xf32, #tpu.memory_space<vmem>>
    %dma_start3A_237 = tpu.memref_squeeze %dma_start3A_236 : memref<1x128x128xf32, #tpu.memory_space<vmem>> -> memref<128x128xf32, #tpu.memory_space<vmem>>
    %dma_start3A_238 = arith.constant 0 : i32
    %dma_start3A_239 = tpu.memref_slice %arg7[%dma_start3A_233, %dma_start3A_238] : memref<40x128xi32, #tpu.memory_space<vmem>> -> memref<1x128xi32, #tpu.memory_space<vmem>>
    %dma_start3A_240 = tpu.memref_squeeze %dma_start3A_239 : memref<1x128xi32, #tpu.memory_space<vmem>> -> memref<128xi32, #tpu.memory_space<vmem>>
    %dma_start3A_241 = arith.constant 0 : i32
    %dma_start3A_242 = arith.constant 0 : i32
    %dma_start3A_243 = tpu.memref_slice %arg5[%dma_start3A_241, %dma_start3A_242] : memref<163840x128xf32, #tpu.memory_space<hbm>> -> memref<163840x128xf32, #tpu.memory_space<hbm>>
    tpu.enqueue_indirect_dma source(%dma_start3A_237 : memref<128x128xf32, #tpu.memory_space<vmem>>) target(%dma_start3A_243 : memref<163840x128xf32, #tpu.memory_space<hbm>>) offsets(%dma_start3A_240 : memref<128xi32, #tpu.memory_space<vmem>>) semaphore(%arg14 : memref<!tpu.dma_semaphore, #tpu.memory_space<semaphore_mem>>)
    %dma_wait3A_244 = arith.constant 0 : i32
    %dma_wait3A_245 = arith.constant 0 : i32
    %dma_wait3A_246 = arith.constant 0 : i32
    %dma_wait3A_247 = arith.constant 0 : i32
    %dma_wait3A_248 = tpu.memref_slice %arg8[%dma_wait3A_244, %dma_wait3A_246, %dma_wait3A_247] : memref<4x128x128xf32, #tpu.memory_space<vmem>> -> memref<1x128x128xf32, #tpu.memory_space<vmem>>
    %dma_wait3A_249 = tpu.memref_squeeze %dma_wait3A_248 : memref<1x128x128xf32, #tpu.memory_space<vmem>> -> memref<128x128xf32, #tpu.memory_space<vmem>>
    %dma_wait3A_250 = arith.constant 0 : i32
    %dma_wait3A_251 = tpu.memref_slice %arg7[%dma_wait3A_245, %dma_wait3A_250] : memref<40x128xi32, #tpu.memory_space<vmem>> -> memref<1x128xi32, #tpu.memory_space<vmem>>
    %dma_wait3A_252 = tpu.memref_squeeze %dma_wait3A_251 : memref<1x128xi32, #tpu.memory_space<vmem>> -> memref<128xi32, #tpu.memory_space<vmem>>
    %dma_wait3A_253 = arith.constant 0 : i32
    %dma_wait3A_254 = arith.constant 0 : i32
    %dma_wait3A_255 = tpu.memref_slice %arg5[%dma_wait3A_253, %dma_wait3A_254] : memref<163840x128xf32, #tpu.memory_space<hbm>> -> memref<163840x128xf32, #tpu.memory_space<hbm>>
    tpu.wait_indirect_dma semaphore(%arg16 : memref<!tpu.dma_semaphore, #tpu.memory_space<semaphore_mem>>) src(%dma_wait3A_249 : memref<128x128xf32, #tpu.memory_space<vmem>>) dst(%dma_wait3A_255 : memref<163840x128xf32, #tpu.memory_space<hbm>>)
    %dma_start3A_256 = arith.constant 3 : i32
    %dma_start3A_257 = arith.constant 0 : i32
    %dma_start3A_258 = arith.constant 0 : i32
    %dma_start3A_259 = tpu.memref_slice %arg8[%dma_start3A_256, %dma_start3A_257, %dma_start3A_258] : memref<4x128x128xf32, #tpu.memory_space<vmem>> -> memref<1x128x128xf32, #tpu.memory_space<vmem>>
    %dma_start3A_260 = tpu.memref_squeeze %dma_start3A_259 : memref<1x128x128xf32, #tpu.memory_space<vmem>> -> memref<128x128xf32, #tpu.memory_space<vmem>>
    %dma_start3A_261 = arith.constant 4992 : i32
    %dma_start3A_262 = tpu.memref_slice %arg6[%dma_start3A_261] : memref<5120xi32, #tpu.memory_space<vmem>> -> memref<128xi32, #tpu.memory_space<vmem>>
    %dma_start3A_263 = arith.constant 0 : i32
    %dma_start3A_264 = arith.constant 0 : i32
    %dma_start3A_265 = tpu.memref_slice %arg2[%dma_start3A_263, %dma_start3A_264] : memref<300000x128xf32, #tpu.memory_space<hbm>> -> memref<300000x128xf32, #tpu.memory_space<hbm>>
    tpu.enqueue_indirect_dma source(%dma_start3A_265 : memref<300000x128xf32, #tpu.memory_space<hbm>>) target(%dma_start3A_260 : memref<128x128xf32, #tpu.memory_space<vmem>>) offsets(%dma_start3A_262 : memref<128xi32, #tpu.memory_space<vmem>>) semaphore(%arg12 : memref<!tpu.dma_semaphore, #tpu.memory_space<semaphore_mem>>)
    %dma_wait3A_266 = arith.constant 2 : i32
    %dma_wait3A_267 = arith.constant 0 : i32
    %dma_wait3A_268 = arith.constant 0 : i32
    %dma_wait3A_269 = tpu.memref_slice %arg8[%dma_wait3A_266, %dma_wait3A_267, %dma_wait3A_268] : memref<4x128x128xf32, #tpu.memory_space<vmem>> -> memref<1x128x128xf32, #tpu.memory_space<vmem>>
    %dma_wait3A_270 = tpu.memref_squeeze %dma_wait3A_269 : memref<1x128x128xf32, #tpu.memory_space<vmem>> -> memref<128x128xf32, #tpu.memory_space<vmem>>
    %dma_wait3A_271 = arith.constant 0 : i32
    %dma_wait3A_272 = tpu.memref_slice %arg6[%dma_wait3A_271] : memref<5120xi32, #tpu.memory_space<vmem>> -> memref<128xi32, #tpu.memory_space<vmem>>
    %dma_wait3A_273 = arith.constant 0 : i32
    %dma_wait3A_274 = arith.constant 0 : i32
    %dma_wait3A_275 = tpu.memref_slice %arg2[%dma_wait3A_273, %dma_wait3A_274] : memref<300000x128xf32, #tpu.memory_space<hbm>> -> memref<300000x128xf32, #tpu.memory_space<hbm>>
    tpu.wait_indirect_dma semaphore(%arg11 : memref<!tpu.dma_semaphore, #tpu.memory_space<semaphore_mem>>) src(%dma_wait3A_275 : memref<300000x128xf32, #tpu.memory_space<hbm>>) dst(%dma_wait3A_270 : memref<128x128xf32, #tpu.memory_space<vmem>>)
    %dma_start3A_276 = arith.constant 2 : i32
    %dma_start3A_277 = arith.constant 38 : i32
    %dma_start3A_278 = arith.constant 0 : i32
    %dma_start3A_279 = arith.constant 0 : i32
    %dma_start3A_280 = tpu.memref_slice %arg8[%dma_start3A_276, %dma_start3A_278, %dma_start3A_279] : memref<4x128x128xf32, #tpu.memory_space<vmem>> -> memref<1x128x128xf32, #tpu.memory_space<vmem>>
    %dma_start3A_281 = tpu.memref_squeeze %dma_start3A_280 : memref<1x128x128xf32, #tpu.memory_space<vmem>> -> memref<128x128xf32, #tpu.memory_space<vmem>>
    %dma_start3A_282 = arith.constant 0 : i32
    %dma_start3A_283 = tpu.memref_slice %arg7[%dma_start3A_277, %dma_start3A_282] : memref<40x128xi32, #tpu.memory_space<vmem>> -> memref<1x128xi32, #tpu.memory_space<vmem>>
    %dma_start3A_284 = tpu.memref_squeeze %dma_start3A_283 : memref<1x128xi32, #tpu.memory_space<vmem>> -> memref<128xi32, #tpu.memory_space<vmem>>
    %dma_start3A_285 = arith.constant 0 : i32
    %dma_start3A_286 = arith.constant 0 : i32
    %dma_start3A_287 = tpu.memref_slice %arg5[%dma_start3A_285, %dma_start3A_286] : memref<163840x128xf32, #tpu.memory_space<hbm>> -> memref<163840x128xf32, #tpu.memory_space<hbm>>
    tpu.enqueue_indirect_dma source(%dma_start3A_281 : memref<128x128xf32, #tpu.memory_space<vmem>>) target(%dma_start3A_287 : memref<163840x128xf32, #tpu.memory_space<hbm>>) offsets(%dma_start3A_284 : memref<128xi32, #tpu.memory_space<vmem>>) semaphore(%arg15 : memref<!tpu.dma_semaphore, #tpu.memory_space<semaphore_mem>>)
    %dma_wait3A_288 = arith.constant 0 : i32
    %dma_wait3A_289 = arith.constant 0 : i32
    %dma_wait3A_290 = arith.constant 0 : i32
    %dma_wait3A_291 = arith.constant 0 : i32
    %dma_wait3A_292 = tpu.memref_slice %arg8[%dma_wait3A_288, %dma_wait3A_290, %dma_wait3A_291] : memref<4x128x128xf32, #tpu.memory_space<vmem>> -> memref<1x128x128xf32, #tpu.memory_space<vmem>>
    %dma_wait3A_293 = tpu.memref_squeeze %dma_wait3A_292 : memref<1x128x128xf32, #tpu.memory_space<vmem>> -> memref<128x128xf32, #tpu.memory_space<vmem>>
    %dma_wait3A_294 = arith.constant 0 : i32
    %dma_wait3A_295 = tpu.memref_slice %arg7[%dma_wait3A_289, %dma_wait3A_294] : memref<40x128xi32, #tpu.memory_space<vmem>> -> memref<1x128xi32, #tpu.memory_space<vmem>>
    %dma_wait3A_296 = tpu.memref_squeeze %dma_wait3A_295 : memref<1x128xi32, #tpu.memory_space<vmem>> -> memref<128xi32, #tpu.memory_space<vmem>>
    %dma_wait3A_297 = arith.constant 0 : i32
    %dma_wait3A_298 = arith.constant 0 : i32
    %dma_wait3A_299 = tpu.memref_slice %arg5[%dma_wait3A_297, %dma_wait3A_298] : memref<163840x128xf32, #tpu.memory_space<hbm>> -> memref<163840x128xf32, #tpu.memory_space<hbm>>
    tpu.wait_indirect_dma semaphore(%arg13 : memref<!tpu.dma_semaphore, #tpu.memory_space<semaphore_mem>>) src(%dma_wait3A_293 : memref<128x128xf32, #tpu.memory_space<vmem>>) dst(%dma_wait3A_299 : memref<163840x128xf32, #tpu.memory_space<hbm>>)
    %dma_wait3A_300 = arith.constant 3 : i32
    %dma_wait3A_301 = arith.constant 0 : i32
    %dma_wait3A_302 = arith.constant 0 : i32
    %dma_wait3A_303 = tpu.memref_slice %arg8[%dma_wait3A_300, %dma_wait3A_301, %dma_wait3A_302] : memref<4x128x128xf32, #tpu.memory_space<vmem>> -> memref<1x128x128xf32, #tpu.memory_space<vmem>>
    %dma_wait3A_304 = tpu.memref_squeeze %dma_wait3A_303 : memref<1x128x128xf32, #tpu.memory_space<vmem>> -> memref<128x128xf32, #tpu.memory_space<vmem>>
    %dma_wait3A_305 = arith.constant 0 : i32
    %dma_wait3A_306 = tpu.memref_slice %arg6[%dma_wait3A_305] : memref<5120xi32, #tpu.memory_space<vmem>> -> memref<128xi32, #tpu.memory_space<vmem>>
    %dma_wait3A_307 = arith.constant 0 : i32
    %dma_wait3A_308 = arith.constant 0 : i32
    %dma_wait3A_309 = tpu.memref_slice %arg2[%dma_wait3A_307, %dma_wait3A_308] : memref<300000x128xf32, #tpu.memory_space<hbm>> -> memref<300000x128xf32, #tpu.memory_space<hbm>>
    tpu.wait_indirect_dma semaphore(%arg12 : memref<!tpu.dma_semaphore, #tpu.memory_space<semaphore_mem>>) src(%dma_wait3A_309 : memref<300000x128xf32, #tpu.memory_space<hbm>>) dst(%dma_wait3A_304 : memref<128x128xf32, #tpu.memory_space<vmem>>)
    %dma_start3A_310 = arith.constant 3 : i32
    %dma_start3A_311 = arith.constant 39 : i32
    %dma_start3A_312 = arith.constant 0 : i32
    %dma_start3A_313 = arith.constant 0 : i32
    %dma_start3A_314 = tpu.memref_slice %arg8[%dma_start3A_310, %dma_start3A_312, %dma_start3A_313] : memref<4x128x128xf32, #tpu.memory_space<vmem>> -> memref<1x128x128xf32, #tpu.memory_space<vmem>>
    %dma_start3A_315 = tpu.memref_squeeze %dma_start3A_314 : memref<1x128x128xf32, #tpu.memory_space<vmem>> -> memref<128x128xf32, #tpu.memory_space<vmem>>
    %dma_start3A_316 = arith.constant 0 : i32
    %dma_start3A_317 = tpu.memref_slice %arg7[%dma_start3A_311, %dma_start3A_316] : memref<40x128xi32, #tpu.memory_space<vmem>> -> memref<1x128xi32, #tpu.memory_space<vmem>>
    %dma_start3A_318 = tpu.memref_squeeze %dma_start3A_317 : memref<1x128xi32, #tpu.memory_space<vmem>> -> memref<128xi32, #tpu.memory_space<vmem>>
    %dma_start3A_319 = arith.constant 0 : i32
    %dma_start3A_320 = arith.constant 0 : i32
    %dma_start3A_321 = tpu.memref_slice %arg5[%dma_start3A_319, %dma_start3A_320] : memref<163840x128xf32, #tpu.memory_space<hbm>> -> memref<163840x128xf32, #tpu.memory_space<hbm>>
    tpu.enqueue_indirect_dma source(%dma_start3A_315 : memref<128x128xf32, #tpu.memory_space<vmem>>) target(%dma_start3A_321 : memref<163840x128xf32, #tpu.memory_space<hbm>>) offsets(%dma_start3A_318 : memref<128xi32, #tpu.memory_space<vmem>>) semaphore(%arg16 : memref<!tpu.dma_semaphore, #tpu.memory_space<semaphore_mem>>)
    %dma_wait3A_322 = arith.constant 0 : i32
    %dma_wait3A_323 = arith.constant 0 : i32
    %dma_wait3A_324 = arith.constant 0 : i32
    %dma_wait3A_325 = arith.constant 0 : i32
    %dma_wait3A_326 = tpu.memref_slice %arg8[%dma_wait3A_322, %dma_wait3A_324, %dma_wait3A_325] : memref<4x128x128xf32, #tpu.memory_space<vmem>> -> memref<1x128x128xf32, #tpu.memory_space<vmem>>
    %dma_wait3A_327 = tpu.memref_squeeze %dma_wait3A_326 : memref<1x128x128xf32, #tpu.memory_space<vmem>> -> memref<128x128xf32, #tpu.memory_space<vmem>>
    %dma_wait3A_328 = arith.constant 0 : i32
    %dma_wait3A_329 = tpu.memref_slice %arg7[%dma_wait3A_323, %dma_wait3A_328] : memref<40x128xi32, #tpu.memory_space<vmem>> -> memref<1x128xi32, #tpu.memory_space<vmem>>
    %dma_wait3A_330 = tpu.memref_squeeze %dma_wait3A_329 : memref<1x128xi32, #tpu.memory_space<vmem>> -> memref<128xi32, #tpu.memory_space<vmem>>
    %dma_wait3A_331 = arith.constant 0 : i32
    %dma_wait3A_332 = arith.constant 0 : i32
    %dma_wait3A_333 = tpu.memref_slice %arg5[%dma_wait3A_331, %dma_wait3A_332] : memref<163840x128xf32, #tpu.memory_space<hbm>> -> memref<163840x128xf32, #tpu.memory_space<hbm>>
    tpu.wait_indirect_dma semaphore(%arg14 : memref<!tpu.dma_semaphore, #tpu.memory_space<semaphore_mem>>) src(%dma_wait3A_327 : memref<128x128xf32, #tpu.memory_space<vmem>>) dst(%dma_wait3A_333 : memref<163840x128xf32, #tpu.memory_space<hbm>>)
    %dma_wait3A_334 = arith.constant 0 : i32
    %dma_wait3A_335 = arith.constant 0 : i32
    %dma_wait3A_336 = arith.constant 0 : i32
    %dma_wait3A_337 = arith.constant 0 : i32
    %dma_wait3A_338 = tpu.memref_slice %arg8[%dma_wait3A_334, %dma_wait3A_336, %dma_wait3A_337] : memref<4x128x128xf32, #tpu.memory_space<vmem>> -> memref<1x128x128xf32, #tpu.memory_space<vmem>>
    %dma_wait3A_339 = tpu.memref_squeeze %dma_wait3A_338 : memref<1x128x128xf32, #tpu.memory_space<vmem>> -> memref<128x128xf32, #tpu.memory_space<vmem>>
    %dma_wait3A_340 = arith.constant 0 : i32
    %dma_wait3A_341 = tpu.memref_slice %arg7[%dma_wait3A_335, %dma_wait3A_340] : memref<40x128xi32, #tpu.memory_space<vmem>> -> memref<1x128xi32, #tpu.memory_space<vmem>>
    %dma_wait3A_342 = tpu.memref_squeeze %dma_wait3A_341 : memref<1x128xi32, #tpu.memory_space<vmem>> -> memref<128xi32, #tpu.memory_space<vmem>>
    %dma_wait3A_343 = arith.constant 0 : i32
    %dma_wait3A_344 = arith.constant 0 : i32
    %dma_wait3A_345 = tpu.memref_slice %arg5[%dma_wait3A_343, %dma_wait3A_344] : memref<163840x128xf32, #tpu.memory_space<hbm>> -> memref<163840x128xf32, #tpu.memory_space<hbm>>
    tpu.wait_indirect_dma semaphore(%arg15 : memref<!tpu.dma_semaphore, #tpu.memory_space<semaphore_mem>>) src(%dma_wait3A_339 : memref<128x128xf32, #tpu.memory_space<vmem>>) dst(%dma_wait3A_345 : memref<163840x128xf32, #tpu.memory_space<hbm>>)
    %dma_wait3A_346 = arith.constant 0 : i32
    %dma_wait3A_347 = arith.constant 0 : i32
    %dma_wait3A_348 = arith.constant 0 : i32
    %dma_wait3A_349 = arith.constant 0 : i32
    %dma_wait3A_350 = tpu.memref_slice %arg8[%dma_wait3A_346, %dma_wait3A_348, %dma_wait3A_349] : memref<4x128x128xf32, #tpu.memory_space<vmem>> -> memref<1x128x128xf32, #tpu.memory_space<vmem>>
    %dma_wait3A_351 = tpu.memref_squeeze %dma_wait3A_350 : memref<1x128x128xf32, #tpu.memory_space<vmem>> -> memref<128x128xf32, #tpu.memory_space<vmem>>
    %dma_wait3A_352 = arith.constant 0 : i32
    %dma_wait3A_353 = tpu.memref_slice %arg7[%dma_wait3A_347, %dma_wait3A_352] : memref<40x128xi32, #tpu.memory_space<vmem>> -> memref<1x128xi32, #tpu.memory_space<vmem>>
    %dma_wait3A_354 = tpu.memref_squeeze %dma_wait3A_353 : memref<1x128xi32, #tpu.memory_space<vmem>> -> memref<128xi32, #tpu.memory_space<vmem>>
    %dma_wait3A_355 = arith.constant 0 : i32
    %dma_wait3A_356 = arith.constant 0 : i32
    %dma_wait3A_357 = tpu.memref_slice %arg5[%dma_wait3A_355, %dma_wait3A_356] : memref<163840x128xf32, #tpu.memory_space<hbm>> -> memref<163840x128xf32, #tpu.memory_space<hbm>>
    tpu.wait_indirect_dma semaphore(%arg16 : memref<!tpu.dma_semaphore, #tpu.memory_space<semaphore_mem>>) src(%dma_wait3A_351 : memref<128x128xf32, #tpu.memory_space<vmem>>) dst(%dma_wait3A_357 : memref<163840x128xf32, #tpu.memory_space<hbm>>)
    return
  }
}

#map = affine_map<(d0, d1) -> (0, 0)>
#map1 = affine_map<(d0, d1) -> (0)>
#map2 = affine_map<(d0, d1) -> (0, 0, 0)>
module attributes {stable_mosaic.version = 14 : i64} {
  func.func @sc_gather(%arg0: i32, %arg1: i32, %arg2: memref<300000x128xf32, #tpu.memory_space<hbm>>, %arg3: memref<163840xi32, #tpu.memory_space<hbm>>, %arg4: memref<32x40x128xi32, #tpu.memory_space<hbm>>, %arg5: memref<163840x128xf32, #tpu.memory_space<hbm>>, %arg6: memref<5120xi32, #tpu.memory_space<vmem>>, %arg7: memref<40x128xi32, #tpu.memory_space<vmem>>, %arg8: memref<4x128x128xf32, #tpu.memory_space<vmem>>, %arg9: memref<!tpu.dma_semaphore, #tpu.memory_space<semaphore_mem>>, %arg10: memref<!tpu.dma_semaphore, #tpu.memory_space<semaphore_mem>>, %arg11: memref<!tpu.dma_semaphore, #tpu.memory_space<semaphore_mem>>, %arg12: memref<!tpu.dma_semaphore, #tpu.memory_space<semaphore_mem>>, %arg13: memref<!tpu.dma_semaphore, #tpu.memory_space<semaphore_mem>>, %arg14: memref<!tpu.dma_semaphore, #tpu.memory_space<semaphore_mem>>, %arg15: memref<!tpu.dma_semaphore, #tpu.memory_space<semaphore_mem>>, %arg16: memref<!tpu.dma_semaphore, #tpu.memory_space<semaphore_mem>>) attributes {dimension_semantics = [#tpu.dimension_semantics<core_parallel>, #tpu.dimension_semantics<subcore_parallel>], iteration_bounds = array<i64: 2, 16>, scalar_prefetch = 0 : i64, scratch_operands = 11 : i64, tpu.core_type = #tpu.core_type<sc_vector_subcore>, window_params = [{transform_indices = #map}, {transform_indices = #map1}, {transform_indices = #map2}, {transform_indices = #map}]} {
    %mul3A = arith.constant 2 : i32
    %mul3A_0 = arith.muli %arg1, %mul3A : i32
    %add3A = arith.addi %mul3A_0, %arg0 : i32
    %mul3A_1 = arith.constant 5120 : i32
    %mul3A_2 = arith.muli %add3A, %mul3A_1 : i32
    "tpu.region"() ({
      %run_scoped3A = tpu.sem_alloc : memref<!tpu.dma_semaphore, #tpu.memory_space<semaphore_mem>>
      %dma_start3A_358 = tpu.memref_slice %arg3[%mul3A_2] : memref<163840xi32, #tpu.memory_space<hbm>> -> memref<5120xi32, #tpu.memory_space<hbm>>
      %dma_start3A_359 = tpu.memref_slice %arg3[%mul3A_2] : memref<163840xi32, #tpu.memory_space<hbm>> -> memref<5120xi32, #tpu.memory_space<hbm>>
      tpu.enqueue_dma source(%dma_start3A_359 : memref<5120xi32, #tpu.memory_space<hbm>>) target(%arg6 : memref<5120xi32, #tpu.memory_space<vmem>>) target_semaphore(%run_scoped3A : memref<!tpu.dma_semaphore, #tpu.memory_space<semaphore_mem>>)
      %dma_wait3A_360 = tpu.memref_slice %arg3[%mul3A_2] : memref<163840xi32, #tpu.memory_space<hbm>> -> memref<5120xi32, #tpu.memory_space<hbm>>
      %dma_wait3A_361 = tpu.memref_slice %arg3[%mul3A_2] : memref<163840xi32, #tpu.memory_space<hbm>> -> memref<5120xi32, #tpu.memory_space<hbm>>
      tpu.wait_dma2 semaphore(%run_scoped3A : memref<!tpu.dma_semaphore, #tpu.memory_space<semaphore_mem>>) src(%dma_wait3A_361 : memref<5120xi32, #tpu.memory_space<hbm>>) dst(%arg6 : memref<5120xi32, #tpu.memory_space<vmem>>)
      tpu.yield
    }) : () -> ()
    "tpu.region"() ({
      %run_scoped3A = tpu.sem_alloc : memref<!tpu.dma_semaphore, #tpu.memory_space<semaphore_mem>>
      %dma_start3A_358 = arith.constant 0 : i32
      %dma_start3A_359 = arith.constant 0 : i32
      %dma_start3A_360 = tpu.memref_slice %arg4[%add3A, %dma_start3A_358, %dma_start3A_359] : memref<32x40x128xi32, #tpu.memory_space<hbm>> -> memref<1x40x128xi32, #tpu.memory_space<hbm>>
      %dma_start3A_361 = tpu.memref_squeeze %dma_start3A_360 : memref<1x40x128xi32, #tpu.memory_space<hbm>> -> memref<40x128xi32, #tpu.memory_space<hbm>>
      %dma_start3A_362 = arith.constant 0 : i32
      %dma_start3A_363 = arith.constant 0 : i32
      %dma_start3A_364 = tpu.memref_slice %arg4[%add3A, %dma_start3A_362, %dma_start3A_363] : memref<32x40x128xi32, #tpu.memory_space<hbm>> -> memref<1x40x128xi32, #tpu.memory_space<hbm>>
      %dma_start3A_365 = tpu.memref_squeeze %dma_start3A_364 : memref<1x40x128xi32, #tpu.memory_space<hbm>> -> memref<40x128xi32, #tpu.memory_space<hbm>>
      tpu.enqueue_dma source(%dma_start3A_365 : memref<40x128xi32, #tpu.memory_space<hbm>>) target(%arg7 : memref<40x128xi32, #tpu.memory_space<vmem>>) target_semaphore(%run_scoped3A : memref<!tpu.dma_semaphore, #tpu.memory_space<semaphore_mem>>)
      %dma_wait3A_366 = arith.constant 0 : i32
      %dma_wait3A_367 = arith.constant 0 : i32
      %dma_wait3A_368 = tpu.memref_slice %arg4[%add3A, %dma_wait3A_366, %dma_wait3A_367] : memref<32x40x128xi32, #tpu.memory_space<hbm>> -> memref<1x40x128xi32, #tpu.memory_space<hbm>>
      %dma_wait3A_369 = tpu.memref_squeeze %dma_wait3A_368 : memref<1x40x128xi32, #tpu.memory_space<hbm>> -> memref<40x128xi32, #tpu.memory_space<hbm>>
      %dma_wait3A_370 = arith.constant 0 : i32
      %dma_wait3A_371 = arith.constant 0 : i32
      %dma_wait3A_372 = tpu.memref_slice %arg4[%add3A, %dma_wait3A_370, %dma_wait3A_371] : memref<32x40x128xi32, #tpu.memory_space<hbm>> -> memref<1x40x128xi32, #tpu.memory_space<hbm>>
      %dma_wait3A_373 = tpu.memref_squeeze %dma_wait3A_372 : memref<1x40x128xi32, #tpu.memory_space<hbm>> -> memref<40x128xi32, #tpu.memory_space<hbm>>
      tpu.wait_dma2 semaphore(%run_scoped3A : memref<!tpu.dma_semaphore, #tpu.memory_space<semaphore_mem>>) src(%dma_wait3A_373 : memref<40x128xi32, #tpu.memory_space<hbm>>) dst(%arg7 : memref<40x128xi32, #tpu.memory_space<vmem>>)
      tpu.yield
    }) : () -> ()
    %dma_start3A = arith.constant 0 : i32
    %dma_start3A_3 = arith.constant 0 : i32
    %dma_start3A_4 = arith.constant 0 : i32
    %dma_start3A_5 = tpu.memref_slice %arg8[%dma_start3A, %dma_start3A_3, %dma_start3A_4] : memref<4x128x128xf32, #tpu.memory_space<vmem>> -> memref<1x128x128xf32, #tpu.memory_space<vmem>>
    %dma_start3A_6 = tpu.memref_squeeze %dma_start3A_5 : memref<1x128x128xf32, #tpu.memory_space<vmem>> -> memref<128x128xf32, #tpu.memory_space<vmem>>
    %dma_start3A_7 = arith.constant 0 : i32
    %dma_start3A_8 = tpu.memref_slice %arg6[%dma_start3A_7] : memref<5120xi32, #tpu.memory_space<vmem>> -> memref<128xi32, #tpu.memory_space<vmem>>
    %dma_start3A_9 = arith.constant 0 : i32
    %dma_start3A_10 = arith.constant 0 : i32
    %dma_start3A_11 = tpu.memref_slice %arg2[%dma_start3A_9, %dma_start3A_10] : memref<300000x128xf32, #tpu.memory_space<hbm>> -> memref<300000x128xf32, #tpu.memory_space<hbm>>
    tpu.enqueue_indirect_dma source(%dma_start3A_11 : memref<300000x128xf32, #tpu.memory_space<hbm>>) target(%dma_start3A_6 : memref<128x128xf32, #tpu.memory_space<vmem>>) offsets(%dma_start3A_8 : memref<128xi32, #tpu.memory_space<vmem>>) semaphore(%arg9 : memref<!tpu.dma_semaphore, #tpu.memory_space<semaphore_mem>>)
    %dma_start3A_12 = arith.constant 1 : i32
    %dma_start3A_13 = arith.constant 0 : i32
    %dma_start3A_14 = arith.constant 0 : i32
    %dma_start3A_15 = tpu.memref_slice %arg8[%dma_start3A_12, %dma_start3A_13, %dma_start3A_14] : memref<4x128x128xf32, #tpu.memory_space<vmem>> -> memref<1x128x128xf32, #tpu.memory_space<vmem>>
    %dma_start3A_16 = tpu.memref_squeeze %dma_start3A_15 : memref<1x128x128xf32, #tpu.memory_space<vmem>> -> memref<128x128xf32, #tpu.memory_space<vmem>>
    %dma_start3A_17 = arith.constant 128 : i32
    %dma_start3A_18 = tpu.memref_slice %arg6[%dma_start3A_17] : memref<5120xi32, #tpu.memory_space<vmem>> -> memref<128xi32, #tpu.memory_space<vmem>>
    %dma_start3A_19 = arith.constant 0 : i32
    %dma_start3A_20 = arith.constant 0 : i32
    %dma_start3A_21 = tpu.memref_slice %arg2[%dma_start3A_19, %dma_start3A_20] : memref<300000x128xf32, #tpu.memory_space<hbm>> -> memref<300000x128xf32, #tpu.memory_space<hbm>>
    tpu.enqueue_indirect_dma source(%dma_start3A_21 : memref<300000x128xf32, #tpu.memory_space<hbm>>) target(%dma_start3A_16 : memref<128x128xf32, #tpu.memory_space<vmem>>) offsets(%dma_start3A_18 : memref<128xi32, #tpu.memory_space<vmem>>) semaphore(%arg10 : memref<!tpu.dma_semaphore, #tpu.memory_space<semaphore_mem>>)
    %dma_wait3A = arith.constant 0 : i32
    %dma_wait3A_22 = arith.constant 0 : i32
    %dma_wait3A_23 = arith.constant 0 : i32
    %dma_wait3A_24 = tpu.memref_slice %arg8[%dma_wait3A, %dma_wait3A_22, %dma_wait3A_23] : memref<4x128x128xf32, #tpu.memory_space<vmem>> -> memref<1x128x128xf32, #tpu.memory_space<vmem>>
    %dma_wait3A_25 = tpu.memref_squeeze %dma_wait3A_24 : memref<1x128x128xf32, #tpu.memory_space<vmem>> -> memref<128x128xf32, #tpu.memory_space<vmem>>
    %dma_wait3A_26 = arith.constant 0 : i32
    %dma_wait3A_27 = tpu.memref_slice %arg6[%dma_wait3A_26] : memref<5120xi32, #tpu.memory_space<vmem>> -> memref<128xi32, #tpu.memory_space<vmem>>
    %dma_wait3A_28 = arith.constant 0 : i32
    %dma_wait3A_29 = arith.constant 0 : i32
    %dma_wait3A_30 = tpu.memref_slice %arg2[%dma_wait3A_28, %dma_wait3A_29] : memref<300000x128xf32, #tpu.memory_space<hbm>> -> memref<300000x128xf32, #tpu.memory_space<hbm>>
    tpu.wait_indirect_dma semaphore(%arg9 : memref<!tpu.dma_semaphore, #tpu.memory_space<semaphore_mem>>) src(%dma_wait3A_30 : memref<300000x128xf32, #tpu.memory_space<hbm>>) dst(%dma_wait3A_25 : memref<128x128xf32, #tpu.memory_space<vmem>>)
    %dma_start3A_31 = arith.constant 0 : i32
    %dma_start3A_32 = arith.constant 0 : i32
    %dma_start3A_33 = arith.constant 0 : i32
    %dma_start3A_34 = arith.constant 0 : i32
    %dma_start3A_35 = tpu.memref_slice %arg8[%dma_start3A_31, %dma_start3A_33, %dma_start3A_34] : memref<4x128x128xf32, #tpu.memory_space<vmem>> -> memref<1x128x128xf32, #tpu.memory_space<vmem>>
    %dma_start3A_36 = tpu.memref_squeeze %dma_start3A_35 : memref<1x128x128xf32, #tpu.memory_space<vmem>> -> memref<128x128xf32, #tpu.memory_space<vmem>>
    %dma_start3A_37 = arith.constant 0 : i32
    %dma_start3A_38 = tpu.memref_slice %arg7[%dma_start3A_32, %dma_start3A_37] : memref<40x128xi32, #tpu.memory_space<vmem>> -> memref<1x128xi32, #tpu.memory_space<vmem>>
    %dma_start3A_39 = tpu.memref_squeeze %dma_start3A_38 : memref<1x128xi32, #tpu.memory_space<vmem>> -> memref<128xi32, #tpu.memory_space<vmem>>
    %dma_start3A_40 = arith.constant 0 : i32
    %dma_start3A_41 = arith.constant 0 : i32
    %dma_start3A_42 = tpu.memref_slice %arg5[%dma_start3A_40, %dma_start3A_41] : memref<163840x128xf32, #tpu.memory_space<hbm>> -> memref<163840x128xf32, #tpu.memory_space<hbm>>
    tpu.enqueue_indirect_dma source(%dma_start3A_36 : memref<128x128xf32, #tpu.memory_space<vmem>>) target(%dma_start3A_42 : memref<163840x128xf32, #tpu.memory_space<hbm>>) offsets(%dma_start3A_39 : memref<128xi32, #tpu.memory_space<vmem>>) semaphore(%arg13 : memref<!tpu.dma_semaphore, #tpu.memory_space<semaphore_mem>>)
    %dma_start3A_43 = arith.constant 2 : i32
    %dma_start3A_44 = arith.constant 0 : i32
    %dma_start3A_45 = arith.constant 0 : i32
    %dma_start3A_46 = tpu.memref_slice %arg8[%dma_start3A_43, %dma_start3A_44, %dma_start3A_45] : memref<4x128x128xf32, #tpu.memory_space<vmem>> -> memref<1x128x128xf32, #tpu.memory_space<vmem>>
    %dma_start3A_47 = tpu.memref_squeeze %dma_start3A_46 : memref<1x128x128xf32, #tpu.memory_space<vmem>> -> memref<128x128xf32, #tpu.memory_space<vmem>>
    %dma_start3A_48 = arith.constant 256 : i32
    %dma_start3A_49 = tpu.memref_slice %arg6[%dma_start3A_48] : memref<5120xi32, #tpu.memory_space<vmem>> -> memref<128xi32, #tpu.memory_space<vmem>>
    %dma_start3A_50 = arith.constant 0 : i32
    %dma_start3A_51 = arith.constant 0 : i32
    %dma_start3A_52 = tpu.memref_slice %arg2[%dma_start3A_50, %dma_start3A_51] : memref<300000x128xf32, #tpu.memory_space<hbm>> -> memref<300000x128xf32, #tpu.memory_space<hbm>>
    tpu.enqueue_indirect_dma source(%dma_start3A_52 : memref<300000x128xf32, #tpu.memory_space<hbm>>) target(%dma_start3A_47 : memref<128x128xf32, #tpu.memory_space<vmem>>) offsets(%dma_start3A_49 : memref<128xi32, #tpu.memory_space<vmem>>) semaphore(%arg11 : memref<!tpu.dma_semaphore, #tpu.memory_space<semaphore_mem>>)
    %dma_wait3A_53 = arith.constant 1 : i32
    %dma_wait3A_54 = arith.constant 0 : i32
    %dma_wait3A_55 = arith.constant 0 : i32
    %dma_wait3A_56 = tpu.memref_slice %arg8[%dma_wait3A_53, %dma_wait3A_54, %dma_wait3A_55] : memref<4x128x128xf32, #tpu.memory_space<vmem>> -> memref<1x128x128xf32, #tpu.memory_space<vmem>>
    %dma_wait3A_57 = tpu.memref_squeeze %dma_wait3A_56 : memref<1x128x128xf32, #tpu.memory_space<vmem>> -> memref<128x128xf32, #tpu.memory_space<vmem>>
    %dma_wait3A_58 = arith.constant 0 : i32
    %dma_wait3A_59 = tpu.memref_slice %arg6[%dma_wait3A_58] : memref<5120xi32, #tpu.memory_space<vmem>> -> memref<128xi32, #tpu.memory_space<vmem>>
    %dma_wait3A_60 = arith.constant 0 : i32
    %dma_wait3A_61 = arith.constant 0 : i32
    %dma_wait3A_62 = tpu.memref_slice %arg2[%dma_wait3A_60, %dma_wait3A_61] : memref<300000x128xf32, #tpu.memory_space<hbm>> -> memref<300000x128xf32, #tpu.memory_space<hbm>>
    tpu.wait_indirect_dma semaphore(%arg10 : memref<!tpu.dma_semaphore, #tpu.memory_space<semaphore_mem>>) src(%dma_wait3A_62 : memref<300000x128xf32, #tpu.memory_space<hbm>>) dst(%dma_wait3A_57 : memref<128x128xf32, #tpu.memory_space<vmem>>)
    %dma_start3A_63 = arith.constant 1 : i32
    %dma_start3A_64 = arith.constant 1 : i32
    %dma_start3A_65 = arith.constant 0 : i32
    %dma_start3A_66 = arith.constant 0 : i32
    %dma_start3A_67 = tpu.memref_slice %arg8[%dma_start3A_63, %dma_start3A_65, %dma_start3A_66] : memref<4x128x128xf32, #tpu.memory_space<vmem>> -> memref<1x128x128xf32, #tpu.memory_space<vmem>>
    %dma_start3A_68 = tpu.memref_squeeze %dma_start3A_67 : memref<1x128x128xf32, #tpu.memory_space<vmem>> -> memref<128x128xf32, #tpu.memory_space<vmem>>
    %dma_start3A_69 = arith.constant 0 : i32
    %dma_start3A_70 = tpu.memref_slice %arg7[%dma_start3A_64, %dma_start3A_69] : memref<40x128xi32, #tpu.memory_space<vmem>> -> memref<1x128xi32, #tpu.memory_space<vmem>>
    %dma_start3A_71 = tpu.memref_squeeze %dma_start3A_70 : memref<1x128xi32, #tpu.memory_space<vmem>> -> memref<128xi32, #tpu.memory_space<vmem>>
    %dma_start3A_72 = arith.constant 0 : i32
    %dma_start3A_73 = arith.constant 0 : i32
    %dma_start3A_74 = tpu.memref_slice %arg5[%dma_start3A_72, %dma_start3A_73] : memref<163840x128xf32, #tpu.memory_space<hbm>> -> memref<163840x128xf32, #tpu.memory_space<hbm>>
    tpu.enqueue_indirect_dma source(%dma_start3A_68 : memref<128x128xf32, #tpu.memory_space<vmem>>) target(%dma_start3A_74 : memref<163840x128xf32, #tpu.memory_space<hbm>>) offsets(%dma_start3A_71 : memref<128xi32, #tpu.memory_space<vmem>>) semaphore(%arg14 : memref<!tpu.dma_semaphore, #tpu.memory_space<semaphore_mem>>)
    %dma_start3A_75 = arith.constant 3 : i32
    %dma_start3A_76 = arith.constant 0 : i32
    %dma_start3A_77 = arith.constant 0 : i32
    %dma_start3A_78 = tpu.memref_slice %arg8[%dma_start3A_75, %dma_start3A_76, %dma_start3A_77] : memref<4x128x128xf32, #tpu.memory_space<vmem>> -> memref<1x128x128xf32, #tpu.memory_space<vmem>>
    %dma_start3A_79 = tpu.memref_squeeze %dma_start3A_78 : memref<1x128x128xf32, #tpu.memory_space<vmem>> -> memref<128x128xf32, #tpu.memory_space<vmem>>
    %dma_start3A_80 = arith.constant 384 : i32
    %dma_start3A_81 = tpu.memref_slice %arg6[%dma_start3A_80] : memref<5120xi32, #tpu.memory_space<vmem>> -> memref<128xi32, #tpu.memory_space<vmem>>
    %dma_start3A_82 = arith.constant 0 : i32
    %dma_start3A_83 = arith.constant 0 : i32
    %dma_start3A_84 = tpu.memref_slice %arg2[%dma_start3A_82, %dma_start3A_83] : memref<300000x128xf32, #tpu.memory_space<hbm>> -> memref<300000x128xf32, #tpu.memory_space<hbm>>
    tpu.enqueue_indirect_dma source(%dma_start3A_84 : memref<300000x128xf32, #tpu.memory_space<hbm>>) target(%dma_start3A_79 : memref<128x128xf32, #tpu.memory_space<vmem>>) offsets(%dma_start3A_81 : memref<128xi32, #tpu.memory_space<vmem>>) semaphore(%arg12 : memref<!tpu.dma_semaphore, #tpu.memory_space<semaphore_mem>>)
    %dma_wait3A_85 = arith.constant 2 : i32
    %dma_wait3A_86 = arith.constant 0 : i32
    %dma_wait3A_87 = arith.constant 0 : i32
    %dma_wait3A_88 = tpu.memref_slice %arg8[%dma_wait3A_85, %dma_wait3A_86, %dma_wait3A_87] : memref<4x128x128xf32, #tpu.memory_space<vmem>> -> memref<1x128x128xf32, #tpu.memory_space<vmem>>
    %dma_wait3A_89 = tpu.memref_squeeze %dma_wait3A_88 : memref<1x128x128xf32, #tpu.memory_space<vmem>> -> memref<128x128xf32, #tpu.memory_space<vmem>>
    %dma_wait3A_90 = arith.constant 0 : i32
    %dma_wait3A_91 = tpu.memref_slice %arg6[%dma_wait3A_90] : memref<5120xi32, #tpu.memory_space<vmem>> -> memref<128xi32, #tpu.memory_space<vmem>>
    %dma_wait3A_92 = arith.constant 0 : i32
    %dma_wait3A_93 = arith.constant 0 : i32
    %dma_wait3A_94 = tpu.memref_slice %arg2[%dma_wait3A_92, %dma_wait3A_93] : memref<300000x128xf32, #tpu.memory_space<hbm>> -> memref<300000x128xf32, #tpu.memory_space<hbm>>
    tpu.wait_indirect_dma semaphore(%arg11 : memref<!tpu.dma_semaphore, #tpu.memory_space<semaphore_mem>>) src(%dma_wait3A_94 : memref<300000x128xf32, #tpu.memory_space<hbm>>) dst(%dma_wait3A_89 : memref<128x128xf32, #tpu.memory_space<vmem>>)
    %dma_start3A_95 = arith.constant 2 : i32
    %dma_start3A_96 = arith.constant 2 : i32
    %dma_start3A_97 = arith.constant 0 : i32
    %dma_start3A_98 = arith.constant 0 : i32
    %dma_start3A_99 = tpu.memref_slice %arg8[%dma_start3A_95, %dma_start3A_97, %dma_start3A_98] : memref<4x128x128xf32, #tpu.memory_space<vmem>> -> memref<1x128x128xf32, #tpu.memory_space<vmem>>
    %dma_start3A_100 = tpu.memref_squeeze %dma_start3A_99 : memref<1x128x128xf32, #tpu.memory_space<vmem>> -> memref<128x128xf32, #tpu.memory_space<vmem>>
    %dma_start3A_101 = arith.constant 0 : i32
    %dma_start3A_102 = tpu.memref_slice %arg7[%dma_start3A_96, %dma_start3A_101] : memref<40x128xi32, #tpu.memory_space<vmem>> -> memref<1x128xi32, #tpu.memory_space<vmem>>
    %dma_start3A_103 = tpu.memref_squeeze %dma_start3A_102 : memref<1x128xi32, #tpu.memory_space<vmem>> -> memref<128xi32, #tpu.memory_space<vmem>>
    %dma_start3A_104 = arith.constant 0 : i32
    %dma_start3A_105 = arith.constant 0 : i32
    %dma_start3A_106 = tpu.memref_slice %arg5[%dma_start3A_104, %dma_start3A_105] : memref<163840x128xf32, #tpu.memory_space<hbm>> -> memref<163840x128xf32, #tpu.memory_space<hbm>>
    tpu.enqueue_indirect_dma source(%dma_start3A_100 : memref<128x128xf32, #tpu.memory_space<vmem>>) target(%dma_start3A_106 : memref<163840x128xf32, #tpu.memory_space<hbm>>) offsets(%dma_start3A_103 : memref<128xi32, #tpu.memory_space<vmem>>) semaphore(%arg15 : memref<!tpu.dma_semaphore, #tpu.memory_space<semaphore_mem>>)
    %dma_wait3A_107 = arith.constant 0 : i32
    %dma_wait3A_108 = arith.constant 0 : i32
    %dma_wait3A_109 = arith.constant 0 : i32
    %dma_wait3A_110 = arith.constant 0 : i32
    %dma_wait3A_111 = tpu.memref_slice %arg8[%dma_wait3A_107, %dma_wait3A_109, %dma_wait3A_110] : memref<4x128x128xf32, #tpu.memory_space<vmem>> -> memref<1x128x128xf32, #tpu.memory_space<vmem>>
    %dma_wait3A_112 = tpu.memref_squeeze %dma_wait3A_111 : memref<1x128x128xf32, #tpu.memory_space<vmem>> -> memref<128x128xf32, #tpu.memory_space<vmem>>
    %dma_wait3A_113 = arith.constant 0 : i32
    %dma_wait3A_114 = tpu.memref_slice %arg7[%dma_wait3A_108, %dma_wait3A_113] : memref<40x128xi32, #tpu.memory_space<vmem>> -> memref<1x128xi32, #tpu.memory_space<vmem>>
    %dma_wait3A_115 = tpu.memref_squeeze %dma_wait3A_114 : memref<1x128xi32, #tpu.memory_space<vmem>> -> memref<128xi32, #tpu.memory_space<vmem>>
    %dma_wait3A_116 = arith.constant 0 : i32
    %dma_wait3A_117 = arith.constant 0 : i32
    %dma_wait3A_118 = tpu.memref_slice %arg5[%dma_wait3A_116, %dma_wait3A_117] : memref<163840x128xf32, #tpu.memory_space<hbm>> -> memref<163840x128xf32, #tpu.memory_space<hbm>>
    tpu.wait_indirect_dma semaphore(%arg13 : memref<!tpu.dma_semaphore, #tpu.memory_space<semaphore_mem>>) src(%dma_wait3A_112 : memref<128x128xf32, #tpu.memory_space<vmem>>) dst(%dma_wait3A_118 : memref<163840x128xf32, #tpu.memory_space<hbm>>)
    %dma_start3A_119 = arith.constant 0 : i32
    %dma_start3A_120 = arith.constant 0 : i32
    %dma_start3A_121 = arith.constant 0 : i32
    %dma_start3A_122 = tpu.memref_slice %arg8[%dma_start3A_119, %dma_start3A_120, %dma_start3A_121] : memref<4x128x128xf32, #tpu.memory_space<vmem>> -> memref<1x128x128xf32, #tpu.memory_space<vmem>>
    %dma_start3A_123 = tpu.memref_squeeze %dma_start3A_122 : memref<1x128x128xf32, #tpu.memory_space<vmem>> -> memref<128x128xf32, #tpu.memory_space<vmem>>
    %dma_start3A_124 = arith.constant 512 : i32
    %dma_start3A_125 = tpu.memref_slice %arg6[%dma_start3A_124] : memref<5120xi32, #tpu.memory_space<vmem>> -> memref<128xi32, #tpu.memory_space<vmem>>
    %dma_start3A_126 = arith.constant 0 : i32
    %dma_start3A_127 = arith.constant 0 : i32
    %dma_start3A_128 = tpu.memref_slice %arg2[%dma_start3A_126, %dma_start3A_127] : memref<300000x128xf32, #tpu.memory_space<hbm>> -> memref<300000x128xf32, #tpu.memory_space<hbm>>
    tpu.enqueue_indirect_dma source(%dma_start3A_128 : memref<300000x128xf32, #tpu.memory_space<hbm>>) target(%dma_start3A_123 : memref<128x128xf32, #tpu.memory_space<vmem>>) offsets(%dma_start3A_125 : memref<128xi32, #tpu.memory_space<vmem>>) semaphore(%arg9 : memref<!tpu.dma_semaphore, #tpu.memory_space<semaphore_mem>>)
    %dma_wait3A_129 = arith.constant 3 : i32
    %dma_wait3A_130 = arith.constant 0 : i32
    %dma_wait3A_131 = arith.constant 0 : i32
    %dma_wait3A_132 = tpu.memref_slice %arg8[%dma_wait3A_129, %dma_wait3A_130, %dma_wait3A_131] : memref<4x128x128xf32, #tpu.memory_space<vmem>> -> memref<1x128x128xf32, #tpu.memory_space<vmem>>
    %dma_wait3A_133 = tpu.memref_squeeze %dma_wait3A_132 : memref<1x128x128xf32, #tpu.memory_space<vmem>> -> memref<128x128xf32, #tpu.memory_space<vmem>>
    %dma_wait3A_134 = arith.constant 0 : i32
    %dma_wait3A_135 = tpu.memref_slice %arg6[%dma_wait3A_134] : memref<5120xi32, #tpu.memory_space<vmem>> -> memref<128xi32, #tpu.memory_space<vmem>>
    %dma_wait3A_136 = arith.constant 0 : i32
    %dma_wait3A_137 = arith.constant 0 : i32
    %dma_wait3A_138 = tpu.memref_slice %arg2[%dma_wait3A_136, %dma_wait3A_137] : memref<300000x128xf32, #tpu.memory_space<hbm>> -> memref<300000x128xf32, #tpu.memory_space<hbm>>
    tpu.wait_indirect_dma semaphore(%arg12 : memref<!tpu.dma_semaphore, #tpu.memory_space<semaphore_mem>>) src(%dma_wait3A_138 : memref<300000x128xf32, #tpu.memory_space<hbm>>) dst(%dma_wait3A_133 : memref<128x128xf32, #tpu.memory_space<vmem>>)
    %dma_start3A_139 = arith.constant 3 : i32
    %dma_start3A_140 = arith.constant 3 : i32
    %dma_start3A_141 = arith.constant 0 : i32
    %dma_start3A_142 = arith.constant 0 : i32
    %dma_start3A_143 = tpu.memref_slice %arg8[%dma_start3A_139, %dma_start3A_141, %dma_start3A_142] : memref<4x128x128xf32, #tpu.memory_space<vmem>> -> memref<1x128x128xf32, #tpu.memory_space<vmem>>
    %dma_start3A_144 = tpu.memref_squeeze %dma_start3A_143 : memref<1x128x128xf32, #tpu.memory_space<vmem>> -> memref<128x128xf32, #tpu.memory_space<vmem>>
    %dma_start3A_145 = arith.constant 0 : i32
    %dma_start3A_146 = tpu.memref_slice %arg7[%dma_start3A_140, %dma_start3A_145] : memref<40x128xi32, #tpu.memory_space<vmem>> -> memref<1x128xi32, #tpu.memory_space<vmem>>
    %dma_start3A_147 = tpu.memref_squeeze %dma_start3A_146 : memref<1x128xi32, #tpu.memory_space<vmem>> -> memref<128xi32, #tpu.memory_space<vmem>>
    %dma_start3A_148 = arith.constant 0 : i32
    %dma_start3A_149 = arith.constant 0 : i32
    %dma_start3A_150 = tpu.memref_slice %arg5[%dma_start3A_148, %dma_start3A_149] : memref<163840x128xf32, #tpu.memory_space<hbm>> -> memref<163840x128xf32, #tpu.memory_space<hbm>>
    tpu.enqueue_indirect_dma source(%dma_start3A_144 : memref<128x128xf32, #tpu.memory_space<vmem>>) target(%dma_start3A_150 : memref<163840x128xf32, #tpu.memory_space<hbm>>) offsets(%dma_start3A_147 : memref<128xi32, #tpu.memory_space<vmem>>) semaphore(%arg16 : memref<!tpu.dma_semaphore, #tpu.memory_space<semaphore_mem>>)
    %dma_wait3A_151 = arith.constant 0 : i32
    %dma_wait3A_152 = arith.constant 0 : i32
    %dma_wait3A_153 = arith.constant 0 : i32
    %dma_wait3A_154 = arith.constant 0 : i32
    %dma_wait3A_155 = tpu.memref_slice %arg8[%dma_wait3A_151, %dma_wait3A_153, %dma_wait3A_154] : memref<4x128x128xf32, #tpu.memory_space<vmem>> -> memref<1x128x128xf32, #tpu.memory_space<vmem>>
    %dma_wait3A_156 = tpu.memref_squeeze %dma_wait3A_155 : memref<1x128x128xf32, #tpu.memory_space<vmem>> -> memref<128x128xf32, #tpu.memory_space<vmem>>
    %dma_wait3A_157 = arith.constant 0 : i32
    %dma_wait3A_158 = tpu.memref_slice %arg7[%dma_wait3A_152, %dma_wait3A_157] : memref<40x128xi32, #tpu.memory_space<vmem>> -> memref<1x128xi32, #tpu.memory_space<vmem>>
    %dma_wait3A_159 = tpu.memref_squeeze %dma_wait3A_158 : memref<1x128xi32, #tpu.memory_space<vmem>> -> memref<128xi32, #tpu.memory_space<vmem>>
    %dma_wait3A_160 = arith.constant 0 : i32
    %dma_wait3A_161 = arith.constant 0 : i32
    %dma_wait3A_162 = tpu.memref_slice %arg5[%dma_wait3A_160, %dma_wait3A_161] : memref<163840x128xf32, #tpu.memory_space<hbm>> -> memref<163840x128xf32, #tpu.memory_space<hbm>>
    tpu.wait_indirect_dma semaphore(%arg14 : memref<!tpu.dma_semaphore, #tpu.memory_space<semaphore_mem>>) src(%dma_wait3A_156 : memref<128x128xf32, #tpu.memory_space<vmem>>) dst(%dma_wait3A_162 : memref<163840x128xf32, #tpu.memory_space<hbm>>)
    %dma_start3A_163 = arith.constant 1 : i32
    %dma_start3A_164 = arith.constant 0 : i32
    %dma_start3A_165 = arith.constant 0 : i32
    %dma_start3A_166 = tpu.memref_slice %arg8[%dma_start3A_163, %dma_start3A_164, %dma_start3A_165] : memref<4x128x128xf32, #tpu.memory_space<vmem>> -> memref<1x128x128xf32, #tpu.memory_space<vmem>>
    %dma_start3A_167 = tpu.memref_squeeze %dma_start3A_166 : memref<1x128x128xf32, #tpu.memory_space<vmem>> -> memref<128x128xf32, #tpu.memory_space<vmem>>
    %dma_start3A_168 = arith.constant 640 : i32
    %dma_start3A_169 = tpu.memref_slice %arg6[%dma_start3A_168] : memref<5120xi32, #tpu.memory_space<vmem>> -> memref<128xi32, #tpu.memory_space<vmem>>
    %dma_start3A_170 = arith.constant 0 : i32
    %dma_start3A_171 = arith.constant 0 : i32
    %dma_start3A_172 = tpu.memref_slice %arg2[%dma_start3A_170, %dma_start3A_171] : memref<300000x128xf32, #tpu.memory_space<hbm>> -> memref<300000x128xf32, #tpu.memory_space<hbm>>
    tpu.enqueue_indirect_dma source(%dma_start3A_172 : memref<300000x128xf32, #tpu.memory_space<hbm>>) target(%dma_start3A_167 : memref<128x128xf32, #tpu.memory_space<vmem>>) offsets(%dma_start3A_169 : memref<128xi32, #tpu.memory_space<vmem>>) semaphore(%arg10 : memref<!tpu.dma_semaphore, #tpu.memory_space<semaphore_mem>>)
    %scan3A = arith.constant 0 : i32
    %scan3A_173 = arith.constant 1 : i32
    %scan3A_174 = arith.constant 8 : i32
    %scan3A_175 = arith.addi %scan3A_173, %scan3A_174 : i32
    %scan3A_176 = arith.constant 1 : i32
    scf.for %scan3A_358 = %scan3A_173 to %scan3A_175 step %scan3A_176  : i32 {
      %mul3A_359 = arith.constant 4 : i32
      %mul3A_360 = arith.muli %mul3A_359, %scan3A_358 : i32
      %add3A_361 = arith.constant 0 : i32
      %add3A_362 = arith.addi %mul3A_360, %add3A_361 : i32
      %dma_wait3A_363 = arith.constant 0 : i32
      %dma_wait3A_364 = arith.constant 0 : i32
      %dma_wait3A_365 = arith.constant 0 : i32
      %dma_wait3A_366 = tpu.memref_slice %arg8[%dma_wait3A_363, %dma_wait3A_364, %dma_wait3A_365] : memref<4x128x128xf32, #tpu.memory_space<vmem>> -> memref<1x128x128xf32, #tpu.memory_space<vmem>>
      %dma_wait3A_367 = tpu.memref_squeeze %dma_wait3A_366 : memref<1x128x128xf32, #tpu.memory_space<vmem>> -> memref<128x128xf32, #tpu.memory_space<vmem>>
      %dma_wait3A_368 = arith.constant 0 : i32
      %dma_wait3A_369 = tpu.memref_slice %arg6[%dma_wait3A_368] : memref<5120xi32, #tpu.memory_space<vmem>> -> memref<128xi32, #tpu.memory_space<vmem>>
      %dma_wait3A_370 = arith.constant 0 : i32
      %dma_wait3A_371 = arith.constant 0 : i32
      %dma_wait3A_372 = tpu.memref_slice %arg2[%dma_wait3A_370, %dma_wait3A_371] : memref<300000x128xf32, #tpu.memory_space<hbm>> -> memref<300000x128xf32, #tpu.memory_space<hbm>>
      tpu.wait_indirect_dma semaphore(%arg9 : memref<!tpu.dma_semaphore, #tpu.memory_space<semaphore_mem>>) src(%dma_wait3A_372 : memref<300000x128xf32, #tpu.memory_space<hbm>>) dst(%dma_wait3A_367 : memref<128x128xf32, #tpu.memory_space<vmem>>)
      %dma_start3A_373 = arith.constant 0 : i32
      %dma_start3A_374 = arith.constant 0 : i32
      %dma_start3A_375 = arith.constant 0 : i32
      %dma_start3A_376 = tpu.memref_slice %arg8[%dma_start3A_373, %dma_start3A_374, %dma_start3A_375] : memref<4x128x128xf32, #tpu.memory_space<vmem>> -> memref<1x128x128xf32, #tpu.memory_space<vmem>>
      %dma_start3A_377 = tpu.memref_squeeze %dma_start3A_376 : memref<1x128x128xf32, #tpu.memory_space<vmem>> -> memref<128x128xf32, #tpu.memory_space<vmem>>
      %dma_start3A_378 = arith.constant 0 : i32
      %dma_start3A_379 = tpu.memref_slice %arg7[%add3A_362, %dma_start3A_378] : memref<40x128xi32, #tpu.memory_space<vmem>> -> memref<1x128xi32, #tpu.memory_space<vmem>>
      %dma_start3A_380 = tpu.memref_squeeze %dma_start3A_379 : memref<1x128xi32, #tpu.memory_space<vmem>> -> memref<128xi32, #tpu.memory_space<vmem>>
      %dma_start3A_381 = arith.constant 0 : i32
      %dma_start3A_382 = arith.constant 0 : i32
      %dma_start3A_383 = tpu.memref_slice %arg5[%dma_start3A_381, %dma_start3A_382] : memref<163840x128xf32, #tpu.memory_space<hbm>> -> memref<163840x128xf32, #tpu.memory_space<hbm>>
      tpu.enqueue_indirect_dma source(%dma_start3A_377 : memref<128x128xf32, #tpu.memory_space<vmem>>) target(%dma_start3A_383 : memref<163840x128xf32, #tpu.memory_space<hbm>>) offsets(%dma_start3A_380 : memref<128xi32, #tpu.memory_space<vmem>>) semaphore(%arg13 : memref<!tpu.dma_semaphore, #tpu.memory_space<semaphore_mem>>)
      %dma_wait3A_384 = arith.constant 0 : i32
      %dma_wait3A_385 = arith.constant 0 : i32
      %dma_wait3A_386 = arith.constant 0 : i32
      %dma_wait3A_387 = arith.constant 0 : i32
      %dma_wait3A_388 = tpu.memref_slice %arg8[%dma_wait3A_384, %dma_wait3A_386, %dma_wait3A_387] : memref<4x128x128xf32, #tpu.memory_space<vmem>> -> memref<1x128x128xf32, #tpu.memory_space<vmem>>
      %dma_wait3A_389 = tpu.memref_squeeze %dma_wait3A_388 : memref<1x128x128xf32, #tpu.memory_space<vmem>> -> memref<128x128xf32, #tpu.memory_space<vmem>>
      %dma_wait3A_390 = arith.constant 0 : i32
      %dma_wait3A_391 = tpu.memref_slice %arg7[%dma_wait3A_385, %dma_wait3A_390] : memref<40x128xi32, #tpu.memory_space<vmem>> -> memref<1x128xi32, #tpu.memory_space<vmem>>
      %dma_wait3A_392 = tpu.memref_squeeze %dma_wait3A_391 : memref<1x128xi32, #tpu.memory_space<vmem>> -> memref<128xi32, #tpu.memory_space<vmem>>
      %dma_wait3A_393 = arith.constant 0 : i32
      %dma_wait3A_394 = arith.constant 0 : i32
      %dma_wait3A_395 = tpu.memref_slice %arg5[%dma_wait3A_393, %dma_wait3A_394] : memref<163840x128xf32, #tpu.memory_space<hbm>> -> memref<163840x128xf32, #tpu.memory_space<hbm>>
      tpu.wait_indirect_dma semaphore(%arg15 : memref<!tpu.dma_semaphore, #tpu.memory_space<semaphore_mem>>) src(%dma_wait3A_389 : memref<128x128xf32, #tpu.memory_space<vmem>>) dst(%dma_wait3A_395 : memref<163840x128xf32, #tpu.memory_space<hbm>>)
      %add3A_396 = arith.constant 2 : i32
      %add3A_397 = arith.addi %add3A_362, %add3A_396 : i32
      %mul3A_398 = arith.constant 128 : i32
      %mul3A_399 = arith.muli %add3A_397, %mul3A_398 : i32
      %dma_start3A_400 = arith.constant 2 : i32
      %dma_start3A_401 = arith.constant 0 : i32
      %dma_start3A_402 = arith.constant 0 : i32
      %dma_start3A_403 = tpu.memref_slice %arg8[%dma_start3A_400, %dma_start3A_401, %dma_start3A_402] : memref<4x128x128xf32, #tpu.memory_space<vmem>> -> memref<1x128x128xf32, #tpu.memory_space<vmem>>
      %dma_start3A_404 = tpu.memref_squeeze %dma_start3A_403 : memref<1x128x128xf32, #tpu.memory_space<vmem>> -> memref<128x128xf32, #tpu.memory_space<vmem>>
      %dma_start3A_405 = tpu.memref_slice %arg6[%mul3A_399] : memref<5120xi32, #tpu.memory_space<vmem>> -> memref<128xi32, #tpu.memory_space<vmem>>
      %dma_start3A_406 = arith.constant 0 : i32
      %dma_start3A_407 = arith.constant 0 : i32
      %dma_start3A_408 = tpu.memref_slice %arg2[%dma_start3A_406, %dma_start3A_407] : memref<300000x128xf32, #tpu.memory_space<hbm>> -> memref<300000x128xf32, #tpu.memory_space<hbm>>
      tpu.enqueue_indirect_dma source(%dma_start3A_408 : memref<300000x128xf32, #tpu.memory_space<hbm>>) target(%dma_start3A_404 : memref<128x128xf32, #tpu.memory_space<vmem>>) offsets(%dma_start3A_405 : memref<128xi32, #tpu.memory_space<vmem>>) semaphore(%arg11 : memref<!tpu.dma_semaphore, #tpu.memory_space<semaphore_mem>>)
      %mul3A_409 = arith.constant 4 : i32
      %mul3A_410 = arith.muli %mul3A_409, %scan3A_358 : i32
      %add3A_411 = arith.constant 1 : i32
      %add3A_412 = arith.addi %mul3A_410, %add3A_411 : i32
      %dma_wait3A_413 = arith.constant 1 : i32
      %dma_wait3A_414 = arith.constant 0 : i32
      %dma_wait3A_415 = arith.constant 0 : i32
      %dma_wait3A_416 = tpu.memref_slice %arg8[%dma_wait3A_413, %dma_wait3A_414, %dma_wait3A_415] : memref<4x128x128xf32, #tpu.memory_space<vmem>> -> memref<1x128x128xf32, #tpu.memory_space<vmem>>
      %dma_wait3A_417 = tpu.memref_squeeze %dma_wait3A_416 : memref<1x128x128xf32, #tpu.memory_space<vmem>> -> memref<128x128xf32, #tpu.memory_space<vmem>>
      %dma_wait3A_418 = arith.constant 0 : i32
      %dma_wait3A_419 = tpu.memref_slice %arg6[%dma_wait3A_418] : memref<5120xi32, #tpu.memory_space<vmem>> -> memref<128xi32, #tpu.memory_space<vmem>>
      %dma_wait3A_420 = arith.constant 0 : i32
      %dma_wait3A_421 = arith.constant 0 : i32
      %dma_wait3A_422 = tpu.memref_slice %arg2[%dma_wait3A_420, %dma_wait3A_421] : memref<300000x128xf32, #tpu.memory_space<hbm>> -> memref<300000x128xf32, #tpu.memory_space<hbm>>
      tpu.wait_indirect_dma semaphore(%arg10 : memref<!tpu.dma_semaphore, #tpu.memory_space<semaphore_mem>>) src(%dma_wait3A_422 : memref<300000x128xf32, #tpu.memory_space<hbm>>) dst(%dma_wait3A_417 : memref<128x128xf32, #tpu.memory_space<vmem>>)
      %dma_start3A_423 = arith.constant 1 : i32
      %dma_start3A_424 = arith.constant 0 : i32
      %dma_start3A_425 = arith.constant 0 : i32
      %dma_start3A_426 = tpu.memref_slice %arg8[%dma_start3A_423, %dma_start3A_424, %dma_start3A_425] : memref<4x128x128xf32, #tpu.memory_space<vmem>> -> memref<1x128x128xf32, #tpu.memory_space<vmem>>
      %dma_start3A_427 = tpu.memref_squeeze %dma_start3A_426 : memref<1x128x128xf32, #tpu.memory_space<vmem>> -> memref<128x128xf32, #tpu.memory_space<vmem>>
      %dma_start3A_428 = arith.constant 0 : i32
      %dma_start3A_429 = tpu.memref_slice %arg7[%add3A_412, %dma_start3A_428] : memref<40x128xi32, #tpu.memory_space<vmem>> -> memref<1x128xi32, #tpu.memory_space<vmem>>
      %dma_start3A_430 = tpu.memref_squeeze %dma_start3A_429 : memref<1x128xi32, #tpu.memory_space<vmem>> -> memref<128xi32, #tpu.memory_space<vmem>>
      %dma_start3A_431 = arith.constant 0 : i32
      %dma_start3A_432 = arith.constant 0 : i32
      %dma_start3A_433 = tpu.memref_slice %arg5[%dma_start3A_431, %dma_start3A_432] : memref<163840x128xf32, #tpu.memory_space<hbm>> -> memref<163840x128xf32, #tpu.memory_space<hbm>>
      tpu.enqueue_indirect_dma source(%dma_start3A_427 : memref<128x128xf32, #tpu.memory_space<vmem>>) target(%dma_start3A_433 : memref<163840x128xf32, #tpu.memory_space<hbm>>) offsets(%dma_start3A_430 : memref<128xi32, #tpu.memory_space<vmem>>) semaphore(%arg14 : memref<!tpu.dma_semaphore, #tpu.memory_space<semaphore_mem>>)
      %dma_wait3A_434 = arith.constant 0 : i32
      %dma_wait3A_435 = arith.constant 0 : i32
      %dma_wait3A_436 = arith.constant 0 : i32
      %dma_wait3A_437 = arith.constant 0 : i32
      %dma_wait3A_438 = tpu.memref_slice %arg8[%dma_wait3A_434, %dma_wait3A_436, %dma_wait3A_437] : memref<4x128x128xf32, #tpu.memory_space<vmem>> -> memref<1x128x128xf32, #tpu.memory_space<vmem>>
      %dma_wait3A_439 = tpu.memref_squeeze %dma_wait3A_438 : memref<1x128x128xf32, #tpu.memory_space<vmem>> -> memref<128x128xf32, #tpu.memory_space<vmem>>
      %dma_wait3A_440 = arith.constant 0 : i32
      %dma_wait3A_441 = tpu.memref_slice %arg7[%dma_wait3A_435, %dma_wait3A_440] : memref<40x128xi32, #tpu.memory_space<vmem>> -> memref<1x128xi32, #tpu.memory_space<vmem>>
      %dma_wait3A_442 = tpu.memref_squeeze %dma_wait3A_441 : memref<1x128xi32, #tpu.memory_space<vmem>> -> memref<128xi32, #tpu.memory_space<vmem>>
      %dma_wait3A_443 = arith.constant 0 : i32
      %dma_wait3A_444 = arith.constant 0 : i32
      %dma_wait3A_445 = tpu.memref_slice %arg5[%dma_wait3A_443, %dma_wait3A_444] : memref<163840x128xf32, #tpu.memory_space<hbm>> -> memref<163840x128xf32, #tpu.memory_space<hbm>>
      tpu.wait_indirect_dma semaphore(%arg16 : memref<!tpu.dma_semaphore, #tpu.memory_space<semaphore_mem>>) src(%dma_wait3A_439 : memref<128x128xf32, #tpu.memory_space<vmem>>) dst(%dma_wait3A_445 : memref<163840x128xf32, #tpu.memory_space<hbm>>)
      %add3A_446 = arith.constant 2 : i32
      %add3A_447 = arith.addi %add3A_412, %add3A_446 : i32
      %mul3A_448 = arith.constant 128 : i32
      %mul3A_449 = arith.muli %add3A_447, %mul3A_448 : i32
      %dma_start3A_450 = arith.constant 3 : i32
      %dma_start3A_451 = arith.constant 0 : i32
      %dma_start3A_452 = arith.constant 0 : i32
      %dma_start3A_453 = tpu.memref_slice %arg8[%dma_start3A_450, %dma_start3A_451, %dma_start3A_452] : memref<4x128x128xf32, #tpu.memory_space<vmem>> -> memref<1x128x128xf32, #tpu.memory_space<vmem>>
      %dma_start3A_454 = tpu.memref_squeeze %dma_start3A_453 : memref<1x128x128xf32, #tpu.memory_space<vmem>> -> memref<128x128xf32, #tpu.memory_space<vmem>>
      %dma_start3A_455 = tpu.memref_slice %arg6[%mul3A_449] : memref<5120xi32, #tpu.memory_space<vmem>> -> memref<128xi32, #tpu.memory_space<vmem>>
      %dma_start3A_456 = arith.constant 0 : i32
      %dma_start3A_457 = arith.constant 0 : i32
      %dma_start3A_458 = tpu.memref_slice %arg2[%dma_start3A_456, %dma_start3A_457] : memref<300000x128xf32, #tpu.memory_space<hbm>> -> memref<300000x128xf32, #tpu.memory_space<hbm>>
      tpu.enqueue_indirect_dma source(%dma_start3A_458 : memref<300000x128xf32, #tpu.memory_space<hbm>>) target(%dma_start3A_454 : memref<128x128xf32, #tpu.memory_space<vmem>>) offsets(%dma_start3A_455 : memref<128xi32, #tpu.memory_space<vmem>>) semaphore(%arg12 : memref<!tpu.dma_semaphore, #tpu.memory_space<semaphore_mem>>)
      %mul3A_459 = arith.constant 4 : i32
      %mul3A_460 = arith.muli %mul3A_459, %scan3A_358 : i32
      %add3A_461 = arith.constant 2 : i32
      %add3A_462 = arith.addi %mul3A_460, %add3A_461 : i32
      %dma_wait3A_463 = arith.constant 2 : i32
      %dma_wait3A_464 = arith.constant 0 : i32
      %dma_wait3A_465 = arith.constant 0 : i32
      %dma_wait3A_466 = tpu.memref_slice %arg8[%dma_wait3A_463, %dma_wait3A_464, %dma_wait3A_465] : memref<4x128x128xf32, #tpu.memory_space<vmem>> -> memref<1x128x128xf32, #tpu.memory_space<vmem>>
      %dma_wait3A_467 = tpu.memref_squeeze %dma_wait3A_466 : memref<1x128x128xf32, #tpu.memory_space<vmem>> -> memref<128x128xf32, #tpu.memory_space<vmem>>
      %dma_wait3A_468 = arith.constant 0 : i32
      %dma_wait3A_469 = tpu.memref_slice %arg6[%dma_wait3A_468] : memref<5120xi32, #tpu.memory_space<vmem>> -> memref<128xi32, #tpu.memory_space<vmem>>
      %dma_wait3A_470 = arith.constant 0 : i32
      %dma_wait3A_471 = arith.constant 0 : i32
      %dma_wait3A_472 = tpu.memref_slice %arg2[%dma_wait3A_470, %dma_wait3A_471] : memref<300000x128xf32, #tpu.memory_space<hbm>> -> memref<300000x128xf32, #tpu.memory_space<hbm>>
      tpu.wait_indirect_dma semaphore(%arg11 : memref<!tpu.dma_semaphore, #tpu.memory_space<semaphore_mem>>) src(%dma_wait3A_472 : memref<300000x128xf32, #tpu.memory_space<hbm>>) dst(%dma_wait3A_467 : memref<128x128xf32, #tpu.memory_space<vmem>>)
      %dma_start3A_473 = arith.constant 2 : i32
      %dma_start3A_474 = arith.constant 0 : i32
      %dma_start3A_475 = arith.constant 0 : i32
      %dma_start3A_476 = tpu.memref_slice %arg8[%dma_start3A_473, %dma_start3A_474, %dma_start3A_475] : memref<4x128x128xf32, #tpu.memory_space<vmem>> -> memref<1x128x128xf32, #tpu.memory_space<vmem>>
      %dma_start3A_477 = tpu.memref_squeeze %dma_start3A_476 : memref<1x128x128xf32, #tpu.memory_space<vmem>> -> memref<128x128xf32, #tpu.memory_space<vmem>>
      %dma_start3A_478 = arith.constant 0 : i32
      %dma_start3A_479 = tpu.memref_slice %arg7[%add3A_462, %dma_start3A_478] : memref<40x128xi32, #tpu.memory_space<vmem>> -> memref<1x128xi32, #tpu.memory_space<vmem>>
      %dma_start3A_480 = tpu.memref_squeeze %dma_start3A_479 : memref<1x128xi32, #tpu.memory_space<vmem>> -> memref<128xi32, #tpu.memory_space<vmem>>
      %dma_start3A_481 = arith.constant 0 : i32
      %dma_start3A_482 = arith.constant 0 : i32
      %dma_start3A_483 = tpu.memref_slice %arg5[%dma_start3A_481, %dma_start3A_482] : memref<163840x128xf32, #tpu.memory_space<hbm>> -> memref<163840x128xf32, #tpu.memory_space<hbm>>
      tpu.enqueue_indirect_dma source(%dma_start3A_477 : memref<128x128xf32, #tpu.memory_space<vmem>>) target(%dma_start3A_483 : memref<163840x128xf32, #tpu.memory_space<hbm>>) offsets(%dma_start3A_480 : memref<128xi32, #tpu.memory_space<vmem>>) semaphore(%arg15 : memref<!tpu.dma_semaphore, #tpu.memory_space<semaphore_mem>>)
      %dma_wait3A_484 = arith.constant 0 : i32
      %dma_wait3A_485 = arith.constant 0 : i32
      %dma_wait3A_486 = arith.constant 0 : i32
      %dma_wait3A_487 = arith.constant 0 : i32
      %dma_wait3A_488 = tpu.memref_slice %arg8[%dma_wait3A_484, %dma_wait3A_486, %dma_wait3A_487] : memref<4x128x128xf32, #tpu.memory_space<vmem>> -> memref<1x128x128xf32, #tpu.memory_space<vmem>>
      %dma_wait3A_489 = tpu.memref_squeeze %dma_wait3A_488 : memref<1x128x128xf32, #tpu.memory_space<vmem>> -> memref<128x128xf32, #tpu.memory_space<vmem>>
      %dma_wait3A_490 = arith.constant 0 : i32
      %dma_wait3A_491 = tpu.memref_slice %arg7[%dma_wait3A_485, %dma_wait3A_490] : memref<40x128xi32, #tpu.memory_space<vmem>> -> memref<1x128xi32, #tpu.memory_space<vmem>>
      %dma_wait3A_492 = tpu.memref_squeeze %dma_wait3A_491 : memref<1x128xi32, #tpu.memory_space<vmem>> -> memref<128xi32, #tpu.memory_space<vmem>>
      %dma_wait3A_493 = arith.constant 0 : i32
      %dma_wait3A_494 = arith.constant 0 : i32
      %dma_wait3A_495 = tpu.memref_slice %arg5[%dma_wait3A_493, %dma_wait3A_494] : memref<163840x128xf32, #tpu.memory_space<hbm>> -> memref<163840x128xf32, #tpu.memory_space<hbm>>
      tpu.wait_indirect_dma semaphore(%arg13 : memref<!tpu.dma_semaphore, #tpu.memory_space<semaphore_mem>>) src(%dma_wait3A_489 : memref<128x128xf32, #tpu.memory_space<vmem>>) dst(%dma_wait3A_495 : memref<163840x128xf32, #tpu.memory_space<hbm>>)
      %add3A_496 = arith.constant 2 : i32
      %add3A_497 = arith.addi %add3A_462, %add3A_496 : i32
      %mul3A_498 = arith.constant 128 : i32
      %mul3A_499 = arith.muli %add3A_497, %mul3A_498 : i32
      %dma_start3A_500 = arith.constant 0 : i32
      %dma_start3A_501 = arith.constant 0 : i32
      %dma_start3A_502 = arith.constant 0 : i32
      %dma_start3A_503 = tpu.memref_slice %arg8[%dma_start3A_500, %dma_start3A_501, %dma_start3A_502] : memref<4x128x128xf32, #tpu.memory_space<vmem>> -> memref<1x128x128xf32, #tpu.memory_space<vmem>>
      %dma_start3A_504 = tpu.memref_squeeze %dma_start3A_503 : memref<1x128x128xf32, #tpu.memory_space<vmem>> -> memref<128x128xf32, #tpu.memory_space<vmem>>
      %dma_start3A_505 = tpu.memref_slice %arg6[%mul3A_499] : memref<5120xi32, #tpu.memory_space<vmem>> -> memref<128xi32, #tpu.memory_space<vmem>>
      %dma_start3A_506 = arith.constant 0 : i32
      %dma_start3A_507 = arith.constant 0 : i32
      %dma_start3A_508 = tpu.memref_slice %arg2[%dma_start3A_506, %dma_start3A_507] : memref<300000x128xf32, #tpu.memory_space<hbm>> -> memref<300000x128xf32, #tpu.memory_space<hbm>>
      tpu.enqueue_indirect_dma source(%dma_start3A_508 : memref<300000x128xf32, #tpu.memory_space<hbm>>) target(%dma_start3A_504 : memref<128x128xf32, #tpu.memory_space<vmem>>) offsets(%dma_start3A_505 : memref<128xi32, #tpu.memory_space<vmem>>) semaphore(%arg9 : memref<!tpu.dma_semaphore, #tpu.memory_space<semaphore_mem>>)
      %mul3A_509 = arith.constant 4 : i32
      %mul3A_510 = arith.muli %mul3A_509, %scan3A_358 : i32
      %add3A_511 = arith.constant 3 : i32
      %add3A_512 = arith.addi %mul3A_510, %add3A_511 : i32
      %dma_wait3A_513 = arith.constant 3 : i32
      %dma_wait3A_514 = arith.constant 0 : i32
      %dma_wait3A_515 = arith.constant 0 : i32
      %dma_wait3A_516 = tpu.memref_slice %arg8[%dma_wait3A_513, %dma_wait3A_514, %dma_wait3A_515] : memref<4x128x128xf32, #tpu.memory_space<vmem>> -> memref<1x128x128xf32, #tpu.memory_space<vmem>>
      %dma_wait3A_517 = tpu.memref_squeeze %dma_wait3A_516 : memref<1x128x128xf32, #tpu.memory_space<vmem>> -> memref<128x128xf32, #tpu.memory_space<vmem>>
      %dma_wait3A_518 = arith.constant 0 : i32
      %dma_wait3A_519 = tpu.memref_slice %arg6[%dma_wait3A_518] : memref<5120xi32, #tpu.memory_space<vmem>> -> memref<128xi32, #tpu.memory_space<vmem>>
      %dma_wait3A_520 = arith.constant 0 : i32
      %dma_wait3A_521 = arith.constant 0 : i32
      %dma_wait3A_522 = tpu.memref_slice %arg2[%dma_wait3A_520, %dma_wait3A_521] : memref<300000x128xf32, #tpu.memory_space<hbm>> -> memref<300000x128xf32, #tpu.memory_space<hbm>>
      tpu.wait_indirect_dma semaphore(%arg12 : memref<!tpu.dma_semaphore, #tpu.memory_space<semaphore_mem>>) src(%dma_wait3A_522 : memref<300000x128xf32, #tpu.memory_space<hbm>>) dst(%dma_wait3A_517 : memref<128x128xf32, #tpu.memory_space<vmem>>)
      %dma_start3A_523 = arith.constant 3 : i32
      %dma_start3A_524 = arith.constant 0 : i32
      %dma_start3A_525 = arith.constant 0 : i32
      %dma_start3A_526 = tpu.memref_slice %arg8[%dma_start3A_523, %dma_start3A_524, %dma_start3A_525] : memref<4x128x128xf32, #tpu.memory_space<vmem>> -> memref<1x128x128xf32, #tpu.memory_space<vmem>>
      %dma_start3A_527 = tpu.memref_squeeze %dma_start3A_526 : memref<1x128x128xf32, #tpu.memory_space<vmem>> -> memref<128x128xf32, #tpu.memory_space<vmem>>
      %dma_start3A_528 = arith.constant 0 : i32
      %dma_start3A_529 = tpu.memref_slice %arg7[%add3A_512, %dma_start3A_528] : memref<40x128xi32, #tpu.memory_space<vmem>> -> memref<1x128xi32, #tpu.memory_space<vmem>>
      %dma_start3A_530 = tpu.memref_squeeze %dma_start3A_529 : memref<1x128xi32, #tpu.memory_space<vmem>> -> memref<128xi32, #tpu.memory_space<vmem>>
      %dma_start3A_531 = arith.constant 0 : i32
      %dma_start3A_532 = arith.constant 0 : i32
      %dma_start3A_533 = tpu.memref_slice %arg5[%dma_start3A_531, %dma_start3A_532] : memref<163840x128xf32, #tpu.memory_space<hbm>> -> memref<163840x128xf32, #tpu.memory_space<hbm>>
      tpu.enqueue_indirect_dma source(%dma_start3A_527 : memref<128x128xf32, #tpu.memory_space<vmem>>) target(%dma_start3A_533 : memref<163840x128xf32, #tpu.memory_space<hbm>>) offsets(%dma_start3A_530 : memref<128xi32, #tpu.memory_space<vmem>>) semaphore(%arg16 : memref<!tpu.dma_semaphore, #tpu.memory_space<semaphore_mem>>)
      %dma_wait3A_534 = arith.constant 0 : i32
      %dma_wait3A_535 = arith.constant 0 : i32
      %dma_wait3A_536 = arith.constant 0 : i32
      %dma_wait3A_537 = arith.constant 0 : i32
      %dma_wait3A_538 = tpu.memref_slice %arg8[%dma_wait3A_534, %dma_wait3A_536, %dma_wait3A_537] : memref<4x128x128xf32, #tpu.memory_space<vmem>> -> memref<1x128x128xf32, #tpu.memory_space<vmem>>
      %dma_wait3A_539 = tpu.memref_squeeze %dma_wait3A_538 : memref<1x128x128xf32, #tpu.memory_space<vmem>> -> memref<128x128xf32, #tpu.memory_space<vmem>>
      %dma_wait3A_540 = arith.constant 0 : i32
      %dma_wait3A_541 = tpu.memref_slice %arg7[%dma_wait3A_535, %dma_wait3A_540] : memref<40x128xi32, #tpu.memory_space<vmem>> -> memref<1x128xi32, #tpu.memory_space<vmem>>
      %dma_wait3A_542 = tpu.memref_squeeze %dma_wait3A_541 : memref<1x128xi32, #tpu.memory_space<vmem>> -> memref<128xi32, #tpu.memory_space<vmem>>
      %dma_wait3A_543 = arith.constant 0 : i32
      %dma_wait3A_544 = arith.constant 0 : i32
      %dma_wait3A_545 = tpu.memref_slice %arg5[%dma_wait3A_543, %dma_wait3A_544] : memref<163840x128xf32, #tpu.memory_space<hbm>> -> memref<163840x128xf32, #tpu.memory_space<hbm>>
      tpu.wait_indirect_dma semaphore(%arg14 : memref<!tpu.dma_semaphore, #tpu.memory_space<semaphore_mem>>) src(%dma_wait3A_539 : memref<128x128xf32, #tpu.memory_space<vmem>>) dst(%dma_wait3A_545 : memref<163840x128xf32, #tpu.memory_space<hbm>>)
      %add3A_546 = arith.constant 2 : i32
      %add3A_547 = arith.addi %add3A_512, %add3A_546 : i32
      %mul3A_548 = arith.constant 128 : i32
      %mul3A_549 = arith.muli %add3A_547, %mul3A_548 : i32
      %dma_start3A_550 = arith.constant 1 : i32
      %dma_start3A_551 = arith.constant 0 : i32
      %dma_start3A_552 = arith.constant 0 : i32
      %dma_start3A_553 = tpu.memref_slice %arg8[%dma_start3A_550, %dma_start3A_551, %dma_start3A_552] : memref<4x128x128xf32, #tpu.memory_space<vmem>> -> memref<1x128x128xf32, #tpu.memory_space<vmem>>
      %dma_start3A_554 = tpu.memref_squeeze %dma_start3A_553 : memref<1x128x128xf32, #tpu.memory_space<vmem>> -> memref<128x128xf32, #tpu.memory_space<vmem>>
      %dma_start3A_555 = tpu.memref_slice %arg6[%mul3A_549] : memref<5120xi32, #tpu.memory_space<vmem>> -> memref<128xi32, #tpu.memory_space<vmem>>
      %dma_start3A_556 = arith.constant 0 : i32
      %dma_start3A_557 = arith.constant 0 : i32
      %dma_start3A_558 = tpu.memref_slice %arg2[%dma_start3A_556, %dma_start3A_557] : memref<300000x128xf32, #tpu.memory_space<hbm>> -> memref<300000x128xf32, #tpu.memory_space<hbm>>
      tpu.enqueue_indirect_dma source(%dma_start3A_558 : memref<300000x128xf32, #tpu.memory_space<hbm>>) target(%dma_start3A_554 : memref<128x128xf32, #tpu.memory_space<vmem>>) offsets(%dma_start3A_555 : memref<128xi32, #tpu.memory_space<vmem>>) semaphore(%arg10 : memref<!tpu.dma_semaphore, #tpu.memory_space<semaphore_mem>>)
    }
    %scan3A_177 = arith.constant 8 : i32
    %dma_wait3A_178 = arith.constant 0 : i32
    %dma_wait3A_179 = arith.constant 0 : i32
    %dma_wait3A_180 = arith.constant 0 : i32
    %dma_wait3A_181 = tpu.memref_slice %arg8[%dma_wait3A_178, %dma_wait3A_179, %dma_wait3A_180] : memref<4x128x128xf32, #tpu.memory_space<vmem>> -> memref<1x128x128xf32, #tpu.memory_space<vmem>>
    %dma_wait3A_182 = tpu.memref_squeeze %dma_wait3A_181 : memref<1x128x128xf32, #tpu.memory_space<vmem>> -> memref<128x128xf32, #tpu.memory_space<vmem>>
    %dma_wait3A_183 = arith.constant 0 : i32
    %dma_wait3A_184 = tpu.memref_slice %arg6[%dma_wait3A_183] : memref<5120xi32, #tpu.memory_space<vmem>> -> memref<128xi32, #tpu.memory_space<vmem>>
    %dma_wait3A_185 = arith.constant 0 : i32
    %dma_wait3A_186 = arith.constant 0 : i32
    %dma_wait3A_187 = tpu.memref_slice %arg2[%dma_wait3A_185, %dma_wait3A_186] : memref<300000x128xf32, #tpu.memory_space<hbm>> -> memref<300000x128xf32, #tpu.memory_space<hbm>>
    tpu.wait_indirect_dma semaphore(%arg9 : memref<!tpu.dma_semaphore, #tpu.memory_space<semaphore_mem>>) src(%dma_wait3A_187 : memref<300000x128xf32, #tpu.memory_space<hbm>>) dst(%dma_wait3A_182 : memref<128x128xf32, #tpu.memory_space<vmem>>)
    %dma_start3A_188 = arith.constant 0 : i32
    %dma_start3A_189 = arith.constant 36 : i32
    %dma_start3A_190 = arith.constant 0 : i32
    %dma_start3A_191 = arith.constant 0 : i32
    %dma_start3A_192 = tpu.memref_slice %arg8[%dma_start3A_188, %dma_start3A_190, %dma_start3A_191] : memref<4x128x128xf32, #tpu.memory_space<vmem>> -> memref<1x128x128xf32, #tpu.memory_space<vmem>>
    %dma_start3A_193 = tpu.memref_squeeze %dma_start3A_192 : memref<1x128x128xf32, #tpu.memory_space<vmem>> -> memref<128x128xf32, #tpu.memory_space<vmem>>
    %dma_start3A_194 = arith.constant 0 : i32
    %dma_start3A_195 = tpu.memref_slice %arg7[%dma_start3A_189, %dma_start3A_194] : memref<40x128xi32, #tpu.memory_space<vmem>> -> memref<1x128xi32, #tpu.memory_space<vmem>>
    %dma_start3A_196 = tpu.memref_squeeze %dma_start3A_195 : memref<1x128xi32, #tpu.memory_space<vmem>> -> memref<128xi32, #tpu.memory_space<vmem>>
    %dma_start3A_197 = arith.constant 0 : i32
    %dma_start3A_198 = arith.constant 0 : i32
    %dma_start3A_199 = tpu.memref_slice %arg5[%dma_start3A_197, %dma_start3A_198] : memref<163840x128xf32, #tpu.memory_space<hbm>> -> memref<163840x128xf32, #tpu.memory_space<hbm>>
    tpu.enqueue_indirect_dma source(%dma_start3A_193 : memref<128x128xf32, #tpu.memory_space<vmem>>) target(%dma_start3A_199 : memref<163840x128xf32, #tpu.memory_space<hbm>>) offsets(%dma_start3A_196 : memref<128xi32, #tpu.memory_space<vmem>>) semaphore(%arg13 : memref<!tpu.dma_semaphore, #tpu.memory_space<semaphore_mem>>)
    %dma_wait3A_200 = arith.constant 0 : i32
    %dma_wait3A_201 = arith.constant 0 : i32
    %dma_wait3A_202 = arith.constant 0 : i32
    %dma_wait3A_203 = arith.constant 0 : i32
    %dma_wait3A_204 = tpu.memref_slice %arg8[%dma_wait3A_200, %dma_wait3A_202, %dma_wait3A_203] : memref<4x128x128xf32, #tpu.memory_space<vmem>> -> memref<1x128x128xf32, #tpu.memory_space<vmem>>
    %dma_wait3A_205 = tpu.memref_squeeze %dma_wait3A_204 : memref<1x128x128xf32, #tpu.memory_space<vmem>> -> memref<128x128xf32, #tpu.memory_space<vmem>>
    %dma_wait3A_206 = arith.constant 0 : i32
    %dma_wait3A_207 = tpu.memref_slice %arg7[%dma_wait3A_201, %dma_wait3A_206] : memref<40x128xi32, #tpu.memory_space<vmem>> -> memref<1x128xi32, #tpu.memory_space<vmem>>
    %dma_wait3A_208 = tpu.memref_squeeze %dma_wait3A_207 : memref<1x128xi32, #tpu.memory_space<vmem>> -> memref<128xi32, #tpu.memory_space<vmem>>
    %dma_wait3A_209 = arith.constant 0 : i32
    %dma_wait3A_210 = arith.constant 0 : i32
    %dma_wait3A_211 = tpu.memref_slice %arg5[%dma_wait3A_209, %dma_wait3A_210] : memref<163840x128xf32, #tpu.memory_space<hbm>> -> memref<163840x128xf32, #tpu.memory_space<hbm>>
    tpu.wait_indirect_dma semaphore(%arg15 : memref<!tpu.dma_semaphore, #tpu.memory_space<semaphore_mem>>) src(%dma_wait3A_205 : memref<128x128xf32, #tpu.memory_space<vmem>>) dst(%dma_wait3A_211 : memref<163840x128xf32, #tpu.memory_space<hbm>>)
    %dma_start3A_212 = arith.constant 2 : i32
    %dma_start3A_213 = arith.constant 0 : i32
    %dma_start3A_214 = arith.constant 0 : i32
    %dma_start3A_215 = tpu.memref_slice %arg8[%dma_start3A_212, %dma_start3A_213, %dma_start3A_214] : memref<4x128x128xf32, #tpu.memory_space<vmem>> -> memref<1x128x128xf32, #tpu.memory_space<vmem>>
    %dma_start3A_216 = tpu.memref_squeeze %dma_start3A_215 : memref<1x128x128xf32, #tpu.memory_space<vmem>> -> memref<128x128xf32, #tpu.memory_space<vmem>>
    %dma_start3A_217 = arith.constant 4864 : i32
    %dma_start3A_218 = tpu.memref_slice %arg6[%dma_start3A_217] : memref<5120xi32, #tpu.memory_space<vmem>> -> memref<128xi32, #tpu.memory_space<vmem>>
    %dma_start3A_219 = arith.constant 0 : i32
    %dma_start3A_220 = arith.constant 0 : i32
    %dma_start3A_221 = tpu.memref_slice %arg2[%dma_start3A_219, %dma_start3A_220] : memref<300000x128xf32, #tpu.memory_space<hbm>> -> memref<300000x128xf32, #tpu.memory_space<hbm>>
    tpu.enqueue_indirect_dma source(%dma_start3A_221 : memref<300000x128xf32, #tpu.memory_space<hbm>>) target(%dma_start3A_216 : memref<128x128xf32, #tpu.memory_space<vmem>>) offsets(%dma_start3A_218 : memref<128xi32, #tpu.memory_space<vmem>>) semaphore(%arg11 : memref<!tpu.dma_semaphore, #tpu.memory_space<semaphore_mem>>)
    %dma_wait3A_222 = arith.constant 1 : i32
    %dma_wait3A_223 = arith.constant 0 : i32
    %dma_wait3A_224 = arith.constant 0 : i32
    %dma_wait3A_225 = tpu.memref_slice %arg8[%dma_wait3A_222, %dma_wait3A_223, %dma_wait3A_224] : memref<4x128x128xf32, #tpu.memory_space<vmem>> -> memref<1x128x128xf32, #tpu.memory_space<vmem>>
    %dma_wait3A_226 = tpu.memref_squeeze %dma_wait3A_225 : memref<1x128x128xf32, #tpu.memory_space<vmem>> -> memref<128x128xf32, #tpu.memory_space<vmem>>
    %dma_wait3A_227 = arith.constant 0 : i32
    %dma_wait3A_228 = tpu.memref_slice %arg6[%dma_wait3A_227] : memref<5120xi32, #tpu.memory_space<vmem>> -> memref<128xi32, #tpu.memory_space<vmem>>
    %dma_wait3A_229 = arith.constant 0 : i32
    %dma_wait3A_230 = arith.constant 0 : i32
    %dma_wait3A_231 = tpu.memref_slice %arg2[%dma_wait3A_229, %dma_wait3A_230] : memref<300000x128xf32, #tpu.memory_space<hbm>> -> memref<300000x128xf32, #tpu.memory_space<hbm>>
    tpu.wait_indirect_dma semaphore(%arg10 : memref<!tpu.dma_semaphore, #tpu.memory_space<semaphore_mem>>) src(%dma_wait3A_231 : memref<300000x128xf32, #tpu.memory_space<hbm>>) dst(%dma_wait3A_226 : memref<128x128xf32, #tpu.memory_space<vmem>>)
    %dma_start3A_232 = arith.constant 1 : i32
    %dma_start3A_233 = arith.constant 37 : i32
    %dma_start3A_234 = arith.constant 0 : i32
    %dma_start3A_235 = arith.constant 0 : i32
    %dma_start3A_236 = tpu.memref_slice %arg8[%dma_start3A_232, %dma_start3A_234, %dma_start3A_235] : memref<4x128x128xf32, #tpu.memory_space<vmem>> -> memref<1x128x128xf32, #tpu.memory_space<vmem>>
    %dma_start3A_237 = tpu.memref_squeeze %dma_start3A_236 : memref<1x128x128xf32, #tpu.memory_space<vmem>> -> memref<128x128xf32, #tpu.memory_space<vmem>>
    %dma_start3A_238 = arith.constant 0 : i32
    %dma_start3A_239 = tpu.memref_slice %arg7[%dma_start3A_233, %dma_start3A_238] : memref<40x128xi32, #tpu.memory_space<vmem>> -> memref<1x128xi32, #tpu.memory_space<vmem>>
    %dma_start3A_240 = tpu.memref_squeeze %dma_start3A_239 : memref<1x128xi32, #tpu.memory_space<vmem>> -> memref<128xi32, #tpu.memory_space<vmem>>
    %dma_start3A_241 = arith.constant 0 : i32
    %dma_start3A_242 = arith.constant 0 : i32
    %dma_start3A_243 = tpu.memref_slice %arg5[%dma_start3A_241, %dma_start3A_242] : memref<163840x128xf32, #tpu.memory_space<hbm>> -> memref<163840x128xf32, #tpu.memory_space<hbm>>
    tpu.enqueue_indirect_dma source(%dma_start3A_237 : memref<128x128xf32, #tpu.memory_space<vmem>>) target(%dma_start3A_243 : memref<163840x128xf32, #tpu.memory_space<hbm>>) offsets(%dma_start3A_240 : memref<128xi32, #tpu.memory_space<vmem>>) semaphore(%arg14 : memref<!tpu.dma_semaphore, #tpu.memory_space<semaphore_mem>>)
    %dma_wait3A_244 = arith.constant 0 : i32
    %dma_wait3A_245 = arith.constant 0 : i32
    %dma_wait3A_246 = arith.constant 0 : i32
    %dma_wait3A_247 = arith.constant 0 : i32
    %dma_wait3A_248 = tpu.memref_slice %arg8[%dma_wait3A_244, %dma_wait3A_246, %dma_wait3A_247] : memref<4x128x128xf32, #tpu.memory_space<vmem>> -> memref<1x128x128xf32, #tpu.memory_space<vmem>>
    %dma_wait3A_249 = tpu.memref_squeeze %dma_wait3A_248 : memref<1x128x128xf32, #tpu.memory_space<vmem>> -> memref<128x128xf32, #tpu.memory_space<vmem>>
    %dma_wait3A_250 = arith.constant 0 : i32
    %dma_wait3A_251 = tpu.memref_slice %arg7[%dma_wait3A_245, %dma_wait3A_250] : memref<40x128xi32, #tpu.memory_space<vmem>> -> memref<1x128xi32, #tpu.memory_space<vmem>>
    %dma_wait3A_252 = tpu.memref_squeeze %dma_wait3A_251 : memref<1x128xi32, #tpu.memory_space<vmem>> -> memref<128xi32, #tpu.memory_space<vmem>>
    %dma_wait3A_253 = arith.constant 0 : i32
    %dma_wait3A_254 = arith.constant 0 : i32
    %dma_wait3A_255 = tpu.memref_slice %arg5[%dma_wait3A_253, %dma_wait3A_254] : memref<163840x128xf32, #tpu.memory_space<hbm>> -> memref<163840x128xf32, #tpu.memory_space<hbm>>
    tpu.wait_indirect_dma semaphore(%arg16 : memref<!tpu.dma_semaphore, #tpu.memory_space<semaphore_mem>>) src(%dma_wait3A_249 : memref<128x128xf32, #tpu.memory_space<vmem>>) dst(%dma_wait3A_255 : memref<163840x128xf32, #tpu.memory_space<hbm>>)
    %dma_start3A_256 = arith.constant 3 : i32
    %dma_start3A_257 = arith.constant 0 : i32
    %dma_start3A_258 = arith.constant 0 : i32
    %dma_start3A_259 = tpu.memref_slice %arg8[%dma_start3A_256, %dma_start3A_257, %dma_start3A_258] : memref<4x128x128xf32, #tpu.memory_space<vmem>> -> memref<1x128x128xf32, #tpu.memory_space<vmem>>
    %dma_start3A_260 = tpu.memref_squeeze %dma_start3A_259 : memref<1x128x128xf32, #tpu.memory_space<vmem>> -> memref<128x128xf32, #tpu.memory_space<vmem>>
    %dma_start3A_261 = arith.constant 4992 : i32
    %dma_start3A_262 = tpu.memref_slice %arg6[%dma_start3A_261] : memref<5120xi32, #tpu.memory_space<vmem>> -> memref<128xi32, #tpu.memory_space<vmem>>
    %dma_start3A_263 = arith.constant 0 : i32
    %dma_start3A_264 = arith.constant 0 : i32
    %dma_start3A_265 = tpu.memref_slice %arg2[%dma_start3A_263, %dma_start3A_264] : memref<300000x128xf32, #tpu.memory_space<hbm>> -> memref<300000x128xf32, #tpu.memory_space<hbm>>
    tpu.enqueue_indirect_dma source(%dma_start3A_265 : memref<300000x128xf32, #tpu.memory_space<hbm>>) target(%dma_start3A_260 : memref<128x128xf32, #tpu.memory_space<vmem>>) offsets(%dma_start3A_262 : memref<128xi32, #tpu.memory_space<vmem>>) semaphore(%arg12 : memref<!tpu.dma_semaphore, #tpu.memory_space<semaphore_mem>>)
    %dma_wait3A_266 = arith.constant 2 : i32
    %dma_wait3A_267 = arith.constant 0 : i32
    %dma_wait3A_268 = arith.constant 0 : i32
    %dma_wait3A_269 = tpu.memref_slice %arg8[%dma_wait3A_266, %dma_wait3A_267, %dma_wait3A_268] : memref<4x128x128xf32, #tpu.memory_space<vmem>> -> memref<1x128x128xf32, #tpu.memory_space<vmem>>
    %dma_wait3A_270 = tpu.memref_squeeze %dma_wait3A_269 : memref<1x128x128xf32, #tpu.memory_space<vmem>> -> memref<128x128xf32, #tpu.memory_space<vmem>>
    %dma_wait3A_271 = arith.constant 0 : i32
    %dma_wait3A_272 = tpu.memref_slice %arg6[%dma_wait3A_271] : memref<5120xi32, #tpu.memory_space<vmem>> -> memref<128xi32, #tpu.memory_space<vmem>>
    %dma_wait3A_273 = arith.constant 0 : i32
    %dma_wait3A_274 = arith.constant 0 : i32
    %dma_wait3A_275 = tpu.memref_slice %arg2[%dma_wait3A_273, %dma_wait3A_274] : memref<300000x128xf32, #tpu.memory_space<hbm>> -> memref<300000x128xf32, #tpu.memory_space<hbm>>
    tpu.wait_indirect_dma semaphore(%arg11 : memref<!tpu.dma_semaphore, #tpu.memory_space<semaphore_mem>>) src(%dma_wait3A_275 : memref<300000x128xf32, #tpu.memory_space<hbm>>) dst(%dma_wait3A_270 : memref<128x128xf32, #tpu.memory_space<vmem>>)
    %dma_start3A_276 = arith.constant 2 : i32
    %dma_start3A_277 = arith.constant 38 : i32
    %dma_start3A_278 = arith.constant 0 : i32
    %dma_start3A_279 = arith.constant 0 : i32
    %dma_start3A_280 = tpu.memref_slice %arg8[%dma_start3A_276, %dma_start3A_278, %dma_start3A_279] : memref<4x128x128xf32, #tpu.memory_space<vmem>> -> memref<1x128x128xf32, #tpu.memory_space<vmem>>
    %dma_start3A_281 = tpu.memref_squeeze %dma_start3A_280 : memref<1x128x128xf32, #tpu.memory_space<vmem>> -> memref<128x128xf32, #tpu.memory_space<vmem>>
    %dma_start3A_282 = arith.constant 0 : i32
    %dma_start3A_283 = tpu.memref_slice %arg7[%dma_start3A_277, %dma_start3A_282] : memref<40x128xi32, #tpu.memory_space<vmem>> -> memref<1x128xi32, #tpu.memory_space<vmem>>
    %dma_start3A_284 = tpu.memref_squeeze %dma_start3A_283 : memref<1x128xi32, #tpu.memory_space<vmem>> -> memref<128xi32, #tpu.memory_space<vmem>>
    %dma_start3A_285 = arith.constant 0 : i32
    %dma_start3A_286 = arith.constant 0 : i32
    %dma_start3A_287 = tpu.memref_slice %arg5[%dma_start3A_285, %dma_start3A_286] : memref<163840x128xf32, #tpu.memory_space<hbm>> -> memref<163840x128xf32, #tpu.memory_space<hbm>>
    tpu.enqueue_indirect_dma source(%dma_start3A_281 : memref<128x128xf32, #tpu.memory_space<vmem>>) target(%dma_start3A_287 : memref<163840x128xf32, #tpu.memory_space<hbm>>) offsets(%dma_start3A_284 : memref<128xi32, #tpu.memory_space<vmem>>) semaphore(%arg15 : memref<!tpu.dma_semaphore, #tpu.memory_space<semaphore_mem>>)
    %dma_wait3A_288 = arith.constant 0 : i32
    %dma_wait3A_289 = arith.constant 0 : i32
    %dma_wait3A_290 = arith.constant 0 : i32
    %dma_wait3A_291 = arith.constant 0 : i32
    %dma_wait3A_292 = tpu.memref_slice %arg8[%dma_wait3A_288, %dma_wait3A_290, %dma_wait3A_291] : memref<4x128x128xf32, #tpu.memory_space<vmem>> -> memref<1x128x128xf32, #tpu.memory_space<vmem>>
    %dma_wait3A_293 = tpu.memref_squeeze %dma_wait3A_292 : memref<1x128x128xf32, #tpu.memory_space<vmem>> -> memref<128x128xf32, #tpu.memory_space<vmem>>
    %dma_wait3A_294 = arith.constant 0 : i32
    %dma_wait3A_295 = tpu.memref_slice %arg7[%dma_wait3A_289, %dma_wait3A_294] : memref<40x128xi32, #tpu.memory_space<vmem>> -> memref<1x128xi32, #tpu.memory_space<vmem>>
    %dma_wait3A_296 = tpu.memref_squeeze %dma_wait3A_295 : memref<1x128xi32, #tpu.memory_space<vmem>> -> memref<128xi32, #tpu.memory_space<vmem>>
    %dma_wait3A_297 = arith.constant 0 : i32
    %dma_wait3A_298 = arith.constant 0 : i32
    %dma_wait3A_299 = tpu.memref_slice %arg5[%dma_wait3A_297, %dma_wait3A_298] : memref<163840x128xf32, #tpu.memory_space<hbm>> -> memref<163840x128xf32, #tpu.memory_space<hbm>>
    tpu.wait_indirect_dma semaphore(%arg13 : memref<!tpu.dma_semaphore, #tpu.memory_space<semaphore_mem>>) src(%dma_wait3A_293 : memref<128x128xf32, #tpu.memory_space<vmem>>) dst(%dma_wait3A_299 : memref<163840x128xf32, #tpu.memory_space<hbm>>)
    %dma_wait3A_300 = arith.constant 3 : i32
    %dma_wait3A_301 = arith.constant 0 : i32
    %dma_wait3A_302 = arith.constant 0 : i32
    %dma_wait3A_303 = tpu.memref_slice %arg8[%dma_wait3A_300, %dma_wait3A_301, %dma_wait3A_302] : memref<4x128x128xf32, #tpu.memory_space<vmem>> -> memref<1x128x128xf32, #tpu.memory_space<vmem>>
    %dma_wait3A_304 = tpu.memref_squeeze %dma_wait3A_303 : memref<1x128x128xf32, #tpu.memory_space<vmem>> -> memref<128x128xf32, #tpu.memory_space<vmem>>
    %dma_wait3A_305 = arith.constant 0 : i32
    %dma_wait3A_306 = tpu.memref_slice %arg6[%dma_wait3A_305] : memref<5120xi32, #tpu.memory_space<vmem>> -> memref<128xi32, #tpu.memory_space<vmem>>
    %dma_wait3A_307 = arith.constant 0 : i32
    %dma_wait3A_308 = arith.constant 0 : i32
    %dma_wait3A_309 = tpu.memref_slice %arg2[%dma_wait3A_307, %dma_wait3A_308] : memref<300000x128xf32, #tpu.memory_space<hbm>> -> memref<300000x128xf32, #tpu.memory_space<hbm>>
    tpu.wait_indirect_dma semaphore(%arg12 : memref<!tpu.dma_semaphore, #tpu.memory_space<semaphore_mem>>) src(%dma_wait3A_309 : memref<300000x128xf32, #tpu.memory_space<hbm>>) dst(%dma_wait3A_304 : memref<128x128xf32, #tpu.memory_space<vmem>>)
    %dma_start3A_310 = arith.constant 3 : i32
    %dma_start3A_311 = arith.constant 39 : i32
    %dma_start3A_312 = arith.constant 0 : i32
    %dma_start3A_313 = arith.constant 0 : i32
    %dma_start3A_314 = tpu.memref_slice %arg8[%dma_start3A_310, %dma_start3A_312, %dma_start3A_313] : memref<4x128x128xf32, #tpu.memory_space<vmem>> -> memref<1x128x128xf32, #tpu.memory_space<vmem>>
    %dma_start3A_315 = tpu.memref_squeeze %dma_start3A_314 : memref<1x128x128xf32, #tpu.memory_space<vmem>> -> memref<128x128xf32, #tpu.memory_space<vmem>>
    %dma_start3A_316 = arith.constant 0 : i32
    %dma_start3A_317 = tpu.memref_slice %arg7[%dma_start3A_311, %dma_start3A_316] : memref<40x128xi32, #tpu.memory_space<vmem>> -> memref<1x128xi32, #tpu.memory_space<vmem>>
    %dma_start3A_318 = tpu.memref_squeeze %dma_start3A_317 : memref<1x128xi32, #tpu.memory_space<vmem>> -> memref<128xi32, #tpu.memory_space<vmem>>
    %dma_start3A_319 = arith.constant 0 : i32
    %dma_start3A_320 = arith.constant 0 : i32
    %dma_start3A_321 = tpu.memref_slice %arg5[%dma_start3A_319, %dma_start3A_320] : memref<163840x128xf32, #tpu.memory_space<hbm>> -> memref<163840x128xf32, #tpu.memory_space<hbm>>
    tpu.enqueue_indirect_dma source(%dma_start3A_315 : memref<128x128xf32, #tpu.memory_space<vmem>>) target(%dma_start3A_321 : memref<163840x128xf32, #tpu.memory_space<hbm>>) offsets(%dma_start3A_318 : memref<128xi32, #tpu.memory_space<vmem>>) semaphore(%arg16 : memref<!tpu.dma_semaphore, #tpu.memory_space<semaphore_mem>>)
    %dma_wait3A_322 = arith.constant 0 : i32
    %dma_wait3A_323 = arith.constant 0 : i32
    %dma_wait3A_324 = arith.constant 0 : i32
    %dma_wait3A_325 = arith.constant 0 : i32
    %dma_wait3A_326 = tpu.memref_slice %arg8[%dma_wait3A_322, %dma_wait3A_324, %dma_wait3A_325] : memref<4x128x128xf32, #tpu.memory_space<vmem>> -> memref<1x128x128xf32, #tpu.memory_space<vmem>>
    %dma_wait3A_327 = tpu.memref_squeeze %dma_wait3A_326 : memref<1x128x128xf32, #tpu.memory_space<vmem>> -> memref<128x128xf32, #tpu.memory_space<vmem>>
    %dma_wait3A_328 = arith.constant 0 : i32
    %dma_wait3A_329 = tpu.memref_slice %arg7[%dma_wait3A_323, %dma_wait3A_328] : memref<40x128xi32, #tpu.memory_space<vmem>> -> memref<1x128xi32, #tpu.memory_space<vmem>>
    %dma_wait3A_330 = tpu.memref_squeeze %dma_wait3A_329 : memref<1x128xi32, #tpu.memory_space<vmem>> -> memref<128xi32, #tpu.memory_space<vmem>>
    %dma_wait3A_331 = arith.constant 0 : i32
    %dma_wait3A_332 = arith.constant 0 : i32
    %dma_wait3A_333 = tpu.memref_slice %arg5[%dma_wait3A_331, %dma_wait3A_332] : memref<163840x128xf32, #tpu.memory_space<hbm>> -> memref<163840x128xf32, #tpu.memory_space<hbm>>
    tpu.wait_indirect_dma semaphore(%arg14 : memref<!tpu.dma_semaphore, #tpu.memory_space<semaphore_mem>>) src(%dma_wait3A_327 : memref<128x128xf32, #tpu.memory_space<vmem>>) dst(%dma_wait3A_333 : memref<163840x128xf32, #tpu.memory_space<hbm>>)
    %dma_wait3A_334 = arith.constant 0 : i32
    %dma_wait3A_335 = arith.constant 0 : i32
    %dma_wait3A_336 = arith.constant 0 : i32
    %dma_wait3A_337 = arith.constant 0 : i32
    %dma_wait3A_338 = tpu.memref_slice %arg8[%dma_wait3A_334, %dma_wait3A_336, %dma_wait3A_337] : memref<4x128x128xf32, #tpu.memory_space<vmem>> -> memref<1x128x128xf32, #tpu.memory_space<vmem>>
    %dma_wait3A_339 = tpu.memref_squeeze %dma_wait3A_338 : memref<1x128x128xf32, #tpu.memory_space<vmem>> -> memref<128x128xf32, #tpu.memory_space<vmem>>
    %dma_wait3A_340 = arith.constant 0 : i32
    %dma_wait3A_341 = tpu.memref_slice %arg7[%dma_wait3A_335, %dma_wait3A_340] : memref<40x128xi32, #tpu.memory_space<vmem>> -> memref<1x128xi32, #tpu.memory_space<vmem>>
    %dma_wait3A_342 = tpu.memref_squeeze %dma_wait3A_341 : memref<1x128xi32, #tpu.memory_space<vmem>> -> memref<128xi32, #tpu.memory_space<vmem>>
    %dma_wait3A_343 = arith.constant 0 : i32
    %dma_wait3A_344 = arith.constant 0 : i32
    %dma_wait3A_345 = tpu.memref_slice %arg5[%dma_wait3A_343, %dma_wait3A_344] : memref<163840x128xf32, #tpu.memory_space<hbm>> -> memref<163840x128xf32, #tpu.memory_space<hbm>>
    tpu.wait_indirect_dma semaphore(%arg15 : memref<!tpu.dma_semaphore, #tpu.memory_space<semaphore_mem>>) src(%dma_wait3A_339 : memref<128x128xf32, #tpu.memory_space<vmem>>) dst(%dma_wait3A_345 : memref<163840x128xf32, #tpu.memory_space<hbm>>)
    %dma_wait3A_346 = arith.constant 0 : i32
    %dma_wait3A_347 = arith.constant 0 : i32
    %dma_wait3A_348 = arith.constant 0 : i32
    %dma_wait3A_349 = arith.constant 0 : i32
    %dma_wait3A_350 = tpu.memref_slice %arg8[%dma_wait3A_346, %dma_wait3A_348, %dma_wait3A_349] : memref<4x128x128xf32, #tpu.memory_space<vmem>> -> memref<1x128x128xf32, #tpu.memory_space<vmem>>
    %dma_wait3A_351 = tpu.memref_squeeze %dma_wait3A_350 : memref<1x128x128xf32, #tpu.memory_space<vmem>> -> memref<128x128xf32, #tpu.memory_space<vmem>>
    %dma_wait3A_352 = arith.constant 0 : i32
    %dma_wait3A_353 = tpu.memref_slice %arg7[%dma_wait3A_347, %dma_wait3A_352] : memref<40x128xi32, #tpu.memory_space<vmem>> -> memref<1x128xi32, #tpu.memory_space<vmem>>
    %dma_wait3A_354 = tpu.memref_squeeze %dma_wait3A_353 : memref<1x128xi32, #tpu.memory_space<vmem>> -> memref<128xi32, #tpu.memory_space<vmem>>
    %dma_wait3A_355 = arith.constant 0 : i32
    %dma_wait3A_356 = arith.constant 0 : i32
    %dma_wait3A_357 = tpu.memref_slice %arg5[%dma_wait3A_355, %dma_wait3A_356] : memref<163840x128xf32, #tpu.memory_space<hbm>> -> memref<163840x128xf32, #tpu.memory_space<hbm>>
    tpu.wait_indirect_dma semaphore(%arg16 : memref<!tpu.dma_semaphore, #tpu.memory_space<semaphore_mem>>) src(%dma_wait3A_351 : memref<128x128xf32, #tpu.memory_space<vmem>>) dst(%dma_wait3A_357 : memref<163840x128xf32, #tpu.memory_space<hbm>>)
    return
  }
}

#map = affine_map<(d0, d1) -> (0, 0)>
#map1 = affine_map<(d0, d1) -> (0)>
#map2 = affine_map<(d0, d1) -> (0, 0, 0)>
module attributes {stable_mosaic.version = 14 : i64} {
  func.func @sc_gather(%arg0: i32, %arg1: i32, %arg2: memref<300000x128xf32, #tpu.memory_space<hbm>>, %arg3: memref<163840xi32, #tpu.memory_space<hbm>>, %arg4: memref<32x40x128xi32, #tpu.memory_space<hbm>>, %arg5: memref<163840x128xf32, #tpu.memory_space<hbm>>, %arg6: memref<5120xi32, #tpu.memory_space<vmem>>, %arg7: memref<40x128xi32, #tpu.memory_space<vmem>>, %arg8: memref<4x128x128xf32, #tpu.memory_space<vmem>>, %arg9: memref<!tpu.dma_semaphore, #tpu.memory_space<semaphore_mem>>, %arg10: memref<!tpu.dma_semaphore, #tpu.memory_space<semaphore_mem>>, %arg11: memref<!tpu.dma_semaphore, #tpu.memory_space<semaphore_mem>>, %arg12: memref<!tpu.dma_semaphore, #tpu.memory_space<semaphore_mem>>, %arg13: memref<!tpu.dma_semaphore, #tpu.memory_space<semaphore_mem>>, %arg14: memref<!tpu.dma_semaphore, #tpu.memory_space<semaphore_mem>>, %arg15: memref<!tpu.dma_semaphore, #tpu.memory_space<semaphore_mem>>, %arg16: memref<!tpu.dma_semaphore, #tpu.memory_space<semaphore_mem>>) attributes {dimension_semantics = [#tpu.dimension_semantics<core_parallel>, #tpu.dimension_semantics<subcore_parallel>], iteration_bounds = array<i64: 2, 16>, scalar_prefetch = 0 : i64, scratch_operands = 11 : i64, tpu.core_type = #tpu.core_type<sc_vector_subcore>, window_params = [{transform_indices = #map}, {transform_indices = #map1}, {transform_indices = #map2}, {transform_indices = #map}]} {
    %mul3A = arith.constant 2 : i32
    %mul3A_0 = arith.muli %arg1, %mul3A : i32
    %add3A = arith.addi %mul3A_0, %arg0 : i32
    %mul3A_1 = arith.constant 5120 : i32
    %mul3A_2 = arith.muli %add3A, %mul3A_1 : i32
    "tpu.region"() ({
      %run_scoped3A = tpu.sem_alloc : memref<!tpu.dma_semaphore, #tpu.memory_space<semaphore_mem>>
      %dma_start3A_358 = tpu.memref_slice %arg3[%mul3A_2] : memref<163840xi32, #tpu.memory_space<hbm>> -> memref<5120xi32, #tpu.memory_space<hbm>>
      %dma_start3A_359 = tpu.memref_slice %arg3[%mul3A_2] : memref<163840xi32, #tpu.memory_space<hbm>> -> memref<5120xi32, #tpu.memory_space<hbm>>
      tpu.enqueue_dma source(%dma_start3A_359 : memref<5120xi32, #tpu.memory_space<hbm>>) target(%arg6 : memref<5120xi32, #tpu.memory_space<vmem>>) target_semaphore(%run_scoped3A : memref<!tpu.dma_semaphore, #tpu.memory_space<semaphore_mem>>)
      %dma_wait3A_360 = tpu.memref_slice %arg3[%mul3A_2] : memref<163840xi32, #tpu.memory_space<hbm>> -> memref<5120xi32, #tpu.memory_space<hbm>>
      %dma_wait3A_361 = tpu.memref_slice %arg3[%mul3A_2] : memref<163840xi32, #tpu.memory_space<hbm>> -> memref<5120xi32, #tpu.memory_space<hbm>>
      tpu.wait_dma2 semaphore(%run_scoped3A : memref<!tpu.dma_semaphore, #tpu.memory_space<semaphore_mem>>) src(%dma_wait3A_361 : memref<5120xi32, #tpu.memory_space<hbm>>) dst(%arg6 : memref<5120xi32, #tpu.memory_space<vmem>>)
      tpu.yield
    }) : () -> ()
    "tpu.region"() ({
      %run_scoped3A = tpu.sem_alloc : memref<!tpu.dma_semaphore, #tpu.memory_space<semaphore_mem>>
      %dma_start3A_358 = arith.constant 0 : i32
      %dma_start3A_359 = arith.constant 0 : i32
      %dma_start3A_360 = tpu.memref_slice %arg4[%add3A, %dma_start3A_358, %dma_start3A_359] : memref<32x40x128xi32, #tpu.memory_space<hbm>> -> memref<1x40x128xi32, #tpu.memory_space<hbm>>
      %dma_start3A_361 = tpu.memref_squeeze %dma_start3A_360 : memref<1x40x128xi32, #tpu.memory_space<hbm>> -> memref<40x128xi32, #tpu.memory_space<hbm>>
      %dma_start3A_362 = arith.constant 0 : i32
      %dma_start3A_363 = arith.constant 0 : i32
      %dma_start3A_364 = tpu.memref_slice %arg4[%add3A, %dma_start3A_362, %dma_start3A_363] : memref<32x40x128xi32, #tpu.memory_space<hbm>> -> memref<1x40x128xi32, #tpu.memory_space<hbm>>
      %dma_start3A_365 = tpu.memref_squeeze %dma_start3A_364 : memref<1x40x128xi32, #tpu.memory_space<hbm>> -> memref<40x128xi32, #tpu.memory_space<hbm>>
      tpu.enqueue_dma source(%dma_start3A_365 : memref<40x128xi32, #tpu.memory_space<hbm>>) target(%arg7 : memref<40x128xi32, #tpu.memory_space<vmem>>) target_semaphore(%run_scoped3A : memref<!tpu.dma_semaphore, #tpu.memory_space<semaphore_mem>>)
      %dma_wait3A_366 = arith.constant 0 : i32
      %dma_wait3A_367 = arith.constant 0 : i32
      %dma_wait3A_368 = tpu.memref_slice %arg4[%add3A, %dma_wait3A_366, %dma_wait3A_367] : memref<32x40x128xi32, #tpu.memory_space<hbm>> -> memref<1x40x128xi32, #tpu.memory_space<hbm>>
      %dma_wait3A_369 = tpu.memref_squeeze %dma_wait3A_368 : memref<1x40x128xi32, #tpu.memory_space<hbm>> -> memref<40x128xi32, #tpu.memory_space<hbm>>
      %dma_wait3A_370 = arith.constant 0 : i32
      %dma_wait3A_371 = arith.constant 0 : i32
      %dma_wait3A_372 = tpu.memref_slice %arg4[%add3A, %dma_wait3A_370, %dma_wait3A_371] : memref<32x40x128xi32, #tpu.memory_space<hbm>> -> memref<1x40x128xi32, #tpu.memory_space<hbm>>
      %dma_wait3A_373 = tpu.memref_squeeze %dma_wait3A_372 : memref<1x40x128xi32, #tpu.memory_space<hbm>> -> memref<40x128xi32, #tpu.memory_space<hbm>>
      tpu.wait_dma2 semaphore(%run_scoped3A : memref<!tpu.dma_semaphore, #tpu.memory_space<semaphore_mem>>) src(%dma_wait3A_373 : memref<40x128xi32, #tpu.memory_space<hbm>>) dst(%arg7 : memref<40x128xi32, #tpu.memory_space<vmem>>)
      tpu.yield
    }) : () -> ()
    %dma_start3A = arith.constant 0 : i32
    %dma_start3A_3 = arith.constant 0 : i32
    %dma_start3A_4 = arith.constant 0 : i32
    %dma_start3A_5 = tpu.memref_slice %arg8[%dma_start3A, %dma_start3A_3, %dma_start3A_4] : memref<4x128x128xf32, #tpu.memory_space<vmem>> -> memref<1x128x128xf32, #tpu.memory_space<vmem>>
    %dma_start3A_6 = tpu.memref_squeeze %dma_start3A_5 : memref<1x128x128xf32, #tpu.memory_space<vmem>> -> memref<128x128xf32, #tpu.memory_space<vmem>>
    %dma_start3A_7 = arith.constant 0 : i32
    %dma_start3A_8 = tpu.memref_slice %arg6[%dma_start3A_7] : memref<5120xi32, #tpu.memory_space<vmem>> -> memref<128xi32, #tpu.memory_space<vmem>>
    %dma_start3A_9 = arith.constant 0 : i32
    %dma_start3A_10 = arith.constant 0 : i32
    %dma_start3A_11 = tpu.memref_slice %arg2[%dma_start3A_9, %dma_start3A_10] : memref<300000x128xf32, #tpu.memory_space<hbm>> -> memref<300000x128xf32, #tpu.memory_space<hbm>>
    tpu.enqueue_indirect_dma source(%dma_start3A_11 : memref<300000x128xf32, #tpu.memory_space<hbm>>) target(%dma_start3A_6 : memref<128x128xf32, #tpu.memory_space<vmem>>) offsets(%dma_start3A_8 : memref<128xi32, #tpu.memory_space<vmem>>) semaphore(%arg9 : memref<!tpu.dma_semaphore, #tpu.memory_space<semaphore_mem>>)
    %dma_start3A_12 = arith.constant 1 : i32
    %dma_start3A_13 = arith.constant 0 : i32
    %dma_start3A_14 = arith.constant 0 : i32
    %dma_start3A_15 = tpu.memref_slice %arg8[%dma_start3A_12, %dma_start3A_13, %dma_start3A_14] : memref<4x128x128xf32, #tpu.memory_space<vmem>> -> memref<1x128x128xf32, #tpu.memory_space<vmem>>
    %dma_start3A_16 = tpu.memref_squeeze %dma_start3A_15 : memref<1x128x128xf32, #tpu.memory_space<vmem>> -> memref<128x128xf32, #tpu.memory_space<vmem>>
    %dma_start3A_17 = arith.constant 128 : i32
    %dma_start3A_18 = tpu.memref_slice %arg6[%dma_start3A_17] : memref<5120xi32, #tpu.memory_space<vmem>> -> memref<128xi32, #tpu.memory_space<vmem>>
    %dma_start3A_19 = arith.constant 0 : i32
    %dma_start3A_20 = arith.constant 0 : i32
    %dma_start3A_21 = tpu.memref_slice %arg2[%dma_start3A_19, %dma_start3A_20] : memref<300000x128xf32, #tpu.memory_space<hbm>> -> memref<300000x128xf32, #tpu.memory_space<hbm>>
    tpu.enqueue_indirect_dma source(%dma_start3A_21 : memref<300000x128xf32, #tpu.memory_space<hbm>>) target(%dma_start3A_16 : memref<128x128xf32, #tpu.memory_space<vmem>>) offsets(%dma_start3A_18 : memref<128xi32, #tpu.memory_space<vmem>>) semaphore(%arg10 : memref<!tpu.dma_semaphore, #tpu.memory_space<semaphore_mem>>)
    %dma_wait3A = arith.constant 0 : i32
    %dma_wait3A_22 = arith.constant 0 : i32
    %dma_wait3A_23 = arith.constant 0 : i32
    %dma_wait3A_24 = tpu.memref_slice %arg8[%dma_wait3A, %dma_wait3A_22, %dma_wait3A_23] : memref<4x128x128xf32, #tpu.memory_space<vmem>> -> memref<1x128x128xf32, #tpu.memory_space<vmem>>
    %dma_wait3A_25 = tpu.memref_squeeze %dma_wait3A_24 : memref<1x128x128xf32, #tpu.memory_space<vmem>> -> memref<128x128xf32, #tpu.memory_space<vmem>>
    %dma_wait3A_26 = arith.constant 0 : i32
    %dma_wait3A_27 = tpu.memref_slice %arg6[%dma_wait3A_26] : memref<5120xi32, #tpu.memory_space<vmem>> -> memref<128xi32, #tpu.memory_space<vmem>>
    %dma_wait3A_28 = arith.constant 0 : i32
    %dma_wait3A_29 = arith.constant 0 : i32
    %dma_wait3A_30 = tpu.memref_slice %arg2[%dma_wait3A_28, %dma_wait3A_29] : memref<300000x128xf32, #tpu.memory_space<hbm>> -> memref<300000x128xf32, #tpu.memory_space<hbm>>
    tpu.wait_indirect_dma semaphore(%arg9 : memref<!tpu.dma_semaphore, #tpu.memory_space<semaphore_mem>>) src(%dma_wait3A_30 : memref<300000x128xf32, #tpu.memory_space<hbm>>) dst(%dma_wait3A_25 : memref<128x128xf32, #tpu.memory_space<vmem>>)
    %dma_start3A_31 = arith.constant 0 : i32
    %dma_start3A_32 = arith.constant 0 : i32
    %dma_start3A_33 = arith.constant 0 : i32
    %dma_start3A_34 = arith.constant 0 : i32
    %dma_start3A_35 = tpu.memref_slice %arg8[%dma_start3A_31, %dma_start3A_33, %dma_start3A_34] : memref<4x128x128xf32, #tpu.memory_space<vmem>> -> memref<1x128x128xf32, #tpu.memory_space<vmem>>
    %dma_start3A_36 = tpu.memref_squeeze %dma_start3A_35 : memref<1x128x128xf32, #tpu.memory_space<vmem>> -> memref<128x128xf32, #tpu.memory_space<vmem>>
    %dma_start3A_37 = arith.constant 0 : i32
    %dma_start3A_38 = tpu.memref_slice %arg7[%dma_start3A_32, %dma_start3A_37] : memref<40x128xi32, #tpu.memory_space<vmem>> -> memref<1x128xi32, #tpu.memory_space<vmem>>
    %dma_start3A_39 = tpu.memref_squeeze %dma_start3A_38 : memref<1x128xi32, #tpu.memory_space<vmem>> -> memref<128xi32, #tpu.memory_space<vmem>>
    %dma_start3A_40 = arith.constant 0 : i32
    %dma_start3A_41 = arith.constant 0 : i32
    %dma_start3A_42 = tpu.memref_slice %arg5[%dma_start3A_40, %dma_start3A_41] : memref<163840x128xf32, #tpu.memory_space<hbm>> -> memref<163840x128xf32, #tpu.memory_space<hbm>>
    tpu.enqueue_indirect_dma source(%dma_start3A_36 : memref<128x128xf32, #tpu.memory_space<vmem>>) target(%dma_start3A_42 : memref<163840x128xf32, #tpu.memory_space<hbm>>) offsets(%dma_start3A_39 : memref<128xi32, #tpu.memory_space<vmem>>) semaphore(%arg13 : memref<!tpu.dma_semaphore, #tpu.memory_space<semaphore_mem>>)
    %dma_start3A_43 = arith.constant 2 : i32
    %dma_start3A_44 = arith.constant 0 : i32
    %dma_start3A_45 = arith.constant 0 : i32
    %dma_start3A_46 = tpu.memref_slice %arg8[%dma_start3A_43, %dma_start3A_44, %dma_start3A_45] : memref<4x128x128xf32, #tpu.memory_space<vmem>> -> memref<1x128x128xf32, #tpu.memory_space<vmem>>
    %dma_start3A_47 = tpu.memref_squeeze %dma_start3A_46 : memref<1x128x128xf32, #tpu.memory_space<vmem>> -> memref<128x128xf32, #tpu.memory_space<vmem>>
    %dma_start3A_48 = arith.constant 256 : i32
    %dma_start3A_49 = tpu.memref_slice %arg6[%dma_start3A_48] : memref<5120xi32, #tpu.memory_space<vmem>> -> memref<128xi32, #tpu.memory_space<vmem>>
    %dma_start3A_50 = arith.constant 0 : i32
    %dma_start3A_51 = arith.constant 0 : i32
    %dma_start3A_52 = tpu.memref_slice %arg2[%dma_start3A_50, %dma_start3A_51] : memref<300000x128xf32, #tpu.memory_space<hbm>> -> memref<300000x128xf32, #tpu.memory_space<hbm>>
    tpu.enqueue_indirect_dma source(%dma_start3A_52 : memref<300000x128xf32, #tpu.memory_space<hbm>>) target(%dma_start3A_47 : memref<128x128xf32, #tpu.memory_space<vmem>>) offsets(%dma_start3A_49 : memref<128xi32, #tpu.memory_space<vmem>>) semaphore(%arg11 : memref<!tpu.dma_semaphore, #tpu.memory_space<semaphore_mem>>)
    %dma_wait3A_53 = arith.constant 1 : i32
    %dma_wait3A_54 = arith.constant 0 : i32
    %dma_wait3A_55 = arith.constant 0 : i32
    %dma_wait3A_56 = tpu.memref_slice %arg8[%dma_wait3A_53, %dma_wait3A_54, %dma_wait3A_55] : memref<4x128x128xf32, #tpu.memory_space<vmem>> -> memref<1x128x128xf32, #tpu.memory_space<vmem>>
    %dma_wait3A_57 = tpu.memref_squeeze %dma_wait3A_56 : memref<1x128x128xf32, #tpu.memory_space<vmem>> -> memref<128x128xf32, #tpu.memory_space<vmem>>
    %dma_wait3A_58 = arith.constant 0 : i32
    %dma_wait3A_59 = tpu.memref_slice %arg6[%dma_wait3A_58] : memref<5120xi32, #tpu.memory_space<vmem>> -> memref<128xi32, #tpu.memory_space<vmem>>
    %dma_wait3A_60 = arith.constant 0 : i32
    %dma_wait3A_61 = arith.constant 0 : i32
    %dma_wait3A_62 = tpu.memref_slice %arg2[%dma_wait3A_60, %dma_wait3A_61] : memref<300000x128xf32, #tpu.memory_space<hbm>> -> memref<300000x128xf32, #tpu.memory_space<hbm>>
    tpu.wait_indirect_dma semaphore(%arg10 : memref<!tpu.dma_semaphore, #tpu.memory_space<semaphore_mem>>) src(%dma_wait3A_62 : memref<300000x128xf32, #tpu.memory_space<hbm>>) dst(%dma_wait3A_57 : memref<128x128xf32, #tpu.memory_space<vmem>>)
    %dma_start3A_63 = arith.constant 1 : i32
    %dma_start3A_64 = arith.constant 1 : i32
    %dma_start3A_65 = arith.constant 0 : i32
    %dma_start3A_66 = arith.constant 0 : i32
    %dma_start3A_67 = tpu.memref_slice %arg8[%dma_start3A_63, %dma_start3A_65, %dma_start3A_66] : memref<4x128x128xf32, #tpu.memory_space<vmem>> -> memref<1x128x128xf32, #tpu.memory_space<vmem>>
    %dma_start3A_68 = tpu.memref_squeeze %dma_start3A_67 : memref<1x128x128xf32, #tpu.memory_space<vmem>> -> memref<128x128xf32, #tpu.memory_space<vmem>>
    %dma_start3A_69 = arith.constant 0 : i32
    %dma_start3A_70 = tpu.memref_slice %arg7[%dma_start3A_64, %dma_start3A_69] : memref<40x128xi32, #tpu.memory_space<vmem>> -> memref<1x128xi32, #tpu.memory_space<vmem>>
    %dma_start3A_71 = tpu.memref_squeeze %dma_start3A_70 : memref<1x128xi32, #tpu.memory_space<vmem>> -> memref<128xi32, #tpu.memory_space<vmem>>
    %dma_start3A_72 = arith.constant 0 : i32
    %dma_start3A_73 = arith.constant 0 : i32
    %dma_start3A_74 = tpu.memref_slice %arg5[%dma_start3A_72, %dma_start3A_73] : memref<163840x128xf32, #tpu.memory_space<hbm>> -> memref<163840x128xf32, #tpu.memory_space<hbm>>
    tpu.enqueue_indirect_dma source(%dma_start3A_68 : memref<128x128xf32, #tpu.memory_space<vmem>>) target(%dma_start3A_74 : memref<163840x128xf32, #tpu.memory_space<hbm>>) offsets(%dma_start3A_71 : memref<128xi32, #tpu.memory_space<vmem>>) semaphore(%arg14 : memref<!tpu.dma_semaphore, #tpu.memory_space<semaphore_mem>>)
    %dma_start3A_75 = arith.constant 3 : i32
    %dma_start3A_76 = arith.constant 0 : i32
    %dma_start3A_77 = arith.constant 0 : i32
    %dma_start3A_78 = tpu.memref_slice %arg8[%dma_start3A_75, %dma_start3A_76, %dma_start3A_77] : memref<4x128x128xf32, #tpu.memory_space<vmem>> -> memref<1x128x128xf32, #tpu.memory_space<vmem>>
    %dma_start3A_79 = tpu.memref_squeeze %dma_start3A_78 : memref<1x128x128xf32, #tpu.memory_space<vmem>> -> memref<128x128xf32, #tpu.memory_space<vmem>>
    %dma_start3A_80 = arith.constant 384 : i32
    %dma_start3A_81 = tpu.memref_slice %arg6[%dma_start3A_80] : memref<5120xi32, #tpu.memory_space<vmem>> -> memref<128xi32, #tpu.memory_space<vmem>>
    %dma_start3A_82 = arith.constant 0 : i32
    %dma_start3A_83 = arith.constant 0 : i32
    %dma_start3A_84 = tpu.memref_slice %arg2[%dma_start3A_82, %dma_start3A_83] : memref<300000x128xf32, #tpu.memory_space<hbm>> -> memref<300000x128xf32, #tpu.memory_space<hbm>>
    tpu.enqueue_indirect_dma source(%dma_start3A_84 : memref<300000x128xf32, #tpu.memory_space<hbm>>) target(%dma_start3A_79 : memref<128x128xf32, #tpu.memory_space<vmem>>) offsets(%dma_start3A_81 : memref<128xi32, #tpu.memory_space<vmem>>) semaphore(%arg12 : memref<!tpu.dma_semaphore, #tpu.memory_space<semaphore_mem>>)
    %dma_wait3A_85 = arith.constant 2 : i32
    %dma_wait3A_86 = arith.constant 0 : i32
    %dma_wait3A_87 = arith.constant 0 : i32
    %dma_wait3A_88 = tpu.memref_slice %arg8[%dma_wait3A_85, %dma_wait3A_86, %dma_wait3A_87] : memref<4x128x128xf32, #tpu.memory_space<vmem>> -> memref<1x128x128xf32, #tpu.memory_space<vmem>>
    %dma_wait3A_89 = tpu.memref_squeeze %dma_wait3A_88 : memref<1x128x128xf32, #tpu.memory_space<vmem>> -> memref<128x128xf32, #tpu.memory_space<vmem>>
    %dma_wait3A_90 = arith.constant 0 : i32
    %dma_wait3A_91 = tpu.memref_slice %arg6[%dma_wait3A_90] : memref<5120xi32, #tpu.memory_space<vmem>> -> memref<128xi32, #tpu.memory_space<vmem>>
    %dma_wait3A_92 = arith.constant 0 : i32
    %dma_wait3A_93 = arith.constant 0 : i32
    %dma_wait3A_94 = tpu.memref_slice %arg2[%dma_wait3A_92, %dma_wait3A_93] : memref<300000x128xf32, #tpu.memory_space<hbm>> -> memref<300000x128xf32, #tpu.memory_space<hbm>>
    tpu.wait_indirect_dma semaphore(%arg11 : memref<!tpu.dma_semaphore, #tpu.memory_space<semaphore_mem>>) src(%dma_wait3A_94 : memref<300000x128xf32, #tpu.memory_space<hbm>>) dst(%dma_wait3A_89 : memref<128x128xf32, #tpu.memory_space<vmem>>)
    %dma_start3A_95 = arith.constant 2 : i32
    %dma_start3A_96 = arith.constant 2 : i32
    %dma_start3A_97 = arith.constant 0 : i32
    %dma_start3A_98 = arith.constant 0 : i32
    %dma_start3A_99 = tpu.memref_slice %arg8[%dma_start3A_95, %dma_start3A_97, %dma_start3A_98] : memref<4x128x128xf32, #tpu.memory_space<vmem>> -> memref<1x128x128xf32, #tpu.memory_space<vmem>>
    %dma_start3A_100 = tpu.memref_squeeze %dma_start3A_99 : memref<1x128x128xf32, #tpu.memory_space<vmem>> -> memref<128x128xf32, #tpu.memory_space<vmem>>
    %dma_start3A_101 = arith.constant 0 : i32
    %dma_start3A_102 = tpu.memref_slice %arg7[%dma_start3A_96, %dma_start3A_101] : memref<40x128xi32, #tpu.memory_space<vmem>> -> memref<1x128xi32, #tpu.memory_space<vmem>>
    %dma_start3A_103 = tpu.memref_squeeze %dma_start3A_102 : memref<1x128xi32, #tpu.memory_space<vmem>> -> memref<128xi32, #tpu.memory_space<vmem>>
    %dma_start3A_104 = arith.constant 0 : i32
    %dma_start3A_105 = arith.constant 0 : i32
    %dma_start3A_106 = tpu.memref_slice %arg5[%dma_start3A_104, %dma_start3A_105] : memref<163840x128xf32, #tpu.memory_space<hbm>> -> memref<163840x128xf32, #tpu.memory_space<hbm>>
    tpu.enqueue_indirect_dma source(%dma_start3A_100 : memref<128x128xf32, #tpu.memory_space<vmem>>) target(%dma_start3A_106 : memref<163840x128xf32, #tpu.memory_space<hbm>>) offsets(%dma_start3A_103 : memref<128xi32, #tpu.memory_space<vmem>>) semaphore(%arg15 : memref<!tpu.dma_semaphore, #tpu.memory_space<semaphore_mem>>)
    %dma_wait3A_107 = arith.constant 0 : i32
    %dma_wait3A_108 = arith.constant 0 : i32
    %dma_wait3A_109 = arith.constant 0 : i32
    %dma_wait3A_110 = arith.constant 0 : i32
    %dma_wait3A_111 = tpu.memref_slice %arg8[%dma_wait3A_107, %dma_wait3A_109, %dma_wait3A_110] : memref<4x128x128xf32, #tpu.memory_space<vmem>> -> memref<1x128x128xf32, #tpu.memory_space<vmem>>
    %dma_wait3A_112 = tpu.memref_squeeze %dma_wait3A_111 : memref<1x128x128xf32, #tpu.memory_space<vmem>> -> memref<128x128xf32, #tpu.memory_space<vmem>>
    %dma_wait3A_113 = arith.constant 0 : i32
    %dma_wait3A_114 = tpu.memref_slice %arg7[%dma_wait3A_108, %dma_wait3A_113] : memref<40x128xi32, #tpu.memory_space<vmem>> -> memref<1x128xi32, #tpu.memory_space<vmem>>
    %dma_wait3A_115 = tpu.memref_squeeze %dma_wait3A_114 : memref<1x128xi32, #tpu.memory_space<vmem>> -> memref<128xi32, #tpu.memory_space<vmem>>
    %dma_wait3A_116 = arith.constant 0 : i32
    %dma_wait3A_117 = arith.constant 0 : i32
    %dma_wait3A_118 = tpu.memref_slice %arg5[%dma_wait3A_116, %dma_wait3A_117] : memref<163840x128xf32, #tpu.memory_space<hbm>> -> memref<163840x128xf32, #tpu.memory_space<hbm>>
    tpu.wait_indirect_dma semaphore(%arg13 : memref<!tpu.dma_semaphore, #tpu.memory_space<semaphore_mem>>) src(%dma_wait3A_112 : memref<128x128xf32, #tpu.memory_space<vmem>>) dst(%dma_wait3A_118 : memref<163840x128xf32, #tpu.memory_space<hbm>>)
    %dma_start3A_119 = arith.constant 0 : i32
    %dma_start3A_120 = arith.constant 0 : i32
    %dma_start3A_121 = arith.constant 0 : i32
    %dma_start3A_122 = tpu.memref_slice %arg8[%dma_start3A_119, %dma_start3A_120, %dma_start3A_121] : memref<4x128x128xf32, #tpu.memory_space<vmem>> -> memref<1x128x128xf32, #tpu.memory_space<vmem>>
    %dma_start3A_123 = tpu.memref_squeeze %dma_start3A_122 : memref<1x128x128xf32, #tpu.memory_space<vmem>> -> memref<128x128xf32, #tpu.memory_space<vmem>>
    %dma_start3A_124 = arith.constant 512 : i32
    %dma_start3A_125 = tpu.memref_slice %arg6[%dma_start3A_124] : memref<5120xi32, #tpu.memory_space<vmem>> -> memref<128xi32, #tpu.memory_space<vmem>>
    %dma_start3A_126 = arith.constant 0 : i32
    %dma_start3A_127 = arith.constant 0 : i32
    %dma_start3A_128 = tpu.memref_slice %arg2[%dma_start3A_126, %dma_start3A_127] : memref<300000x128xf32, #tpu.memory_space<hbm>> -> memref<300000x128xf32, #tpu.memory_space<hbm>>
    tpu.enqueue_indirect_dma source(%dma_start3A_128 : memref<300000x128xf32, #tpu.memory_space<hbm>>) target(%dma_start3A_123 : memref<128x128xf32, #tpu.memory_space<vmem>>) offsets(%dma_start3A_125 : memref<128xi32, #tpu.memory_space<vmem>>) semaphore(%arg9 : memref<!tpu.dma_semaphore, #tpu.memory_space<semaphore_mem>>)
    %dma_wait3A_129 = arith.constant 3 : i32
    %dma_wait3A_130 = arith.constant 0 : i32
    %dma_wait3A_131 = arith.constant 0 : i32
    %dma_wait3A_132 = tpu.memref_slice %arg8[%dma_wait3A_129, %dma_wait3A_130, %dma_wait3A_131] : memref<4x128x128xf32, #tpu.memory_space<vmem>> -> memref<1x128x128xf32, #tpu.memory_space<vmem>>
    %dma_wait3A_133 = tpu.memref_squeeze %dma_wait3A_132 : memref<1x128x128xf32, #tpu.memory_space<vmem>> -> memref<128x128xf32, #tpu.memory_space<vmem>>
    %dma_wait3A_134 = arith.constant 0 : i32
    %dma_wait3A_135 = tpu.memref_slice %arg6[%dma_wait3A_134] : memref<5120xi32, #tpu.memory_space<vmem>> -> memref<128xi32, #tpu.memory_space<vmem>>
    %dma_wait3A_136 = arith.constant 0 : i32
    %dma_wait3A_137 = arith.constant 0 : i32
    %dma_wait3A_138 = tpu.memref_slice %arg2[%dma_wait3A_136, %dma_wait3A_137] : memref<300000x128xf32, #tpu.memory_space<hbm>> -> memref<300000x128xf32, #tpu.memory_space<hbm>>
    tpu.wait_indirect_dma semaphore(%arg12 : memref<!tpu.dma_semaphore, #tpu.memory_space<semaphore_mem>>) src(%dma_wait3A_138 : memref<300000x128xf32, #tpu.memory_space<hbm>>) dst(%dma_wait3A_133 : memref<128x128xf32, #tpu.memory_space<vmem>>)
    %dma_start3A_139 = arith.constant 3 : i32
    %dma_start3A_140 = arith.constant 3 : i32
    %dma_start3A_141 = arith.constant 0 : i32
    %dma_start3A_142 = arith.constant 0 : i32
    %dma_start3A_143 = tpu.memref_slice %arg8[%dma_start3A_139, %dma_start3A_141, %dma_start3A_142] : memref<4x128x128xf32, #tpu.memory_space<vmem>> -> memref<1x128x128xf32, #tpu.memory_space<vmem>>
    %dma_start3A_144 = tpu.memref_squeeze %dma_start3A_143 : memref<1x128x128xf32, #tpu.memory_space<vmem>> -> memref<128x128xf32, #tpu.memory_space<vmem>>
    %dma_start3A_145 = arith.constant 0 : i32
    %dma_start3A_146 = tpu.memref_slice %arg7[%dma_start3A_140, %dma_start3A_145] : memref<40x128xi32, #tpu.memory_space<vmem>> -> memref<1x128xi32, #tpu.memory_space<vmem>>
    %dma_start3A_147 = tpu.memref_squeeze %dma_start3A_146 : memref<1x128xi32, #tpu.memory_space<vmem>> -> memref<128xi32, #tpu.memory_space<vmem>>
    %dma_start3A_148 = arith.constant 0 : i32
    %dma_start3A_149 = arith.constant 0 : i32
    %dma_start3A_150 = tpu.memref_slice %arg5[%dma_start3A_148, %dma_start3A_149] : memref<163840x128xf32, #tpu.memory_space<hbm>> -> memref<163840x128xf32, #tpu.memory_space<hbm>>
    tpu.enqueue_indirect_dma source(%dma_start3A_144 : memref<128x128xf32, #tpu.memory_space<vmem>>) target(%dma_start3A_150 : memref<163840x128xf32, #tpu.memory_space<hbm>>) offsets(%dma_start3A_147 : memref<128xi32, #tpu.memory_space<vmem>>) semaphore(%arg16 : memref<!tpu.dma_semaphore, #tpu.memory_space<semaphore_mem>>)
    %dma_wait3A_151 = arith.constant 0 : i32
    %dma_wait3A_152 = arith.constant 0 : i32
    %dma_wait3A_153 = arith.constant 0 : i32
    %dma_wait3A_154 = arith.constant 0 : i32
    %dma_wait3A_155 = tpu.memref_slice %arg8[%dma_wait3A_151, %dma_wait3A_153, %dma_wait3A_154] : memref<4x128x128xf32, #tpu.memory_space<vmem>> -> memref<1x128x128xf32, #tpu.memory_space<vmem>>
    %dma_wait3A_156 = tpu.memref_squeeze %dma_wait3A_155 : memref<1x128x128xf32, #tpu.memory_space<vmem>> -> memref<128x128xf32, #tpu.memory_space<vmem>>
    %dma_wait3A_157 = arith.constant 0 : i32
    %dma_wait3A_158 = tpu.memref_slice %arg7[%dma_wait3A_152, %dma_wait3A_157] : memref<40x128xi32, #tpu.memory_space<vmem>> -> memref<1x128xi32, #tpu.memory_space<vmem>>
    %dma_wait3A_159 = tpu.memref_squeeze %dma_wait3A_158 : memref<1x128xi32, #tpu.memory_space<vmem>> -> memref<128xi32, #tpu.memory_space<vmem>>
    %dma_wait3A_160 = arith.constant 0 : i32
    %dma_wait3A_161 = arith.constant 0 : i32
    %dma_wait3A_162 = tpu.memref_slice %arg5[%dma_wait3A_160, %dma_wait3A_161] : memref<163840x128xf32, #tpu.memory_space<hbm>> -> memref<163840x128xf32, #tpu.memory_space<hbm>>
    tpu.wait_indirect_dma semaphore(%arg14 : memref<!tpu.dma_semaphore, #tpu.memory_space<semaphore_mem>>) src(%dma_wait3A_156 : memref<128x128xf32, #tpu.memory_space<vmem>>) dst(%dma_wait3A_162 : memref<163840x128xf32, #tpu.memory_space<hbm>>)
    %dma_start3A_163 = arith.constant 1 : i32
    %dma_start3A_164 = arith.constant 0 : i32
    %dma_start3A_165 = arith.constant 0 : i32
    %dma_start3A_166 = tpu.memref_slice %arg8[%dma_start3A_163, %dma_start3A_164, %dma_start3A_165] : memref<4x128x128xf32, #tpu.memory_space<vmem>> -> memref<1x128x128xf32, #tpu.memory_space<vmem>>
    %dma_start3A_167 = tpu.memref_squeeze %dma_start3A_166 : memref<1x128x128xf32, #tpu.memory_space<vmem>> -> memref<128x128xf32, #tpu.memory_space<vmem>>
    %dma_start3A_168 = arith.constant 640 : i32
    %dma_start3A_169 = tpu.memref_slice %arg6[%dma_start3A_168] : memref<5120xi32, #tpu.memory_space<vmem>> -> memref<128xi32, #tpu.memory_space<vmem>>
    %dma_start3A_170 = arith.constant 0 : i32
    %dma_start3A_171 = arith.constant 0 : i32
    %dma_start3A_172 = tpu.memref_slice %arg2[%dma_start3A_170, %dma_start3A_171] : memref<300000x128xf32, #tpu.memory_space<hbm>> -> memref<300000x128xf32, #tpu.memory_space<hbm>>
    tpu.enqueue_indirect_dma source(%dma_start3A_172 : memref<300000x128xf32, #tpu.memory_space<hbm>>) target(%dma_start3A_167 : memref<128x128xf32, #tpu.memory_space<vmem>>) offsets(%dma_start3A_169 : memref<128xi32, #tpu.memory_space<vmem>>) semaphore(%arg10 : memref<!tpu.dma_semaphore, #tpu.memory_space<semaphore_mem>>)
    %scan3A = arith.constant 0 : i32
    %scan3A_173 = arith.constant 1 : i32
    %scan3A_174 = arith.constant 8 : i32
    %scan3A_175 = arith.addi %scan3A_173, %scan3A_174 : i32
    %scan3A_176 = arith.constant 1 : i32
    scf.for %scan3A_358 = %scan3A_173 to %scan3A_175 step %scan3A_176  : i32 {
      %mul3A_359 = arith.constant 4 : i32
      %mul3A_360 = arith.muli %mul3A_359, %scan3A_358 : i32
      %add3A_361 = arith.constant 0 : i32
      %add3A_362 = arith.addi %mul3A_360, %add3A_361 : i32
      %dma_wait3A_363 = arith.constant 0 : i32
      %dma_wait3A_364 = arith.constant 0 : i32
      %dma_wait3A_365 = arith.constant 0 : i32
      %dma_wait3A_366 = tpu.memref_slice %arg8[%dma_wait3A_363, %dma_wait3A_364, %dma_wait3A_365] : memref<4x128x128xf32, #tpu.memory_space<vmem>> -> memref<1x128x128xf32, #tpu.memory_space<vmem>>
      %dma_wait3A_367 = tpu.memref_squeeze %dma_wait3A_366 : memref<1x128x128xf32, #tpu.memory_space<vmem>> -> memref<128x128xf32, #tpu.memory_space<vmem>>
      %dma_wait3A_368 = arith.constant 0 : i32
      %dma_wait3A_369 = tpu.memref_slice %arg6[%dma_wait3A_368] : memref<5120xi32, #tpu.memory_space<vmem>> -> memref<128xi32, #tpu.memory_space<vmem>>
      %dma_wait3A_370 = arith.constant 0 : i32
      %dma_wait3A_371 = arith.constant 0 : i32
      %dma_wait3A_372 = tpu.memref_slice %arg2[%dma_wait3A_370, %dma_wait3A_371] : memref<300000x128xf32, #tpu.memory_space<hbm>> -> memref<300000x128xf32, #tpu.memory_space<hbm>>
      tpu.wait_indirect_dma semaphore(%arg9 : memref<!tpu.dma_semaphore, #tpu.memory_space<semaphore_mem>>) src(%dma_wait3A_372 : memref<300000x128xf32, #tpu.memory_space<hbm>>) dst(%dma_wait3A_367 : memref<128x128xf32, #tpu.memory_space<vmem>>)
      %dma_start3A_373 = arith.constant 0 : i32
      %dma_start3A_374 = arith.constant 0 : i32
      %dma_start3A_375 = arith.constant 0 : i32
      %dma_start3A_376 = tpu.memref_slice %arg8[%dma_start3A_373, %dma_start3A_374, %dma_start3A_375] : memref<4x128x128xf32, #tpu.memory_space<vmem>> -> memref<1x128x128xf32, #tpu.memory_space<vmem>>
      %dma_start3A_377 = tpu.memref_squeeze %dma_start3A_376 : memref<1x128x128xf32, #tpu.memory_space<vmem>> -> memref<128x128xf32, #tpu.memory_space<vmem>>
      %dma_start3A_378 = arith.constant 0 : i32
      %dma_start3A_379 = tpu.memref_slice %arg7[%add3A_362, %dma_start3A_378] : memref<40x128xi32, #tpu.memory_space<vmem>> -> memref<1x128xi32, #tpu.memory_space<vmem>>
      %dma_start3A_380 = tpu.memref_squeeze %dma_start3A_379 : memref<1x128xi32, #tpu.memory_space<vmem>> -> memref<128xi32, #tpu.memory_space<vmem>>
      %dma_start3A_381 = arith.constant 0 : i32
      %dma_start3A_382 = arith.constant 0 : i32
      %dma_start3A_383 = tpu.memref_slice %arg5[%dma_start3A_381, %dma_start3A_382] : memref<163840x128xf32, #tpu.memory_space<hbm>> -> memref<163840x128xf32, #tpu.memory_space<hbm>>
      tpu.enqueue_indirect_dma source(%dma_start3A_377 : memref<128x128xf32, #tpu.memory_space<vmem>>) target(%dma_start3A_383 : memref<163840x128xf32, #tpu.memory_space<hbm>>) offsets(%dma_start3A_380 : memref<128xi32, #tpu.memory_space<vmem>>) semaphore(%arg13 : memref<!tpu.dma_semaphore, #tpu.memory_space<semaphore_mem>>)
      %dma_wait3A_384 = arith.constant 0 : i32
      %dma_wait3A_385 = arith.constant 0 : i32
      %dma_wait3A_386 = arith.constant 0 : i32
      %dma_wait3A_387 = arith.constant 0 : i32
      %dma_wait3A_388 = tpu.memref_slice %arg8[%dma_wait3A_384, %dma_wait3A_386, %dma_wait3A_387] : memref<4x128x128xf32, #tpu.memory_space<vmem>> -> memref<1x128x128xf32, #tpu.memory_space<vmem>>
      %dma_wait3A_389 = tpu.memref_squeeze %dma_wait3A_388 : memref<1x128x128xf32, #tpu.memory_space<vmem>> -> memref<128x128xf32, #tpu.memory_space<vmem>>
      %dma_wait3A_390 = arith.constant 0 : i32
      %dma_wait3A_391 = tpu.memref_slice %arg7[%dma_wait3A_385, %dma_wait3A_390] : memref<40x128xi32, #tpu.memory_space<vmem>> -> memref<1x128xi32, #tpu.memory_space<vmem>>
      %dma_wait3A_392 = tpu.memref_squeeze %dma_wait3A_391 : memref<1x128xi32, #tpu.memory_space<vmem>> -> memref<128xi32, #tpu.memory_space<vmem>>
      %dma_wait3A_393 = arith.constant 0 : i32
      %dma_wait3A_394 = arith.constant 0 : i32
      %dma_wait3A_395 = tpu.memref_slice %arg5[%dma_wait3A_393, %dma_wait3A_394] : memref<163840x128xf32, #tpu.memory_space<hbm>> -> memref<163840x128xf32, #tpu.memory_space<hbm>>
      tpu.wait_indirect_dma semaphore(%arg15 : memref<!tpu.dma_semaphore, #tpu.memory_space<semaphore_mem>>) src(%dma_wait3A_389 : memref<128x128xf32, #tpu.memory_space<vmem>>) dst(%dma_wait3A_395 : memref<163840x128xf32, #tpu.memory_space<hbm>>)
      %add3A_396 = arith.constant 2 : i32
      %add3A_397 = arith.addi %add3A_362, %add3A_396 : i32
      %mul3A_398 = arith.constant 128 : i32
      %mul3A_399 = arith.muli %add3A_397, %mul3A_398 : i32
      %dma_start3A_400 = arith.constant 2 : i32
      %dma_start3A_401 = arith.constant 0 : i32
      %dma_start3A_402 = arith.constant 0 : i32
      %dma_start3A_403 = tpu.memref_slice %arg8[%dma_start3A_400, %dma_start3A_401, %dma_start3A_402] : memref<4x128x128xf32, #tpu.memory_space<vmem>> -> memref<1x128x128xf32, #tpu.memory_space<vmem>>
      %dma_start3A_404 = tpu.memref_squeeze %dma_start3A_403 : memref<1x128x128xf32, #tpu.memory_space<vmem>> -> memref<128x128xf32, #tpu.memory_space<vmem>>
      %dma_start3A_405 = tpu.memref_slice %arg6[%mul3A_399] : memref<5120xi32, #tpu.memory_space<vmem>> -> memref<128xi32, #tpu.memory_space<vmem>>
      %dma_start3A_406 = arith.constant 0 : i32
      %dma_start3A_407 = arith.constant 0 : i32
      %dma_start3A_408 = tpu.memref_slice %arg2[%dma_start3A_406, %dma_start3A_407] : memref<300000x128xf32, #tpu.memory_space<hbm>> -> memref<300000x128xf32, #tpu.memory_space<hbm>>
      tpu.enqueue_indirect_dma source(%dma_start3A_408 : memref<300000x128xf32, #tpu.memory_space<hbm>>) target(%dma_start3A_404 : memref<128x128xf32, #tpu.memory_space<vmem>>) offsets(%dma_start3A_405 : memref<128xi32, #tpu.memory_space<vmem>>) semaphore(%arg11 : memref<!tpu.dma_semaphore, #tpu.memory_space<semaphore_mem>>)
      %mul3A_409 = arith.constant 4 : i32
      %mul3A_410 = arith.muli %mul3A_409, %scan3A_358 : i32
      %add3A_411 = arith.constant 1 : i32
      %add3A_412 = arith.addi %mul3A_410, %add3A_411 : i32
      %dma_wait3A_413 = arith.constant 1 : i32
      %dma_wait3A_414 = arith.constant 0 : i32
      %dma_wait3A_415 = arith.constant 0 : i32
      %dma_wait3A_416 = tpu.memref_slice %arg8[%dma_wait3A_413, %dma_wait3A_414, %dma_wait3A_415] : memref<4x128x128xf32, #tpu.memory_space<vmem>> -> memref<1x128x128xf32, #tpu.memory_space<vmem>>
      %dma_wait3A_417 = tpu.memref_squeeze %dma_wait3A_416 : memref<1x128x128xf32, #tpu.memory_space<vmem>> -> memref<128x128xf32, #tpu.memory_space<vmem>>
      %dma_wait3A_418 = arith.constant 0 : i32
      %dma_wait3A_419 = tpu.memref_slice %arg6[%dma_wait3A_418] : memref<5120xi32, #tpu.memory_space<vmem>> -> memref<128xi32, #tpu.memory_space<vmem>>
      %dma_wait3A_420 = arith.constant 0 : i32
      %dma_wait3A_421 = arith.constant 0 : i32
      %dma_wait3A_422 = tpu.memref_slice %arg2[%dma_wait3A_420, %dma_wait3A_421] : memref<300000x128xf32, #tpu.memory_space<hbm>> -> memref<300000x128xf32, #tpu.memory_space<hbm>>
      tpu.wait_indirect_dma semaphore(%arg10 : memref<!tpu.dma_semaphore, #tpu.memory_space<semaphore_mem>>) src(%dma_wait3A_422 : memref<300000x128xf32, #tpu.memory_space<hbm>>) dst(%dma_wait3A_417 : memref<128x128xf32, #tpu.memory_space<vmem>>)
      %dma_start3A_423 = arith.constant 1 : i32
      %dma_start3A_424 = arith.constant 0 : i32
      %dma_start3A_425 = arith.constant 0 : i32
      %dma_start3A_426 = tpu.memref_slice %arg8[%dma_start3A_423, %dma_start3A_424, %dma_start3A_425] : memref<4x128x128xf32, #tpu.memory_space<vmem>> -> memref<1x128x128xf32, #tpu.memory_space<vmem>>
      %dma_start3A_427 = tpu.memref_squeeze %dma_start3A_426 : memref<1x128x128xf32, #tpu.memory_space<vmem>> -> memref<128x128xf32, #tpu.memory_space<vmem>>
      %dma_start3A_428 = arith.constant 0 : i32
      %dma_start3A_429 = tpu.memref_slice %arg7[%add3A_412, %dma_start3A_428] : memref<40x128xi32, #tpu.memory_space<vmem>> -> memref<1x128xi32, #tpu.memory_space<vmem>>
      %dma_start3A_430 = tpu.memref_squeeze %dma_start3A_429 : memref<1x128xi32, #tpu.memory_space<vmem>> -> memref<128xi32, #tpu.memory_space<vmem>>
      %dma_start3A_431 = arith.constant 0 : i32
      %dma_start3A_432 = arith.constant 0 : i32
      %dma_start3A_433 = tpu.memref_slice %arg5[%dma_start3A_431, %dma_start3A_432] : memref<163840x128xf32, #tpu.memory_space<hbm>> -> memref<163840x128xf32, #tpu.memory_space<hbm>>
      tpu.enqueue_indirect_dma source(%dma_start3A_427 : memref<128x128xf32, #tpu.memory_space<vmem>>) target(%dma_start3A_433 : memref<163840x128xf32, #tpu.memory_space<hbm>>) offsets(%dma_start3A_430 : memref<128xi32, #tpu.memory_space<vmem>>) semaphore(%arg14 : memref<!tpu.dma_semaphore, #tpu.memory_space<semaphore_mem>>)
      %dma_wait3A_434 = arith.constant 0 : i32
      %dma_wait3A_435 = arith.constant 0 : i32
      %dma_wait3A_436 = arith.constant 0 : i32
      %dma_wait3A_437 = arith.constant 0 : i32
      %dma_wait3A_438 = tpu.memref_slice %arg8[%dma_wait3A_434, %dma_wait3A_436, %dma_wait3A_437] : memref<4x128x128xf32, #tpu.memory_space<vmem>> -> memref<1x128x128xf32, #tpu.memory_space<vmem>>
      %dma_wait3A_439 = tpu.memref_squeeze %dma_wait3A_438 : memref<1x128x128xf32, #tpu.memory_space<vmem>> -> memref<128x128xf32, #tpu.memory_space<vmem>>
      %dma_wait3A_440 = arith.constant 0 : i32
      %dma_wait3A_441 = tpu.memref_slice %arg7[%dma_wait3A_435, %dma_wait3A_440] : memref<40x128xi32, #tpu.memory_space<vmem>> -> memref<1x128xi32, #tpu.memory_space<vmem>>
      %dma_wait3A_442 = tpu.memref_squeeze %dma_wait3A_441 : memref<1x128xi32, #tpu.memory_space<vmem>> -> memref<128xi32, #tpu.memory_space<vmem>>
      %dma_wait3A_443 = arith.constant 0 : i32
      %dma_wait3A_444 = arith.constant 0 : i32
      %dma_wait3A_445 = tpu.memref_slice %arg5[%dma_wait3A_443, %dma_wait3A_444] : memref<163840x128xf32, #tpu.memory_space<hbm>> -> memref<163840x128xf32, #tpu.memory_space<hbm>>
      tpu.wait_indirect_dma semaphore(%arg16 : memref<!tpu.dma_semaphore, #tpu.memory_space<semaphore_mem>>) src(%dma_wait3A_439 : memref<128x128xf32, #tpu.memory_space<vmem>>) dst(%dma_wait3A_445 : memref<163840x128xf32, #tpu.memory_space<hbm>>)
      %add3A_446 = arith.constant 2 : i32
      %add3A_447 = arith.addi %add3A_412, %add3A_446 : i32
      %mul3A_448 = arith.constant 128 : i32
      %mul3A_449 = arith.muli %add3A_447, %mul3A_448 : i32
      %dma_start3A_450 = arith.constant 3 : i32
      %dma_start3A_451 = arith.constant 0 : i32
      %dma_start3A_452 = arith.constant 0 : i32
      %dma_start3A_453 = tpu.memref_slice %arg8[%dma_start3A_450, %dma_start3A_451, %dma_start3A_452] : memref<4x128x128xf32, #tpu.memory_space<vmem>> -> memref<1x128x128xf32, #tpu.memory_space<vmem>>
      %dma_start3A_454 = tpu.memref_squeeze %dma_start3A_453 : memref<1x128x128xf32, #tpu.memory_space<vmem>> -> memref<128x128xf32, #tpu.memory_space<vmem>>
      %dma_start3A_455 = tpu.memref_slice %arg6[%mul3A_449] : memref<5120xi32, #tpu.memory_space<vmem>> -> memref<128xi32, #tpu.memory_space<vmem>>
      %dma_start3A_456 = arith.constant 0 : i32
      %dma_start3A_457 = arith.constant 0 : i32
      %dma_start3A_458 = tpu.memref_slice %arg2[%dma_start3A_456, %dma_start3A_457] : memref<300000x128xf32, #tpu.memory_space<hbm>> -> memref<300000x128xf32, #tpu.memory_space<hbm>>
      tpu.enqueue_indirect_dma source(%dma_start3A_458 : memref<300000x128xf32, #tpu.memory_space<hbm>>) target(%dma_start3A_454 : memref<128x128xf32, #tpu.memory_space<vmem>>) offsets(%dma_start3A_455 : memref<128xi32, #tpu.memory_space<vmem>>) semaphore(%arg12 : memref<!tpu.dma_semaphore, #tpu.memory_space<semaphore_mem>>)
      %mul3A_459 = arith.constant 4 : i32
      %mul3A_460 = arith.muli %mul3A_459, %scan3A_358 : i32
      %add3A_461 = arith.constant 2 : i32
      %add3A_462 = arith.addi %mul3A_460, %add3A_461 : i32
      %dma_wait3A_463 = arith.constant 2 : i32
      %dma_wait3A_464 = arith.constant 0 : i32
      %dma_wait3A_465 = arith.constant 0 : i32
      %dma_wait3A_466 = tpu.memref_slice %arg8[%dma_wait3A_463, %dma_wait3A_464, %dma_wait3A_465] : memref<4x128x128xf32, #tpu.memory_space<vmem>> -> memref<1x128x128xf32, #tpu.memory_space<vmem>>
      %dma_wait3A_467 = tpu.memref_squeeze %dma_wait3A_466 : memref<1x128x128xf32, #tpu.memory_space<vmem>> -> memref<128x128xf32, #tpu.memory_space<vmem>>
      %dma_wait3A_468 = arith.constant 0 : i32
      %dma_wait3A_469 = tpu.memref_slice %arg6[%dma_wait3A_468] : memref<5120xi32, #tpu.memory_space<vmem>> -> memref<128xi32, #tpu.memory_space<vmem>>
      %dma_wait3A_470 = arith.constant 0 : i32
      %dma_wait3A_471 = arith.constant 0 : i32
      %dma_wait3A_472 = tpu.memref_slice %arg2[%dma_wait3A_470, %dma_wait3A_471] : memref<300000x128xf32, #tpu.memory_space<hbm>> -> memref<300000x128xf32, #tpu.memory_space<hbm>>
      tpu.wait_indirect_dma semaphore(%arg11 : memref<!tpu.dma_semaphore, #tpu.memory_space<semaphore_mem>>) src(%dma_wait3A_472 : memref<300000x128xf32, #tpu.memory_space<hbm>>) dst(%dma_wait3A_467 : memref<128x128xf32, #tpu.memory_space<vmem>>)
      %dma_start3A_473 = arith.constant 2 : i32
      %dma_start3A_474 = arith.constant 0 : i32
      %dma_start3A_475 = arith.constant 0 : i32
      %dma_start3A_476 = tpu.memref_slice %arg8[%dma_start3A_473, %dma_start3A_474, %dma_start3A_475] : memref<4x128x128xf32, #tpu.memory_space<vmem>> -> memref<1x128x128xf32, #tpu.memory_space<vmem>>
      %dma_start3A_477 = tpu.memref_squeeze %dma_start3A_476 : memref<1x128x128xf32, #tpu.memory_space<vmem>> -> memref<128x128xf32, #tpu.memory_space<vmem>>
      %dma_start3A_478 = arith.constant 0 : i32
      %dma_start3A_479 = tpu.memref_slice %arg7[%add3A_462, %dma_start3A_478] : memref<40x128xi32, #tpu.memory_space<vmem>> -> memref<1x128xi32, #tpu.memory_space<vmem>>
      %dma_start3A_480 = tpu.memref_squeeze %dma_start3A_479 : memref<1x128xi32, #tpu.memory_space<vmem>> -> memref<128xi32, #tpu.memory_space<vmem>>
      %dma_start3A_481 = arith.constant 0 : i32
      %dma_start3A_482 = arith.constant 0 : i32
      %dma_start3A_483 = tpu.memref_slice %arg5[%dma_start3A_481, %dma_start3A_482] : memref<163840x128xf32, #tpu.memory_space<hbm>> -> memref<163840x128xf32, #tpu.memory_space<hbm>>
      tpu.enqueue_indirect_dma source(%dma_start3A_477 : memref<128x128xf32, #tpu.memory_space<vmem>>) target(%dma_start3A_483 : memref<163840x128xf32, #tpu.memory_space<hbm>>) offsets(%dma_start3A_480 : memref<128xi32, #tpu.memory_space<vmem>>) semaphore(%arg15 : memref<!tpu.dma_semaphore, #tpu.memory_space<semaphore_mem>>)
      %dma_wait3A_484 = arith.constant 0 : i32
      %dma_wait3A_485 = arith.constant 0 : i32
      %dma_wait3A_486 = arith.constant 0 : i32
      %dma_wait3A_487 = arith.constant 0 : i32
      %dma_wait3A_488 = tpu.memref_slice %arg8[%dma_wait3A_484, %dma_wait3A_486, %dma_wait3A_487] : memref<4x128x128xf32, #tpu.memory_space<vmem>> -> memref<1x128x128xf32, #tpu.memory_space<vmem>>
      %dma_wait3A_489 = tpu.memref_squeeze %dma_wait3A_488 : memref<1x128x128xf32, #tpu.memory_space<vmem>> -> memref<128x128xf32, #tpu.memory_space<vmem>>
      %dma_wait3A_490 = arith.constant 0 : i32
      %dma_wait3A_491 = tpu.memref_slice %arg7[%dma_wait3A_485, %dma_wait3A_490] : memref<40x128xi32, #tpu.memory_space<vmem>> -> memref<1x128xi32, #tpu.memory_space<vmem>>
      %dma_wait3A_492 = tpu.memref_squeeze %dma_wait3A_491 : memref<1x128xi32, #tpu.memory_space<vmem>> -> memref<128xi32, #tpu.memory_space<vmem>>
      %dma_wait3A_493 = arith.constant 0 : i32
      %dma_wait3A_494 = arith.constant 0 : i32
      %dma_wait3A_495 = tpu.memref_slice %arg5[%dma_wait3A_493, %dma_wait3A_494] : memref<163840x128xf32, #tpu.memory_space<hbm>> -> memref<163840x128xf32, #tpu.memory_space<hbm>>
      tpu.wait_indirect_dma semaphore(%arg13 : memref<!tpu.dma_semaphore, #tpu.memory_space<semaphore_mem>>) src(%dma_wait3A_489 : memref<128x128xf32, #tpu.memory_space<vmem>>) dst(%dma_wait3A_495 : memref<163840x128xf32, #tpu.memory_space<hbm>>)
      %add3A_496 = arith.constant 2 : i32
      %add3A_497 = arith.addi %add3A_462, %add3A_496 : i32
      %mul3A_498 = arith.constant 128 : i32
      %mul3A_499 = arith.muli %add3A_497, %mul3A_498 : i32
      %dma_start3A_500 = arith.constant 0 : i32
      %dma_start3A_501 = arith.constant 0 : i32
      %dma_start3A_502 = arith.constant 0 : i32
      %dma_start3A_503 = tpu.memref_slice %arg8[%dma_start3A_500, %dma_start3A_501, %dma_start3A_502] : memref<4x128x128xf32, #tpu.memory_space<vmem>> -> memref<1x128x128xf32, #tpu.memory_space<vmem>>
      %dma_start3A_504 = tpu.memref_squeeze %dma_start3A_503 : memref<1x128x128xf32, #tpu.memory_space<vmem>> -> memref<128x128xf32, #tpu.memory_space<vmem>>
      %dma_start3A_505 = tpu.memref_slice %arg6[%mul3A_499] : memref<5120xi32, #tpu.memory_space<vmem>> -> memref<128xi32, #tpu.memory_space<vmem>>
      %dma_start3A_506 = arith.constant 0 : i32
      %dma_start3A_507 = arith.constant 0 : i32
      %dma_start3A_508 = tpu.memref_slice %arg2[%dma_start3A_506, %dma_start3A_507] : memref<300000x128xf32, #tpu.memory_space<hbm>> -> memref<300000x128xf32, #tpu.memory_space<hbm>>
      tpu.enqueue_indirect_dma source(%dma_start3A_508 : memref<300000x128xf32, #tpu.memory_space<hbm>>) target(%dma_start3A_504 : memref<128x128xf32, #tpu.memory_space<vmem>>) offsets(%dma_start3A_505 : memref<128xi32, #tpu.memory_space<vmem>>) semaphore(%arg9 : memref<!tpu.dma_semaphore, #tpu.memory_space<semaphore_mem>>)
      %mul3A_509 = arith.constant 4 : i32
      %mul3A_510 = arith.muli %mul3A_509, %scan3A_358 : i32
      %add3A_511 = arith.constant 3 : i32
      %add3A_512 = arith.addi %mul3A_510, %add3A_511 : i32
      %dma_wait3A_513 = arith.constant 3 : i32
      %dma_wait3A_514 = arith.constant 0 : i32
      %dma_wait3A_515 = arith.constant 0 : i32
      %dma_wait3A_516 = tpu.memref_slice %arg8[%dma_wait3A_513, %dma_wait3A_514, %dma_wait3A_515] : memref<4x128x128xf32, #tpu.memory_space<vmem>> -> memref<1x128x128xf32, #tpu.memory_space<vmem>>
      %dma_wait3A_517 = tpu.memref_squeeze %dma_wait3A_516 : memref<1x128x128xf32, #tpu.memory_space<vmem>> -> memref<128x128xf32, #tpu.memory_space<vmem>>
      %dma_wait3A_518 = arith.constant 0 : i32
      %dma_wait3A_519 = tpu.memref_slice %arg6[%dma_wait3A_518] : memref<5120xi32, #tpu.memory_space<vmem>> -> memref<128xi32, #tpu.memory_space<vmem>>
      %dma_wait3A_520 = arith.constant 0 : i32
      %dma_wait3A_521 = arith.constant 0 : i32
      %dma_wait3A_522 = tpu.memref_slice %arg2[%dma_wait3A_520, %dma_wait3A_521] : memref<300000x128xf32, #tpu.memory_space<hbm>> -> memref<300000x128xf32, #tpu.memory_space<hbm>>
      tpu.wait_indirect_dma semaphore(%arg12 : memref<!tpu.dma_semaphore, #tpu.memory_space<semaphore_mem>>) src(%dma_wait3A_522 : memref<300000x128xf32, #tpu.memory_space<hbm>>) dst(%dma_wait3A_517 : memref<128x128xf32, #tpu.memory_space<vmem>>)
      %dma_start3A_523 = arith.constant 3 : i32
      %dma_start3A_524 = arith.constant 0 : i32
      %dma_start3A_525 = arith.constant 0 : i32
      %dma_start3A_526 = tpu.memref_slice %arg8[%dma_start3A_523, %dma_start3A_524, %dma_start3A_525] : memref<4x128x128xf32, #tpu.memory_space<vmem>> -> memref<1x128x128xf32, #tpu.memory_space<vmem>>
      %dma_start3A_527 = tpu.memref_squeeze %dma_start3A_526 : memref<1x128x128xf32, #tpu.memory_space<vmem>> -> memref<128x128xf32, #tpu.memory_space<vmem>>
      %dma_start3A_528 = arith.constant 0 : i32
      %dma_start3A_529 = tpu.memref_slice %arg7[%add3A_512, %dma_start3A_528] : memref<40x128xi32, #tpu.memory_space<vmem>> -> memref<1x128xi32, #tpu.memory_space<vmem>>
      %dma_start3A_530 = tpu.memref_squeeze %dma_start3A_529 : memref<1x128xi32, #tpu.memory_space<vmem>> -> memref<128xi32, #tpu.memory_space<vmem>>
      %dma_start3A_531 = arith.constant 0 : i32
      %dma_start3A_532 = arith.constant 0 : i32
      %dma_start3A_533 = tpu.memref_slice %arg5[%dma_start3A_531, %dma_start3A_532] : memref<163840x128xf32, #tpu.memory_space<hbm>> -> memref<163840x128xf32, #tpu.memory_space<hbm>>
      tpu.enqueue_indirect_dma source(%dma_start3A_527 : memref<128x128xf32, #tpu.memory_space<vmem>>) target(%dma_start3A_533 : memref<163840x128xf32, #tpu.memory_space<hbm>>) offsets(%dma_start3A_530 : memref<128xi32, #tpu.memory_space<vmem>>) semaphore(%arg16 : memref<!tpu.dma_semaphore, #tpu.memory_space<semaphore_mem>>)
      %dma_wait3A_534 = arith.constant 0 : i32
      %dma_wait3A_535 = arith.constant 0 : i32
      %dma_wait3A_536 = arith.constant 0 : i32
      %dma_wait3A_537 = arith.constant 0 : i32
      %dma_wait3A_538 = tpu.memref_slice %arg8[%dma_wait3A_534, %dma_wait3A_536, %dma_wait3A_537] : memref<4x128x128xf32, #tpu.memory_space<vmem>> -> memref<1x128x128xf32, #tpu.memory_space<vmem>>
      %dma_wait3A_539 = tpu.memref_squeeze %dma_wait3A_538 : memref<1x128x128xf32, #tpu.memory_space<vmem>> -> memref<128x128xf32, #tpu.memory_space<vmem>>
      %dma_wait3A_540 = arith.constant 0 : i32
      %dma_wait3A_541 = tpu.memref_slice %arg7[%dma_wait3A_535, %dma_wait3A_540] : memref<40x128xi32, #tpu.memory_space<vmem>> -> memref<1x128xi32, #tpu.memory_space<vmem>>
      %dma_wait3A_542 = tpu.memref_squeeze %dma_wait3A_541 : memref<1x128xi32, #tpu.memory_space<vmem>> -> memref<128xi32, #tpu.memory_space<vmem>>
      %dma_wait3A_543 = arith.constant 0 : i32
      %dma_wait3A_544 = arith.constant 0 : i32
      %dma_wait3A_545 = tpu.memref_slice %arg5[%dma_wait3A_543, %dma_wait3A_544] : memref<163840x128xf32, #tpu.memory_space<hbm>> -> memref<163840x128xf32, #tpu.memory_space<hbm>>
      tpu.wait_indirect_dma semaphore(%arg14 : memref<!tpu.dma_semaphore, #tpu.memory_space<semaphore_mem>>) src(%dma_wait3A_539 : memref<128x128xf32, #tpu.memory_space<vmem>>) dst(%dma_wait3A_545 : memref<163840x128xf32, #tpu.memory_space<hbm>>)
      %add3A_546 = arith.constant 2 : i32
      %add3A_547 = arith.addi %add3A_512, %add3A_546 : i32
      %mul3A_548 = arith.constant 128 : i32
      %mul3A_549 = arith.muli %add3A_547, %mul3A_548 : i32
      %dma_start3A_550 = arith.constant 1 : i32
      %dma_start3A_551 = arith.constant 0 : i32
      %dma_start3A_552 = arith.constant 0 : i32
      %dma_start3A_553 = tpu.memref_slice %arg8[%dma_start3A_550, %dma_start3A_551, %dma_start3A_552] : memref<4x128x128xf32, #tpu.memory_space<vmem>> -> memref<1x128x128xf32, #tpu.memory_space<vmem>>
      %dma_start3A_554 = tpu.memref_squeeze %dma_start3A_553 : memref<1x128x128xf32, #tpu.memory_space<vmem>> -> memref<128x128xf32, #tpu.memory_space<vmem>>
      %dma_start3A_555 = tpu.memref_slice %arg6[%mul3A_549] : memref<5120xi32, #tpu.memory_space<vmem>> -> memref<128xi32, #tpu.memory_space<vmem>>
      %dma_start3A_556 = arith.constant 0 : i32
      %dma_start3A_557 = arith.constant 0 : i32
      %dma_start3A_558 = tpu.memref_slice %arg2[%dma_start3A_556, %dma_start3A_557] : memref<300000x128xf32, #tpu.memory_space<hbm>> -> memref<300000x128xf32, #tpu.memory_space<hbm>>
      tpu.enqueue_indirect_dma source(%dma_start3A_558 : memref<300000x128xf32, #tpu.memory_space<hbm>>) target(%dma_start3A_554 : memref<128x128xf32, #tpu.memory_space<vmem>>) offsets(%dma_start3A_555 : memref<128xi32, #tpu.memory_space<vmem>>) semaphore(%arg10 : memref<!tpu.dma_semaphore, #tpu.memory_space<semaphore_mem>>)
    }
    %scan3A_177 = arith.constant 8 : i32
    %dma_wait3A_178 = arith.constant 0 : i32
    %dma_wait3A_179 = arith.constant 0 : i32
    %dma_wait3A_180 = arith.constant 0 : i32
    %dma_wait3A_181 = tpu.memref_slice %arg8[%dma_wait3A_178, %dma_wait3A_179, %dma_wait3A_180] : memref<4x128x128xf32, #tpu.memory_space<vmem>> -> memref<1x128x128xf32, #tpu.memory_space<vmem>>
    %dma_wait3A_182 = tpu.memref_squeeze %dma_wait3A_181 : memref<1x128x128xf32, #tpu.memory_space<vmem>> -> memref<128x128xf32, #tpu.memory_space<vmem>>
    %dma_wait3A_183 = arith.constant 0 : i32
    %dma_wait3A_184 = tpu.memref_slice %arg6[%dma_wait3A_183] : memref<5120xi32, #tpu.memory_space<vmem>> -> memref<128xi32, #tpu.memory_space<vmem>>
    %dma_wait3A_185 = arith.constant 0 : i32
    %dma_wait3A_186 = arith.constant 0 : i32
    %dma_wait3A_187 = tpu.memref_slice %arg2[%dma_wait3A_185, %dma_wait3A_186] : memref<300000x128xf32, #tpu.memory_space<hbm>> -> memref<300000x128xf32, #tpu.memory_space<hbm>>
    tpu.wait_indirect_dma semaphore(%arg9 : memref<!tpu.dma_semaphore, #tpu.memory_space<semaphore_mem>>) src(%dma_wait3A_187 : memref<300000x128xf32, #tpu.memory_space<hbm>>) dst(%dma_wait3A_182 : memref<128x128xf32, #tpu.memory_space<vmem>>)
    %dma_start3A_188 = arith.constant 0 : i32
    %dma_start3A_189 = arith.constant 36 : i32
    %dma_start3A_190 = arith.constant 0 : i32
    %dma_start3A_191 = arith.constant 0 : i32
    %dma_start3A_192 = tpu.memref_slice %arg8[%dma_start3A_188, %dma_start3A_190, %dma_start3A_191] : memref<4x128x128xf32, #tpu.memory_space<vmem>> -> memref<1x128x128xf32, #tpu.memory_space<vmem>>
    %dma_start3A_193 = tpu.memref_squeeze %dma_start3A_192 : memref<1x128x128xf32, #tpu.memory_space<vmem>> -> memref<128x128xf32, #tpu.memory_space<vmem>>
    %dma_start3A_194 = arith.constant 0 : i32
    %dma_start3A_195 = tpu.memref_slice %arg7[%dma_start3A_189, %dma_start3A_194] : memref<40x128xi32, #tpu.memory_space<vmem>> -> memref<1x128xi32, #tpu.memory_space<vmem>>
    %dma_start3A_196 = tpu.memref_squeeze %dma_start3A_195 : memref<1x128xi32, #tpu.memory_space<vmem>> -> memref<128xi32, #tpu.memory_space<vmem>>
    %dma_start3A_197 = arith.constant 0 : i32
    %dma_start3A_198 = arith.constant 0 : i32
    %dma_start3A_199 = tpu.memref_slice %arg5[%dma_start3A_197, %dma_start3A_198] : memref<163840x128xf32, #tpu.memory_space<hbm>> -> memref<163840x128xf32, #tpu.memory_space<hbm>>
    tpu.enqueue_indirect_dma source(%dma_start3A_193 : memref<128x128xf32, #tpu.memory_space<vmem>>) target(%dma_start3A_199 : memref<163840x128xf32, #tpu.memory_space<hbm>>) offsets(%dma_start3A_196 : memref<128xi32, #tpu.memory_space<vmem>>) semaphore(%arg13 : memref<!tpu.dma_semaphore, #tpu.memory_space<semaphore_mem>>)
    %dma_wait3A_200 = arith.constant 0 : i32
    %dma_wait3A_201 = arith.constant 0 : i32
    %dma_wait3A_202 = arith.constant 0 : i32
    %dma_wait3A_203 = arith.constant 0 : i32
    %dma_wait3A_204 = tpu.memref_slice %arg8[%dma_wait3A_200, %dma_wait3A_202, %dma_wait3A_203] : memref<4x128x128xf32, #tpu.memory_space<vmem>> -> memref<1x128x128xf32, #tpu.memory_space<vmem>>
    %dma_wait3A_205 = tpu.memref_squeeze %dma_wait3A_204 : memref<1x128x128xf32, #tpu.memory_space<vmem>> -> memref<128x128xf32, #tpu.memory_space<vmem>>
    %dma_wait3A_206 = arith.constant 0 : i32
    %dma_wait3A_207 = tpu.memref_slice %arg7[%dma_wait3A_201, %dma_wait3A_206] : memref<40x128xi32, #tpu.memory_space<vmem>> -> memref<1x128xi32, #tpu.memory_space<vmem>>
    %dma_wait3A_208 = tpu.memref_squeeze %dma_wait3A_207 : memref<1x128xi32, #tpu.memory_space<vmem>> -> memref<128xi32, #tpu.memory_space<vmem>>
    %dma_wait3A_209 = arith.constant 0 : i32
    %dma_wait3A_210 = arith.constant 0 : i32
    %dma_wait3A_211 = tpu.memref_slice %arg5[%dma_wait3A_209, %dma_wait3A_210] : memref<163840x128xf32, #tpu.memory_space<hbm>> -> memref<163840x128xf32, #tpu.memory_space<hbm>>
    tpu.wait_indirect_dma semaphore(%arg15 : memref<!tpu.dma_semaphore, #tpu.memory_space<semaphore_mem>>) src(%dma_wait3A_205 : memref<128x128xf32, #tpu.memory_space<vmem>>) dst(%dma_wait3A_211 : memref<163840x128xf32, #tpu.memory_space<hbm>>)
    %dma_start3A_212 = arith.constant 2 : i32
    %dma_start3A_213 = arith.constant 0 : i32
    %dma_start3A_214 = arith.constant 0 : i32
    %dma_start3A_215 = tpu.memref_slice %arg8[%dma_start3A_212, %dma_start3A_213, %dma_start3A_214] : memref<4x128x128xf32, #tpu.memory_space<vmem>> -> memref<1x128x128xf32, #tpu.memory_space<vmem>>
    %dma_start3A_216 = tpu.memref_squeeze %dma_start3A_215 : memref<1x128x128xf32, #tpu.memory_space<vmem>> -> memref<128x128xf32, #tpu.memory_space<vmem>>
    %dma_start3A_217 = arith.constant 4864 : i32
    %dma_start3A_218 = tpu.memref_slice %arg6[%dma_start3A_217] : memref<5120xi32, #tpu.memory_space<vmem>> -> memref<128xi32, #tpu.memory_space<vmem>>
    %dma_start3A_219 = arith.constant 0 : i32
    %dma_start3A_220 = arith.constant 0 : i32
    %dma_start3A_221 = tpu.memref_slice %arg2[%dma_start3A_219, %dma_start3A_220] : memref<300000x128xf32, #tpu.memory_space<hbm>> -> memref<300000x128xf32, #tpu.memory_space<hbm>>
    tpu.enqueue_indirect_dma source(%dma_start3A_221 : memref<300000x128xf32, #tpu.memory_space<hbm>>) target(%dma_start3A_216 : memref<128x128xf32, #tpu.memory_space<vmem>>) offsets(%dma_start3A_218 : memref<128xi32, #tpu.memory_space<vmem>>) semaphore(%arg11 : memref<!tpu.dma_semaphore, #tpu.memory_space<semaphore_mem>>)
    %dma_wait3A_222 = arith.constant 1 : i32
    %dma_wait3A_223 = arith.constant 0 : i32
    %dma_wait3A_224 = arith.constant 0 : i32
    %dma_wait3A_225 = tpu.memref_slice %arg8[%dma_wait3A_222, %dma_wait3A_223, %dma_wait3A_224] : memref<4x128x128xf32, #tpu.memory_space<vmem>> -> memref<1x128x128xf32, #tpu.memory_space<vmem>>
    %dma_wait3A_226 = tpu.memref_squeeze %dma_wait3A_225 : memref<1x128x128xf32, #tpu.memory_space<vmem>> -> memref<128x128xf32, #tpu.memory_space<vmem>>
    %dma_wait3A_227 = arith.constant 0 : i32
    %dma_wait3A_228 = tpu.memref_slice %arg6[%dma_wait3A_227] : memref<5120xi32, #tpu.memory_space<vmem>> -> memref<128xi32, #tpu.memory_space<vmem>>
    %dma_wait3A_229 = arith.constant 0 : i32
    %dma_wait3A_230 = arith.constant 0 : i32
    %dma_wait3A_231 = tpu.memref_slice %arg2[%dma_wait3A_229, %dma_wait3A_230] : memref<300000x128xf32, #tpu.memory_space<hbm>> -> memref<300000x128xf32, #tpu.memory_space<hbm>>
    tpu.wait_indirect_dma semaphore(%arg10 : memref<!tpu.dma_semaphore, #tpu.memory_space<semaphore_mem>>) src(%dma_wait3A_231 : memref<300000x128xf32, #tpu.memory_space<hbm>>) dst(%dma_wait3A_226 : memref<128x128xf32, #tpu.memory_space<vmem>>)
    %dma_start3A_232 = arith.constant 1 : i32
    %dma_start3A_233 = arith.constant 37 : i32
    %dma_start3A_234 = arith.constant 0 : i32
    %dma_start3A_235 = arith.constant 0 : i32
    %dma_start3A_236 = tpu.memref_slice %arg8[%dma_start3A_232, %dma_start3A_234, %dma_start3A_235] : memref<4x128x128xf32, #tpu.memory_space<vmem>> -> memref<1x128x128xf32, #tpu.memory_space<vmem>>
    %dma_start3A_237 = tpu.memref_squeeze %dma_start3A_236 : memref<1x128x128xf32, #tpu.memory_space<vmem>> -> memref<128x128xf32, #tpu.memory_space<vmem>>
    %dma_start3A_238 = arith.constant 0 : i32
    %dma_start3A_239 = tpu.memref_slice %arg7[%dma_start3A_233, %dma_start3A_238] : memref<40x128xi32, #tpu.memory_space<vmem>> -> memref<1x128xi32, #tpu.memory_space<vmem>>
    %dma_start3A_240 = tpu.memref_squeeze %dma_start3A_239 : memref<1x128xi32, #tpu.memory_space<vmem>> -> memref<128xi32, #tpu.memory_space<vmem>>
    %dma_start3A_241 = arith.constant 0 : i32
    %dma_start3A_242 = arith.constant 0 : i32
    %dma_start3A_243 = tpu.memref_slice %arg5[%dma_start3A_241, %dma_start3A_242] : memref<163840x128xf32, #tpu.memory_space<hbm>> -> memref<163840x128xf32, #tpu.memory_space<hbm>>
    tpu.enqueue_indirect_dma source(%dma_start3A_237 : memref<128x128xf32, #tpu.memory_space<vmem>>) target(%dma_start3A_243 : memref<163840x128xf32, #tpu.memory_space<hbm>>) offsets(%dma_start3A_240 : memref<128xi32, #tpu.memory_space<vmem>>) semaphore(%arg14 : memref<!tpu.dma_semaphore, #tpu.memory_space<semaphore_mem>>)
    %dma_wait3A_244 = arith.constant 0 : i32
    %dma_wait3A_245 = arith.constant 0 : i32
    %dma_wait3A_246 = arith.constant 0 : i32
    %dma_wait3A_247 = arith.constant 0 : i32
    %dma_wait3A_248 = tpu.memref_slice %arg8[%dma_wait3A_244, %dma_wait3A_246, %dma_wait3A_247] : memref<4x128x128xf32, #tpu.memory_space<vmem>> -> memref<1x128x128xf32, #tpu.memory_space<vmem>>
    %dma_wait3A_249 = tpu.memref_squeeze %dma_wait3A_248 : memref<1x128x128xf32, #tpu.memory_space<vmem>> -> memref<128x128xf32, #tpu.memory_space<vmem>>
    %dma_wait3A_250 = arith.constant 0 : i32
    %dma_wait3A_251 = tpu.memref_slice %arg7[%dma_wait3A_245, %dma_wait3A_250] : memref<40x128xi32, #tpu.memory_space<vmem>> -> memref<1x128xi32, #tpu.memory_space<vmem>>
    %dma_wait3A_252 = tpu.memref_squeeze %dma_wait3A_251 : memref<1x128xi32, #tpu.memory_space<vmem>> -> memref<128xi32, #tpu.memory_space<vmem>>
    %dma_wait3A_253 = arith.constant 0 : i32
    %dma_wait3A_254 = arith.constant 0 : i32
    %dma_wait3A_255 = tpu.memref_slice %arg5[%dma_wait3A_253, %dma_wait3A_254] : memref<163840x128xf32, #tpu.memory_space<hbm>> -> memref<163840x128xf32, #tpu.memory_space<hbm>>
    tpu.wait_indirect_dma semaphore(%arg16 : memref<!tpu.dma_semaphore, #tpu.memory_space<semaphore_mem>>) src(%dma_wait3A_249 : memref<128x128xf32, #tpu.memory_space<vmem>>) dst(%dma_wait3A_255 : memref<163840x128xf32, #tpu.memory_space<hbm>>)
    %dma_start3A_256 = arith.constant 3 : i32
    %dma_start3A_257 = arith.constant 0 : i32
    %dma_start3A_258 = arith.constant 0 : i32
    %dma_start3A_259 = tpu.memref_slice %arg8[%dma_start3A_256, %dma_start3A_257, %dma_start3A_258] : memref<4x128x128xf32, #tpu.memory_space<vmem>> -> memref<1x128x128xf32, #tpu.memory_space<vmem>>
    %dma_start3A_260 = tpu.memref_squeeze %dma_start3A_259 : memref<1x128x128xf32, #tpu.memory_space<vmem>> -> memref<128x128xf32, #tpu.memory_space<vmem>>
    %dma_start3A_261 = arith.constant 4992 : i32
    %dma_start3A_262 = tpu.memref_slice %arg6[%dma_start3A_261] : memref<5120xi32, #tpu.memory_space<vmem>> -> memref<128xi32, #tpu.memory_space<vmem>>
    %dma_start3A_263 = arith.constant 0 : i32
    %dma_start3A_264 = arith.constant 0 : i32
    %dma_start3A_265 = tpu.memref_slice %arg2[%dma_start3A_263, %dma_start3A_264] : memref<300000x128xf32, #tpu.memory_space<hbm>> -> memref<300000x128xf32, #tpu.memory_space<hbm>>
    tpu.enqueue_indirect_dma source(%dma_start3A_265 : memref<300000x128xf32, #tpu.memory_space<hbm>>) target(%dma_start3A_260 : memref<128x128xf32, #tpu.memory_space<vmem>>) offsets(%dma_start3A_262 : memref<128xi32, #tpu.memory_space<vmem>>) semaphore(%arg12 : memref<!tpu.dma_semaphore, #tpu.memory_space<semaphore_mem>>)
    %dma_wait3A_266 = arith.constant 2 : i32
    %dma_wait3A_267 = arith.constant 0 : i32
    %dma_wait3A_268 = arith.constant 0 : i32
    %dma_wait3A_269 = tpu.memref_slice %arg8[%dma_wait3A_266, %dma_wait3A_267, %dma_wait3A_268] : memref<4x128x128xf32, #tpu.memory_space<vmem>> -> memref<1x128x128xf32, #tpu.memory_space<vmem>>
    %dma_wait3A_270 = tpu.memref_squeeze %dma_wait3A_269 : memref<1x128x128xf32, #tpu.memory_space<vmem>> -> memref<128x128xf32, #tpu.memory_space<vmem>>
    %dma_wait3A_271 = arith.constant 0 : i32
    %dma_wait3A_272 = tpu.memref_slice %arg6[%dma_wait3A_271] : memref<5120xi32, #tpu.memory_space<vmem>> -> memref<128xi32, #tpu.memory_space<vmem>>
    %dma_wait3A_273 = arith.constant 0 : i32
    %dma_wait3A_274 = arith.constant 0 : i32
    %dma_wait3A_275 = tpu.memref_slice %arg2[%dma_wait3A_273, %dma_wait3A_274] : memref<300000x128xf32, #tpu.memory_space<hbm>> -> memref<300000x128xf32, #tpu.memory_space<hbm>>
    tpu.wait_indirect_dma semaphore(%arg11 : memref<!tpu.dma_semaphore, #tpu.memory_space<semaphore_mem>>) src(%dma_wait3A_275 : memref<300000x128xf32, #tpu.memory_space<hbm>>) dst(%dma_wait3A_270 : memref<128x128xf32, #tpu.memory_space<vmem>>)
    %dma_start3A_276 = arith.constant 2 : i32
    %dma_start3A_277 = arith.constant 38 : i32
    %dma_start3A_278 = arith.constant 0 : i32
    %dma_start3A_279 = arith.constant 0 : i32
    %dma_start3A_280 = tpu.memref_slice %arg8[%dma_start3A_276, %dma_start3A_278, %dma_start3A_279] : memref<4x128x128xf32, #tpu.memory_space<vmem>> -> memref<1x128x128xf32, #tpu.memory_space<vmem>>
    %dma_start3A_281 = tpu.memref_squeeze %dma_start3A_280 : memref<1x128x128xf32, #tpu.memory_space<vmem>> -> memref<128x128xf32, #tpu.memory_space<vmem>>
    %dma_start3A_282 = arith.constant 0 : i32
    %dma_start3A_283 = tpu.memref_slice %arg7[%dma_start3A_277, %dma_start3A_282] : memref<40x128xi32, #tpu.memory_space<vmem>> -> memref<1x128xi32, #tpu.memory_space<vmem>>
    %dma_start3A_284 = tpu.memref_squeeze %dma_start3A_283 : memref<1x128xi32, #tpu.memory_space<vmem>> -> memref<128xi32, #tpu.memory_space<vmem>>
    %dma_start3A_285 = arith.constant 0 : i32
    %dma_start3A_286 = arith.constant 0 : i32
    %dma_start3A_287 = tpu.memref_slice %arg5[%dma_start3A_285, %dma_start3A_286] : memref<163840x128xf32, #tpu.memory_space<hbm>> -> memref<163840x128xf32, #tpu.memory_space<hbm>>
    tpu.enqueue_indirect_dma source(%dma_start3A_281 : memref<128x128xf32, #tpu.memory_space<vmem>>) target(%dma_start3A_287 : memref<163840x128xf32, #tpu.memory_space<hbm>>) offsets(%dma_start3A_284 : memref<128xi32, #tpu.memory_space<vmem>>) semaphore(%arg15 : memref<!tpu.dma_semaphore, #tpu.memory_space<semaphore_mem>>)
    %dma_wait3A_288 = arith.constant 0 : i32
    %dma_wait3A_289 = arith.constant 0 : i32
    %dma_wait3A_290 = arith.constant 0 : i32
    %dma_wait3A_291 = arith.constant 0 : i32
    %dma_wait3A_292 = tpu.memref_slice %arg8[%dma_wait3A_288, %dma_wait3A_290, %dma_wait3A_291] : memref<4x128x128xf32, #tpu.memory_space<vmem>> -> memref<1x128x128xf32, #tpu.memory_space<vmem>>
    %dma_wait3A_293 = tpu.memref_squeeze %dma_wait3A_292 : memref<1x128x128xf32, #tpu.memory_space<vmem>> -> memref<128x128xf32, #tpu.memory_space<vmem>>
    %dma_wait3A_294 = arith.constant 0 : i32
    %dma_wait3A_295 = tpu.memref_slice %arg7[%dma_wait3A_289, %dma_wait3A_294] : memref<40x128xi32, #tpu.memory_space<vmem>> -> memref<1x128xi32, #tpu.memory_space<vmem>>
    %dma_wait3A_296 = tpu.memref_squeeze %dma_wait3A_295 : memref<1x128xi32, #tpu.memory_space<vmem>> -> memref<128xi32, #tpu.memory_space<vmem>>
    %dma_wait3A_297 = arith.constant 0 : i32
    %dma_wait3A_298 = arith.constant 0 : i32
    %dma_wait3A_299 = tpu.memref_slice %arg5[%dma_wait3A_297, %dma_wait3A_298] : memref<163840x128xf32, #tpu.memory_space<hbm>> -> memref<163840x128xf32, #tpu.memory_space<hbm>>
    tpu.wait_indirect_dma semaphore(%arg13 : memref<!tpu.dma_semaphore, #tpu.memory_space<semaphore_mem>>) src(%dma_wait3A_293 : memref<128x128xf32, #tpu.memory_space<vmem>>) dst(%dma_wait3A_299 : memref<163840x128xf32, #tpu.memory_space<hbm>>)
    %dma_wait3A_300 = arith.constant 3 : i32
    %dma_wait3A_301 = arith.constant 0 : i32
    %dma_wait3A_302 = arith.constant 0 : i32
    %dma_wait3A_303 = tpu.memref_slice %arg8[%dma_wait3A_300, %dma_wait3A_301, %dma_wait3A_302] : memref<4x128x128xf32, #tpu.memory_space<vmem>> -> memref<1x128x128xf32, #tpu.memory_space<vmem>>
    %dma_wait3A_304 = tpu.memref_squeeze %dma_wait3A_303 : memref<1x128x128xf32, #tpu.memory_space<vmem>> -> memref<128x128xf32, #tpu.memory_space<vmem>>
    %dma_wait3A_305 = arith.constant 0 : i32
    %dma_wait3A_306 = tpu.memref_slice %arg6[%dma_wait3A_305] : memref<5120xi32, #tpu.memory_space<vmem>> -> memref<128xi32, #tpu.memory_space<vmem>>
    %dma_wait3A_307 = arith.constant 0 : i32
    %dma_wait3A_308 = arith.constant 0 : i32
    %dma_wait3A_309 = tpu.memref_slice %arg2[%dma_wait3A_307, %dma_wait3A_308] : memref<300000x128xf32, #tpu.memory_space<hbm>> -> memref<300000x128xf32, #tpu.memory_space<hbm>>
    tpu.wait_indirect_dma semaphore(%arg12 : memref<!tpu.dma_semaphore, #tpu.memory_space<semaphore_mem>>) src(%dma_wait3A_309 : memref<300000x128xf32, #tpu.memory_space<hbm>>) dst(%dma_wait3A_304 : memref<128x128xf32, #tpu.memory_space<vmem>>)
    %dma_start3A_310 = arith.constant 3 : i32
    %dma_start3A_311 = arith.constant 39 : i32
    %dma_start3A_312 = arith.constant 0 : i32
    %dma_start3A_313 = arith.constant 0 : i32
    %dma_start3A_314 = tpu.memref_slice %arg8[%dma_start3A_310, %dma_start3A_312, %dma_start3A_313] : memref<4x128x128xf32, #tpu.memory_space<vmem>> -> memref<1x128x128xf32, #tpu.memory_space<vmem>>
    %dma_start3A_315 = tpu.memref_squeeze %dma_start3A_314 : memref<1x128x128xf32, #tpu.memory_space<vmem>> -> memref<128x128xf32, #tpu.memory_space<vmem>>
    %dma_start3A_316 = arith.constant 0 : i32
    %dma_start3A_317 = tpu.memref_slice %arg7[%dma_start3A_311, %dma_start3A_316] : memref<40x128xi32, #tpu.memory_space<vmem>> -> memref<1x128xi32, #tpu.memory_space<vmem>>
    %dma_start3A_318 = tpu.memref_squeeze %dma_start3A_317 : memref<1x128xi32, #tpu.memory_space<vmem>> -> memref<128xi32, #tpu.memory_space<vmem>>
    %dma_start3A_319 = arith.constant 0 : i32
    %dma_start3A_320 = arith.constant 0 : i32
    %dma_start3A_321 = tpu.memref_slice %arg5[%dma_start3A_319, %dma_start3A_320] : memref<163840x128xf32, #tpu.memory_space<hbm>> -> memref<163840x128xf32, #tpu.memory_space<hbm>>
    tpu.enqueue_indirect_dma source(%dma_start3A_315 : memref<128x128xf32, #tpu.memory_space<vmem>>) target(%dma_start3A_321 : memref<163840x128xf32, #tpu.memory_space<hbm>>) offsets(%dma_start3A_318 : memref<128xi32, #tpu.memory_space<vmem>>) semaphore(%arg16 : memref<!tpu.dma_semaphore, #tpu.memory_space<semaphore_mem>>)
    %dma_wait3A_322 = arith.constant 0 : i32
    %dma_wait3A_323 = arith.constant 0 : i32
    %dma_wait3A_324 = arith.constant 0 : i32
    %dma_wait3A_325 = arith.constant 0 : i32
    %dma_wait3A_326 = tpu.memref_slice %arg8[%dma_wait3A_322, %dma_wait3A_324, %dma_wait3A_325] : memref<4x128x128xf32, #tpu.memory_space<vmem>> -> memref<1x128x128xf32, #tpu.memory_space<vmem>>
    %dma_wait3A_327 = tpu.memref_squeeze %dma_wait3A_326 : memref<1x128x128xf32, #tpu.memory_space<vmem>> -> memref<128x128xf32, #tpu.memory_space<vmem>>
    %dma_wait3A_328 = arith.constant 0 : i32
    %dma_wait3A_329 = tpu.memref_slice %arg7[%dma_wait3A_323, %dma_wait3A_328] : memref<40x128xi32, #tpu.memory_space<vmem>> -> memref<1x128xi32, #tpu.memory_space<vmem>>
    %dma_wait3A_330 = tpu.memref_squeeze %dma_wait3A_329 : memref<1x128xi32, #tpu.memory_space<vmem>> -> memref<128xi32, #tpu.memory_space<vmem>>
    %dma_wait3A_331 = arith.constant 0 : i32
    %dma_wait3A_332 = arith.constant 0 : i32
    %dma_wait3A_333 = tpu.memref_slice %arg5[%dma_wait3A_331, %dma_wait3A_332] : memref<163840x128xf32, #tpu.memory_space<hbm>> -> memref<163840x128xf32, #tpu.memory_space<hbm>>
    tpu.wait_indirect_dma semaphore(%arg14 : memref<!tpu.dma_semaphore, #tpu.memory_space<semaphore_mem>>) src(%dma_wait3A_327 : memref<128x128xf32, #tpu.memory_space<vmem>>) dst(%dma_wait3A_333 : memref<163840x128xf32, #tpu.memory_space<hbm>>)
    %dma_wait3A_334 = arith.constant 0 : i32
    %dma_wait3A_335 = arith.constant 0 : i32
    %dma_wait3A_336 = arith.constant 0 : i32
    %dma_wait3A_337 = arith.constant 0 : i32
    %dma_wait3A_338 = tpu.memref_slice %arg8[%dma_wait3A_334, %dma_wait3A_336, %dma_wait3A_337] : memref<4x128x128xf32, #tpu.memory_space<vmem>> -> memref<1x128x128xf32, #tpu.memory_space<vmem>>
    %dma_wait3A_339 = tpu.memref_squeeze %dma_wait3A_338 : memref<1x128x128xf32, #tpu.memory_space<vmem>> -> memref<128x128xf32, #tpu.memory_space<vmem>>
    %dma_wait3A_340 = arith.constant 0 : i32
    %dma_wait3A_341 = tpu.memref_slice %arg7[%dma_wait3A_335, %dma_wait3A_340] : memref<40x128xi32, #tpu.memory_space<vmem>> -> memref<1x128xi32, #tpu.memory_space<vmem>>
    %dma_wait3A_342 = tpu.memref_squeeze %dma_wait3A_341 : memref<1x128xi32, #tpu.memory_space<vmem>> -> memref<128xi32, #tpu.memory_space<vmem>>
    %dma_wait3A_343 = arith.constant 0 : i32
    %dma_wait3A_344 = arith.constant 0 : i32
    %dma_wait3A_345 = tpu.memref_slice %arg5[%dma_wait3A_343, %dma_wait3A_344] : memref<163840x128xf32, #tpu.memory_space<hbm>> -> memref<163840x128xf32, #tpu.memory_space<hbm>>
    tpu.wait_indirect_dma semaphore(%arg15 : memref<!tpu.dma_semaphore, #tpu.memory_space<semaphore_mem>>) src(%dma_wait3A_339 : memref<128x128xf32, #tpu.memory_space<vmem>>) dst(%dma_wait3A_345 : memref<163840x128xf32, #tpu.memory_space<hbm>>)
    %dma_wait3A_346 = arith.constant 0 : i32
    %dma_wait3A_347 = arith.constant 0 : i32
    %dma_wait3A_348 = arith.constant 0 : i32
    %dma_wait3A_349 = arith.constant 0 : i32
    %dma_wait3A_350 = tpu.memref_slice %arg8[%dma_wait3A_346, %dma_wait3A_348, %dma_wait3A_349] : memref<4x128x128xf32, #tpu.memory_space<vmem>> -> memref<1x128x128xf32, #tpu.memory_space<vmem>>
    %dma_wait3A_351 = tpu.memref_squeeze %dma_wait3A_350 : memref<1x128x128xf32, #tpu.memory_space<vmem>> -> memref<128x128xf32, #tpu.memory_space<vmem>>
    %dma_wait3A_352 = arith.constant 0 : i32
    %dma_wait3A_353 = tpu.memref_slice %arg7[%dma_wait3A_347, %dma_wait3A_352] : memref<40x128xi32, #tpu.memory_space<vmem>> -> memref<1x128xi32, #tpu.memory_space<vmem>>
    %dma_wait3A_354 = tpu.memref_squeeze %dma_wait3A_353 : memref<1x128xi32, #tpu.memory_space<vmem>> -> memref<128xi32, #tpu.memory_space<vmem>>
    %dma_wait3A_355 = arith.constant 0 : i32
    %dma_wait3A_356 = arith.constant 0 : i32
    %dma_wait3A_357 = tpu.memref_slice %arg5[%dma_wait3A_355, %dma_wait3A_356] : memref<163840x128xf32, #tpu.memory_space<hbm>> -> memref<163840x128xf32, #tpu.memory_space<hbm>>
    tpu.wait_indirect_dma semaphore(%arg16 : memref<!tpu.dma_semaphore, #tpu.memory_space<semaphore_mem>>) src(%dma_wait3A_351 : memref<128x128xf32, #tpu.memory_space<vmem>>) dst(%dma_wait3A_357 : memref<163840x128xf32, #tpu.memory_space<hbm>>)
    return
  }
}

module attributes {stable_mosaic.version = 14 : i64} {
  func.func @body(%arg0: i32, %arg1: memref<1000x128xf32, #tpu.memory_space<vmem>>, %arg2: memref<1000x128xf32, #tpu.memory_space<vmem>>, %arg3: memref<1000x128xf32, #tpu.memory_space<vmem>>, %arg4: memref<1000x128xf32, #tpu.memory_space<vmem>>, %arg5: memref<1000x128xf32, #tpu.memory_space<vmem>>, %arg6: memref<1000x128xf32, #tpu.memory_space<vmem>>, %arg7: memref<1000x128xf32, #tpu.memory_space<vmem>>, %arg8: memref<1000x128xf32, #tpu.memory_space<vmem>>, %arg9: memref<1000x128xf32, #tpu.memory_space<vmem>>, %arg10: memref<1000x128xf32, #tpu.memory_space<vmem>>, %arg11: memref<1000x128xf32, #tpu.memory_space<vmem>>, %arg12: memref<1000x128xf32, #tpu.memory_space<vmem>>, %arg13: memref<1000x128xf32, #tpu.memory_space<vmem>>, %arg14: memref<1000x128xf32, #tpu.memory_space<vmem>>, %arg15: memref<1000x128xf32, #tpu.memory_space<vmem>>, %arg16: memref<1000x128xf32, #tpu.memory_space<vmem>>, %arg17: memref<128x512xf32, #tpu.memory_space<vmem>>, %arg18: memref<512x10xf32, #tpu.memory_space<vmem>>, %arg19: memref<1x10x32xf32, #tpu.memory_space<vmem>>, %arg20: memref<1x32xf32, #tpu.memory_space<vmem>>, %arg21: memref<1000x32xf32, #tpu.memory_space<vmem>>) attributes {dimension_semantics = [#tpu.dimension_semantics<arbitrary>], iteration_bounds = array<i64: 10>, scalar_prefetch = 0 : i64, scratch_operands = 0 : i64, tpu.core_type = #tpu.core_type<tc>, window_params = [{transform_indices = @transform_0, window_bounds = array<i64: 1000, 128>}, {transform_indices = @transform_1, window_bounds = array<i64: 1000, 128>}, {transform_indices = @transform_2, window_bounds = array<i64: 1000, 128>}, {transform_indices = @transform_3, window_bounds = array<i64: 1000, 128>}, {transform_indices = @transform_4, window_bounds = array<i64: 1000, 128>}, {transform_indices = @transform_5, window_bounds = array<i64: 1000, 128>}, {transform_indices = @transform_6, window_bounds = array<i64: 1000, 128>}, {transform_indices = @transform_7, window_bounds = array<i64: 1000, 128>}, {transform_indices = @transform_8, window_bounds = array<i64: 1000, 128>}, {transform_indices = @transform_9, window_bounds = array<i64: 1000, 128>}, {transform_indices = @transform_10, window_bounds = array<i64: 1000, 128>}, {transform_indices = @transform_11, window_bounds = array<i64: 1000, 128>}, {transform_indices = @transform_12, window_bounds = array<i64: 1000, 128>}, {transform_indices = @transform_13, window_bounds = array<i64: 1000, 128>}, {transform_indices = @transform_14, window_bounds = array<i64: 1000, 128>}, {transform_indices = @transform_15, window_bounds = array<i64: 1000, 128>}, {pipeline_mode = #tpu.pipeline_mode<synchronous>, transform_indices = @transform_16, window_bounds = array<i64: 128, 512>}, {pipeline_mode = #tpu.pipeline_mode<synchronous>, transform_indices = @transform_17, window_bounds = array<i64: 512, 10>}, {transform_indices = @transform_18, window_bounds = array<i64: 1, 10, 32>}, {pipeline_mode = #tpu.pipeline_mode<synchronous>, transform_indices = @transform_19, window_bounds = array<i64: 1, 32>}, {transform_indices = @transform_20, window_bounds = array<i64: 1000, 32>}]} {
    %get3A = arith.constant 0 : index
    %get3A_0 = arith.constant 0 : index
    %get3A_1 = vector.load %arg17[%get3A, %get3A_0] : memref<128x512xf32, #tpu.memory_space<vmem>>, vector<128x512xf32>
    %get3A_2 = arith.constant 0 : index
    %get3A_3 = arith.constant 0 : index
    %get3A_4 = vector.load %arg2[%get3A_2, %get3A_3] : memref<1000x128xf32, #tpu.memory_space<vmem>>, vector<1000x128xf32>
    %get3A_5 = arith.constant 0 : index
    %get3A_6 = arith.constant 0 : index
    %get3A_7 = vector.load %arg3[%get3A_5, %get3A_6] : memref<1000x128xf32, #tpu.memory_space<vmem>>, vector<1000x128xf32>
    %add3A = arith.addf %get3A_4, %get3A_7 : vector<1000x128xf32>
    %get3A_8 = arith.constant 0 : index
    %get3A_9 = arith.constant 0 : index
    %get3A_10 = vector.load %arg4[%get3A_8, %get3A_9] : memref<1000x128xf32, #tpu.memory_space<vmem>>, vector<1000x128xf32>
    %add3A_11 = arith.addf %add3A, %get3A_10 : vector<1000x128xf32>
    %get3A_12 = arith.constant 0 : index
    %get3A_13 = arith.constant 0 : index
    %get3A_14 = vector.load %arg5[%get3A_12, %get3A_13] : memref<1000x128xf32, #tpu.memory_space<vmem>>, vector<1000x128xf32>
    %add3A_15 = arith.addf %add3A_11, %get3A_14 : vector<1000x128xf32>
    %get3A_16 = arith.constant 0 : index
    %get3A_17 = arith.constant 0 : index
    %get3A_18 = vector.load %arg6[%get3A_16, %get3A_17] : memref<1000x128xf32, #tpu.memory_space<vmem>>, vector<1000x128xf32>
    %add3A_19 = arith.addf %add3A_15, %get3A_18 : vector<1000x128xf32>
    %get3A_20 = arith.constant 0 : index
    %get3A_21 = arith.constant 0 : index
    %get3A_22 = vector.load %arg1[%get3A_20, %get3A_21] : memref<1000x128xf32, #tpu.memory_space<vmem>>, vector<1000x128xf32>
    %mul3A = arith.constant 2.000000e-01 : f32
    %mul3A_23 = vector.broadcast %mul3A : f32 to vector<1000x128xf32>
    %mul3A_24 = arith.mulf %add3A_19, %mul3A_23 : vector<1000x128xf32>
    %add3A_25 = arith.addf %get3A_22, %mul3A_24 : vector<1000x128xf32>
    %dot_general3A = arith.constant dense<0.000000e+00> : vector<1000x512xf32>
    %dot_general3A_26 = tpu.matmul %add3A_25, %get3A_1, %dot_general3A {dimension_numbers = #tpu.dot_dimension_numbers<[1], [0], [0], [1], [0, 0, 1, 1], [], []>, transpose_lhs_hint = false} : vector<1000x128xf32>, vector<128x512xf32>, vector<1000x512xf32> -> vector<1000x512xf32>
    %ge3A = arith.constant 1.000000e+00 : f32
    %ge3A_27 = vector.broadcast %ge3A : f32 to vector<1000x512xf32>
    %ge3A_28 = arith.cmpf oge, %dot_general3A_26, %ge3A_27 : vector<1000x512xf32>
    %convert_element_type3A = arith.extui %ge3A_28 : vector<1000x512xi1> to vector<1000x512xi32>
    %convert_element_type3A_29 = arith.sitofp %convert_element_type3A : vector<1000x512xi32> to vector<1000x512xf32>
    %broadcast_in_dim3A = arith.constant 0.000000e+00 : f32
    %broadcast_in_dim3A_30 = vector.broadcast %broadcast_in_dim3A : f32 to vector<1000x512xf32>
    %get3A_31 = arith.constant 0 : index
    %get3A_32 = arith.constant 0 : index
    %get3A_33 = vector.load %arg2[%get3A_31, %get3A_32] : memref<1000x128xf32, #tpu.memory_space<vmem>>, vector<1000x128xf32>
    %get3A_34 = arith.constant 0 : index
    %get3A_35 = arith.constant 0 : index
    %get3A_36 = vector.load %arg7[%get3A_34, %get3A_35] : memref<1000x128xf32, #tpu.memory_space<vmem>>, vector<1000x128xf32>
    %get3A_37 = arith.constant 0 : index
    %get3A_38 = arith.constant 0 : index
    %get3A_39 = vector.load %arg8[%get3A_37, %get3A_38] : memref<1000x128xf32, #tpu.memory_space<vmem>>, vector<1000x128xf32>
    %add3A_40 = arith.addf %get3A_36, %get3A_39 : vector<1000x128xf32>
    %mul3A_41 = arith.constant 5.000000e-01 : f32
    %mul3A_42 = vector.broadcast %mul3A_41 : f32 to vector<1000x128xf32>
    %mul3A_43 = arith.mulf %mul3A_42, %add3A_40 : vector<1000x128xf32>
    %add3A_44 = arith.addf %get3A_33, %mul3A_43 : vector<1000x128xf32>
    %dot_general3A_45 = arith.constant dense<0.000000e+00> : vector<1000x512xf32>
    %dot_general3A_46 = tpu.matmul %add3A_44, %get3A_1, %dot_general3A_45 {dimension_numbers = #tpu.dot_dimension_numbers<[1], [0], [0], [1], [0, 0, 1, 1], [], []>, transpose_lhs_hint = false} : vector<1000x128xf32>, vector<128x512xf32>, vector<1000x512xf32> -> vector<1000x512xf32>
    %ge3A_47 = arith.constant 1.000000e+00 : f32
    %ge3A_48 = vector.broadcast %ge3A_47 : f32 to vector<1000x512xf32>
    %ge3A_49 = arith.cmpf oge, %dot_general3A_46, %ge3A_48 : vector<1000x512xf32>
    %convert_element_type3A_50 = arith.extui %ge3A_49 : vector<1000x512xi1> to vector<1000x512xi32>
    %convert_element_type3A_51 = arith.sitofp %convert_element_type3A_50 : vector<1000x512xi32> to vector<1000x512xf32>
    %add3A_52 = arith.addf %broadcast_in_dim3A_30, %convert_element_type3A_51 : vector<1000x512xf32>
    %get3A_53 = arith.constant 0 : index
    %get3A_54 = arith.constant 0 : index
    %get3A_55 = vector.load %arg3[%get3A_53, %get3A_54] : memref<1000x128xf32, #tpu.memory_space<vmem>>, vector<1000x128xf32>
    %get3A_56 = arith.constant 0 : index
    %get3A_57 = arith.constant 0 : index
    %get3A_58 = vector.load %arg9[%get3A_56, %get3A_57] : memref<1000x128xf32, #tpu.memory_space<vmem>>, vector<1000x128xf32>
    %get3A_59 = arith.constant 0 : index
    %get3A_60 = arith.constant 0 : index
    %get3A_61 = vector.load %arg10[%get3A_59, %get3A_60] : memref<1000x128xf32, #tpu.memory_space<vmem>>, vector<1000x128xf32>
    %add3A_62 = arith.addf %get3A_58, %get3A_61 : vector<1000x128xf32>
    %mul3A_63 = arith.constant 5.000000e-01 : f32
    %mul3A_64 = vector.broadcast %mul3A_63 : f32 to vector<1000x128xf32>
    %mul3A_65 = arith.mulf %mul3A_64, %add3A_62 : vector<1000x128xf32>
    %add3A_66 = arith.addf %get3A_55, %mul3A_65 : vector<1000x128xf32>
    %dot_general3A_67 = arith.constant dense<0.000000e+00> : vector<1000x512xf32>
    %dot_general3A_68 = tpu.matmul %add3A_66, %get3A_1, %dot_general3A_67 {dimension_numbers = #tpu.dot_dimension_numbers<[1], [0], [0], [1], [0, 0, 1, 1], [], []>, transpose_lhs_hint = false} : vector<1000x128xf32>, vector<128x512xf32>, vector<1000x512xf32> -> vector<1000x512xf32>
    %ge3A_69 = arith.constant 1.000000e+00 : f32
    %ge3A_70 = vector.broadcast %ge3A_69 : f32 to vector<1000x512xf32>
    %ge3A_71 = arith.cmpf oge, %dot_general3A_68, %ge3A_70 : vector<1000x512xf32>
    %convert_element_type3A_72 = arith.extui %ge3A_71 : vector<1000x512xi1> to vector<1000x512xi32>
    %convert_element_type3A_73 = arith.sitofp %convert_element_type3A_72 : vector<1000x512xi32> to vector<1000x512xf32>
    %add3A_74 = arith.addf %add3A_52, %convert_element_type3A_73 : vector<1000x512xf32>
    %get3A_75 = arith.constant 0 : index
    %get3A_76 = arith.constant 0 : index
    %get3A_77 = vector.load %arg4[%get3A_75, %get3A_76] : memref<1000x128xf32, #tpu.memory_space<vmem>>, vector<1000x128xf32>
    %get3A_78 = arith.constant 0 : index
    %get3A_79 = arith.constant 0 : index
    %get3A_80 = vector.load %arg11[%get3A_78, %get3A_79] : memref<1000x128xf32, #tpu.memory_space<vmem>>, vector<1000x128xf32>
    %get3A_81 = arith.constant 0 : index
    %get3A_82 = arith.constant 0 : index
    %get3A_83 = vector.load %arg12[%get3A_81, %get3A_82] : memref<1000x128xf32, #tpu.memory_space<vmem>>, vector<1000x128xf32>
    %add3A_84 = arith.addf %get3A_80, %get3A_83 : vector<1000x128xf32>
    %mul3A_85 = arith.constant 5.000000e-01 : f32
    %mul3A_86 = vector.broadcast %mul3A_85 : f32 to vector<1000x128xf32>
    %mul3A_87 = arith.mulf %mul3A_86, %add3A_84 : vector<1000x128xf32>
    %add3A_88 = arith.addf %get3A_77, %mul3A_87 : vector<1000x128xf32>
    %dot_general3A_89 = arith.constant dense<0.000000e+00> : vector<1000x512xf32>
    %dot_general3A_90 = tpu.matmul %add3A_88, %get3A_1, %dot_general3A_89 {dimension_numbers = #tpu.dot_dimension_numbers<[1], [0], [0], [1], [0, 0, 1, 1], [], []>, transpose_lhs_hint = false} : vector<1000x128xf32>, vector<128x512xf32>, vector<1000x512xf32> -> vector<1000x512xf32>
    %ge3A_91 = arith.constant 1.000000e+00 : f32
    %ge3A_92 = vector.broadcast %ge3A_91 : f32 to vector<1000x512xf32>
    %ge3A_93 = arith.cmpf oge, %dot_general3A_90, %ge3A_92 : vector<1000x512xf32>
    %convert_element_type3A_94 = arith.extui %ge3A_93 : vector<1000x512xi1> to vector<1000x512xi32>
    %convert_element_type3A_95 = arith.sitofp %convert_element_type3A_94 : vector<1000x512xi32> to vector<1000x512xf32>
    %add3A_96 = arith.addf %add3A_74, %convert_element_type3A_95 : vector<1000x512xf32>
    %get3A_97 = arith.constant 0 : index
    %get3A_98 = arith.constant 0 : index
    %get3A_99 = vector.load %arg5[%get3A_97, %get3A_98] : memref<1000x128xf32, #tpu.memory_space<vmem>>, vector<1000x128xf32>
    %get3A_100 = arith.constant 0 : index
    %get3A_101 = arith.constant 0 : index
    %get3A_102 = vector.load %arg13[%get3A_100, %get3A_101] : memref<1000x128xf32, #tpu.memory_space<vmem>>, vector<1000x128xf32>
    %get3A_103 = arith.constant 0 : index
    %get3A_104 = arith.constant 0 : index
    %get3A_105 = vector.load %arg14[%get3A_103, %get3A_104] : memref<1000x128xf32, #tpu.memory_space<vmem>>, vector<1000x128xf32>
    %add3A_106 = arith.addf %get3A_102, %get3A_105 : vector<1000x128xf32>
    %mul3A_107 = arith.constant 5.000000e-01 : f32
    %mul3A_108 = vector.broadcast %mul3A_107 : f32 to vector<1000x128xf32>
    %mul3A_109 = arith.mulf %mul3A_108, %add3A_106 : vector<1000x128xf32>
    %add3A_110 = arith.addf %get3A_99, %mul3A_109 : vector<1000x128xf32>
    %dot_general3A_111 = arith.constant dense<0.000000e+00> : vector<1000x512xf32>
    %dot_general3A_112 = tpu.matmul %add3A_110, %get3A_1, %dot_general3A_111 {dimension_numbers = #tpu.dot_dimension_numbers<[1], [0], [0], [1], [0, 0, 1, 1], [], []>, transpose_lhs_hint = false} : vector<1000x128xf32>, vector<128x512xf32>, vector<1000x512xf32> -> vector<1000x512xf32>
    %ge3A_113 = arith.constant 1.000000e+00 : f32
    %ge3A_114 = vector.broadcast %ge3A_113 : f32 to vector<1000x512xf32>
    %ge3A_115 = arith.cmpf oge, %dot_general3A_112, %ge3A_114 : vector<1000x512xf32>
    %convert_element_type3A_116 = arith.extui %ge3A_115 : vector<1000x512xi1> to vector<1000x512xi32>
    %convert_element_type3A_117 = arith.sitofp %convert_element_type3A_116 : vector<1000x512xi32> to vector<1000x512xf32>
    %add3A_118 = arith.addf %add3A_96, %convert_element_type3A_117 : vector<1000x512xf32>
    %get3A_119 = arith.constant 0 : index
    %get3A_120 = arith.constant 0 : index
    %get3A_121 = vector.load %arg6[%get3A_119, %get3A_120] : memref<1000x128xf32, #tpu.memory_space<vmem>>, vector<1000x128xf32>
    %get3A_122 = arith.constant 0 : index
    %get3A_123 = arith.constant 0 : index
    %get3A_124 = vector.load %arg15[%get3A_122, %get3A_123] : memref<1000x128xf32, #tpu.memory_space<vmem>>, vector<1000x128xf32>
    %get3A_125 = arith.constant 0 : index
    %get3A_126 = arith.constant 0 : index
    %get3A_127 = vector.load %arg16[%get3A_125, %get3A_126] : memref<1000x128xf32, #tpu.memory_space<vmem>>, vector<1000x128xf32>
    %add3A_128 = arith.addf %get3A_124, %get3A_127 : vector<1000x128xf32>
    %mul3A_129 = arith.constant 5.000000e-01 : f32
    %mul3A_130 = vector.broadcast %mul3A_129 : f32 to vector<1000x128xf32>
    %mul3A_131 = arith.mulf %mul3A_130, %add3A_128 : vector<1000x128xf32>
    %add3A_132 = arith.addf %get3A_121, %mul3A_131 : vector<1000x128xf32>
    %dot_general3A_133 = arith.constant dense<0.000000e+00> : vector<1000x512xf32>
    %dot_general3A_134 = tpu.matmul %add3A_132, %get3A_1, %dot_general3A_133 {dimension_numbers = #tpu.dot_dimension_numbers<[1], [0], [0], [1], [0, 0, 1, 1], [], []>, transpose_lhs_hint = false} : vector<1000x128xf32>, vector<128x512xf32>, vector<1000x512xf32> -> vector<1000x512xf32>
    %ge3A_135 = arith.constant 1.000000e+00 : f32
    %ge3A_136 = vector.broadcast %ge3A_135 : f32 to vector<1000x512xf32>
    %ge3A_137 = arith.cmpf oge, %dot_general3A_134, %ge3A_136 : vector<1000x512xf32>
    %convert_element_type3A_138 = arith.extui %ge3A_137 : vector<1000x512xi1> to vector<1000x512xi32>
    %convert_element_type3A_139 = arith.sitofp %convert_element_type3A_138 : vector<1000x512xi32> to vector<1000x512xf32>
    %add3A_140 = arith.addf %add3A_118, %convert_element_type3A_139 : vector<1000x512xf32>
    %mul3A_141 = arith.constant 2.000000e-01 : f32
    %mul3A_142 = vector.broadcast %mul3A_141 : f32 to vector<1000x512xf32>
    %mul3A_143 = arith.mulf %add3A_140, %mul3A_142 : vector<1000x512xf32>
    %add3A_144 = arith.addf %convert_element_type3A_29, %mul3A_143 : vector<1000x512xf32>
    %get3A_145 = arith.constant 0 : index
    %get3A_146 = arith.constant 0 : index
    %get3A_147 = vector.load %arg18[%get3A_145, %get3A_146] : memref<512x10xf32, #tpu.memory_space<vmem>>, vector<512x10xf32>
    %dot_general3A_148 = arith.constant dense<0.000000e+00> : vector<1000x10xf32>
    %dot_general3A_149 = tpu.matmul %add3A_144, %get3A_147, %dot_general3A_148 {dimension_numbers = #tpu.dot_dimension_numbers<[1], [0], [0], [1], [0, 0, 1, 1], [], []>, transpose_lhs_hint = false} : vector<1000x512xf32>, vector<512x10xf32>, vector<1000x10xf32> -> vector<1000x10xf32>
    %ge3A_150 = arith.constant 1.000000e+00 : f32
    %ge3A_151 = vector.broadcast %ge3A_150 : f32 to vector<1000x10xf32>
    %ge3A_152 = arith.cmpf oge, %dot_general3A_149, %ge3A_151 : vector<1000x10xf32>
    %convert_element_type3A_153 = arith.extui %ge3A_152 : vector<1000x10xi1> to vector<1000x10xi32>
    %convert_element_type3A_154 = arith.sitofp %convert_element_type3A_153 : vector<1000x10xi32> to vector<1000x10xf32>
    %get3A_155 = arith.constant 0 : index
    %get3A_156 = arith.constant 0 : index
    %get3A_157 = vector.load %arg20[%get3A_155, %get3A_156] : memref<1x32xf32, #tpu.memory_space<vmem>>, vector<1x32xf32>
    %get3A_158 = arith.constant 0 : index
    %get3A_159 = arith.constant 0 : index
    %get3A_160 = arith.constant 0 : index
    %get3A_161 = vector.load %arg19[%get3A_158, %get3A_159, %get3A_160] : memref<1x10x32xf32, #tpu.memory_space<vmem>>, vector<1x10x32xf32>
    %get3A_162 = vector.shape_cast %get3A_161 : vector<1x10x32xf32> to vector<10x32xf32>
    %dot_general3A_163 = arith.constant dense<0.000000e+00> : vector<1000x32xf32>
    %dot_general3A_164 = tpu.matmul %convert_element_type3A_154, %get3A_162, %dot_general3A_163 {dimension_numbers = #tpu.dot_dimension_numbers<[1], [0], [0], [1], [0, 0, 1, 1], [], []>, transpose_lhs_hint = false} : vector<1000x10xf32>, vector<10x32xf32>, vector<1000x32xf32> -> vector<1000x32xf32>
    %add3A_165 = vector.broadcast %get3A_157 : vector<1x32xf32> to vector<1000x32xf32>
    %add3A_166 = arith.addf %add3A_165, %dot_general3A_164 : vector<1000x32xf32>
    %swap3A = arith.constant 0 : index
    %swap3A_167 = arith.constant 0 : index
    %swap3A_168 = vector.load %arg21[%swap3A, %swap3A_167] : memref<1000x32xf32, #tpu.memory_space<vmem>>, vector<1000x32xf32>
    tpu.vector_store %arg21[%swap3A, %swap3A_167], %add3A_166 {strides = array<i32>} : memref<1000x32xf32, #tpu.memory_space<vmem>>, vector<1000x32xf32>,
    return
  }
  func.func @transform_0(%arg0: i32) -> (i32, i32) {
    %c0_i32 = arith.constant 0 : i32
    %c0_i32_0 = arith.constant 0 : i32
    return %arg0, %c0_i32 : i32, i32
  }
  func.func @transform_1(%arg0: i32) -> (i32, i32) {
    %add3A = arith.constant 10 : i32
    %add3A_0 = arith.addi %add3A, %arg0 : i32
    %c0_i32 = arith.constant 0 : i32
    %c0_i32_1 = arith.constant 0 : i32
    return %add3A_0, %c0_i32 : i32, i32
  }
  func.func @transform_2(%arg0: i32) -> (i32, i32) {
    %add3A = arith.constant 20 : i32
    %add3A_0 = arith.addi %add3A, %arg0 : i32
    %c0_i32 = arith.constant 0 : i32
    %c0_i32_1 = arith.constant 0 : i32
    return %add3A_0, %c0_i32 : i32, i32
  }
  func.func @transform_3(%arg0: i32) -> (i32, i32) {
    %add3A = arith.constant 30 : i32
    %add3A_0 = arith.addi %add3A, %arg0 : i32
    %c0_i32 = arith.constant 0 : i32
    %c0_i32_1 = arith.constant 0 : i32
    return %add3A_0, %c0_i32 : i32, i32
  }
  func.func @transform_4(%arg0: i32) -> (i32, i32) {
    %add3A = arith.constant 40 : i32
    %add3A_0 = arith.addi %add3A, %arg0 : i32
    %c0_i32 = arith.constant 0 : i32
    %c0_i32_1 = arith.constant 0 : i32
    return %add3A_0, %c0_i32 : i32, i32
  }
  func.func @transform_5(%arg0: i32) -> (i32, i32) {
    %add3A = arith.constant 50 : i32
    %add3A_0 = arith.addi %add3A, %arg0 : i32
    %c0_i32 = arith.constant 0 : i32
    %c0_i32_1 = arith.constant 0 : i32
    return %add3A_0, %c0_i32 : i32, i32
  }
  func.func @transform_6(%arg0: i32) -> (i32, i32) {
    %add3A = arith.constant 60 : i32
    %add3A_0 = arith.addi %add3A, %arg0 : i32
    %c0_i32 = arith.constant 0 : i32
    %c0_i32_1 = arith.constant 0 : i32
    return %add3A_0, %c0_i32 : i32, i32
  }
  func.func @transform_7(%arg0: i32) -> (i32, i32) {
    %add3A = arith.constant 70 : i32
    %add3A_0 = arith.addi %add3A, %arg0 : i32
    %c0_i32 = arith.constant 0 : i32
    %c0_i32_1 = arith.constant 0 : i32
    return %add3A_0, %c0_i32 : i32, i32
  }
  func.func @transform_8(%arg0: i32) -> (i32, i32) {
    %add3A = arith.constant 80 : i32
    %add3A_0 = arith.addi %add3A, %arg0 : i32
    %c0_i32 = arith.constant 0 : i32
    %c0_i32_1 = arith.constant 0 : i32
    return %add3A_0, %c0_i32 : i32, i32
  }
  func.func @transform_9(%arg0: i32) -> (i32, i32) {
    %add3A = arith.constant 90 : i32
    %add3A_0 = arith.addi %add3A, %arg0 : i32
    %c0_i32 = arith.constant 0 : i32
    %c0_i32_1 = arith.constant 0 : i32
    return %add3A_0, %c0_i32 : i32, i32
  }
  func.func @transform_10(%arg0: i32) -> (i32, i32) {
    %add3A = arith.constant 100 : i32
    %add3A_0 = arith.addi %add3A, %arg0 : i32
    %c0_i32 = arith.constant 0 : i32
    %c0_i32_1 = arith.constant 0 : i32
    return %add3A_0, %c0_i32 : i32, i32
  }
  func.func @transform_11(%arg0: i32) -> (i32, i32) {
    %add3A = arith.constant 110 : i32
    %add3A_0 = arith.addi %add3A, %arg0 : i32
    %c0_i32 = arith.constant 0 : i32
    %c0_i32_1 = arith.constant 0 : i32
    return %add3A_0, %c0_i32 : i32, i32
  }
  func.func @transform_12(%arg0: i32) -> (i32, i32) {
    %add3A = arith.constant 120 : i32
    %add3A_0 = arith.addi %add3A, %arg0 : i32
    %c0_i32 = arith.constant 0 : i32
    %c0_i32_1 = arith.constant 0 : i32
    return %add3A_0, %c0_i32 : i32, i32
  }
  func.func @transform_13(%arg0: i32) -> (i32, i32) {
    %add3A = arith.constant 130 : i32
    %add3A_0 = arith.addi %add3A, %arg0 : i32
    %c0_i32 = arith.constant 0 : i32
    %c0_i32_1 = arith.constant 0 : i32
    return %add3A_0, %c0_i32 : i32, i32
  }
  func.func @transform_14(%arg0: i32) -> (i32, i32) {
    %add3A = arith.constant 140 : i32
    %add3A_0 = arith.addi %add3A, %arg0 : i32
    %c0_i32 = arith.constant 0 : i32
    %c0_i32_1 = arith.constant 0 : i32
    return %add3A_0, %c0_i32 : i32, i32
  }
  func.func @transform_15(%arg0: i32) -> (i32, i32) {
    %add3A = arith.constant 150 : i32
    %add3A_0 = arith.addi %add3A, %arg0 : i32
    %c0_i32 = arith.constant 0 : i32
    %c0_i32_1 = arith.constant 0 : i32
    return %add3A_0, %c0_i32 : i32, i32
  }
  func.func @transform_16(%arg0: i32) -> (i32, i32) {
    %c0_i32 = arith.constant 0 : i32
    %c0_i32_0 = arith.constant 0 : i32
    %c0_i32_1 = arith.constant 0 : i32
    return %c0_i32, %c0_i32_0 : i32, i32
  }
  func.func @transform_17(%arg0: i32) -> (i32, i32) {
    %c0_i32 = arith.constant 0 : i32
    %c0_i32_0 = arith.constant 0 : i32
    %c0_i32_1 = arith.constant 0 : i32
    return %c0_i32, %c0_i32_0 : i32, i32
  }
  func.func @transform_18(%arg0: i32) -> (i32, i32, i32) {
    %c0_i32 = arith.constant 0 : i32
    %c0_i32_0 = arith.constant 0 : i32
    %c0_i32_1 = arith.constant 0 : i32
    %c0_i32_2 = arith.constant 0 : i32
    return %c0_i32, %c0_i32_0, %c0_i32_1 : i32, i32, i32
  }
  func.func @transform_19(%arg0: i32) -> (i32, i32) {
    %c0_i32 = arith.constant 0 : i32
    %c0_i32_0 = arith.constant 0 : i32
    %c0_i32_1 = arith.constant 0 : i32
    return %c0_i32, %c0_i32_0 : i32, i32
  }
  func.func @transform_20(%arg0: i32) -> (i32, i32) {
    %c0_i32 = arith.constant 0 : i32
    %c0_i32_0 = arith.constant 0 : i32
    return %arg0, %c0_i32 : i32, i32
  }
}

module attributes {stable_mosaic.version = 14 : i64} {
  func.func @body(%arg0: i32, %arg1: memref<1000x128xf32, #tpu.memory_space<vmem>>, %arg2: memref<1000x128xf32, #tpu.memory_space<vmem>>, %arg3: memref<1000x128xf32, #tpu.memory_space<vmem>>, %arg4: memref<1000x128xf32, #tpu.memory_space<vmem>>, %arg5: memref<1000x128xf32, #tpu.memory_space<vmem>>, %arg6: memref<1000x128xf32, #tpu.memory_space<vmem>>, %arg7: memref<1000x128xf32, #tpu.memory_space<vmem>>, %arg8: memref<1000x128xf32, #tpu.memory_space<vmem>>, %arg9: memref<1000x128xf32, #tpu.memory_space<vmem>>, %arg10: memref<1000x128xf32, #tpu.memory_space<vmem>>, %arg11: memref<1000x128xf32, #tpu.memory_space<vmem>>, %arg12: memref<1000x128xf32, #tpu.memory_space<vmem>>, %arg13: memref<1000x128xf32, #tpu.memory_space<vmem>>, %arg14: memref<1000x128xf32, #tpu.memory_space<vmem>>, %arg15: memref<1000x128xf32, #tpu.memory_space<vmem>>, %arg16: memref<1000x128xf32, #tpu.memory_space<vmem>>, %arg17: memref<128x512xf32, #tpu.memory_space<vmem>>, %arg18: memref<512x10xf32, #tpu.memory_space<vmem>>, %arg19: memref<1x10x32xf32, #tpu.memory_space<vmem>>, %arg20: memref<1000x32xf32, #tpu.memory_space<vmem>>, %arg21: memref<1000x32xf32, #tpu.memory_space<vmem>>) attributes {dimension_semantics = [#tpu.dimension_semantics<arbitrary>], iteration_bounds = array<i64: 10>, scalar_prefetch = 0 : i64, scratch_operands = 0 : i64, tpu.core_type = #tpu.core_type<tc>, window_params = [{transform_indices = @transform_0, window_bounds = array<i64: 1000, 128>}, {transform_indices = @transform_1, window_bounds = array<i64: 1000, 128>}, {transform_indices = @transform_2, window_bounds = array<i64: 1000, 128>}, {transform_indices = @transform_3, window_bounds = array<i64: 1000, 128>}, {transform_indices = @transform_4, window_bounds = array<i64: 1000, 128>}, {transform_indices = @transform_5, window_bounds = array<i64: 1000, 128>}, {transform_indices = @transform_6, window_bounds = array<i64: 1000, 128>}, {transform_indices = @transform_7, window_bounds = array<i64: 1000, 128>}, {transform_indices = @transform_8, window_bounds = array<i64: 1000, 128>}, {transform_indices = @transform_9, window_bounds = array<i64: 1000, 128>}, {transform_indices = @transform_10, window_bounds = array<i64: 1000, 128>}, {transform_indices = @transform_11, window_bounds = array<i64: 1000, 128>}, {transform_indices = @transform_12, window_bounds = array<i64: 1000, 128>}, {transform_indices = @transform_13, window_bounds = array<i64: 1000, 128>}, {transform_indices = @transform_14, window_bounds = array<i64: 1000, 128>}, {transform_indices = @transform_15, window_bounds = array<i64: 1000, 128>}, {pipeline_mode = #tpu.pipeline_mode<synchronous>, transform_indices = @transform_16, window_bounds = array<i64: 128, 512>}, {pipeline_mode = #tpu.pipeline_mode<synchronous>, transform_indices = @transform_17, window_bounds = array<i64: 512, 10>}, {transform_indices = @transform_18, window_bounds = array<i64: 1, 10, 32>}, {transform_indices = @transform_19, window_bounds = array<i64: 1000, 32>}, {transform_indices = @transform_20, window_bounds = array<i64: 1000, 32>}]} {
    %get3A = arith.constant 0 : index
    %get3A_0 = arith.constant 0 : index
    %get3A_1 = vector.load %arg17[%get3A, %get3A_0] : memref<128x512xf32, #tpu.memory_space<vmem>>, vector<128x512xf32>
    %get3A_2 = arith.constant 0 : index
    %get3A_3 = arith.constant 0 : index
    %get3A_4 = vector.load %arg2[%get3A_2, %get3A_3] : memref<1000x128xf32, #tpu.memory_space<vmem>>, vector<1000x128xf32>
    %get3A_5 = arith.constant 0 : index
    %get3A_6 = arith.constant 0 : index
    %get3A_7 = vector.load %arg3[%get3A_5, %get3A_6] : memref<1000x128xf32, #tpu.memory_space<vmem>>, vector<1000x128xf32>
    %add3A = arith.addf %get3A_4, %get3A_7 : vector<1000x128xf32>
    %get3A_8 = arith.constant 0 : index
    %get3A_9 = arith.constant 0 : index
    %get3A_10 = vector.load %arg4[%get3A_8, %get3A_9] : memref<1000x128xf32, #tpu.memory_space<vmem>>, vector<1000x128xf32>
    %add3A_11 = arith.addf %add3A, %get3A_10 : vector<1000x128xf32>
    %get3A_12 = arith.constant 0 : index
    %get3A_13 = arith.constant 0 : index
    %get3A_14 = vector.load %arg5[%get3A_12, %get3A_13] : memref<1000x128xf32, #tpu.memory_space<vmem>>, vector<1000x128xf32>
    %add3A_15 = arith.addf %add3A_11, %get3A_14 : vector<1000x128xf32>
    %get3A_16 = arith.constant 0 : index
    %get3A_17 = arith.constant 0 : index
    %get3A_18 = vector.load %arg6[%get3A_16, %get3A_17] : memref<1000x128xf32, #tpu.memory_space<vmem>>, vector<1000x128xf32>
    %add3A_19 = arith.addf %add3A_15, %get3A_18 : vector<1000x128xf32>
    %get3A_20 = arith.constant 0 : index
    %get3A_21 = arith.constant 0 : index
    %get3A_22 = vector.load %arg1[%get3A_20, %get3A_21] : memref<1000x128xf32, #tpu.memory_space<vmem>>, vector<1000x128xf32>
    %mul3A = arith.constant 2.000000e-01 : f32
    %mul3A_23 = vector.broadcast %mul3A : f32 to vector<1000x128xf32>
    %mul3A_24 = arith.mulf %add3A_19, %mul3A_23 : vector<1000x128xf32>
    %add3A_25 = arith.addf %get3A_22, %mul3A_24 : vector<1000x128xf32>
    %dot_general3A = arith.constant dense<0.000000e+00> : vector<1000x512xf32>
    %dot_general3A_26 = tpu.matmul %add3A_25, %get3A_1, %dot_general3A {dimension_numbers = #tpu.dot_dimension_numbers<[1], [0], [0], [1], [0, 0, 1, 1], [], []>, transpose_lhs_hint = false} : vector<1000x128xf32>, vector<128x512xf32>, vector<1000x512xf32> -> vector<1000x512xf32>
    %ge3A = arith.constant 1.000000e+00 : f32
    %ge3A_27 = vector.broadcast %ge3A : f32 to vector<1000x512xf32>
    %ge3A_28 = arith.cmpf oge, %dot_general3A_26, %ge3A_27 : vector<1000x512xf32>
    %convert_element_type3A = arith.extui %ge3A_28 : vector<1000x512xi1> to vector<1000x512xi32>
    %convert_element_type3A_29 = arith.sitofp %convert_element_type3A : vector<1000x512xi32> to vector<1000x512xf32>
    %broadcast_in_dim3A = arith.constant 0.000000e+00 : f32
    %broadcast_in_dim3A_30 = vector.broadcast %broadcast_in_dim3A : f32 to vector<1000x512xf32>
    %get3A_31 = arith.constant 0 : index
    %get3A_32 = arith.constant 0 : index
    %get3A_33 = vector.load %arg2[%get3A_31, %get3A_32] : memref<1000x128xf32, #tpu.memory_space<vmem>>, vector<1000x128xf32>
    %get3A_34 = arith.constant 0 : index
    %get3A_35 = arith.constant 0 : index
    %get3A_36 = vector.load %arg7[%get3A_34, %get3A_35] : memref<1000x128xf32, #tpu.memory_space<vmem>>, vector<1000x128xf32>
    %get3A_37 = arith.constant 0 : index
    %get3A_38 = arith.constant 0 : index
    %get3A_39 = vector.load %arg8[%get3A_37, %get3A_38] : memref<1000x128xf32, #tpu.memory_space<vmem>>, vector<1000x128xf32>
    %add3A_40 = arith.addf %get3A_36, %get3A_39 : vector<1000x128xf32>
    %mul3A_41 = arith.constant 5.000000e-01 : f32
    %mul3A_42 = vector.broadcast %mul3A_41 : f32 to vector<1000x128xf32>
    %mul3A_43 = arith.mulf %mul3A_42, %add3A_40 : vector<1000x128xf32>
    %add3A_44 = arith.addf %get3A_33, %mul3A_43 : vector<1000x128xf32>
    %dot_general3A_45 = arith.constant dense<0.000000e+00> : vector<1000x512xf32>
    %dot_general3A_46 = tpu.matmul %add3A_44, %get3A_1, %dot_general3A_45 {dimension_numbers = #tpu.dot_dimension_numbers<[1], [0], [0], [1], [0, 0, 1, 1], [], []>, transpose_lhs_hint = false} : vector<1000x128xf32>, vector<128x512xf32>, vector<1000x512xf32> -> vector<1000x512xf32>
    %ge3A_47 = arith.constant 1.000000e+00 : f32
    %ge3A_48 = vector.broadcast %ge3A_47 : f32 to vector<1000x512xf32>
    %ge3A_49 = arith.cmpf oge, %dot_general3A_46, %ge3A_48 : vector<1000x512xf32>
    %convert_element_type3A_50 = arith.extui %ge3A_49 : vector<1000x512xi1> to vector<1000x512xi32>
    %convert_element_type3A_51 = arith.sitofp %convert_element_type3A_50 : vector<1000x512xi32> to vector<1000x512xf32>
    %add3A_52 = arith.addf %broadcast_in_dim3A_30, %convert_element_type3A_51 : vector<1000x512xf32>
    %get3A_53 = arith.constant 0 : index
    %get3A_54 = arith.constant 0 : index
    %get3A_55 = vector.load %arg3[%get3A_53, %get3A_54] : memref<1000x128xf32, #tpu.memory_space<vmem>>, vector<1000x128xf32>
    %get3A_56 = arith.constant 0 : index
    %get3A_57 = arith.constant 0 : index
    %get3A_58 = vector.load %arg9[%get3A_56, %get3A_57] : memref<1000x128xf32, #tpu.memory_space<vmem>>, vector<1000x128xf32>
    %get3A_59 = arith.constant 0 : index
    %get3A_60 = arith.constant 0 : index
    %get3A_61 = vector.load %arg10[%get3A_59, %get3A_60] : memref<1000x128xf32, #tpu.memory_space<vmem>>, vector<1000x128xf32>
    %add3A_62 = arith.addf %get3A_58, %get3A_61 : vector<1000x128xf32>
    %mul3A_63 = arith.constant 5.000000e-01 : f32
    %mul3A_64 = vector.broadcast %mul3A_63 : f32 to vector<1000x128xf32>
    %mul3A_65 = arith.mulf %mul3A_64, %add3A_62 : vector<1000x128xf32>
    %add3A_66 = arith.addf %get3A_55, %mul3A_65 : vector<1000x128xf32>
    %dot_general3A_67 = arith.constant dense<0.000000e+00> : vector<1000x512xf32>
    %dot_general3A_68 = tpu.matmul %add3A_66, %get3A_1, %dot_general3A_67 {dimension_numbers = #tpu.dot_dimension_numbers<[1], [0], [0], [1], [0, 0, 1, 1], [], []>, transpose_lhs_hint = false} : vector<1000x128xf32>, vector<128x512xf32>, vector<1000x512xf32> -> vector<1000x512xf32>
    %ge3A_69 = arith.constant 1.000000e+00 : f32
    %ge3A_70 = vector.broadcast %ge3A_69 : f32 to vector<1000x512xf32>
    %ge3A_71 = arith.cmpf oge, %dot_general3A_68, %ge3A_70 : vector<1000x512xf32>
    %convert_element_type3A_72 = arith.extui %ge3A_71 : vector<1000x512xi1> to vector<1000x512xi32>
    %convert_element_type3A_73 = arith.sitofp %convert_element_type3A_72 : vector<1000x512xi32> to vector<1000x512xf32>
    %add3A_74 = arith.addf %add3A_52, %convert_element_type3A_73 : vector<1000x512xf32>
    %get3A_75 = arith.constant 0 : index
    %get3A_76 = arith.constant 0 : index
    %get3A_77 = vector.load %arg4[%get3A_75, %get3A_76] : memref<1000x128xf32, #tpu.memory_space<vmem>>, vector<1000x128xf32>
    %get3A_78 = arith.constant 0 : index
    %get3A_79 = arith.constant 0 : index
    %get3A_80 = vector.load %arg11[%get3A_78, %get3A_79] : memref<1000x128xf32, #tpu.memory_space<vmem>>, vector<1000x128xf32>
    %get3A_81 = arith.constant 0 : index
    %get3A_82 = arith.constant 0 : index
    %get3A_83 = vector.load %arg12[%get3A_81, %get3A_82] : memref<1000x128xf32, #tpu.memory_space<vmem>>, vector<1000x128xf32>
    %add3A_84 = arith.addf %get3A_80, %get3A_83 : vector<1000x128xf32>
    %mul3A_85 = arith.constant 5.000000e-01 : f32
    %mul3A_86 = vector.broadcast %mul3A_85 : f32 to vector<1000x128xf32>
    %mul3A_87 = arith.mulf %mul3A_86, %add3A_84 : vector<1000x128xf32>
    %add3A_88 = arith.addf %get3A_77, %mul3A_87 : vector<1000x128xf32>
    %dot_general3A_89 = arith.constant dense<0.000000e+00> : vector<1000x512xf32>
    %dot_general3A_90 = tpu.matmul %add3A_88, %get3A_1, %dot_general3A_89 {dimension_numbers = #tpu.dot_dimension_numbers<[1], [0], [0], [1], [0, 0, 1, 1], [], []>, transpose_lhs_hint = false} : vector<1000x128xf32>, vector<128x512xf32>, vector<1000x512xf32> -> vector<1000x512xf32>
    %ge3A_91 = arith.constant 1.000000e+00 : f32
    %ge3A_92 = vector.broadcast %ge3A_91 : f32 to vector<1000x512xf32>
    %ge3A_93 = arith.cmpf oge, %dot_general3A_90, %ge3A_92 : vector<1000x512xf32>
    %convert_element_type3A_94 = arith.extui %ge3A_93 : vector<1000x512xi1> to vector<1000x512xi32>
    %convert_element_type3A_95 = arith.sitofp %convert_element_type3A_94 : vector<1000x512xi32> to vector<1000x512xf32>
    %add3A_96 = arith.addf %add3A_74, %convert_element_type3A_95 : vector<1000x512xf32>
    %get3A_97 = arith.constant 0 : index
    %get3A_98 = arith.constant 0 : index
    %get3A_99 = vector.load %arg5[%get3A_97, %get3A_98] : memref<1000x128xf32, #tpu.memory_space<vmem>>, vector<1000x128xf32>
    %get3A_100 = arith.constant 0 : index
    %get3A_101 = arith.constant 0 : index
    %get3A_102 = vector.load %arg13[%get3A_100, %get3A_101] : memref<1000x128xf32, #tpu.memory_space<vmem>>, vector<1000x128xf32>
    %get3A_103 = arith.constant 0 : index
    %get3A_104 = arith.constant 0 : index
    %get3A_105 = vector.load %arg14[%get3A_103, %get3A_104] : memref<1000x128xf32, #tpu.memory_space<vmem>>, vector<1000x128xf32>
    %add3A_106 = arith.addf %get3A_102, %get3A_105 : vector<1000x128xf32>
    %mul3A_107 = arith.constant 5.000000e-01 : f32
    %mul3A_108 = vector.broadcast %mul3A_107 : f32 to vector<1000x128xf32>
    %mul3A_109 = arith.mulf %mul3A_108, %add3A_106 : vector<1000x128xf32>
    %add3A_110 = arith.addf %get3A_99, %mul3A_109 : vector<1000x128xf32>
    %dot_general3A_111 = arith.constant dense<0.000000e+00> : vector<1000x512xf32>
    %dot_general3A_112 = tpu.matmul %add3A_110, %get3A_1, %dot_general3A_111 {dimension_numbers = #tpu.dot_dimension_numbers<[1], [0], [0], [1], [0, 0, 1, 1], [], []>, transpose_lhs_hint = false} : vector<1000x128xf32>, vector<128x512xf32>, vector<1000x512xf32> -> vector<1000x512xf32>
    %ge3A_113 = arith.constant 1.000000e+00 : f32
    %ge3A_114 = vector.broadcast %ge3A_113 : f32 to vector<1000x512xf32>
    %ge3A_115 = arith.cmpf oge, %dot_general3A_112, %ge3A_114 : vector<1000x512xf32>
    %convert_element_type3A_116 = arith.extui %ge3A_115 : vector<1000x512xi1> to vector<1000x512xi32>
    %convert_element_type3A_117 = arith.sitofp %convert_element_type3A_116 : vector<1000x512xi32> to vector<1000x512xf32>
    %add3A_118 = arith.addf %add3A_96, %convert_element_type3A_117 : vector<1000x512xf32>
    %get3A_119 = arith.constant 0 : index
    %get3A_120 = arith.constant 0 : index
    %get3A_121 = vector.load %arg6[%get3A_119, %get3A_120] : memref<1000x128xf32, #tpu.memory_space<vmem>>, vector<1000x128xf32>
    %get3A_122 = arith.constant 0 : index
    %get3A_123 = arith.constant 0 : index
    %get3A_124 = vector.load %arg15[%get3A_122, %get3A_123] : memref<1000x128xf32, #tpu.memory_space<vmem>>, vector<1000x128xf32>
    %get3A_125 = arith.constant 0 : index
    %get3A_126 = arith.constant 0 : index
    %get3A_127 = vector.load %arg16[%get3A_125, %get3A_126] : memref<1000x128xf32, #tpu.memory_space<vmem>>, vector<1000x128xf32>
    %add3A_128 = arith.addf %get3A_124, %get3A_127 : vector<1000x128xf32>
    %mul3A_129 = arith.constant 5.000000e-01 : f32
    %mul3A_130 = vector.broadcast %mul3A_129 : f32 to vector<1000x128xf32>
    %mul3A_131 = arith.mulf %mul3A_130, %add3A_128 : vector<1000x128xf32>
    %add3A_132 = arith.addf %get3A_121, %mul3A_131 : vector<1000x128xf32>
    %dot_general3A_133 = arith.constant dense<0.000000e+00> : vector<1000x512xf32>
    %dot_general3A_134 = tpu.matmul %add3A_132, %get3A_1, %dot_general3A_133 {dimension_numbers = #tpu.dot_dimension_numbers<[1], [0], [0], [1], [0, 0, 1, 1], [], []>, transpose_lhs_hint = false} : vector<1000x128xf32>, vector<128x512xf32>, vector<1000x512xf32> -> vector<1000x512xf32>
    %ge3A_135 = arith.constant 1.000000e+00 : f32
    %ge3A_136 = vector.broadcast %ge3A_135 : f32 to vector<1000x512xf32>
    %ge3A_137 = arith.cmpf oge, %dot_general3A_134, %ge3A_136 : vector<1000x512xf32>
    %convert_element_type3A_138 = arith.extui %ge3A_137 : vector<1000x512xi1> to vector<1000x512xi32>
    %convert_element_type3A_139 = arith.sitofp %convert_element_type3A_138 : vector<1000x512xi32> to vector<1000x512xf32>
    %add3A_140 = arith.addf %add3A_118, %convert_element_type3A_139 : vector<1000x512xf32>
    %mul3A_141 = arith.constant 2.000000e-01 : f32
    %mul3A_142 = vector.broadcast %mul3A_141 : f32 to vector<1000x512xf32>
    %mul3A_143 = arith.mulf %add3A_140, %mul3A_142 : vector<1000x512xf32>
    %add3A_144 = arith.addf %convert_element_type3A_29, %mul3A_143 : vector<1000x512xf32>
    %get3A_145 = arith.constant 0 : index
    %get3A_146 = arith.constant 0 : index
    %get3A_147 = vector.load %arg18[%get3A_145, %get3A_146] : memref<512x10xf32, #tpu.memory_space<vmem>>, vector<512x10xf32>
    %dot_general3A_148 = arith.constant dense<0.000000e+00> : vector<1000x10xf32>
    %dot_general3A_149 = tpu.matmul %add3A_144, %get3A_147, %dot_general3A_148 {dimension_numbers = #tpu.dot_dimension_numbers<[1], [0], [0], [1], [0, 0, 1, 1], [], []>, transpose_lhs_hint = false} : vector<1000x512xf32>, vector<512x10xf32>, vector<1000x10xf32> -> vector<1000x10xf32>
    %ge3A_150 = arith.constant 1.000000e+00 : f32
    %ge3A_151 = vector.broadcast %ge3A_150 : f32 to vector<1000x10xf32>
    %ge3A_152 = arith.cmpf oge, %dot_general3A_149, %ge3A_151 : vector<1000x10xf32>
    %convert_element_type3A_153 = arith.extui %ge3A_152 : vector<1000x10xi1> to vector<1000x10xi32>
    %convert_element_type3A_154 = arith.sitofp %convert_element_type3A_153 : vector<1000x10xi32> to vector<1000x10xf32>
    %get3A_155 = arith.constant 0 : index
    %get3A_156 = arith.constant 0 : index
    %get3A_157 = vector.load %arg20[%get3A_155, %get3A_156] : memref<1000x32xf32, #tpu.memory_space<vmem>>, vector<1000x32xf32>
    %get3A_158 = arith.constant 0 : index
    %get3A_159 = arith.constant 0 : index
    %get3A_160 = arith.constant 0 : index
    %get3A_161 = vector.load %arg19[%get3A_158, %get3A_159, %get3A_160] : memref<1x10x32xf32, #tpu.memory_space<vmem>>, vector<1x10x32xf32>
    %get3A_162 = vector.shape_cast %get3A_161 : vector<1x10x32xf32> to vector<10x32xf32>
    %dot_general3A_163 = arith.constant dense<0.000000e+00> : vector<1000x32xf32>
    %dot_general3A_164 = tpu.matmul %convert_element_type3A_154, %get3A_162, %dot_general3A_163 {dimension_numbers = #tpu.dot_dimension_numbers<[1], [0], [0], [1], [0, 0, 1, 1], [], []>, transpose_lhs_hint = false} : vector<1000x10xf32>, vector<10x32xf32>, vector<1000x32xf32> -> vector<1000x32xf32>
    %add3A_165 = arith.addf %get3A_157, %dot_general3A_164 : vector<1000x32xf32>
    %swap3A = arith.constant 0 : index
    %swap3A_166 = arith.constant 0 : index
    %swap3A_167 = vector.load %arg21[%swap3A, %swap3A_166] : memref<1000x32xf32, #tpu.memory_space<vmem>>, vector<1000x32xf32>
    tpu.vector_store %arg21[%swap3A, %swap3A_166], %add3A_165 {strides = array<i32>} : memref<1000x32xf32, #tpu.memory_space<vmem>>, vector<1000x32xf32>,
    return
  }
  func.func @transform_0(%arg0: i32) -> (i32, i32) {
    %c0_i32 = arith.constant 0 : i32
    %c0_i32_0 = arith.constant 0 : i32
    return %arg0, %c0_i32 : i32, i32
  }
  func.func @transform_1(%arg0: i32) -> (i32, i32) {
    %add3A = arith.constant 10 : i32
    %add3A_0 = arith.addi %add3A, %arg0 : i32
    %c0_i32 = arith.constant 0 : i32
    %c0_i32_1 = arith.constant 0 : i32
    return %add3A_0, %c0_i32 : i32, i32
  }
  func.func @transform_2(%arg0: i32) -> (i32, i32) {
    %add3A = arith.constant 20 : i32
    %add3A_0 = arith.addi %add3A, %arg0 : i32
    %c0_i32 = arith.constant 0 : i32
    %c0_i32_1 = arith.constant 0 : i32
    return %add3A_0, %c0_i32 : i32, i32
  }
  func.func @transform_3(%arg0: i32) -> (i32, i32) {
    %add3A = arith.constant 30 : i32
    %add3A_0 = arith.addi %add3A, %arg0 : i32
    %c0_i32 = arith.constant 0 : i32
    %c0_i32_1 = arith.constant 0 : i32
    return %add3A_0, %c0_i32 : i32, i32
  }
  func.func @transform_4(%arg0: i32) -> (i32, i32) {
    %add3A = arith.constant 40 : i32
    %add3A_0 = arith.addi %add3A, %arg0 : i32
    %c0_i32 = arith.constant 0 : i32
    %c0_i32_1 = arith.constant 0 : i32
    return %add3A_0, %c0_i32 : i32, i32
  }
  func.func @transform_5(%arg0: i32) -> (i32, i32) {
    %add3A = arith.constant 50 : i32
    %add3A_0 = arith.addi %add3A, %arg0 : i32
    %c0_i32 = arith.constant 0 : i32
    %c0_i32_1 = arith.constant 0 : i32
    return %add3A_0, %c0_i32 : i32, i32
  }
  func.func @transform_6(%arg0: i32) -> (i32, i32) {
    %add3A = arith.constant 60 : i32
    %add3A_0 = arith.addi %add3A, %arg0 : i32
    %c0_i32 = arith.constant 0 : i32
    %c0_i32_1 = arith.constant 0 : i32
    return %add3A_0, %c0_i32 : i32, i32
  }
  func.func @transform_7(%arg0: i32) -> (i32, i32) {
    %add3A = arith.constant 70 : i32
    %add3A_0 = arith.addi %add3A, %arg0 : i32
    %c0_i32 = arith.constant 0 : i32
    %c0_i32_1 = arith.constant 0 : i32
    return %add3A_0, %c0_i32 : i32, i32
  }
  func.func @transform_8(%arg0: i32) -> (i32, i32) {
    %add3A = arith.constant 80 : i32
    %add3A_0 = arith.addi %add3A, %arg0 : i32
    %c0_i32 = arith.constant 0 : i32
    %c0_i32_1 = arith.constant 0 : i32
    return %add3A_0, %c0_i32 : i32, i32
  }
  func.func @transform_9(%arg0: i32) -> (i32, i32) {
    %add3A = arith.constant 90 : i32
    %add3A_0 = arith.addi %add3A, %arg0 : i32
    %c0_i32 = arith.constant 0 : i32
    %c0_i32_1 = arith.constant 0 : i32
    return %add3A_0, %c0_i32 : i32, i32
  }
  func.func @transform_10(%arg0: i32) -> (i32, i32) {
    %add3A = arith.constant 100 : i32
    %add3A_0 = arith.addi %add3A, %arg0 : i32
    %c0_i32 = arith.constant 0 : i32
    %c0_i32_1 = arith.constant 0 : i32
    return %add3A_0, %c0_i32 : i32, i32
  }
  func.func @transform_11(%arg0: i32) -> (i32, i32) {
    %add3A = arith.constant 110 : i32
    %add3A_0 = arith.addi %add3A, %arg0 : i32
    %c0_i32 = arith.constant 0 : i32
    %c0_i32_1 = arith.constant 0 : i32
    return %add3A_0, %c0_i32 : i32, i32
  }
  func.func @transform_12(%arg0: i32) -> (i32, i32) {
    %add3A = arith.constant 120 : i32
    %add3A_0 = arith.addi %add3A, %arg0 : i32
    %c0_i32 = arith.constant 0 : i32
    %c0_i32_1 = arith.constant 0 : i32
    return %add3A_0, %c0_i32 : i32, i32
  }
  func.func @transform_13(%arg0: i32) -> (i32, i32) {
    %add3A = arith.constant 130 : i32
    %add3A_0 = arith.addi %add3A, %arg0 : i32
    %c0_i32 = arith.constant 0 : i32
    %c0_i32_1 = arith.constant 0 : i32
    return %add3A_0, %c0_i32 : i32, i32
  }
  func.func @transform_14(%arg0: i32) -> (i32, i32) {
    %add3A = arith.constant 140 : i32
    %add3A_0 = arith.addi %add3A, %arg0 : i32
    %c0_i32 = arith.constant 0 : i32
    %c0_i32_1 = arith.constant 0 : i32
    return %add3A_0, %c0_i32 : i32, i32
  }
  func.func @transform_15(%arg0: i32) -> (i32, i32) {
    %add3A = arith.constant 150 : i32
    %add3A_0 = arith.addi %add3A, %arg0 : i32
    %c0_i32 = arith.constant 0 : i32
    %c0_i32_1 = arith.constant 0 : i32
    return %add3A_0, %c0_i32 : i32, i32
  }
  func.func @transform_16(%arg0: i32) -> (i32, i32) {
    %c0_i32 = arith.constant 0 : i32
    %c0_i32_0 = arith.constant 0 : i32
    %c0_i32_1 = arith.constant 0 : i32
    return %c0_i32, %c0_i32_0 : i32, i32
  }
  func.func @transform_17(%arg0: i32) -> (i32, i32) {
    %c0_i32 = arith.constant 0 : i32
    %c0_i32_0 = arith.constant 0 : i32
    %c0_i32_1 = arith.constant 0 : i32
    return %c0_i32, %c0_i32_0 : i32, i32
  }
  func.func @transform_18(%arg0: i32) -> (i32, i32, i32) {
    %c1_i32 = arith.constant 1 : i32
    %c0_i32 = arith.constant 0 : i32
    %c0_i32_0 = arith.constant 0 : i32
    %c0_i32_1 = arith.constant 0 : i32
    return %c1_i32, %c0_i32, %c0_i32_0 : i32, i32, i32
  }
  func.func @transform_19(%arg0: i32) -> (i32, i32) {
    %c0_i32 = arith.constant 0 : i32
    %c0_i32_0 = arith.constant 0 : i32
    return %arg0, %c0_i32 : i32, i32
  }
  func.func @transform_20(%arg0: i32) -> (i32, i32) {
    %c0_i32 = arith.constant 0 : i32
    %c0_i32_0 = arith.constant 0 : i32
    return %arg0, %c0_i32 : i32, i32
  }
}

module attributes {stable_mosaic.version = 14 : i64} {
  func.func @body(%arg0: i32, %arg1: memref<1000x128xf32, #tpu.memory_space<vmem>>, %arg2: memref<1000x128xf32, #tpu.memory_space<vmem>>, %arg3: memref<1000x128xf32, #tpu.memory_space<vmem>>, %arg4: memref<1000x128xf32, #tpu.memory_space<vmem>>, %arg5: memref<1000x128xf32, #tpu.memory_space<vmem>>, %arg6: memref<1000x128xf32, #tpu.memory_space<vmem>>, %arg7: memref<1000x128xf32, #tpu.memory_space<vmem>>, %arg8: memref<1000x128xf32, #tpu.memory_space<vmem>>, %arg9: memref<1000x128xf32, #tpu.memory_space<vmem>>, %arg10: memref<1000x128xf32, #tpu.memory_space<vmem>>, %arg11: memref<1000x128xf32, #tpu.memory_space<vmem>>, %arg12: memref<1000x128xf32, #tpu.memory_space<vmem>>, %arg13: memref<1000x128xf32, #tpu.memory_space<vmem>>, %arg14: memref<1000x128xf32, #tpu.memory_space<vmem>>, %arg15: memref<1000x128xf32, #tpu.memory_space<vmem>>, %arg16: memref<1000x128xf32, #tpu.memory_space<vmem>>, %arg17: memref<128x512xf32, #tpu.memory_space<vmem>>, %arg18: memref<512x10xf32, #tpu.memory_space<vmem>>, %arg19: memref<1x10x32xf32, #tpu.memory_space<vmem>>, %arg20: memref<1000x32xf32, #tpu.memory_space<vmem>>, %arg21: memref<1000x32xf32, #tpu.memory_space<vmem>>) attributes {dimension_semantics = [#tpu.dimension_semantics<arbitrary>], iteration_bounds = array<i64: 10>, scalar_prefetch = 0 : i64, scratch_operands = 0 : i64, tpu.core_type = #tpu.core_type<tc>, window_params = [{transform_indices = @transform_0, window_bounds = array<i64: 1000, 128>}, {transform_indices = @transform_1, window_bounds = array<i64: 1000, 128>}, {transform_indices = @transform_2, window_bounds = array<i64: 1000, 128>}, {transform_indices = @transform_3, window_bounds = array<i64: 1000, 128>}, {transform_indices = @transform_4, window_bounds = array<i64: 1000, 128>}, {transform_indices = @transform_5, window_bounds = array<i64: 1000, 128>}, {transform_indices = @transform_6, window_bounds = array<i64: 1000, 128>}, {transform_indices = @transform_7, window_bounds = array<i64: 1000, 128>}, {transform_indices = @transform_8, window_bounds = array<i64: 1000, 128>}, {transform_indices = @transform_9, window_bounds = array<i64: 1000, 128>}, {transform_indices = @transform_10, window_bounds = array<i64: 1000, 128>}, {transform_indices = @transform_11, window_bounds = array<i64: 1000, 128>}, {transform_indices = @transform_12, window_bounds = array<i64: 1000, 128>}, {transform_indices = @transform_13, window_bounds = array<i64: 1000, 128>}, {transform_indices = @transform_14, window_bounds = array<i64: 1000, 128>}, {transform_indices = @transform_15, window_bounds = array<i64: 1000, 128>}, {pipeline_mode = #tpu.pipeline_mode<synchronous>, transform_indices = @transform_16, window_bounds = array<i64: 128, 512>}, {pipeline_mode = #tpu.pipeline_mode<synchronous>, transform_indices = @transform_17, window_bounds = array<i64: 512, 10>}, {transform_indices = @transform_18, window_bounds = array<i64: 1, 10, 32>}, {transform_indices = @transform_19, window_bounds = array<i64: 1000, 32>}, {transform_indices = @transform_20, window_bounds = array<i64: 1000, 32>}]} {
    %get3A = arith.constant 0 : index
    %get3A_0 = arith.constant 0 : index
    %get3A_1 = vector.load %arg17[%get3A, %get3A_0] : memref<128x512xf32, #tpu.memory_space<vmem>>, vector<128x512xf32>
    %get3A_2 = arith.constant 0 : index
    %get3A_3 = arith.constant 0 : index
    %get3A_4 = vector.load %arg2[%get3A_2, %get3A_3] : memref<1000x128xf32, #tpu.memory_space<vmem>>, vector<1000x128xf32>
    %get3A_5 = arith.constant 0 : index
    %get3A_6 = arith.constant 0 : index
    %get3A_7 = vector.load %arg3[%get3A_5, %get3A_6] : memref<1000x128xf32, #tpu.memory_space<vmem>>, vector<1000x128xf32>
    %add3A = arith.addf %get3A_4, %get3A_7 : vector<1000x128xf32>
    %get3A_8 = arith.constant 0 : index
    %get3A_9 = arith.constant 0 : index
    %get3A_10 = vector.load %arg4[%get3A_8, %get3A_9] : memref<1000x128xf32, #tpu.memory_space<vmem>>, vector<1000x128xf32>
    %add3A_11 = arith.addf %add3A, %get3A_10 : vector<1000x128xf32>
    %get3A_12 = arith.constant 0 : index
    %get3A_13 = arith.constant 0 : index
    %get3A_14 = vector.load %arg5[%get3A_12, %get3A_13] : memref<1000x128xf32, #tpu.memory_space<vmem>>, vector<1000x128xf32>
    %add3A_15 = arith.addf %add3A_11, %get3A_14 : vector<1000x128xf32>
    %get3A_16 = arith.constant 0 : index
    %get3A_17 = arith.constant 0 : index
    %get3A_18 = vector.load %arg6[%get3A_16, %get3A_17] : memref<1000x128xf32, #tpu.memory_space<vmem>>, vector<1000x128xf32>
    %add3A_19 = arith.addf %add3A_15, %get3A_18 : vector<1000x128xf32>
    %get3A_20 = arith.constant 0 : index
    %get3A_21 = arith.constant 0 : index
    %get3A_22 = vector.load %arg1[%get3A_20, %get3A_21] : memref<1000x128xf32, #tpu.memory_space<vmem>>, vector<1000x128xf32>
    %mul3A = arith.constant 2.000000e-01 : f32
    %mul3A_23 = vector.broadcast %mul3A : f32 to vector<1000x128xf32>
    %mul3A_24 = arith.mulf %add3A_19, %mul3A_23 : vector<1000x128xf32>
    %add3A_25 = arith.addf %get3A_22, %mul3A_24 : vector<1000x128xf32>
    %dot_general3A = arith.constant dense<0.000000e+00> : vector<1000x512xf32>
    %dot_general3A_26 = tpu.matmul %add3A_25, %get3A_1, %dot_general3A {dimension_numbers = #tpu.dot_dimension_numbers<[1], [0], [0], [1], [0, 0, 1, 1], [], []>, transpose_lhs_hint = false} : vector<1000x128xf32>, vector<128x512xf32>, vector<1000x512xf32> -> vector<1000x512xf32>
    %ge3A = arith.constant 1.000000e+00 : f32
    %ge3A_27 = vector.broadcast %ge3A : f32 to vector<1000x512xf32>
    %ge3A_28 = arith.cmpf oge, %dot_general3A_26, %ge3A_27 : vector<1000x512xf32>
    %convert_element_type3A = arith.extui %ge3A_28 : vector<1000x512xi1> to vector<1000x512xi32>
    %convert_element_type3A_29 = arith.sitofp %convert_element_type3A : vector<1000x512xi32> to vector<1000x512xf32>
    %broadcast_in_dim3A = arith.constant 0.000000e+00 : f32
    %broadcast_in_dim3A_30 = vector.broadcast %broadcast_in_dim3A : f32 to vector<1000x512xf32>
    %get3A_31 = arith.constant 0 : index
    %get3A_32 = arith.constant 0 : index
    %get3A_33 = vector.load %arg2[%get3A_31, %get3A_32] : memref<1000x128xf32, #tpu.memory_space<vmem>>, vector<1000x128xf32>
    %get3A_34 = arith.constant 0 : index
    %get3A_35 = arith.constant 0 : index
    %get3A_36 = vector.load %arg7[%get3A_34, %get3A_35] : memref<1000x128xf32, #tpu.memory_space<vmem>>, vector<1000x128xf32>
    %get3A_37 = arith.constant 0 : index
    %get3A_38 = arith.constant 0 : index
    %get3A_39 = vector.load %arg8[%get3A_37, %get3A_38] : memref<1000x128xf32, #tpu.memory_space<vmem>>, vector<1000x128xf32>
    %add3A_40 = arith.addf %get3A_36, %get3A_39 : vector<1000x128xf32>
    %mul3A_41 = arith.constant 5.000000e-01 : f32
    %mul3A_42 = vector.broadcast %mul3A_41 : f32 to vector<1000x128xf32>
    %mul3A_43 = arith.mulf %mul3A_42, %add3A_40 : vector<1000x128xf32>
    %add3A_44 = arith.addf %get3A_33, %mul3A_43 : vector<1000x128xf32>
    %dot_general3A_45 = arith.constant dense<0.000000e+00> : vector<1000x512xf32>
    %dot_general3A_46 = tpu.matmul %add3A_44, %get3A_1, %dot_general3A_45 {dimension_numbers = #tpu.dot_dimension_numbers<[1], [0], [0], [1], [0, 0, 1, 1], [], []>, transpose_lhs_hint = false} : vector<1000x128xf32>, vector<128x512xf32>, vector<1000x512xf32> -> vector<1000x512xf32>
    %ge3A_47 = arith.constant 1.000000e+00 : f32
    %ge3A_48 = vector.broadcast %ge3A_47 : f32 to vector<1000x512xf32>
    %ge3A_49 = arith.cmpf oge, %dot_general3A_46, %ge3A_48 : vector<1000x512xf32>
    %convert_element_type3A_50 = arith.extui %ge3A_49 : vector<1000x512xi1> to vector<1000x512xi32>
    %convert_element_type3A_51 = arith.sitofp %convert_element_type3A_50 : vector<1000x512xi32> to vector<1000x512xf32>
    %add3A_52 = arith.addf %broadcast_in_dim3A_30, %convert_element_type3A_51 : vector<1000x512xf32>
    %get3A_53 = arith.constant 0 : index
    %get3A_54 = arith.constant 0 : index
    %get3A_55 = vector.load %arg3[%get3A_53, %get3A_54] : memref<1000x128xf32, #tpu.memory_space<vmem>>, vector<1000x128xf32>
    %get3A_56 = arith.constant 0 : index
    %get3A_57 = arith.constant 0 : index
    %get3A_58 = vector.load %arg9[%get3A_56, %get3A_57] : memref<1000x128xf32, #tpu.memory_space<vmem>>, vector<1000x128xf32>
    %get3A_59 = arith.constant 0 : index
    %get3A_60 = arith.constant 0 : index
    %get3A_61 = vector.load %arg10[%get3A_59, %get3A_60] : memref<1000x128xf32, #tpu.memory_space<vmem>>, vector<1000x128xf32>
    %add3A_62 = arith.addf %get3A_58, %get3A_61 : vector<1000x128xf32>
    %mul3A_63 = arith.constant 5.000000e-01 : f32
    %mul3A_64 = vector.broadcast %mul3A_63 : f32 to vector<1000x128xf32>
    %mul3A_65 = arith.mulf %mul3A_64, %add3A_62 : vector<1000x128xf32>
    %add3A_66 = arith.addf %get3A_55, %mul3A_65 : vector<1000x128xf32>
    %dot_general3A_67 = arith.constant dense<0.000000e+00> : vector<1000x512xf32>
    %dot_general3A_68 = tpu.matmul %add3A_66, %get3A_1, %dot_general3A_67 {dimension_numbers = #tpu.dot_dimension_numbers<[1], [0], [0], [1], [0, 0, 1, 1], [], []>, transpose_lhs_hint = false} : vector<1000x128xf32>, vector<128x512xf32>, vector<1000x512xf32> -> vector<1000x512xf32>
    %ge3A_69 = arith.constant 1.000000e+00 : f32
    %ge3A_70 = vector.broadcast %ge3A_69 : f32 to vector<1000x512xf32>
    %ge3A_71 = arith.cmpf oge, %dot_general3A_68, %ge3A_70 : vector<1000x512xf32>
    %convert_element_type3A_72 = arith.extui %ge3A_71 : vector<1000x512xi1> to vector<1000x512xi32>
    %convert_element_type3A_73 = arith.sitofp %convert_element_type3A_72 : vector<1000x512xi32> to vector<1000x512xf32>
    %add3A_74 = arith.addf %add3A_52, %convert_element_type3A_73 : vector<1000x512xf32>
    %get3A_75 = arith.constant 0 : index
    %get3A_76 = arith.constant 0 : index
    %get3A_77 = vector.load %arg4[%get3A_75, %get3A_76] : memref<1000x128xf32, #tpu.memory_space<vmem>>, vector<1000x128xf32>
    %get3A_78 = arith.constant 0 : index
    %get3A_79 = arith.constant 0 : index
    %get3A_80 = vector.load %arg11[%get3A_78, %get3A_79] : memref<1000x128xf32, #tpu.memory_space<vmem>>, vector<1000x128xf32>
    %get3A_81 = arith.constant 0 : index
    %get3A_82 = arith.constant 0 : index
    %get3A_83 = vector.load %arg12[%get3A_81, %get3A_82] : memref<1000x128xf32, #tpu.memory_space<vmem>>, vector<1000x128xf32>
    %add3A_84 = arith.addf %get3A_80, %get3A_83 : vector<1000x128xf32>
    %mul3A_85 = arith.constant 5.000000e-01 : f32
    %mul3A_86 = vector.broadcast %mul3A_85 : f32 to vector<1000x128xf32>
    %mul3A_87 = arith.mulf %mul3A_86, %add3A_84 : vector<1000x128xf32>
    %add3A_88 = arith.addf %get3A_77, %mul3A_87 : vector<1000x128xf32>
    %dot_general3A_89 = arith.constant dense<0.000000e+00> : vector<1000x512xf32>
    %dot_general3A_90 = tpu.matmul %add3A_88, %get3A_1, %dot_general3A_89 {dimension_numbers = #tpu.dot_dimension_numbers<[1], [0], [0], [1], [0, 0, 1, 1], [], []>, transpose_lhs_hint = false} : vector<1000x128xf32>, vector<128x512xf32>, vector<1000x512xf32> -> vector<1000x512xf32>
    %ge3A_91 = arith.constant 1.000000e+00 : f32
    %ge3A_92 = vector.broadcast %ge3A_91 : f32 to vector<1000x512xf32>
    %ge3A_93 = arith.cmpf oge, %dot_general3A_90, %ge3A_92 : vector<1000x512xf32>
    %convert_element_type3A_94 = arith.extui %ge3A_93 : vector<1000x512xi1> to vector<1000x512xi32>
    %convert_element_type3A_95 = arith.sitofp %convert_element_type3A_94 : vector<1000x512xi32> to vector<1000x512xf32>
    %add3A_96 = arith.addf %add3A_74, %convert_element_type3A_95 : vector<1000x512xf32>
    %get3A_97 = arith.constant 0 : index
    %get3A_98 = arith.constant 0 : index
    %get3A_99 = vector.load %arg5[%get3A_97, %get3A_98] : memref<1000x128xf32, #tpu.memory_space<vmem>>, vector<1000x128xf32>
    %get3A_100 = arith.constant 0 : index
    %get3A_101 = arith.constant 0 : index
    %get3A_102 = vector.load %arg13[%get3A_100, %get3A_101] : memref<1000x128xf32, #tpu.memory_space<vmem>>, vector<1000x128xf32>
    %get3A_103 = arith.constant 0 : index
    %get3A_104 = arith.constant 0 : index
    %get3A_105 = vector.load %arg14[%get3A_103, %get3A_104] : memref<1000x128xf32, #tpu.memory_space<vmem>>, vector<1000x128xf32>
    %add3A_106 = arith.addf %get3A_102, %get3A_105 : vector<1000x128xf32>
    %mul3A_107 = arith.constant 5.000000e-01 : f32
    %mul3A_108 = vector.broadcast %mul3A_107 : f32 to vector<1000x128xf32>
    %mul3A_109 = arith.mulf %mul3A_108, %add3A_106 : vector<1000x128xf32>
    %add3A_110 = arith.addf %get3A_99, %mul3A_109 : vector<1000x128xf32>
    %dot_general3A_111 = arith.constant dense<0.000000e+00> : vector<1000x512xf32>
    %dot_general3A_112 = tpu.matmul %add3A_110, %get3A_1, %dot_general3A_111 {dimension_numbers = #tpu.dot_dimension_numbers<[1], [0], [0], [1], [0, 0, 1, 1], [], []>, transpose_lhs_hint = false} : vector<1000x128xf32>, vector<128x512xf32>, vector<1000x512xf32> -> vector<1000x512xf32>
    %ge3A_113 = arith.constant 1.000000e+00 : f32
    %ge3A_114 = vector.broadcast %ge3A_113 : f32 to vector<1000x512xf32>
    %ge3A_115 = arith.cmpf oge, %dot_general3A_112, %ge3A_114 : vector<1000x512xf32>
    %convert_element_type3A_116 = arith.extui %ge3A_115 : vector<1000x512xi1> to vector<1000x512xi32>
    %convert_element_type3A_117 = arith.sitofp %convert_element_type3A_116 : vector<1000x512xi32> to vector<1000x512xf32>
    %add3A_118 = arith.addf %add3A_96, %convert_element_type3A_117 : vector<1000x512xf32>
    %get3A_119 = arith.constant 0 : index
    %get3A_120 = arith.constant 0 : index
    %get3A_121 = vector.load %arg6[%get3A_119, %get3A_120] : memref<1000x128xf32, #tpu.memory_space<vmem>>, vector<1000x128xf32>
    %get3A_122 = arith.constant 0 : index
    %get3A_123 = arith.constant 0 : index
    %get3A_124 = vector.load %arg15[%get3A_122, %get3A_123] : memref<1000x128xf32, #tpu.memory_space<vmem>>, vector<1000x128xf32>
    %get3A_125 = arith.constant 0 : index
    %get3A_126 = arith.constant 0 : index
    %get3A_127 = vector.load %arg16[%get3A_125, %get3A_126] : memref<1000x128xf32, #tpu.memory_space<vmem>>, vector<1000x128xf32>
    %add3A_128 = arith.addf %get3A_124, %get3A_127 : vector<1000x128xf32>
    %mul3A_129 = arith.constant 5.000000e-01 : f32
    %mul3A_130 = vector.broadcast %mul3A_129 : f32 to vector<1000x128xf32>
    %mul3A_131 = arith.mulf %mul3A_130, %add3A_128 : vector<1000x128xf32>
    %add3A_132 = arith.addf %get3A_121, %mul3A_131 : vector<1000x128xf32>
    %dot_general3A_133 = arith.constant dense<0.000000e+00> : vector<1000x512xf32>
    %dot_general3A_134 = tpu.matmul %add3A_132, %get3A_1, %dot_general3A_133 {dimension_numbers = #tpu.dot_dimension_numbers<[1], [0], [0], [1], [0, 0, 1, 1], [], []>, transpose_lhs_hint = false} : vector<1000x128xf32>, vector<128x512xf32>, vector<1000x512xf32> -> vector<1000x512xf32>
    %ge3A_135 = arith.constant 1.000000e+00 : f32
    %ge3A_136 = vector.broadcast %ge3A_135 : f32 to vector<1000x512xf32>
    %ge3A_137 = arith.cmpf oge, %dot_general3A_134, %ge3A_136 : vector<1000x512xf32>
    %convert_element_type3A_138 = arith.extui %ge3A_137 : vector<1000x512xi1> to vector<1000x512xi32>
    %convert_element_type3A_139 = arith.sitofp %convert_element_type3A_138 : vector<1000x512xi32> to vector<1000x512xf32>
    %add3A_140 = arith.addf %add3A_118, %convert_element_type3A_139 : vector<1000x512xf32>
    %mul3A_141 = arith.constant 2.000000e-01 : f32
    %mul3A_142 = vector.broadcast %mul3A_141 : f32 to vector<1000x512xf32>
    %mul3A_143 = arith.mulf %add3A_140, %mul3A_142 : vector<1000x512xf32>
    %add3A_144 = arith.addf %convert_element_type3A_29, %mul3A_143 : vector<1000x512xf32>
    %get3A_145 = arith.constant 0 : index
    %get3A_146 = arith.constant 0 : index
    %get3A_147 = vector.load %arg18[%get3A_145, %get3A_146] : memref<512x10xf32, #tpu.memory_space<vmem>>, vector<512x10xf32>
    %dot_general3A_148 = arith.constant dense<0.000000e+00> : vector<1000x10xf32>
    %dot_general3A_149 = tpu.matmul %add3A_144, %get3A_147, %dot_general3A_148 {dimension_numbers = #tpu.dot_dimension_numbers<[1], [0], [0], [1], [0, 0, 1, 1], [], []>, transpose_lhs_hint = false} : vector<1000x512xf32>, vector<512x10xf32>, vector<1000x10xf32> -> vector<1000x10xf32>
    %ge3A_150 = arith.constant 1.000000e+00 : f32
    %ge3A_151 = vector.broadcast %ge3A_150 : f32 to vector<1000x10xf32>
    %ge3A_152 = arith.cmpf oge, %dot_general3A_149, %ge3A_151 : vector<1000x10xf32>
    %convert_element_type3A_153 = arith.extui %ge3A_152 : vector<1000x10xi1> to vector<1000x10xi32>
    %convert_element_type3A_154 = arith.sitofp %convert_element_type3A_153 : vector<1000x10xi32> to vector<1000x10xf32>
    %get3A_155 = arith.constant 0 : index
    %get3A_156 = arith.constant 0 : index
    %get3A_157 = vector.load %arg20[%get3A_155, %get3A_156] : memref<1000x32xf32, #tpu.memory_space<vmem>>, vector<1000x32xf32>
    %get3A_158 = arith.constant 0 : index
    %get3A_159 = arith.constant 0 : index
    %get3A_160 = arith.constant 0 : index
    %get3A_161 = vector.load %arg19[%get3A_158, %get3A_159, %get3A_160] : memref<1x10x32xf32, #tpu.memory_space<vmem>>, vector<1x10x32xf32>
    %get3A_162 = vector.shape_cast %get3A_161 : vector<1x10x32xf32> to vector<10x32xf32>
    %dot_general3A_163 = arith.constant dense<0.000000e+00> : vector<1000x32xf32>
    %dot_general3A_164 = tpu.matmul %convert_element_type3A_154, %get3A_162, %dot_general3A_163 {dimension_numbers = #tpu.dot_dimension_numbers<[1], [0], [0], [1], [0, 0, 1, 1], [], []>, transpose_lhs_hint = false} : vector<1000x10xf32>, vector<10x32xf32>, vector<1000x32xf32> -> vector<1000x32xf32>
    %add3A_165 = arith.addf %get3A_157, %dot_general3A_164 : vector<1000x32xf32>
    %swap3A = arith.constant 0 : index
    %swap3A_166 = arith.constant 0 : index
    %swap3A_167 = vector.load %arg21[%swap3A, %swap3A_166] : memref<1000x32xf32, #tpu.memory_space<vmem>>, vector<1000x32xf32>
    tpu.vector_store %arg21[%swap3A, %swap3A_166], %add3A_165 {strides = array<i32>} : memref<1000x32xf32, #tpu.memory_space<vmem>>, vector<1000x32xf32>,
    return
  }
  func.func @transform_0(%arg0: i32) -> (i32, i32) {
    %c0_i32 = arith.constant 0 : i32
    %c0_i32_0 = arith.constant 0 : i32
    return %arg0, %c0_i32 : i32, i32
  }
  func.func @transform_1(%arg0: i32) -> (i32, i32) {
    %add3A = arith.constant 10 : i32
    %add3A_0 = arith.addi %add3A, %arg0 : i32
    %c0_i32 = arith.constant 0 : i32
    %c0_i32_1 = arith.constant 0 : i32
    return %add3A_0, %c0_i32 : i32, i32
  }
  func.func @transform_2(%arg0: i32) -> (i32, i32) {
    %add3A = arith.constant 20 : i32
    %add3A_0 = arith.addi %add3A, %arg0 : i32
    %c0_i32 = arith.constant 0 : i32
    %c0_i32_1 = arith.constant 0 : i32
    return %add3A_0, %c0_i32 : i32, i32
  }
  func.func @transform_3(%arg0: i32) -> (i32, i32) {
    %add3A = arith.constant 30 : i32
    %add3A_0 = arith.addi %add3A, %arg0 : i32
    %c0_i32 = arith.constant 0 : i32
    %c0_i32_1 = arith.constant 0 : i32
    return %add3A_0, %c0_i32 : i32, i32
  }
  func.func @transform_4(%arg0: i32) -> (i32, i32) {
    %add3A = arith.constant 40 : i32
    %add3A_0 = arith.addi %add3A, %arg0 : i32
    %c0_i32 = arith.constant 0 : i32
    %c0_i32_1 = arith.constant 0 : i32
    return %add3A_0, %c0_i32 : i32, i32
  }
  func.func @transform_5(%arg0: i32) -> (i32, i32) {
    %add3A = arith.constant 50 : i32
    %add3A_0 = arith.addi %add3A, %arg0 : i32
    %c0_i32 = arith.constant 0 : i32
    %c0_i32_1 = arith.constant 0 : i32
    return %add3A_0, %c0_i32 : i32, i32
  }
  func.func @transform_6(%arg0: i32) -> (i32, i32) {
    %add3A = arith.constant 60 : i32
    %add3A_0 = arith.addi %add3A, %arg0 : i32
    %c0_i32 = arith.constant 0 : i32
    %c0_i32_1 = arith.constant 0 : i32
    return %add3A_0, %c0_i32 : i32, i32
  }
  func.func @transform_7(%arg0: i32) -> (i32, i32) {
    %add3A = arith.constant 70 : i32
    %add3A_0 = arith.addi %add3A, %arg0 : i32
    %c0_i32 = arith.constant 0 : i32
    %c0_i32_1 = arith.constant 0 : i32
    return %add3A_0, %c0_i32 : i32, i32
  }
  func.func @transform_8(%arg0: i32) -> (i32, i32) {
    %add3A = arith.constant 80 : i32
    %add3A_0 = arith.addi %add3A, %arg0 : i32
    %c0_i32 = arith.constant 0 : i32
    %c0_i32_1 = arith.constant 0 : i32
    return %add3A_0, %c0_i32 : i32, i32
  }
  func.func @transform_9(%arg0: i32) -> (i32, i32) {
    %add3A = arith.constant 90 : i32
    %add3A_0 = arith.addi %add3A, %arg0 : i32
    %c0_i32 = arith.constant 0 : i32
    %c0_i32_1 = arith.constant 0 : i32
    return %add3A_0, %c0_i32 : i32, i32
  }
  func.func @transform_10(%arg0: i32) -> (i32, i32) {
    %add3A = arith.constant 100 : i32
    %add3A_0 = arith.addi %add3A, %arg0 : i32
    %c0_i32 = arith.constant 0 : i32
    %c0_i32_1 = arith.constant 0 : i32
    return %add3A_0, %c0_i32 : i32, i32
  }
  func.func @transform_11(%arg0: i32) -> (i32, i32) {
    %add3A = arith.constant 110 : i32
    %add3A_0 = arith.addi %add3A, %arg0 : i32
    %c0_i32 = arith.constant 0 : i32
    %c0_i32_1 = arith.constant 0 : i32
    return %add3A_0, %c0_i32 : i32, i32
  }
  func.func @transform_12(%arg0: i32) -> (i32, i32) {
    %add3A = arith.constant 120 : i32
    %add3A_0 = arith.addi %add3A, %arg0 : i32
    %c0_i32 = arith.constant 0 : i32
    %c0_i32_1 = arith.constant 0 : i32
    return %add3A_0, %c0_i32 : i32, i32
  }
  func.func @transform_13(%arg0: i32) -> (i32, i32) {
    %add3A = arith.constant 130 : i32
    %add3A_0 = arith.addi %add3A, %arg0 : i32
    %c0_i32 = arith.constant 0 : i32
    %c0_i32_1 = arith.constant 0 : i32
    return %add3A_0, %c0_i32 : i32, i32
  }
  func.func @transform_14(%arg0: i32) -> (i32, i32) {
    %add3A = arith.constant 140 : i32
    %add3A_0 = arith.addi %add3A, %arg0 : i32
    %c0_i32 = arith.constant 0 : i32
    %c0_i32_1 = arith.constant 0 : i32
    return %add3A_0, %c0_i32 : i32, i32
  }
  func.func @transform_15(%arg0: i32) -> (i32, i32) {
    %add3A = arith.constant 150 : i32
    %add3A_0 = arith.addi %add3A, %arg0 : i32
    %c0_i32 = arith.constant 0 : i32
    %c0_i32_1 = arith.constant 0 : i32
    return %add3A_0, %c0_i32 : i32, i32
  }
  func.func @transform_16(%arg0: i32) -> (i32, i32) {
    %c0_i32 = arith.constant 0 : i32
    %c0_i32_0 = arith.constant 0 : i32
    %c0_i32_1 = arith.constant 0 : i32
    return %c0_i32, %c0_i32_0 : i32, i32
  }
  func.func @transform_17(%arg0: i32) -> (i32, i32) {
    %c0_i32 = arith.constant 0 : i32
    %c0_i32_0 = arith.constant 0 : i32
    %c0_i32_1 = arith.constant 0 : i32
    return %c0_i32, %c0_i32_0 : i32, i32
  }
  func.func @transform_18(%arg0: i32) -> (i32, i32, i32) {
    %c2_i32 = arith.constant 2 : i32
    %c0_i32 = arith.constant 0 : i32
    %c0_i32_0 = arith.constant 0 : i32
    %c0_i32_1 = arith.constant 0 : i32
    return %c2_i32, %c0_i32, %c0_i32_0 : i32, i32, i32
  }
  func.func @transform_19(%arg0: i32) -> (i32, i32) {
    %c0_i32 = arith.constant 0 : i32
    %c0_i32_0 = arith.constant 0 : i32
    return %arg0, %c0_i32 : i32, i32
  }
  func.func @transform_20(%arg0: i32) -> (i32, i32) {
    %c0_i32 = arith.constant 0 : i32
    %c0_i32_0 = arith.constant 0 : i32
    return %arg0, %c0_i32 : i32, i32
  }
}

</mosaic_0001>

<sc_bundles>
// kernel: kernel.11.cloned.1.call-start
scs
__scs_entry_jumppad:
0x0: {  	(pc) =	sbr.rel $0x88, $3  }
0x1: {  	(tag) =	ssettag $0x0;
	lr =	simm.s32 $0x1  }
0x2: {  	[smem:$0x3F99] =	sst lr;
	_ =	strace $0xD0000000  }
0x3: {  	_ = 	snop  }
0x4: {  	_ = 	snop  }
0x5: {  	_ = 	snop  }
0x6: {  	_ = 	snop  }
0x7: {  	_ = 	snop  }
__scs_overlays_trampoline_lowered:
0x8: {  	[smem:$0x3FA8] =	sst s0  }
0x9: {  	[smem:$0x3FA9] =	sst s1  }
0xa: {  	[smem:$0x3FAA] =	sst s2  }
0xb: {  	[smem:$0x3FAB] =	sst s3  }
0xc: {  	[smem:$0x3FAC] =	sst s4  }
0xd: {  	[smem:$0x3FAD] =	sst s5  }
0xe: {  	[smem:$0x3FAE] =	sst s6  }
0xf: {  	[smem:$0x3FAF] =	sst s7  }
0x10: {  	[smem:$0x3FB0] =	sst s8  }
0x11: {  	[smem:$0x3FB1] =	sst s9;
	s0 =	simm.s32 @!p0 $0x0  }
0x12: {  	s1 =	sld [smem:$0x3F97];
	s0 =	simm.s32 @p0 $0x1  }
0x13: {  	[smem:$0x3FB2] =	sst s0;
	s0 =	simm.s32 @!p1 $0x0  }
0x14: {  	s2 =	sld [smem:$0x3F96];
	s0 =	simm.s32 @p1 $0x1  }
0x15: {  	[smem:$0x3FB3] =	sst s0;
	s0 =	simm.s32 @!p2 $0x0  }
0x16: {  	s3 =	sld [smem:$0x3FDB];
	s0 =	simm.s32 @p2 $0x1  }
0x17: {  	s4 =	simm.s32 $0x1BF5;
	[smem:$0x3FB5] =	sst s0  }
0x18: {  	s0 =	sld [smem:$0x3F98];
	_ =	swait.ge [sflag:s4], $0x0  }
0x19: {  	s7 =	sld [smem:$0x3F99]  }
0x1a: {  	s8 =	sadd.s32 $0xFFFFE003, lr  }
0x1b: {  	s9 =	sadd.s32 $0xFFFFFEF7, lr;
	s5 =	simm.s32 $0xFFFFFFFF;
	p2 =	slt.u32 s8, $0xFFFFF086  }
0x1c: {  	p1 =	slt.u32 s9, $0xF7A;
	s5 =	simm.s32 @!p2 $0x0  }
0x1d: {  	s5 =	simm.s32 @p1 $0x1;
	p0 =	seq.s32 s7, s2  }
0x1e: {  	s7 =	smul.u32 @!p0 $0xF7A, s2;
	p2 =	seq.s32 @!p0 s5, $0x0  }
0x1f: {  	s9 =	smul.u32 $0xF7A, s1;
	s8 =	simm.s32 @!p0 $0x1BF5;
	p2 =	por !p2, p0  }
0x20: {  	[sflag:s8] =	ssyncset.s32 @!p0 $0xFFFFF086;
	s6 =	sadd.s32 @!p0 s3, s7;
	s7 =	simm.s32 @!p0 $0x108  }
0x21: {  	s3 =	sadd.s32 s3, s9;
	s6 =	sadd.s32 @!p0 $0x88, s6;
	s7 =	simm.s32 @p2 $0x1082  }
0x22: {  	[simem:s7], [sflag:s8] =	dma.local @!p0 [hbm:s6], $0xF7A  }
0x23: {  	s9 =	sor.u32 $0xD0000000, s2;
	s6 =	simm.s32 $0x108;
	_ =	swait.ge @!p0 [sflag:s8], $0x0  }
0x24: {  	s3 =	sadd.s32 $0x88, s3;
	s6 =	simm.s32 @!p1 $0x1082;
	[sflag:s4] =	ssyncset.s32 $0xFFFFF086  }
0x25: {  	[simem:s6], [sflag:s4] =	dma.local [hbm:s3], $0xF7A  }
0x26: {  	[smem:$0x3F99] =	sst s1;
	(tag) =	ssettag s2;
	_ =	strace s9  }
0x27: {  	s1 =	sld [smem:$0x3FA9]  }
0x28: {  	s2 =	sld [smem:$0x3FAA]  }
0x29: {  	s4 =	sld [smem:$0x3FAC]  }
0x2a: {  	p0 =	seq.s32 s5, $0x0;
	s5 =	sld [smem:$0x3FAD]  }
0x2b: {  	s6 =	sld [smem:$0x3FAE]  }
0x2c: {  	s7 =	sld [smem:$0x3FAF]  }
0x2d: {  	s3 =	simm.s32 $0x108;
	s8 =	sld [smem:$0x3FB0]  }
0x2e: {  	s3 =	simm.s32 @!p0 $0x1082;
	s9 =	sld [smem:$0x3FB1]  }
0x2f: {  	lr =	sadd.s32 s0, s3;
	s0 =	sld [smem:$0x3FA8]  }
0x30: {  	s3 =	sld [smem:$0x3FAB]  }
0x31: {  	[smem:$0x3FB4] =	sst s10  }
0x32: {  	s10 =	sld [smem:$0x3FB2];
	_ =	sdelay $0x3  }
0x33: {  	p0 =	seq.s32 s10, $0x1;
	s10 =	sld [smem:$0x3FB4];
	_ =	sdelay $0x3  }
0x34: {  	[smem:$0x3FB4] =	sst s10  }
0x35: {  	s10 =	sld [smem:$0x3FB3];
	_ =	sdelay $0x3  }
0x36: {  	p1 =	seq.s32 s10, $0x1;
	s10 =	sld [smem:$0x3FB4];
	_ =	sdelay $0x3  }
0x37: {  	[smem:$0x3FB4] =	sst s10  }
0x38: {  	s10 =	sld [smem:$0x3FB5]  }
0x39: {  	_ = 	snop;
	(pc) =	sbr.ind lr, $3  }
0x3a: {  	_ = 	snop  }
0x3b: {  	_ = 	snop  }
0x3c: {  	p2 =	seq.s32 s10, $0x1;
	s10 =	sld [smem:$0x3FB4]  }
0x3d: {  	_ =	shalt  }
0x3e: {  	_ =	shalt  }
0x3f: {  	_ =	shalt  }
0x40: {  	_ =	shalt  }
0x41: {  	_ =	shalt  }
0x42: {  	_ =	shalt  }
0x43: {  	_ =	shalt  }
0x44: {  	_ =	shalt  }
0x45: {  	_ =	shalt  }
0x46: {  	_ =	shalt  }
0x47: {  	_ =	shalt  }
0x48: {  	_ =	shalt  }
0x49: {  	_ =	shalt  }
0x4a: {  	_ =	shalt  }
0x4b: {  	_ =	shalt  }
0x4c: {  	_ =	shalt  }
0x4d: {  	_ =	shalt  }
0x4e: {  	_ =	shalt  }
0x4f: {  	_ =	shalt  }
0x50: {  	_ =	shalt  }
0x51: {  	_ =	shalt  }
0x52: {  	_ =	shalt  }
0x53: {  	_ =	shalt  }
0x54: {  	_ =	shalt  }
0x55: {  	_ =	shalt  }
0x56: {  	_ =	shalt  }
0x57: {  	_ =	shalt  }
0x58: {  	_ =	shalt  }
0x59: {  	_ =	shalt  }
0x5a: {  	_ =	shalt  }
0x5b: {  	_ =	shalt  }
0x5c: {  	_ =	shalt  }
0x5d: {  	_ =	shalt  }
0x5e: {  	_ =	shalt  }
0x5f: {  	_ =	shalt  }
0x60: {  	_ =	shalt  }
0x61: {  	_ =	shalt  }
0x62: {  	_ =	shalt  }
0x63: {  	_ =	shalt  }
0x64: {  	_ =	shalt  }
0x65: {  	_ =	shalt  }
0x66: {  	_ =	shalt  }
0x67: {  	_ =	shalt  }
0x68: {  	_ =	shalt  }
0x69: {  	_ =	shalt  }
0x6a: {  	_ =	shalt  }
0x6b: {  	_ =	shalt  }
0x6c: {  	_ =	shalt  }
0x6d: {  	_ =	shalt  }
0x6e: {  	_ =	shalt  }
0x6f: {  	_ =	shalt  }
0x70: {  	_ =	shalt  }
0x71: {  	_ =	shalt  }
0x72: {  	_ =	shalt  }
0x73: {  	_ =	shalt  }
0x74: {  	_ =	shalt  }
0x75: {  	_ =	shalt  }
0x76: {  	_ =	shalt  }
0x77: {  	_ =	shalt  }
0x78: {  	_ =	shalt  }
0x79: {  	_ =	shalt  }
0x7a: {  	_ =	shalt  }
0x7b: {  	_ =	shalt  }
0x7c: {  	_ =	shalt  }
0x7d: {  	_ =	shalt  }
0x7e: {  	_ =	shalt  }
0x7f: {  	_ =	shalt  }
0x80: {  	_ =	shalt  }
0x81: {  	_ =	shalt  }
0x82: {  	_ =	shalt  }
0x83: {  	_ =	shalt  }
0x84: {  	_ =	shalt  }
0x85: {  	_ =	shalt  }
0x86: {  	_ =	shalt  }
0x87: {  	_ =	shalt  }
.Lfunc_end0:
.L_simem_size_0:
called_computation.1_lowered:
.L_overlay_start_0:
0x88: {  	s2 =	sld [smem:$0x3FD9]  }
0x89: {  	s3 =	sld [smem:$0x3FFE];
	_ =	sdelay $0x1  }
0x8a: {  	s1 =	srdreg.scid  }
0x8b: {  	s0 =	sand.u32 $0x1, s1  }
0x8c: {  	s17 =	sshll.u32 s0, $0xA;
	s2 =	sadd.s32 s3, s2  }
0x8d: {  	s2 =	sadd.s32 s2, s17  }
0x8e: {  	[smem:$0x3FC0] =	sst s2  }
0x8f: {  	_ = 	snop  }
0x90: {  	s18 =	sld [smem:$0x3FC9];
	(tm) =	ssettm $0x1  }
0x91: {  	s19 =	sld [smem:$0x3FFB];
	_ =	sdelay $0x3  }
0x92: {  	_ =	strace s19  }
0x93: {  	s2 =	sld [smem:$0x3FFC];
	_ =	sdelay $0x3  }
0x94: {  	_ =	strace s2  }
0x95: {  	s2 =	sld [smem:$0x3FFD];
	_ =	sdelay $0x3  }
0x96: {  	_ =	strace s2  }
0x97: {  	_ =	strace $0x8FFFFFFF  }
0x98: {  	s20 =	sld [smem:$0x3FDB];
	_ =	sdelay $0x1  }
0x99: {  	s4 =	simm.s32 $_scs_section_size  }
0x9a: {  	s5 =	simm.s32 $_size__tile_overlayer_lowered;
	s6 =	simm.s32 $_tile_overlayer_lowered  }
0x9b: {  	s7 =	simm.s32 $0x1BFF;
	s21 =	sshll.u32 s6, $0x1;
	s4 =	sadd.s32 s4, s20  }
0x9c: {  	s22 =	simm.s32 $0x0;
	s5 =	sshll.u32 s5, $0x1;
	s6 =	sadd.s32 s21, s4  }
0x9d: {  	[timem:s22], [sflag:s7] =	dma.local [hbm:s6], s5  }
0x9e: {  	_ =	swait.ge [sflag:s7], s5  }
0x9f: {  	s5 =	ssub.s32 $0x0, s5;
	[sflag:s7] =	ssyncset.done $0x0  }
0xa0: {  	[sflag:s7] =	ssyncadd.s32 s5;
	_ =	sdelay $0x1  }
0xa1: {  	s23 =	simm.s32 $0x1B8B  }
0xa2: {  	_ =	swait.ge [sflag:s23], $0x1  }
0xa3: {  	[sflag:s23] =	ssyncset.done $0x0  }
0xa4: {  	[sflag:s23] =	ssyncadd.s32 $0xFFFFFFFF  }
0xa5: {  	s5 =	sld [smem:$0x0]  }
0xa6: {  	s6 =	sand.u32 $0xFFFFFFFE, s1  }
0xa7: {  	p0 =	sne.s32 s1, s6  }
0xa8: {  	s6 =	sshll.u32 @p0 s6, $0xE  }
0xa9: {  	s6 =	sadd.s32 @p0 $0x11B8D, s6;
	s7 =	sshll.u32 @p0 s5, $0x11  }
0xaa: {  	s6 =	sor.u32 @p0 s7, s6  }
0xab: {  	[sflag:s6] =	ssyncadd.remote.s32 @p0 $0x1;
	_ =	sdelay $0x1  }
0xac: {  	s6 =	simm.s32 @p0 $0x1B8D  }
0xad: {  	_ =	swait.eq @p0 [sflag:s6], $0x1  }
0xae: {  	[sflag:s6] =	ssyncadd.s32 @p0 $0xFFFFFFFF  }
0xaf: {  	s7 =	sshll.u32 @!p0 s1, $0xE  }
0xb0: {  	s7 =	sor.u32 @!p0 $0x4000, s7;
	s6 =	simm.s32 @!p0 $0x1B8D  }
0xb1: {  	s5 =	sshll.u32 @!p0 s5, $0x11;
	s7 =	sadd.s32 @!p0 $0x11B8D, s7;
	_ =	swait.eq @!p0 [sflag:s6], $0x1  }
0xb2: {  	s5 =	sor.u32 @!p0 s5, s7;
	[sflag:s6] =	ssyncadd.s32 @!p0 $0xFFFFFFFF  }
0xb3: {  	s25 =	simm.s32 $0x1B8E;
	s24 =	sld [smem:$0x3FFE];
	[sflag:s5] =	ssyncadd.remote.s32 @!p0 $0x1  }
0xb4: {  	s26 =	simm.s32 $execute0_lowered;
	[smem:$0x3FD2] =	sst s25  }
0xb5: {  	s6 =	sshll.u32 s26, $0x1;
	_ =	strace $0x80000049;
	[dreg:$0x1] =	wrdreg $0xFFFFFFFF  }
0xb6: {  	s28 =	simm.s32 $_size_execute0_lowered;
	s4 =	sadd.s32 s4, s6;
	[dreg:$0x0] =	wrdreg $0x0  }
0xb7: {  	s6 =	sshll.u32 s28, $0x1;
	[dreg:$0x2] =	wrdreg s4  }
0xb8: {  	[dreg:$0x3] =	wrdreg s6  }
0xb9: {  	[dreg:$0x4] =	wrdreg $0xC0  }
0xba: {  	_ =	task [dreg:s22], $0x5FFFF  }
0xbb: {  	[dreg:$0x1] =	wrdreg $0xFFFFFFFF  }
0xbc: {  	[dreg:$0x0] =	wrdreg $0x60  }
0xbd: {  	[dreg:$0x2] =	wrdreg s18  }
0xbe: {  	[dreg:$0x3] =	wrdreg s24  }
0xbf: {  	[dreg:$0x4] =	wrdreg $0xA  }
0xc0: {  	_ =	task.clear_ibuf [dreg:s22], $0x5FFFF;
	_ =	strace $0x90000049  }
0xc1: {  	s29 =	simm.s32 $0xA;
	_ =	strace $0x8000004B  }
0xc2: {  	_ =	swait.ge [sflag:s29], $0x1  }
0xc3: {  	[sflag:s29] =	ssyncadd.s32 $0xFFFFFFFF  }
0xc4: {  	_ =	strace $0x9000004B  }
0xc5: {  	_ =	sfence  }
0xc6: {  	s30 =	sld [smem:$0x0];
	_ =	sdelay $0x2  }
0xc7: {  	s31 =	sshll.u32 s1, $0xD;
	s1 =	sshrl.u32 s1, $0x2  }
0xc8: {  	s4 =	sand.u32 $0x4000, s31;
	s1 =	sadd.s32 s1, s30  }
0xc9: {  	s0 =	sor.u32 s4, s0;
	s1 =	sshll.u32 s1, $0x11  }
0xca: {  	s0 =	sor.u32 s1, s0  }
0xcb: {  	s0 =	sadd.s32 $0x8F2B, s0  }
0xcc: {  	[sflag:s0] =	ssyncadd.remote.s32 $0x1  }
0xcd: {  	_ =	sfence.sel $0xFFFF  }
0xce: {  	[dreg:$0x0] =	wrdreg $0xFFFFFFFF;
	(pc) =	sbr.abs _section_cstart, $3  }
0xcf: {  	[dreg:$0x1] =	wrdreg $0xFFFFFFFF  }
0xd0: {  	_ =	task.clear_ibuf [dreg:s22], $0x2FFFF;
	_ =	strace $0x9FFFFFFF  }
0xd1: {  	(tm) =	ssettm $0x7FFFFFFF  }
tec
execute0_lowered:
.L_overlay_start_1:
0x0: {  	(tag) =	ssettag $0x1  }
0x1: {  	s2 =	rddreg [dreg:$0x0];
	s0 =	srdreg.scid  }
0x2: {  	s3 =	stileid.u32;
	s1 =	rddreg [dreg:$0x1];
	s8 =	simm.s32 $0x9  }
0x3: {  	s9 =	simm.s32 $0x1400;
	s10 =	simm.s32 $0x80;
	s11 =	simm.s32 $0x2800  }
0x4: {  	s12 =	simm.s32 $0x6800;
	s13 =	simm.s32 $0x1;
	s15 =	simm.s32 $0xA800  }
0x5: {  	s16 =	simm.s32 $0x2;
	s19 =	simm.s32 $0xE800;
	s20 =	simm.s32 $0x3  }
0x6: {  	s22 =	simm.s32 $0x5;
	s24 =	simm.s32 $0x4;
	s26 =	simm.s32 $0x6  }
0x7: {  	s29 =	simm.s32 $0x7;
	s30 =	simm.s32 $0x8;
	s31 =	simm.s32 $0x2600  }
0x8: {  	s14 =	simm.s32 $0x1380;
	s0 =	sand.u32 $0x1, s0;
	s4 =	sshll.u32 s3, $0x1  }
0x9: {  	s17 =	simm.s32 $0x2700;
	s18 =	simm.s32 $0x2780;
	s4 =	sor.u32 s0, s4  }
0xa: {  	s3 =	simm.s32 $0x0;
	s0 =	ssub.s32 $0x2, s0;
	s4 =	smul.u32 $0x280, s4  }
0xb: {  	s21 =	simm.s32 $0x0;
	[smem:$0x7FF] =	sst s3;
	s28 =	sshrl.u32 s0, $0x1  }
0xc: {  	_ =	strace $0x8000004A;
	s0 =	ssub.s32 s0, s28;
	s6 =	sadd.s32 s4, s1  }
0xd: {  	s4 =	sadd.s32 $0x2A0200, s1;
	s7 =	smax.u32 s0, $0x1;
	s1 =	simm.s32 $0x1300  }
0xe: {  	s0 =	simm.s32 $0x2680;
	s5 =	sadd.s32 $0x29B200, s6;
	s6 =	sadd.s32 $0x11200, s6  }
.LBB2_1:
0xf: {  	[tilespmem:s3], [sflag:$0x9] =	stream.linear.gather [hbm4b:s5+s3], $0x1400, $0x38;
	[tilespmem:$0x12800] =	vst v63  }
0x10: {  	_ =	swait.ge [sflag:s8], $0x1400  }
0x11: {  	[sflag:s8] =	ssyncset.done $0x0  }
0x12: {  	[sflag:s8] =	ssyncadd.s32 $0xFFFFEC00  }
0x13: {  	[tilespmem:s9], [sflag:$0x9] =	stream.linear.gather [hbm4b:s6+s3], $0x1400, $0x38;
	[tilespmem:$0x12800] =	vst v63  }
0x14: {  	_ =	swait.ge [sflag:s8], $0x1400  }
0x15: {  	[sflag:s8] =	ssyncset.done $0x0  }
0x16: {  	[sflag:s8] =	ssyncadd.s32 $0xFFFFEC00  }
0x17: {  	[tilespmem:s11], [sflag:$0x1] =	stream.indirect.gather [hbm4b:s2+s10], $0x80, s3, s10, $0xb8;
	[tilespmem:$0x12800] =	vst v63  }
0x18: {  	_ = 	snop  }
0x19: {  	[tilespmem:s12], [sflag:$0x2] =	stream.indirect.gather [hbm4b:s2+s10], $0x80, s10, s10, $0xb8;
	[tilespmem:$0x12800] =	vst v63  }
0x1a: {  	_ =	swait.ge [sflag:s13], $0x4000  }
0x1b: {  	[sflag:s13] =	ssyncset.done $0x0  }
0x1c: {  	[sflag:s13] =	ssyncadd.s32 $0xFFFFC000  }
0x1d: {  	[hbm4b:s4+s10] =	stream.indirect.scatter [tilespmem:s11], [sflag:$0x5], $0x80, s9, s10, $0xb8;
	[tilespmem:$0x12800] =	vst v63  }
0x1e: {  	s23 =	simm.s32 $0x100  }
0x1f: {  	[tilespmem:s15], [sflag:$0x3] =	stream.indirect.gather [hbm4b:s2+s10], $0x80, s23, s10, $0xb8;
	[tilespmem:$0x12800] =	vst v63  }
0x20: {  	_ =	swait.ge [sflag:s16], $0x4000  }
0x21: {  	[sflag:s16] =	ssyncset.done $0x0  }
0x22: {  	s28 =	simm.s32 $0x1480;
	[sflag:s16] =	ssyncadd.s32 $0xFFFFC000  }
0x23: {  	[hbm4b:s4+s10] =	stream.indirect.scatter [tilespmem:s12], [sflag:$0x6], $0x80, s28, s10, $0xb8;
	[tilespmem:$0x12800] =	vst v63  }
0x24: {  	s25 =	simm.s32 $0x180  }
0x25: {  	[tilespmem:s19], [sflag:$0x4] =	stream.indirect.gather [hbm4b:s2+s10], $0x80, s25, s10, $0xb8;
	[tilespmem:$0x12800] =	vst v63  }
0x26: {  	_ =	swait.ge [sflag:s20], $0x4000  }
0x27: {  	[sflag:s20] =	ssyncset.done $0x0  }
0x28: {  	s28 =	simm.s32 $0x1500;
	[sflag:s20] =	ssyncadd.s32 $0xFFFFC000  }
0x29: {  	[hbm4b:s4+s10] =	stream.indirect.scatter [tilespmem:s15], [sflag:$0x7], $0x80, s28, s10, $0xb8;
	[tilespmem:$0x12800] =	vst v63  }
0x2a: {  	_ =	swait.ge [sflag:s22], $0x4000  }
0x2b: {  	[sflag:s22] =	ssyncset.done $0x0  }
0x2c: {  	s25 =	simm.s32 $0x200;
	[sflag:s22] =	ssyncadd.s32 $0xFFFFC000  }
0x2d: {  	[tilespmem:s11], [sflag:$0x1] =	stream.indirect.gather [hbm4b:s2+s10], $0x80, s25, s10, $0xb8;
	[tilespmem:$0x12800] =	vst v63  }
0x2e: {  	_ =	swait.ge [sflag:s24], $0x4000  }
0x2f: {  	[sflag:s24] =	ssyncset.done $0x0  }
0x30: {  	s28 =	simm.s32 $0x1580;
	[sflag:s24] =	ssyncadd.s32 $0xFFFFC000  }
0x31: {  	[hbm4b:s4+s10] =	stream.indirect.scatter [tilespmem:s19], [sflag:$0x8], $0x80, s28, s10, $0xb8;
	[tilespmem:$0x12800] =	vst v63  }
0x32: {  	_ =	swait.ge [sflag:s26], $0x4000  }
0x33: {  	[sflag:s26] =	ssyncset.done $0x0  }
0x34: {  	s25 =	simm.s32 $0x280;
	[sflag:s26] =	ssyncadd.s32 $0xFFFFC000  }
0x35: {  	[tilespmem:s12], [sflag:$0x2] =	stream.indirect.gather [hbm4b:s2+s10], $0x80, s25, s10, $0xb8;
	[tilespmem:$0x12800] =	vst v63  }
0x36: {  	_ =	swait.ge [sflag:s13], $0x4000  }
0x37: {  	[sflag:s13] =	ssyncset.done $0x0  }
0x38: {  	s28 =	simm.s32 $0x1600;
	[sflag:s13] =	ssyncadd.s32 $0xFFFFC000  }
0x39: {  	[hbm4b:s4+s10] =	stream.indirect.scatter [tilespmem:s11], [sflag:$0x5], $0x80, s28, s10, $0xb8;
	[tilespmem:$0x12800] =	vst v63  }
0x3a: {  	_ =	swait.ge [sflag:s29], $0x4000  }
0x3b: {  	[sflag:s29] =	ssyncset.done $0x0  }
0x3c: {  	s25 =	simm.s32 $0x300;
	[sflag:s29] =	ssyncadd.s32 $0xFFFFC000  }
0x3d: {  	[tilespmem:s15], [sflag:$0x3] =	stream.indirect.gather [hbm4b:s2+s10], $0x80, s25, s10, $0xb8;
	[tilespmem:$0x12800] =	vst v63  }
0x3e: {  	_ =	swait.ge [sflag:s16], $0x4000  }
0x3f: {  	[sflag:s16] =	ssyncset.done $0x0  }
0x40: {  	s28 =	simm.s32 $0x1680;
	[sflag:s16] =	ssyncadd.s32 $0xFFFFC000  }
0x41: {  	[hbm4b:s4+s10] =	stream.indirect.scatter [tilespmem:s12], [sflag:$0x6], $0x80, s28, s10, $0xb8;
	[tilespmem:$0x12800] =	vst v63  }
0x42: {  	_ =	swait.ge [sflag:s30], $0x4000  }
0x43: {  	[sflag:s30] =	ssyncset.done $0x0  }
0x44: {  	s25 =	simm.s32 $0x380;
	[sflag:s30] =	ssyncadd.s32 $0xFFFFC000  }
0x45: {  	[tilespmem:s19], [sflag:$0x4] =	stream.indirect.gather [hbm4b:s2+s10], $0x80, s25, s10, $0xb8;
	[tilespmem:$0x12800] =	vst v63  }
0x46: {  	_ =	swait.ge [sflag:s20], $0x4000  }
0x47: {  	[sflag:s20] =	ssyncset.done $0x0  }
0x48: {  	s28 =	simm.s32 $0x1700;
	[sflag:s20] =	ssyncadd.s32 $0xFFFFC000  }
0x49: {  	[hbm4b:s4+s10] =	stream.indirect.scatter [tilespmem:s15], [sflag:$0x7], $0x80, s28, s10, $0xb8;
	[tilespmem:$0x12800] =	vst v63  }
0x4a: {  	_ =	swait.ge [sflag:s22], $0x4000  }
0x4b: {  	[sflag:s22] =	ssyncset.done $0x0  }
0x4c: {  	s25 =	simm.s32 $0x400;
	[sflag:s22] =	ssyncadd.s32 $0xFFFFC000  }
0x4d: {  	[tilespmem:s11], [sflag:$0x1] =	stream.indirect.gather [hbm4b:s2+s10], $0x80, s25, s10, $0xb8;
	[tilespmem:$0x12800] =	vst v63  }
0x4e: {  	_ =	swait.ge [sflag:s24], $0x4000  }
0x4f: {  	[sflag:s24] =	ssyncset.done $0x0  }
0x50: {  	s28 =	simm.s32 $0x1780;
	[sflag:s24] =	ssyncadd.s32 $0xFFFFC000  }
0x51: {  	[hbm4b:s4+s10] =	stream.indirect.scatter [tilespmem:s19], [sflag:$0x8], $0x80, s28, s10, $0xb8;
	[tilespmem:$0x12800] =	vst v63  }
0x52: {  	_ =	swait.ge [sflag:s26], $0x4000  }
0x53: {  	[sflag:s26] =	ssyncset.done $0x0  }
0x54: {  	s23 =	simm.s32 $0x800;
	s25 =	simm.s32 $0x480;
	[sflag:s26] =	ssyncadd.s32 $0xFFFFC000  }
.LBB2_2:
0x55: {  	[tilespmem:s12], [sflag:$0x2] =	stream.indirect.gather [hbm4b:s2+s10], $0x80, s25, s10, $0xb8;
	[tilespmem:$0x12800] =	vst v63  }
0x56: {  	s25 =	smov.u32 s23  }
0x57: {  	p0 =	sne.s32 s23, $0x3800;
	s23 =	sadd.s32 $0x800, s23;
	_ =	swait.ge [sflag:s13], $0x4000  }
0x58: {  	s25 =	sshra.s32 s25, $0x2;
	[sflag:s13] =	ssyncset.done $0x0  }
0x59: {  	s28 =	sadd.s32 $0x1600, s25;
	[sflag:s13] =	ssyncadd.s32 $0xFFFFC000  }
0x5a: {  	[hbm4b:s4+s10] =	stream.indirect.scatter [tilespmem:s11], [sflag:$0x5], $0x80, s28, s10, $0xb8;
	[tilespmem:$0x12800] =	vst v63  }
0x5b: {  	_ =	swait.ge [sflag:s29], $0x4000  }
0x5c: {  	[sflag:s29] =	ssyncset.done $0x0  }
0x5d: {  	s28 =	sadd.s32 $0x300, s25;
	[sflag:s29] =	ssyncadd.s32 $0xFFFFC000  }
0x5e: {  	[tilespmem:s15], [sflag:$0x3] =	stream.indirect.gather [hbm4b:s2+s10], $0x80, s28, s10, $0xb8;
	[tilespmem:$0x12800] =	vst v63  }
0x5f: {  	_ =	swait.ge [sflag:s16], $0x4000  }
0x60: {  	[sflag:s16] =	ssyncset.done $0x0  }
0x61: {  	s28 =	sadd.s32 $0x1680, s25;
	[sflag:s16] =	ssyncadd.s32 $0xFFFFC000  }
0x62: {  	[hbm4b:s4+s10] =	stream.indirect.scatter [tilespmem:s12], [sflag:$0x6], $0x80, s28, s10, $0xb8;
	[tilespmem:$0x12800] =	vst v63  }
0x63: {  	_ =	swait.ge [sflag:s30], $0x4000  }
0x64: {  	[sflag:s30] =	ssyncset.done $0x0  }
0x65: {  	s28 =	sadd.s32 $0x380, s25;
	[sflag:s30] =	ssyncadd.s32 $0xFFFFC000  }
0x66: {  	[tilespmem:s19], [sflag:$0x4] =	stream.indirect.gather [hbm4b:s2+s10], $0x80, s28, s10, $0xb8;
	[tilespmem:$0x12800] =	vst v63  }
0x67: {  	_ =	swait.ge [sflag:s20], $0x4000  }
0x68: {  	[sflag:s20] =	ssyncset.done $0x0  }
0x69: {  	s28 =	sadd.s32 $0x1700, s25;
	[sflag:s20] =	ssyncadd.s32 $0xFFFFC000  }
0x6a: {  	[hbm4b:s4+s10] =	stream.indirect.scatter [tilespmem:s15], [sflag:$0x7], $0x80, s28, s10, $0xb8;
	[tilespmem:$0x12800] =	vst v63  }
0x6b: {  	_ =	swait.ge [sflag:s22], $0x4000  }
0x6c: {  	[sflag:s22] =	ssyncset.done $0x0  }
0x6d: {  	s28 =	sadd.s32 $0x400, s25;
	[sflag:s22] =	ssyncadd.s32 $0xFFFFC000  }
0x6e: {  	[tilespmem:s11], [sflag:$0x1] =	stream.indirect.gather [hbm4b:s2+s10], $0x80, s28, s10, $0xb8;
	[tilespmem:$0x12800] =	vst v63  }
0x6f: {  	_ =	swait.ge [sflag:s24], $0x4000  }
0x70: {  	[sflag:s24] =	ssyncset.done $0x0  }
.Ltmp0:
0x71: {  	s28 =	sadd.s32 $0x1780, s25;
	[sflag:s24] =	ssyncadd.s32 $0xFFFFC000;
	(pc) =	sbr.rel @p0 .LBB2_2-.Ltmp0, $4  }
0x72: {  	[hbm4b:s4+s10] =	stream.indirect.scatter [tilespmem:s19], [sflag:$0x8], $0x80, s28, s10, $0xb8;
	[tilespmem:$0x12800] =	vst v63  }
0x73: {  	_ =	swait.ge [sflag:s26], $0x4000  }
0x74: {  	[sflag:s26] =	ssyncset.done $0x0  }
0x75: {  	s25 =	sadd.s32 $0x480, s25;
	[sflag:s26] =	ssyncadd.s32 $0xFFFFC000  }
0x76: {  	[tilespmem:s12], [sflag:$0x2] =	stream.indirect.gather [hbm4b:s2+s10], $0x80, s25, s10, $0xb8;
	[tilespmem:$0x12800] =	vst v63  }
0x77: {  	_ =	swait.ge [sflag:s13], $0x4000  }
0x78: {  	[sflag:s13] =	ssyncset.done $0x0  }
0x79: {  	[sflag:s13] =	ssyncadd.s32 $0xFFFFC000  }
0x7a: {  	[hbm4b:s4+s10] =	stream.indirect.scatter [tilespmem:s11], [sflag:$0x5], $0x80, s31, s10, $0xb8;
	[tilespmem:$0x12800] =	vst v63  }
0x7b: {  	_ =	swait.ge [sflag:s29], $0x4000  }
0x7c: {  	[sflag:s29] =	ssyncset.done $0x0  }
0x7d: {  	[sflag:s29] =	ssyncadd.s32 $0xFFFFC000  }
0x7e: {  	[tilespmem:s15], [sflag:$0x3] =	stream.indirect.gather [hbm4b:s2+s10], $0x80, s1, s10, $0xb8;
	[tilespmem:$0x12800] =	vst v63  }
0x7f: {  	_ =	swait.ge [sflag:s16], $0x4000  }
0x80: {  	[sflag:s16] =	ssyncset.done $0x0  }
0x81: {  	[sflag:s16] =	ssyncadd.s32 $0xFFFFC000  }
0x82: {  	[hbm4b:s4+s10] =	stream.indirect.scatter [tilespmem:s12], [sflag:$0x6], $0x80, s0, s10, $0xb8;
	[tilespmem:$0x12800] =	vst v63  }
0x83: {  	_ =	swait.ge [sflag:s30], $0x4000  }
0x84: {  	[sflag:s30] =	ssyncset.done $0x0  }
0x85: {  	[sflag:s30] =	ssyncadd.s32 $0xFFFFC000  }
0x86: {  	[tilespmem:s19], [sflag:$0x4] =	stream.indirect.gather [hbm4b:s2+s10], $0x80, s14, s10, $0xb8;
	[tilespmem:$0x12800] =	vst v63  }
0x87: {  	_ =	swait.ge [sflag:s20], $0x4000  }
0x88: {  	[sflag:s20] =	ssyncset.done $0x0  }
0x89: {  	[sflag:s20] =	ssyncadd.s32 $0xFFFFC000  }
0x8a: {  	[hbm4b:s4+s10] =	stream.indirect.scatter [tilespmem:s15], [sflag:$0x7], $0x80, s17, s10, $0xb8;
	[tilespmem:$0x12800] =	vst v63  }
0x8b: {  	_ =	swait.ge [sflag:s22], $0x4000  }
0x8c: {  	[sflag:s22] =	ssyncset.done $0x0  }
0x8d: {  	[sflag:s22] =	ssyncadd.s32 $0xFFFFC000  }
0x8e: {  	_ =	swait.ge [sflag:s24], $0x4000  }
0x8f: {  	[sflag:s24] =	ssyncset.done $0x0  }
0x90: {  	[sflag:s24] =	ssyncadd.s32 $0xFFFFC000  }
0x91: {  	[hbm4b:s4+s10] =	stream.indirect.scatter [tilespmem:s19], [sflag:$0x8], $0x80, s18, s10, $0xb8;
	[tilespmem:$0x12800] =	vst v63  }
0x92: {  	_ =	swait.ge [sflag:s26], $0x4000  }
0x93: {  	[sflag:s26] =	ssyncset.done $0x0  }
0x94: {  	s21 =	sadd.s32 $0x1, s21;
	[sflag:s26] =	ssyncadd.s32 $0xFFFFC000  }
0x95: {  	p0 =	sne.s32 s21, s7;
	_ =	swait.ge [sflag:s29], $0x4000  }
.Ltmp1:
0x96: {  	[sflag:s29] =	ssyncset.done $0x0;
	(pc) =	sbr.rel @p0 .LBB2_1-.Ltmp1, $4  }
0x97: {  	[sflag:s29] =	ssyncadd.s32 $0xFFFFC000  }
0x98: {  	_ =	swait.ge [sflag:s30], $0x4000  }
0x99: {  	[sflag:s30] =	ssyncset.done $0x0  }
0x9a: {  	[sflag:s30] =	ssyncadd.s32 $0xFFFFC000  }
0x9b: {  	_ =	sfence.sel $0x180000  }
0x9c: {  	[bflag:$0x0] =	sbarrier.arrive $0xFFFF  }
0x9d: {  	_ =	strace $0x9000004A  }
0x9e: {  	s0 =	stileid.u32;
	[bflag:$0x2] =	sbarrier.arrive $0xFFFF  }
0x9f: {  	p0 =	sne.s32 s0, $0x0;
	s0 =	rddreg [dreg:$0x2]  }
0xa0: {  	s0 =	sadd.s32 @!p0 $0x100000, s0  }
0xa1: {  	[sflag:s0] =	ssyncadd.tile.s32 @!p0 $0x1;
	_ =	shalt  }
.Lfunc_end2:
_tile_overlayer_lowered:
.L_overlay_start_2:
0xa2: {  	(tag) =	ssettag $0x2  }
0xa3: {  	s0 =	rddreg [dreg:$0x0];
	s2 =	stileid.u32  }
0xa4: {  	s1 =	rddreg [dreg:$0x1];
	p0 =	sne.s32 s2, $0x0  }
0xa5: {  	s3 =	rddreg [dreg:$0x2];
	[bflag:$0x3] =	sbarrier.arrive $0xFFFF;
	s2 =	simm.s32 @!p0 $0x1C09  }
0xa6: {  	[timem:s3], [sflag:s2] =	dma.local @!p0 [hbm:s0], s1  }
0xa7: {  	s0 =	simm.s32 @!p0 $0x9  }
0xa8: {  	_ =	swait.ge @!p0 [sflag:s0], s1  }
0xa9: {  	s1 =	ssub.s32 @!p0 $0x0, s1;
	[sflag:s0] =	ssyncset.done @!p0 $0x0  }
0xaa: {  	[sflag:s0] =	ssyncadd.s32 @!p0 s1  }
0xab: {  	[bflag:$0x3] =	sbarrier.arrive $0xFFFF  }
0xac: {  	_ =	shalt  }

// kernel: kernel.14.cloned.1.call-start
scs
__scs_entry_jumppad:
0x0: {  	(pc) =	sbr.rel $0x88, $3  }
0x1: {  	(tag) =	ssettag $0x0;
	lr =	simm.s32 $0x1  }
0x2: {  	[smem:$0x3F99] =	sst lr;
	_ =	strace $0xD0000000  }
0x3: {  	_ = 	snop  }
0x4: {  	_ = 	snop  }
0x5: {  	_ = 	snop  }
0x6: {  	_ = 	snop  }
0x7: {  	_ = 	snop  }
__scs_overlays_trampoline_lowered:
0x8: {  	[smem:$0x3FA8] =	sst s0  }
0x9: {  	[smem:$0x3FA9] =	sst s1  }
0xa: {  	[smem:$0x3FAA] =	sst s2  }
0xb: {  	[smem:$0x3FAB] =	sst s3  }
0xc: {  	[smem:$0x3FAC] =	sst s4  }
0xd: {  	[smem:$0x3FAD] =	sst s5  }
0xe: {  	[smem:$0x3FAE] =	sst s6  }
0xf: {  	[smem:$0x3FAF] =	sst s7  }
0x10: {  	[smem:$0x3FB0] =	sst s8  }
0x11: {  	[smem:$0x3FB1] =	sst s9;
	s0 =	simm.s32 @!p0 $0x0  }
0x12: {  	s1 =	sld [smem:$0x3F97];
	s0 =	simm.s32 @p0 $0x1  }
0x13: {  	[smem:$0x3FB2] =	sst s0;
	s0 =	simm.s32 @!p1 $0x0  }
0x14: {  	s2 =	sld [smem:$0x3F96];
	s0 =	simm.s32 @p1 $0x1  }
0x15: {  	[smem:$0x3FB3] =	sst s0;
	s0 =	simm.s32 @!p2 $0x0  }
0x16: {  	s3 =	sld [smem:$0x3FDB];
	s0 =	simm.s32 @p2 $0x1  }
0x17: {  	s4 =	simm.s32 $0x1BF5;
	[smem:$0x3FB5] =	sst s0  }
0x18: {  	s0 =	sld [smem:$0x3F98];
	_ =	swait.ge [sflag:s4], $0x0  }
0x19: {  	s7 =	sld [smem:$0x3F99]  }
0x1a: {  	s8 =	sadd.s32 $0xFFFFE003, lr  }
0x1b: {  	s9 =	sadd.s32 $0xFFFFFEF7, lr;
	s5 =	simm.s32 $0xFFFFFFFF;
	p2 =	slt.u32 s8, $0xFFFFF086  }
0x1c: {  	p1 =	slt.u32 s9, $0xF7A;
	s5 =	simm.s32 @!p2 $0x0  }
0x1d: {  	s5 =	simm.s32 @p1 $0x1;
	p0 =	seq.s32 s7, s2  }
0x1e: {  	s7 =	smul.u32 @!p0 $0xF7A, s2;
	p2 =	seq.s32 @!p0 s5, $0x0  }
0x1f: {  	s9 =	smul.u32 $0xF7A, s1;
	s8 =	simm.s32 @!p0 $0x1BF5;
	p2 =	por !p2, p0  }
0x20: {  	[sflag:s8] =	ssyncset.s32 @!p0 $0xFFFFF086;
	s6 =	sadd.s32 @!p0 s3, s7;
	s7 =	simm.s32 @!p0 $0x108  }
0x21: {  	s3 =	sadd.s32 s3, s9;
	s6 =	sadd.s32 @!p0 $0x88, s6;
	s7 =	simm.s32 @p2 $0x1082  }
0x22: {  	[simem:s7], [sflag:s8] =	dma.local @!p0 [hbm:s6], $0xF7A  }
0x23: {  	s9 =	sor.u32 $0xD0000000, s2;
	s6 =	simm.s32 $0x108;
	_ =	swait.ge @!p0 [sflag:s8], $0x0  }
0x24: {  	s3 =	sadd.s32 $0x88, s3;
	s6 =	simm.s32 @!p1 $0x1082;
	[sflag:s4] =	ssyncset.s32 $0xFFFFF086  }
0x25: {  	[simem:s6], [sflag:s4] =	dma.local [hbm:s3], $0xF7A  }
0x26: {  	[smem:$0x3F99] =	sst s1;
	(tag) =	ssettag s2;
	_ =	strace s9  }
0x27: {  	s1 =	sld [smem:$0x3FA9]  }
0x28: {  	s2 =	sld [smem:$0x3FAA]  }
0x29: {  	s4 =	sld [smem:$0x3FAC]  }
0x2a: {  	p0 =	seq.s32 s5, $0x0;
	s5 =	sld [smem:$0x3FAD]  }
0x2b: {  	s6 =	sld [smem:$0x3FAE]  }
0x2c: {  	s7 =	sld [smem:$0x3FAF]  }
0x2d: {  	s3 =	simm.s32 $0x108;
	s8 =	sld [smem:$0x3FB0]  }
0x2e: {  	s3 =	simm.s32 @!p0 $0x1082;
	s9 =	sld [smem:$0x3FB1]  }
0x2f: {  	lr =	sadd.s32 s0, s3;
	s0 =	sld [smem:$0x3FA8]  }
0x30: {  	s3 =	sld [smem:$0x3FAB]  }
0x31: {  	[smem:$0x3FB4] =	sst s10  }
0x32: {  	s10 =	sld [smem:$0x3FB2];
	_ =	sdelay $0x3  }
0x33: {  	p0 =	seq.s32 s10, $0x1;
	s10 =	sld [smem:$0x3FB4];
	_ =	sdelay $0x3  }
0x34: {  	[smem:$0x3FB4] =	sst s10  }
0x35: {  	s10 =	sld [smem:$0x3FB3];
	_ =	sdelay $0x3  }
0x36: {  	p1 =	seq.s32 s10, $0x1;
	s10 =	sld [smem:$0x3FB4];
	_ =	sdelay $0x3  }
0x37: {  	[smem:$0x3FB4] =	sst s10  }
0x38: {  	s10 =	sld [smem:$0x3FB5]  }
0x39: {  	_ = 	snop;
	(pc) =	sbr.ind lr, $3  }
0x3a: {  	_ = 	snop  }
0x3b: {  	_ = 	snop  }
0x3c: {  	p2 =	seq.s32 s10, $0x1;
	s10 =	sld [smem:$0x3FB4]  }
0x3d: {  	_ =	shalt  }
0x3e: {  	_ =	shalt  }
0x3f: {  	_ =	shalt  }
0x40: {  	_ =	shalt  }
0x41: {  	_ =	shalt  }
0x42: {  	_ =	shalt  }
0x43: {  	_ =	shalt  }
0x44: {  	_ =	shalt  }
0x45: {  	_ =	shalt  }
0x46: {  	_ =	shalt  }
0x47: {  	_ =	shalt  }
0x48: {  	_ =	shalt  }
0x49: {  	_ =	shalt  }
0x4a: {  	_ =	shalt  }
0x4b: {  	_ =	shalt  }
0x4c: {  	_ =	shalt  }
0x4d: {  	_ =	shalt  }
0x4e: {  	_ =	shalt  }
0x4f: {  	_ =	shalt  }
0x50: {  	_ =	shalt  }
0x51: {  	_ =	shalt  }
0x52: {  	_ =	shalt  }
0x53: {  	_ =	shalt  }
0x54: {  	_ =	shalt  }
0x55: {  	_ =	shalt  }
0x56: {  	_ =	shalt  }
0x57: {  	_ =	shalt  }
0x58: {  	_ =	shalt  }
0x59: {  	_ =	shalt  }
0x5a: {  	_ =	shalt  }
0x5b: {  	_ =	shalt  }
0x5c: {  	_ =	shalt  }
0x5d: {  	_ =	shalt  }
0x5e: {  	_ =	shalt  }
0x5f: {  	_ =	shalt  }
0x60: {  	_ =	shalt  }
0x61: {  	_ =	shalt  }
0x62: {  	_ =	shalt  }
0x63: {  	_ =	shalt  }
0x64: {  	_ =	shalt  }
0x65: {  	_ =	shalt  }
0x66: {  	_ =	shalt  }
0x67: {  	_ =	shalt  }
0x68: {  	_ =	shalt  }
0x69: {  	_ =	shalt  }
0x6a: {  	_ =	shalt  }
0x6b: {  	_ =	shalt  }
0x6c: {  	_ =	shalt  }
0x6d: {  	_ =	shalt  }
0x6e: {  	_ =	shalt  }
0x6f: {  	_ =	shalt  }
0x70: {  	_ =	shalt  }
0x71: {  	_ =	shalt  }
0x72: {  	_ =	shalt  }
0x73: {  	_ =	shalt  }
0x74: {  	_ =	shalt  }
0x75: {  	_ =	shalt  }
0x76: {  	_ =	shalt  }
0x77: {  	_ =	shalt  }
0x78: {  	_ =	shalt  }
0x79: {  	_ =	shalt  }
0x7a: {  	_ =	shalt  }
0x7b: {  	_ =	shalt  }
0x7c: {  	_ =	shalt  }
0x7d: {  	_ =	shalt  }
0x7e: {  	_ =	shalt  }
0x7f: {  	_ =	shalt  }
0x80: {  	_ =	shalt  }
0x81: {  	_ =	shalt  }
0x82: {  	_ =	shalt  }
0x83: {  	_ =	shalt  }
0x84: {  	_ =	shalt  }
0x85: {  	_ =	shalt  }
0x86: {  	_ =	shalt  }
0x87: {  	_ =	shalt  }
.Lfunc_end0:
.L_simem_size_0:
called_computation.2_lowered:
.L_overlay_start_0:
0x88: {  	s2 =	sld [smem:$0x3FD9]  }
0x89: {  	s3 =	sld [smem:$0x3FFE];
	_ =	sdelay $0x1  }
0x8a: {  	s1 =	srdreg.scid  }
0x8b: {  	s0 =	sand.u32 $0x1, s1  }
0x8c: {  	s17 =	sshll.u32 s0, $0xA;
	s2 =	sadd.s32 s3, s2  }
0x8d: {  	s2 =	sadd.s32 s2, s17  }
0x8e: {  	[smem:$0x3FC0] =	sst s2  }
0x8f: {  	_ = 	snop  }
0x90: {  	s18 =	sld [smem:$0x3FC9]  }
0x91: {  	s4 =	sld [smem:$0x3FD0];
	(tm) =	ssettm $0x1  }
0x92: {  	s19 =	sld [smem:$0x3FFB];
	_ =	sdelay $0x3  }
0x93: {  	_ =	strace s19  }
0x94: {  	s2 =	sld [smem:$0x3FFC];
	_ =	sdelay $0x3  }
0x95: {  	_ =	strace s2  }
0x96: {  	s2 =	sld [smem:$0x3FFD];
	_ =	sdelay $0x3  }
0x97: {  	_ =	strace s2  }
0x98: {  	_ =	strace $0x8FFFFFFF  }
0x99: {  	s20 =	sld [smem:$0x3FDB];
	_ =	sdelay $0x1  }
0x9a: {  	s5 =	simm.s32 $_scs_section_size  }
0x9b: {  	s6 =	simm.s32 $_size__tile_overlayer_lowered;
	s7 =	simm.s32 $_tile_overlayer_lowered  }
0x9c: {  	s8 =	simm.s32 $0x1BFF;
	s21 =	sshll.u32 s7, $0x1;
	s5 =	sadd.s32 s5, s20  }
0x9d: {  	s22 =	simm.s32 $0x0;
	s6 =	sshll.u32 s6, $0x1;
	s7 =	sadd.s32 s21, s5  }
0x9e: {  	[timem:s22], [sflag:s8] =	dma.local [hbm:s7], s6  }
0x9f: {  	_ =	swait.ge [sflag:s8], s6  }
0xa0: {  	s6 =	ssub.s32 $0x0, s6;
	[sflag:s8] =	ssyncset.done $0x0  }
0xa1: {  	[sflag:s8] =	ssyncadd.s32 s6;
	_ =	sdelay $0x1  }
0xa2: {  	s23 =	simm.s32 $0x1B8B  }
0xa3: {  	_ =	swait.ge [sflag:s23], $0x1  }
0xa4: {  	[sflag:s23] =	ssyncset.done $0x0  }
0xa5: {  	[sflag:s23] =	ssyncadd.s32 $0xFFFFFFFF  }
0xa6: {  	s6 =	sld [smem:$0x0]  }
0xa7: {  	s7 =	sand.u32 $0xFFFFFFFE, s1  }
0xa8: {  	p0 =	sne.s32 s1, s7  }
0xa9: {  	s7 =	sshll.u32 @p0 s7, $0xE  }
0xaa: {  	s7 =	sadd.s32 @p0 $0x11B8D, s7;
	s8 =	sshll.u32 @p0 s6, $0x11  }
0xab: {  	s7 =	sor.u32 @p0 s8, s7  }
0xac: {  	[sflag:s7] =	ssyncadd.remote.s32 @p0 $0x1;
	_ =	sdelay $0x1  }
0xad: {  	s7 =	simm.s32 @p0 $0x1B8D  }
0xae: {  	_ =	swait.eq @p0 [sflag:s7], $0x1  }
0xaf: {  	[sflag:s7] =	ssyncadd.s32 @p0 $0xFFFFFFFF  }
0xb0: {  	s8 =	sshll.u32 @!p0 s1, $0xE  }
0xb1: {  	s8 =	sor.u32 @!p0 $0x4000, s8;
	s7 =	simm.s32 @!p0 $0x1B8D  }
0xb2: {  	s6 =	sshll.u32 @!p0 s6, $0x11;
	s8 =	sadd.s32 @!p0 $0x11B8D, s8;
	_ =	swait.eq @!p0 [sflag:s7], $0x1  }
0xb3: {  	s6 =	sor.u32 @!p0 s6, s8;
	[sflag:s7] =	ssyncadd.s32 @!p0 $0xFFFFFFFF  }
0xb4: {  	s25 =	simm.s32 $0x1B8E;
	s24 =	sld [smem:$0x3FFE];
	[sflag:s6] =	ssyncadd.remote.s32 @!p0 $0x1  }
0xb5: {  	s26 =	simm.s32 $execute0_lowered;
	[smem:$0x3FD2] =	sst s25  }
0xb6: {  	s7 =	sshll.u32 s26, $0x1;
	_ =	strace $0x8000004C;
	[dreg:$0x1] =	wrdreg $0xFFFFFFFF  }
0xb7: {  	s28 =	simm.s32 $_size_execute0_lowered;
	s5 =	sadd.s32 s5, s7;
	[dreg:$0x0] =	wrdreg $0x0  }
0xb8: {  	s7 =	sshll.u32 s28, $0x1;
	[dreg:$0x2] =	wrdreg s5  }
0xb9: {  	[dreg:$0x3] =	wrdreg s7  }
0xba: {  	[dreg:$0x4] =	wrdreg $0xC0  }
0xbb: {  	_ =	task [dreg:s22], $0x5FFFF  }
0xbc: {  	[dreg:$0x1] =	wrdreg $0xFFFFFFFF  }
0xbd: {  	[dreg:$0x0] =	wrdreg $0x60  }
0xbe: {  	[dreg:$0x2] =	wrdreg s18  }
0xbf: {  	[dreg:$0x3] =	wrdreg s4  }
0xc0: {  	[dreg:$0x4] =	wrdreg s24  }
0xc1: {  	[dreg:$0x5] =	wrdreg $0xB  }
0xc2: {  	_ =	task.clear_ibuf [dreg:s22], $0x6FFFF;
	_ =	strace $0x9000004C  }
0xc3: {  	s29 =	simm.s32 $0xB;
	_ =	strace $0x8000004E  }
0xc4: {  	_ =	swait.ge [sflag:s29], $0x1  }
0xc5: {  	[sflag:s29] =	ssyncadd.s32 $0xFFFFFFFF  }
0xc6: {  	_ =	strace $0x9000004E  }
0xc7: {  	_ =	sfence  }
0xc8: {  	s30 =	sld [smem:$0x0];
	_ =	sdelay $0x2  }
0xc9: {  	s31 =	sshll.u32 s1, $0xD;
	s1 =	sshrl.u32 s1, $0x2  }
0xca: {  	s4 =	sand.u32 $0x4000, s31;
	s1 =	sadd.s32 s1, s30  }
0xcb: {  	s0 =	sor.u32 s4, s0;
	s1 =	sshll.u32 s1, $0x11  }
0xcc: {  	s0 =	sor.u32 s1, s0  }
0xcd: {  	s0 =	sadd.s32 $0x8F2B, s0  }
0xce: {  	[sflag:s0] =	ssyncadd.remote.s32 $0x1  }
0xcf: {  	_ =	sfence.sel $0xFFFF  }
0xd0: {  	[dreg:$0x0] =	wrdreg $0xFFFFFFFF;
	(pc) =	sbr.abs _section_cstart, $3  }
0xd1: {  	[dreg:$0x1] =	wrdreg $0xFFFFFFFF  }
0xd2: {  	_ =	task.clear_ibuf [dreg:s22], $0x2FFFF;
	_ =	strace $0x9FFFFFFF  }
0xd3: {  	(tm) =	ssettm $0x7FFFFFFF  }
tec
execute0_lowered:
.L_overlay_start_1:
0x0: {  	(tag) =	ssettag $0x1  }
0x1: {  	s1 =	rddreg [dreg:$0x0]  }
0x2: {  	s0 =	rddreg [dreg:$0x1];
	s2 =	srdreg.scid  }
0x3: {  	s3 =	stileid.u32;
	s4 =	rddreg [dreg:$0x2];
	s8 =	simm.s32 $0x9  }
0x4: {  	s9 =	simm.s32 $0x1400;
	s10 =	simm.s32 $0x80;
	s11 =	simm.s32 $0x2800  }
0x5: {  	s12 =	simm.s32 $0x6800;
	s13 =	simm.s32 $0x1;
	s15 =	simm.s32 $0xA800  }
0x6: {  	s16 =	simm.s32 $0x2;
	s19 =	simm.s32 $0xE800;
	s20 =	simm.s32 $0x3  }
0x7: {  	s22 =	simm.s32 $0x5;
	s24 =	simm.s32 $0x4;
	s26 =	simm.s32 $0x6  }
0x8: {  	s29 =	simm.s32 $0x7;
	s30 =	simm.s32 $0x8;
	s31 =	simm.s32 $0x2600  }
0x9: {  	s14 =	simm.s32 $0x1380;
	s2 =	sand.u32 $0x1, s2;
	s5 =	sshll.u32 s3, $0x1  }
0xa: {  	s17 =	simm.s32 $0x2700;
	s18 =	simm.s32 $0x2780;
	s5 =	sor.u32 s2, s5  }
0xb: {  	s3 =	simm.s32 $0x0;
	s2 =	ssub.s32 $0x2, s2;
	s5 =	smul.u32 $0x280, s5  }
0xc: {  	s21 =	simm.s32 $0x0;
	[smem:$0x7FF] =	sst s3;
	s7 =	sshrl.u32 s2, $0x1  }
0xd: {  	_ =	strace $0x8000004D;
	s2 =	ssub.s32 s2, s7;
	s6 =	sadd.s32 s5, s4  }
0xe: {  	s4 =	sadd.s32 $0x520200, s4;
	s5 =	sadd.s32 s0, s5;
	s7 =	smax.u32 s2, $0x1  }
0xf: {  	s2 =	simm.s32 $0x1300;
	s0 =	simm.s32 $0x2680;
	s6 =	sadd.s32 $0x16200, s6  }
.LBB2_1:
0x10: {  	[tilespmem:s3], [sflag:$0x9] =	stream.linear.gather [hbm4b:s5+s3], $0x1400, $0x38;
	[tilespmem:$0x12800] =	vst v63  }
0x11: {  	_ =	swait.ge [sflag:s8], $0x1400  }
0x12: {  	[sflag:s8] =	ssyncset.done $0x0  }
0x13: {  	[sflag:s8] =	ssyncadd.s32 $0xFFFFEC00  }
0x14: {  	[tilespmem:s9], [sflag:$0x9] =	stream.linear.gather [hbm4b:s6+s3], $0x1400, $0x38;
	[tilespmem:$0x12800] =	vst v63  }
0x15: {  	_ =	swait.ge [sflag:s8], $0x1400  }
0x16: {  	[sflag:s8] =	ssyncset.done $0x0  }
0x17: {  	[sflag:s8] =	ssyncadd.s32 $0xFFFFEC00  }
0x18: {  	[tilespmem:s11], [sflag:$0x1] =	stream.indirect.gather [hbm4b:s1+s10], $0x80, s3, s10, $0xb8;
	[tilespmem:$0x12800] =	vst v63  }
0x19: {  	_ = 	snop  }
0x1a: {  	[tilespmem:s12], [sflag:$0x2] =	stream.indirect.gather [hbm4b:s1+s10], $0x80, s10, s10, $0xb8;
	[tilespmem:$0x12800] =	vst v63  }
0x1b: {  	_ =	swait.ge [sflag:s13], $0x4000  }
0x1c: {  	[sflag:s13] =	ssyncset.done $0x0  }
0x1d: {  	[sflag:s13] =	ssyncadd.s32 $0xFFFFC000  }
0x1e: {  	[hbm4b:s4+s10] =	stream.indirect.scatter [tilespmem:s11], [sflag:$0x5], $0x80, s9, s10, $0xb8;
	[tilespmem:$0x12800] =	vst v63  }
0x1f: {  	s23 =	simm.s32 $0x100  }
0x20: {  	[tilespmem:s15], [sflag:$0x3] =	stream.indirect.gather [hbm4b:s1+s10], $0x80, s23, s10, $0xb8;
	[tilespmem:$0x12800] =	vst v63  }
0x21: {  	_ =	swait.ge [sflag:s16], $0x4000  }
0x22: {  	[sflag:s16] =	ssyncset.done $0x0  }
0x23: {  	s28 =	simm.s32 $0x1480;
	[sflag:s16] =	ssyncadd.s32 $0xFFFFC000  }
0x24: {  	[hbm4b:s4+s10] =	stream.indirect.scatter [tilespmem:s12], [sflag:$0x6], $0x80, s28, s10, $0xb8;
	[tilespmem:$0x12800] =	vst v63  }
0x25: {  	s25 =	simm.s32 $0x180  }
0x26: {  	[tilespmem:s19], [sflag:$0x4] =	stream.indirect.gather [hbm4b:s1+s10], $0x80, s25, s10, $0xb8;
	[tilespmem:$0x12800] =	vst v63  }
0x27: {  	_ =	swait.ge [sflag:s20], $0x4000  }
0x28: {  	[sflag:s20] =	ssyncset.done $0x0  }
0x29: {  	s28 =	simm.s32 $0x1500;
	[sflag:s20] =	ssyncadd.s32 $0xFFFFC000  }
0x2a: {  	[hbm4b:s4+s10] =	stream.indirect.scatter [tilespmem:s15], [sflag:$0x7], $0x80, s28, s10, $0xb8;
	[tilespmem:$0x12800] =	vst v63  }
0x2b: {  	_ =	swait.ge [sflag:s22], $0x4000  }
0x2c: {  	[sflag:s22] =	ssyncset.done $0x0  }
0x2d: {  	s25 =	simm.s32 $0x200;
	[sflag:s22] =	ssyncadd.s32 $0xFFFFC000  }
0x2e: {  	[tilespmem:s11], [sflag:$0x1] =	stream.indirect.gather [hbm4b:s1+s10], $0x80, s25, s10, $0xb8;
	[tilespmem:$0x12800] =	vst v63  }
0x2f: {  	_ =	swait.ge [sflag:s24], $0x4000  }
0x30: {  	[sflag:s24] =	ssyncset.done $0x0  }
0x31: {  	s28 =	simm.s32 $0x1580;
	[sflag:s24] =	ssyncadd.s32 $0xFFFFC000  }
0x32: {  	[hbm4b:s4+s10] =	stream.indirect.scatter [tilespmem:s19], [sflag:$0x8], $0x80, s28, s10, $0xb8;
	[tilespmem:$0x12800] =	vst v63  }
0x33: {  	_ =	swait.ge [sflag:s26], $0x4000  }
0x34: {  	[sflag:s26] =	ssyncset.done $0x0  }
0x35: {  	s25 =	simm.s32 $0x280;
	[sflag:s26] =	ssyncadd.s32 $0xFFFFC000  }
0x36: {  	[tilespmem:s12], [sflag:$0x2] =	stream.indirect.gather [hbm4b:s1+s10], $0x80, s25, s10, $0xb8;
	[tilespmem:$0x12800] =	vst v63  }
0x37: {  	_ =	swait.ge [sflag:s13], $0x4000  }
0x38: {  	[sflag:s13] =	ssyncset.done $0x0  }
0x39: {  	s28 =	simm.s32 $0x1600;
	[sflag:s13] =	ssyncadd.s32 $0xFFFFC000  }
0x3a: {  	[hbm4b:s4+s10] =	stream.indirect.scatter [tilespmem:s11], [sflag:$0x5], $0x80, s28, s10, $0xb8;
	[tilespmem:$0x12800] =	vst v63  }
0x3b: {  	_ =	swait.ge [sflag:s29], $0x4000  }
0x3c: {  	[sflag:s29] =	ssyncset.done $0x0  }
0x3d: {  	s25 =	simm.s32 $0x300;
	[sflag:s29] =	ssyncadd.s32 $0xFFFFC000  }
0x3e: {  	[tilespmem:s15], [sflag:$0x3] =	stream.indirect.gather [hbm4b:s1+s10], $0x80, s25, s10, $0xb8;
	[tilespmem:$0x12800] =	vst v63  }
0x3f: {  	_ =	swait.ge [sflag:s16], $0x4000  }
0x40: {  	[sflag:s16] =	ssyncset.done $0x0  }
0x41: {  	s28 =	simm.s32 $0x1680;
	[sflag:s16] =	ssyncadd.s32 $0xFFFFC000  }
0x42: {  	[hbm4b:s4+s10] =	stream.indirect.scatter [tilespmem:s12], [sflag:$0x6], $0x80, s28, s10, $0xb8;
	[tilespmem:$0x12800] =	vst v63  }
0x43: {  	_ =	swait.ge [sflag:s30], $0x4000  }
0x44: {  	[sflag:s30] =	ssyncset.done $0x0  }
0x45: {  	s25 =	simm.s32 $0x380;
	[sflag:s30] =	ssyncadd.s32 $0xFFFFC000  }
0x46: {  	[tilespmem:s19], [sflag:$0x4] =	stream.indirect.gather [hbm4b:s1+s10], $0x80, s25, s10, $0xb8;
	[tilespmem:$0x12800] =	vst v63  }
0x47: {  	_ =	swait.ge [sflag:s20], $0x4000  }
0x48: {  	[sflag:s20] =	ssyncset.done $0x0  }
0x49: {  	s28 =	simm.s32 $0x1700;
	[sflag:s20] =	ssyncadd.s32 $0xFFFFC000  }
0x4a: {  	[hbm4b:s4+s10] =	stream.indirect.scatter [tilespmem:s15], [sflag:$0x7], $0x80, s28, s10, $0xb8;
	[tilespmem:$0x12800] =	vst v63  }
0x4b: {  	_ =	swait.ge [sflag:s22], $0x4000  }
0x4c: {  	[sflag:s22] =	ssyncset.done $0x0  }
0x4d: {  	s25 =	simm.s32 $0x400;
	[sflag:s22] =	ssyncadd.s32 $0xFFFFC000  }
0x4e: {  	[tilespmem:s11], [sflag:$0x1] =	stream.indirect.gather [hbm4b:s1+s10], $0x80, s25, s10, $0xb8;
	[tilespmem:$0x12800] =	vst v63  }
0x4f: {  	_ =	swait.ge [sflag:s24], $0x4000  }
0x50: {  	[sflag:s24] =	ssyncset.done $0x0  }
0x51: {  	s28 =	simm.s32 $0x1780;
	[sflag:s24] =	ssyncadd.s32 $0xFFFFC000  }
0x52: {  	[hbm4b:s4+s10] =	stream.indirect.scatter [tilespmem:s19], [sflag:$0x8], $0x80, s28, s10, $0xb8;
	[tilespmem:$0x12800] =	vst v63  }
0x53: {  	_ =	swait.ge [sflag:s26], $0x4000  }
0x54: {  	[sflag:s26] =	ssyncset.done $0x0  }
0x55: {  	s23 =	simm.s32 $0x800;
	s25 =	simm.s32 $0x480;
	[sflag:s26] =	ssyncadd.s32 $0xFFFFC000  }
.LBB2_2:
0x56: {  	[tilespmem:s12], [sflag:$0x2] =	stream.indirect.gather [hbm4b:s1+s10], $0x80, s25, s10, $0xb8;
	[tilespmem:$0x12800] =	vst v63  }
0x57: {  	s25 =	smov.u32 s23  }
0x58: {  	p0 =	sne.s32 s23, $0x3800;
	s23 =	sadd.s32 $0x800, s23;
	_ =	swait.ge [sflag:s13], $0x4000  }
0x59: {  	s25 =	sshra.s32 s25, $0x2;
	[sflag:s13] =	ssyncset.done $0x0  }
0x5a: {  	s28 =	sadd.s32 $0x1600, s25;
	[sflag:s13] =	ssyncadd.s32 $0xFFFFC000  }
0x5b: {  	[hbm4b:s4+s10] =	stream.indirect.scatter [tilespmem:s11], [sflag:$0x5], $0x80, s28, s10, $0xb8;
	[tilespmem:$0x12800] =	vst v63  }
0x5c: {  	_ =	swait.ge [sflag:s29], $0x4000  }
0x5d: {  	[sflag:s29] =	ssyncset.done $0x0  }
0x5e: {  	s28 =	sadd.s32 $0x300, s25;
	[sflag:s29] =	ssyncadd.s32 $0xFFFFC000  }
0x5f: {  	[tilespmem:s15], [sflag:$0x3] =	stream.indirect.gather [hbm4b:s1+s10], $0x80, s28, s10, $0xb8;
	[tilespmem:$0x12800] =	vst v63  }
0x60: {  	_ =	swait.ge [sflag:s16], $0x4000  }
0x61: {  	[sflag:s16] =	ssyncset.done $0x0  }
0x62: {  	s28 =	sadd.s32 $0x1680, s25;
	[sflag:s16] =	ssyncadd.s32 $0xFFFFC000  }
0x63: {  	[hbm4b:s4+s10] =	stream.indirect.scatter [tilespmem:s12], [sflag:$0x6], $0x80, s28, s10, $0xb8;
	[tilespmem:$0x12800] =	vst v63  }
0x64: {  	_ =	swait.ge [sflag:s30], $0x4000  }
0x65: {  	[sflag:s30] =	ssyncset.done $0x0  }
0x66: {  	s28 =	sadd.s32 $0x380, s25;
	[sflag:s30] =	ssyncadd.s32 $0xFFFFC000  }
0x67: {  	[tilespmem:s19], [sflag:$0x4] =	stream.indirect.gather [hbm4b:s1+s10], $0x80, s28, s10, $0xb8;
	[tilespmem:$0x12800] =	vst v63  }
0x68: {  	_ =	swait.ge [sflag:s20], $0x4000  }
0x69: {  	[sflag:s20] =	ssyncset.done $0x0  }
0x6a: {  	s28 =	sadd.s32 $0x1700, s25;
	[sflag:s20] =	ssyncadd.s32 $0xFFFFC000  }
0x6b: {  	[hbm4b:s4+s10] =	stream.indirect.scatter [tilespmem:s15], [sflag:$0x7], $0x80, s28, s10, $0xb8;
	[tilespmem:$0x12800] =	vst v63  }
0x6c: {  	_ =	swait.ge [sflag:s22], $0x4000  }
0x6d: {  	[sflag:s22] =	ssyncset.done $0x0  }
0x6e: {  	s28 =	sadd.s32 $0x400, s25;
	[sflag:s22] =	ssyncadd.s32 $0xFFFFC000  }
0x6f: {  	[tilespmem:s11], [sflag:$0x1] =	stream.indirect.gather [hbm4b:s1+s10], $0x80, s28, s10, $0xb8;
	[tilespmem:$0x12800] =	vst v63  }
0x70: {  	_ =	swait.ge [sflag:s24], $0x4000  }
0x71: {  	[sflag:s24] =	ssyncset.done $0x0  }
.Ltmp0:
0x72: {  	s28 =	sadd.s32 $0x1780, s25;
	[sflag:s24] =	ssyncadd.s32 $0xFFFFC000;
	(pc) =	sbr.rel @p0 .LBB2_2-.Ltmp0, $4  }
0x73: {  	[hbm4b:s4+s10] =	stream.indirect.scatter [tilespmem:s19], [sflag:$0x8], $0x80, s28, s10, $0xb8;
	[tilespmem:$0x12800] =	vst v63  }
0x74: {  	_ =	swait.ge [sflag:s26], $0x4000  }
0x75: {  	[sflag:s26] =	ssyncset.done $0x0  }
0x76: {  	s25 =	sadd.s32 $0x480, s25;
	[sflag:s26] =	ssyncadd.s32 $0xFFFFC000  }
0x77: {  	[tilespmem:s12], [sflag:$0x2] =	stream.indirect.gather [hbm4b:s1+s10], $0x80, s25, s10, $0xb8;
	[tilespmem:$0x12800] =	vst v63  }
0x78: {  	_ =	swait.ge [sflag:s13], $0x4000  }
0x79: {  	[sflag:s13] =	ssyncset.done $0x0  }
0x7a: {  	[sflag:s13] =	ssyncadd.s32 $0xFFFFC000  }
0x7b: {  	[hbm4b:s4+s10] =	stream.indirect.scatter [tilespmem:s11], [sflag:$0x5], $0x80, s31, s10, $0xb8;
	[tilespmem:$0x12800] =	vst v63  }
0x7c: {  	_ =	swait.ge [sflag:s29], $0x4000  }
0x7d: {  	[sflag:s29] =	ssyncset.done $0x0  }
0x7e: {  	[sflag:s29] =	ssyncadd.s32 $0xFFFFC000  }
0x7f: {  	[tilespmem:s15], [sflag:$0x3] =	stream.indirect.gather [hbm4b:s1+s10], $0x80, s2, s10, $0xb8;
	[tilespmem:$0x12800] =	vst v63  }
0x80: {  	_ =	swait.ge [sflag:s16], $0x4000  }
0x81: {  	[sflag:s16] =	ssyncset.done $0x0  }
0x82: {  	[sflag:s16] =	ssyncadd.s32 $0xFFFFC000  }
0x83: {  	[hbm4b:s4+s10] =	stream.indirect.scatter [tilespmem:s12], [sflag:$0x6], $0x80, s0, s10, $0xb8;
	[tilespmem:$0x12800] =	vst v63  }
0x84: {  	_ =	swait.ge [sflag:s30], $0x4000  }
0x85: {  	[sflag:s30] =	ssyncset.done $0x0  }
0x86: {  	[sflag:s30] =	ssyncadd.s32 $0xFFFFC000  }
0x87: {  	[tilespmem:s19], [sflag:$0x4] =	stream.indirect.gather [hbm4b:s1+s10], $0x80, s14, s10, $0xb8;
	[tilespmem:$0x12800] =	vst v63  }
0x88: {  	_ =	swait.ge [sflag:s20], $0x4000  }
0x89: {  	[sflag:s20] =	ssyncset.done $0x0  }
0x8a: {  	[sflag:s20] =	ssyncadd.s32 $0xFFFFC000  }
0x8b: {  	[hbm4b:s4+s10] =	stream.indirect.scatter [tilespmem:s15], [sflag:$0x7], $0x80, s17, s10, $0xb8;
	[tilespmem:$0x12800] =	vst v63  }
0x8c: {  	_ =	swait.ge [sflag:s22], $0x4000  }
0x8d: {  	[sflag:s22] =	ssyncset.done $0x0  }
0x8e: {  	[sflag:s22] =	ssyncadd.s32 $0xFFFFC000  }
0x8f: {  	_ =	swait.ge [sflag:s24], $0x4000  }
0x90: {  	[sflag:s24] =	ssyncset.done $0x0  }
0x91: {  	[sflag:s24] =	ssyncadd.s32 $0xFFFFC000  }
0x92: {  	[hbm4b:s4+s10] =	stream.indirect.scatter [tilespmem:s19], [sflag:$0x8], $0x80, s18, s10, $0xb8;
	[tilespmem:$0x12800] =	vst v63  }
0x93: {  	_ =	swait.ge [sflag:s26], $0x4000  }
0x94: {  	[sflag:s26] =	ssyncset.done $0x0  }
0x95: {  	s21 =	sadd.s32 $0x1, s21;
	[sflag:s26] =	ssyncadd.s32 $0xFFFFC000  }
0x96: {  	p0 =	sne.s32 s21, s7;
	_ =	swait.ge [sflag:s29], $0x4000  }
.Ltmp1:
0x97: {  	[sflag:s29] =	ssyncset.done $0x0;
	(pc) =	sbr.rel @p0 .LBB2_1-.Ltmp1, $4  }
0x98: {  	[sflag:s29] =	ssyncadd.s32 $0xFFFFC000  }
0x99: {  	_ =	swait.ge [sflag:s30], $0x4000  }
0x9a: {  	[sflag:s30] =	ssyncset.done $0x0  }
0x9b: {  	[sflag:s30] =	ssyncadd.s32 $0xFFFFC000  }
0x9c: {  	_ =	sfence.sel $0x180000  }
0x9d: {  	[bflag:$0x0] =	sbarrier.arrive $0xFFFF  }
0x9e: {  	_ =	strace $0x9000004D  }
0x9f: {  	s0 =	stileid.u32;
	[bflag:$0x2] =	sbarrier.arrive $0xFFFF  }
0xa0: {  	p0 =	sne.s32 s0, $0x0;
	s0 =	rddreg [dreg:$0x3]  }
0xa1: {  	s0 =	sadd.s32 @!p0 $0x100000, s0  }
0xa2: {  	[sflag:s0] =	ssyncadd.tile.s32 @!p0 $0x1;
	_ =	shalt  }
.Lfunc_end2:
_tile_overlayer_lowered:
.L_overlay_start_2:
0xa3: {  	(tag) =	ssettag $0x2  }
0xa4: {  	s0 =	rddreg [dreg:$0x0];
	s2 =	stileid.u32  }
0xa5: {  	s1 =	rddreg [dreg:$0x1];
	p0 =	sne.s32 s2, $0x0  }
0xa6: {  	s3 =	rddreg [dreg:$0x2];
	[bflag:$0x3] =	sbarrier.arrive $0xFFFF;
	s2 =	simm.s32 @!p0 $0x1C09  }
0xa7: {  	[timem:s3], [sflag:s2] =	dma.local @!p0 [hbm:s0], s1  }
0xa8: {  	s0 =	simm.s32 @!p0 $0x9  }
0xa9: {  	_ =	swait.ge @!p0 [sflag:s0], s1  }
0xaa: {  	s1 =	ssub.s32 @!p0 $0x0, s1;
	[sflag:s0] =	ssyncset.done @!p0 $0x0  }
0xab: {  	[sflag:s0] =	ssyncadd.s32 @!p0 s1  }
0xac: {  	[bflag:$0x3] =	sbarrier.arrive $0xFFFF  }
0xad: {  	_ =	shalt  }

// kernel: kernel.8.cloned.1.call-start
scs
__scs_entry_jumppad:
0x0: {  	(pc) =	sbr.rel $0x88, $3  }
0x1: {  	(tag) =	ssettag $0x0;
	lr =	simm.s32 $0x1  }
0x2: {  	[smem:$0x3F99] =	sst lr;
	_ =	strace $0xD0000000  }
0x3: {  	_ = 	snop  }
0x4: {  	_ = 	snop  }
0x5: {  	_ = 	snop  }
0x6: {  	_ = 	snop  }
0x7: {  	_ = 	snop  }
__scs_overlays_trampoline_lowered:
0x8: {  	[smem:$0x3FA8] =	sst s0  }
0x9: {  	[smem:$0x3FA9] =	sst s1  }
0xa: {  	[smem:$0x3FAA] =	sst s2  }
0xb: {  	[smem:$0x3FAB] =	sst s3  }
0xc: {  	[smem:$0x3FAC] =	sst s4  }
0xd: {  	[smem:$0x3FAD] =	sst s5  }
0xe: {  	[smem:$0x3FAE] =	sst s6  }
0xf: {  	[smem:$0x3FAF] =	sst s7  }
0x10: {  	[smem:$0x3FB0] =	sst s8  }
0x11: {  	[smem:$0x3FB1] =	sst s9;
	s0 =	simm.s32 @!p0 $0x0  }
0x12: {  	s1 =	sld [smem:$0x3F97];
	s0 =	simm.s32 @p0 $0x1  }
0x13: {  	[smem:$0x3FB2] =	sst s0;
	s0 =	simm.s32 @!p1 $0x0  }
0x14: {  	s2 =	sld [smem:$0x3F96];
	s0 =	simm.s32 @p1 $0x1  }
0x15: {  	[smem:$0x3FB3] =	sst s0;
	s0 =	simm.s32 @!p2 $0x0  }
0x16: {  	s3 =	sld [smem:$0x3FDB];
	s0 =	simm.s32 @p2 $0x1  }
0x17: {  	s4 =	simm.s32 $0x1BF5;
	[smem:$0x3FB5] =	sst s0  }
0x18: {  	s0 =	sld [smem:$0x3F98];
	_ =	swait.ge [sflag:s4], $0x0  }
0x19: {  	s7 =	sld [smem:$0x3F99]  }
0x1a: {  	s8 =	sadd.s32 $0xFFFFE003, lr  }
0x1b: {  	s9 =	sadd.s32 $0xFFFFFEF7, lr;
	s5 =	simm.s32 $0xFFFFFFFF;
	p2 =	slt.u32 s8, $0xFFFFF086  }
0x1c: {  	p1 =	slt.u32 s9, $0xF7A;
	s5 =	simm.s32 @!p2 $0x0  }
0x1d: {  	s5 =	simm.s32 @p1 $0x1;
	p0 =	seq.s32 s7, s2  }
0x1e: {  	s7 =	smul.u32 @!p0 $0xF7A, s2;
	p2 =	seq.s32 @!p0 s5, $0x0  }
0x1f: {  	s9 =	smul.u32 $0xF7A, s1;
	s8 =	simm.s32 @!p0 $0x1BF5;
	p2 =	por !p2, p0  }
0x20: {  	[sflag:s8] =	ssyncset.s32 @!p0 $0xFFFFF086;
	s6 =	sadd.s32 @!p0 s3, s7;
	s7 =	simm.s32 @!p0 $0x108  }
0x21: {  	s3 =	sadd.s32 s3, s9;
	s6 =	sadd.s32 @!p0 $0x88, s6;
	s7 =	simm.s32 @p2 $0x1082  }
0x22: {  	[simem:s7], [sflag:s8] =	dma.local @!p0 [hbm:s6], $0xF7A  }
0x23: {  	s9 =	sor.u32 $0xD0000000, s2;
	s6 =	simm.s32 $0x108;
	_ =	swait.ge @!p0 [sflag:s8], $0x0  }
0x24: {  	s3 =	sadd.s32 $0x88, s3;
	s6 =	simm.s32 @!p1 $0x1082;
	[sflag:s4] =	ssyncset.s32 $0xFFFFF086  }
0x25: {  	[simem:s6], [sflag:s4] =	dma.local [hbm:s3], $0xF7A  }
0x26: {  	[smem:$0x3F99] =	sst s1;
	(tag) =	ssettag s2;
	_ =	strace s9  }
0x27: {  	s1 =	sld [smem:$0x3FA9]  }
0x28: {  	s2 =	sld [smem:$0x3FAA]  }
0x29: {  	s4 =	sld [smem:$0x3FAC]  }
0x2a: {  	p0 =	seq.s32 s5, $0x0;
	s5 =	sld [smem:$0x3FAD]  }
0x2b: {  	s6 =	sld [smem:$0x3FAE]  }
0x2c: {  	s7 =	sld [smem:$0x3FAF]  }
0x2d: {  	s3 =	simm.s32 $0x108;
	s8 =	sld [smem:$0x3FB0]  }
0x2e: {  	s3 =	simm.s32 @!p0 $0x1082;
	s9 =	sld [smem:$0x3FB1]  }
0x2f: {  	lr =	sadd.s32 s0, s3;
	s0 =	sld [smem:$0x3FA8]  }
0x30: {  	s3 =	sld [smem:$0x3FAB]  }
0x31: {  	[smem:$0x3FB4] =	sst s10  }
0x32: {  	s10 =	sld [smem:$0x3FB2];
	_ =	sdelay $0x3  }
0x33: {  	p0 =	seq.s32 s10, $0x1;
	s10 =	sld [smem:$0x3FB4];
	_ =	sdelay $0x3  }
0x34: {  	[smem:$0x3FB4] =	sst s10  }
0x35: {  	s10 =	sld [smem:$0x3FB3];
	_ =	sdelay $0x3  }
0x36: {  	p1 =	seq.s32 s10, $0x1;
	s10 =	sld [smem:$0x3FB4];
	_ =	sdelay $0x3  }
0x37: {  	[smem:$0x3FB4] =	sst s10  }
0x38: {  	s10 =	sld [smem:$0x3FB5]  }
0x39: {  	_ = 	snop;
	(pc) =	sbr.ind lr, $3  }
0x3a: {  	_ = 	snop  }
0x3b: {  	_ = 	snop  }
0x3c: {  	p2 =	seq.s32 s10, $0x1;
	s10 =	sld [smem:$0x3FB4]  }
0x3d: {  	_ =	shalt  }
0x3e: {  	_ =	shalt  }
0x3f: {  	_ =	shalt  }
0x40: {  	_ =	shalt  }
0x41: {  	_ =	shalt  }
0x42: {  	_ =	shalt  }
0x43: {  	_ =	shalt  }
0x44: {  	_ =	shalt  }
0x45: {  	_ =	shalt  }
0x46: {  	_ =	shalt  }
0x47: {  	_ =	shalt  }
0x48: {  	_ =	shalt  }
0x49: {  	_ =	shalt  }
0x4a: {  	_ =	shalt  }
0x4b: {  	_ =	shalt  }
0x4c: {  	_ =	shalt  }
0x4d: {  	_ =	shalt  }
0x4e: {  	_ =	shalt  }
0x4f: {  	_ =	shalt  }
0x50: {  	_ =	shalt  }
0x51: {  	_ =	shalt  }
0x52: {  	_ =	shalt  }
0x53: {  	_ =	shalt  }
0x54: {  	_ =	shalt  }
0x55: {  	_ =	shalt  }
0x56: {  	_ =	shalt  }
0x57: {  	_ =	shalt  }
0x58: {  	_ =	shalt  }
0x59: {  	_ =	shalt  }
0x5a: {  	_ =	shalt  }
0x5b: {  	_ =	shalt  }
0x5c: {  	_ =	shalt  }
0x5d: {  	_ =	shalt  }
0x5e: {  	_ =	shalt  }
0x5f: {  	_ =	shalt  }
0x60: {  	_ =	shalt  }
0x61: {  	_ =	shalt  }
0x62: {  	_ =	shalt  }
0x63: {  	_ =	shalt  }
0x64: {  	_ =	shalt  }
0x65: {  	_ =	shalt  }
0x66: {  	_ =	shalt  }
0x67: {  	_ =	shalt  }
0x68: {  	_ =	shalt  }
0x69: {  	_ =	shalt  }
0x6a: {  	_ =	shalt  }
0x6b: {  	_ =	shalt  }
0x6c: {  	_ =	shalt  }
0x6d: {  	_ =	shalt  }
0x6e: {  	_ =	shalt  }
0x6f: {  	_ =	shalt  }
0x70: {  	_ =	shalt  }
0x71: {  	_ =	shalt  }
0x72: {  	_ =	shalt  }
0x73: {  	_ =	shalt  }
0x74: {  	_ =	shalt  }
0x75: {  	_ =	shalt  }
0x76: {  	_ =	shalt  }
0x77: {  	_ =	shalt  }
0x78: {  	_ =	shalt  }
0x79: {  	_ =	shalt  }
0x7a: {  	_ =	shalt  }
0x7b: {  	_ =	shalt  }
0x7c: {  	_ =	shalt  }
0x7d: {  	_ =	shalt  }
0x7e: {  	_ =	shalt  }
0x7f: {  	_ =	shalt  }
0x80: {  	_ =	shalt  }
0x81: {  	_ =	shalt  }
0x82: {  	_ =	shalt  }
0x83: {  	_ =	shalt  }
0x84: {  	_ =	shalt  }
0x85: {  	_ =	shalt  }
0x86: {  	_ =	shalt  }
0x87: {  	_ =	shalt  }
.Lfunc_end0:
.L_simem_size_0:
called_computation_lowered:
.L_overlay_start_0:
0x88: {  	s2 =	sld [smem:$0x3FD9]  }
0x89: {  	s3 =	sld [smem:$0x3FFE];
	_ =	sdelay $0x1  }
0x8a: {  	s1 =	srdreg.scid  }
0x8b: {  	s0 =	sand.u32 $0x1, s1  }
0x8c: {  	s17 =	sshll.u32 s0, $0xA;
	s2 =	sadd.s32 s3, s2  }
0x8d: {  	s2 =	sadd.s32 s2, s17  }
0x8e: {  	[smem:$0x3FC0] =	sst s2  }
0x8f: {  	_ = 	snop  }
0x90: {  	s2 =	sld [smem:$0x3FC9];
	(tm) =	ssettm $0x1  }
0x91: {  	s18 =	sld [smem:$0x3FFB];
	_ =	sdelay $0x3  }
0x92: {  	_ =	strace s18  }
0x93: {  	s3 =	sld [smem:$0x3FFC];
	_ =	sdelay $0x3  }
0x94: {  	_ =	strace s3  }
0x95: {  	s3 =	sld [smem:$0x3FFD];
	_ =	sdelay $0x3  }
0x96: {  	_ =	strace s3  }
0x97: {  	_ =	strace $0x8FFFFFFF  }
0x98: {  	s19 =	sld [smem:$0x3FDB];
	_ =	sdelay $0x1  }
0x99: {  	s4 =	simm.s32 $_scs_section_size  }
0x9a: {  	s5 =	simm.s32 $_size__tile_overlayer_lowered;
	s6 =	simm.s32 $_tile_overlayer_lowered  }
0x9b: {  	s22 =	simm.s32 $0x1BFF;
	s21 =	sshll.u32 s6, $0x1;
	s3 =	sadd.s32 s4, s19  }
0x9c: {  	s7 =	simm.s32 $0x0;
	s20 =	sshll.u32 s5, $0x1;
	s5 =	sadd.s32 s21, s3  }
0x9d: {  	[timem:s7], [sflag:s22] =	dma.local [hbm:s5], s20  }
0x9e: {  	_ =	swait.ge [sflag:s22], s20  }
0x9f: {  	s4 =	ssub.s32 $0x0, s20;
	[sflag:s22] =	ssyncset.done $0x0  }
0xa0: {  	[sflag:s22] =	ssyncadd.s32 s4;
	_ =	sdelay $0x1  }
0xa1: {  	s23 =	simm.s32 $0x1B8B  }
0xa2: {  	_ =	swait.ge [sflag:s23], $0x1  }
0xa3: {  	[sflag:s23] =	ssyncset.done $0x0  }
0xa4: {  	s25 =	simm.s32 $0x1B8E;
	s24 =	sld [smem:$0x3FFE];
	[sflag:s23] =	ssyncadd.s32 $0xFFFFFFFF  }
0xa5: {  	s26 =	simm.s32 $execute0_lowered;
	[smem:$0x3FD2] =	sst s25  }
0xa6: {  	s5 =	sshll.u32 s26, $0x1;
	_ =	strace $0x80000046;
	[dreg:$0x1] =	wrdreg $0xFFFFFFFF  }
0xa7: {  	s28 =	simm.s32 $_size_execute0_lowered;
	s3 =	sadd.s32 s3, s5;
	[dreg:$0x0] =	wrdreg $0x0  }
0xa8: {  	s5 =	sshll.u32 s28, $0x1;
	[dreg:$0x2] =	wrdreg s3  }
0xa9: {  	[dreg:$0x3] =	wrdreg s5  }
0xaa: {  	[dreg:$0x4] =	wrdreg $0xC0  }
0xab: {  	_ =	task [dreg:s7], $0x5FFFF  }
0xac: {  	[dreg:$0x1] =	wrdreg $0xFFFFFFFF  }
0xad: {  	[dreg:$0x0] =	wrdreg $0x60  }
0xae: {  	[dreg:$0x2] =	wrdreg s2  }
0xaf: {  	[dreg:$0x3] =	wrdreg s24  }
0xb0: {  	[dreg:$0x4] =	wrdreg $0x9  }
0xb1: {  	_ =	task.clear_ibuf [dreg:s7], $0x5FFFF;
	_ =	strace $0x90000046  }
0xb2: {  	s29 =	simm.s32 $0x9;
	_ =	strace $0x80000048  }
0xb3: {  	_ =	swait.ge [sflag:s29], $0x1  }
0xb4: {  	[sflag:s29] =	ssyncadd.s32 $0xFFFFFFFF  }
0xb5: {  	_ =	strace $0x90000048  }
0xb6: {  	_ =	sfence  }
0xb7: {  	s30 =	sld [smem:$0x0];
	_ =	sdelay $0x2  }
0xb8: {  	s31 =	sshll.u32 s1, $0xD;
	s1 =	sshrl.u32 s1, $0x2  }
0xb9: {  	s3 =	sand.u32 $0x4000, s31;
	s1 =	sadd.s32 s1, s30  }
0xba: {  	s0 =	sor.u32 s3, s0;
	s1 =	sshll.u32 s1, $0x11  }
0xbb: {  	s0 =	sor.u32 s1, s0  }
0xbc: {  	s0 =	sadd.s32 $0x8F2B, s0  }
0xbd: {  	[sflag:s0] =	ssyncadd.remote.s32 $0x1  }
0xbe: {  	_ =	sfence.sel $0xFFFF  }
0xbf: {  	[dreg:$0x0] =	wrdreg $0xFFFFFFFF;
	(pc) =	sbr.abs _section_cstart, $3  }
0xc0: {  	[dreg:$0x1] =	wrdreg $0xFFFFFFFF  }
0xc1: {  	_ =	task.clear_ibuf [dreg:s7], $0x2FFFF;
	_ =	strace $0x9FFFFFFF  }
0xc2: {  	(tm) =	ssettm $0x7FFFFFFF  }
0xc3: {  	_ =	shalt  }
tec
execute0_lowered:
.L_overlay_start_1:
0x0: {  	(tag) =	ssettag $0x1  }
0x1: {  	s2 =	rddreg [dreg:$0x0];
	s0 =	srdreg.scid  }
0x2: {  	s3 =	stileid.u32;
	s1 =	rddreg [dreg:$0x1];
	s8 =	simm.s32 $0x9  }
0x3: {  	s9 =	simm.s32 $0x1400;
	s10 =	simm.s32 $0x80;
	s11 =	simm.s32 $0x2800  }
0x4: {  	s12 =	simm.s32 $0x6800;
	s13 =	simm.s32 $0x1;
	s15 =	simm.s32 $0xA800  }
0x5: {  	s16 =	simm.s32 $0x2;
	s19 =	simm.s32 $0xE800;
	s20 =	simm.s32 $0x3  }
0x6: {  	s22 =	simm.s32 $0x5;
	s24 =	simm.s32 $0x4;
	s26 =	simm.s32 $0x6  }
0x7: {  	s29 =	simm.s32 $0x7;
	s30 =	simm.s32 $0x8;
	s31 =	simm.s32 $0x2600  }
0x8: {  	s14 =	simm.s32 $0x1380;
	s0 =	sand.u32 $0x1, s0;
	s4 =	sshll.u32 s3, $0x1  }
0x9: {  	s17 =	simm.s32 $0x2700;
	s18 =	simm.s32 $0x2780;
	s4 =	sor.u32 s0, s4  }
0xa: {  	s3 =	simm.s32 $0x0;
	s0 =	ssub.s32 $0x2, s0;
	s4 =	smul.u32 $0x280, s4  }
0xb: {  	s21 =	simm.s32 $0x0;
	[smem:$0x7FF] =	sst s3;
	s28 =	sshrl.u32 s0, $0x1  }
0xc: {  	_ =	strace $0x80000047;
	s0 =	ssub.s32 s0, s28;
	s6 =	sadd.s32 s4, s1  }
0xd: {  	s4 =	sadd.s32 $0x1B200, s1;
	s7 =	smax.u32 s0, $0x1;
	s1 =	simm.s32 $0x1300  }
0xe: {  	s0 =	simm.s32 $0x2680;
	s5 =	sadd.s32 $0x7200, s6;
	s6 =	sadd.s32 $0xC200, s6  }
.LBB2_1:
0xf: {  	[tilespmem:s3], [sflag:$0x9] =	stream.linear.gather [hbm4b:s5+s3], $0x1400, $0x38;
	[tilespmem:$0x12800] =	vst v63  }
0x10: {  	_ =	swait.ge [sflag:s8], $0x1400  }
0x11: {  	[sflag:s8] =	ssyncset.done $0x0  }
0x12: {  	[sflag:s8] =	ssyncadd.s32 $0xFFFFEC00  }
0x13: {  	[tilespmem:s9], [sflag:$0x9] =	stream.linear.gather [hbm4b:s6+s3], $0x1400, $0x38;
	[tilespmem:$0x12800] =	vst v63  }
0x14: {  	_ =	swait.ge [sflag:s8], $0x1400  }
0x15: {  	[sflag:s8] =	ssyncset.done $0x0  }
0x16: {  	[sflag:s8] =	ssyncadd.s32 $0xFFFFEC00  }
0x17: {  	[tilespmem:s11], [sflag:$0x1] =	stream.indirect.gather [hbm4b:s2+s10], $0x80, s3, s10, $0xb8;
	[tilespmem:$0x12800] =	vst v63  }
0x18: {  	_ = 	snop  }
0x19: {  	[tilespmem:s12], [sflag:$0x2] =	stream.indirect.gather [hbm4b:s2+s10], $0x80, s10, s10, $0xb8;
	[tilespmem:$0x12800] =	vst v63  }
0x1a: {  	_ =	swait.ge [sflag:s13], $0x4000  }
0x1b: {  	[sflag:s13] =	ssyncset.done $0x0  }
0x1c: {  	[sflag:s13] =	ssyncadd.s32 $0xFFFFC000  }
0x1d: {  	[hbm4b:s4+s10] =	stream.indirect.scatter [tilespmem:s11], [sflag:$0x5], $0x80, s9, s10, $0xb8;
	[tilespmem:$0x12800] =	vst v63  }
0x1e: {  	s23 =	simm.s32 $0x100  }
0x1f: {  	[tilespmem:s15], [sflag:$0x3] =	stream.indirect.gather [hbm4b:s2+s10], $0x80, s23, s10, $0xb8;
	[tilespmem:$0x12800] =	vst v63  }
0x20: {  	_ =	swait.ge [sflag:s16], $0x4000  }
0x21: {  	[sflag:s16] =	ssyncset.done $0x0  }
0x22: {  	s28 =	simm.s32 $0x1480;
	[sflag:s16] =	ssyncadd.s32 $0xFFFFC000  }
0x23: {  	[hbm4b:s4+s10] =	stream.indirect.scatter [tilespmem:s12], [sflag:$0x6], $0x80, s28, s10, $0xb8;
	[tilespmem:$0x12800] =	vst v63  }
0x24: {  	s25 =	simm.s32 $0x180  }
0x25: {  	[tilespmem:s19], [sflag:$0x4] =	stream.indirect.gather [hbm4b:s2+s10], $0x80, s25, s10, $0xb8;
	[tilespmem:$0x12800] =	vst v63  }
0x26: {  	_ =	swait.ge [sflag:s20], $0x4000  }
0x27: {  	[sflag:s20] =	ssyncset.done $0x0  }
0x28: {  	s28 =	simm.s32 $0x1500;
	[sflag:s20] =	ssyncadd.s32 $0xFFFFC000  }
0x29: {  	[hbm4b:s4+s10] =	stream.indirect.scatter [tilespmem:s15], [sflag:$0x7], $0x80, s28, s10, $0xb8;
	[tilespmem:$0x12800] =	vst v63  }
0x2a: {  	_ =	swait.ge [sflag:s22], $0x4000  }
0x2b: {  	[sflag:s22] =	ssyncset.done $0x0  }
0x2c: {  	s25 =	simm.s32 $0x200;
	[sflag:s22] =	ssyncadd.s32 $0xFFFFC000  }
0x2d: {  	[tilespmem:s11], [sflag:$0x1] =	stream.indirect.gather [hbm4b:s2+s10], $0x80, s25, s10, $0xb8;
	[tilespmem:$0x12800] =	vst v63  }
0x2e: {  	_ =	swait.ge [sflag:s24], $0x4000  }
0x2f: {  	[sflag:s24] =	ssyncset.done $0x0  }
0x30: {  	s28 =	simm.s32 $0x1580;
	[sflag:s24] =	ssyncadd.s32 $0xFFFFC000  }
0x31: {  	[hbm4b:s4+s10] =	stream.indirect.scatter [tilespmem:s19], [sflag:$0x8], $0x80, s28, s10, $0xb8;
	[tilespmem:$0x12800] =	vst v63  }
0x32: {  	_ =	swait.ge [sflag:s26], $0x4000  }
0x33: {  	[sflag:s26] =	ssyncset.done $0x0  }
0x34: {  	s25 =	simm.s32 $0x280;
	[sflag:s26] =	ssyncadd.s32 $0xFFFFC000  }
0x35: {  	[tilespmem:s12], [sflag:$0x2] =	stream.indirect.gather [hbm4b:s2+s10], $0x80, s25, s10, $0xb8;
	[tilespmem:$0x12800] =	vst v63  }
0x36: {  	_ =	swait.ge [sflag:s13], $0x4000  }
0x37: {  	[sflag:s13] =	ssyncset.done $0x0  }
0x38: {  	s28 =	simm.s32 $0x1600;
	[sflag:s13] =	ssyncadd.s32 $0xFFFFC000  }
0x39: {  	[hbm4b:s4+s10] =	stream.indirect.scatter [tilespmem:s11], [sflag:$0x5], $0x80, s28, s10, $0xb8;
	[tilespmem:$0x12800] =	vst v63  }
0x3a: {  	_ =	swait.ge [sflag:s29], $0x4000  }
0x3b: {  	[sflag:s29] =	ssyncset.done $0x0  }
0x3c: {  	s25 =	simm.s32 $0x300;
	[sflag:s29] =	ssyncadd.s32 $0xFFFFC000  }
0x3d: {  	[tilespmem:s15], [sflag:$0x3] =	stream.indirect.gather [hbm4b:s2+s10], $0x80, s25, s10, $0xb8;
	[tilespmem:$0x12800] =	vst v63  }
0x3e: {  	_ =	swait.ge [sflag:s16], $0x4000  }
0x3f: {  	[sflag:s16] =	ssyncset.done $0x0  }
0x40: {  	s28 =	simm.s32 $0x1680;
	[sflag:s16] =	ssyncadd.s32 $0xFFFFC000  }
0x41: {  	[hbm4b:s4+s10] =	stream.indirect.scatter [tilespmem:s12], [sflag:$0x6], $0x80, s28, s10, $0xb8;
	[tilespmem:$0x12800] =	vst v63  }
0x42: {  	_ =	swait.ge [sflag:s30], $0x4000  }
0x43: {  	[sflag:s30] =	ssyncset.done $0x0  }
0x44: {  	s25 =	simm.s32 $0x380;
	[sflag:s30] =	ssyncadd.s32 $0xFFFFC000  }
0x45: {  	[tilespmem:s19], [sflag:$0x4] =	stream.indirect.gather [hbm4b:s2+s10], $0x80, s25, s10, $0xb8;
	[tilespmem:$0x12800] =	vst v63  }
0x46: {  	_ =	swait.ge [sflag:s20], $0x4000  }
0x47: {  	[sflag:s20] =	ssyncset.done $0x0  }
0x48: {  	s28 =	simm.s32 $0x1700;
	[sflag:s20] =	ssyncadd.s32 $0xFFFFC000  }
0x49: {  	[hbm4b:s4+s10] =	stream.indirect.scatter [tilespmem:s15], [sflag:$0x7], $0x80, s28, s10, $0xb8;
	[tilespmem:$0x12800] =	vst v63  }
0x4a: {  	_ =	swait.ge [sflag:s22], $0x4000  }
0x4b: {  	[sflag:s22] =	ssyncset.done $0x0  }
0x4c: {  	s25 =	simm.s32 $0x400;
	[sflag:s22] =	ssyncadd.s32 $0xFFFFC000  }
0x4d: {  	[tilespmem:s11], [sflag:$0x1] =	stream.indirect.gather [hbm4b:s2+s10], $0x80, s25, s10, $0xb8;
	[tilespmem:$0x12800] =	vst v63  }
0x4e: {  	_ =	swait.ge [sflag:s24], $0x4000  }
0x4f: {  	[sflag:s24] =	ssyncset.done $0x0  }
0x50: {  	s28 =	simm.s32 $0x1780;
	[sflag:s24] =	ssyncadd.s32 $0xFFFFC000  }
0x51: {  	[hbm4b:s4+s10] =	stream.indirect.scatter [tilespmem:s19], [sflag:$0x8], $0x80, s28, s10, $0xb8;
	[tilespmem:$0x12800] =	vst v63  }
0x52: {  	_ =	swait.ge [sflag:s26], $0x4000  }
0x53: {  	[sflag:s26] =	ssyncset.done $0x0  }
0x54: {  	s23 =	simm.s32 $0x800;
	s25 =	simm.s32 $0x480;
	[sflag:s26] =	ssyncadd.s32 $0xFFFFC000  }
.LBB2_2:
0x55: {  	[tilespmem:s12], [sflag:$0x2] =	stream.indirect.gather [hbm4b:s2+s10], $0x80, s25, s10, $0xb8;
	[tilespmem:$0x12800] =	vst v63  }
0x56: {  	s25 =	smov.u32 s23  }
0x57: {  	p0 =	sne.s32 s23, $0x3800;
	s23 =	sadd.s32 $0x800, s23;
	_ =	swait.ge [sflag:s13], $0x4000  }
0x58: {  	s25 =	sshra.s32 s25, $0x2;
	[sflag:s13] =	ssyncset.done $0x0  }
0x59: {  	s28 =	sadd.s32 $0x1600, s25;
	[sflag:s13] =	ssyncadd.s32 $0xFFFFC000  }
0x5a: {  	[hbm4b:s4+s10] =	stream.indirect.scatter [tilespmem:s11], [sflag:$0x5], $0x80, s28, s10, $0xb8;
	[tilespmem:$0x12800] =	vst v63  }
0x5b: {  	_ =	swait.ge [sflag:s29], $0x4000  }
0x5c: {  	[sflag:s29] =	ssyncset.done $0x0  }
0x5d: {  	s28 =	sadd.s32 $0x300, s25;
	[sflag:s29] =	ssyncadd.s32 $0xFFFFC000  }
0x5e: {  	[tilespmem:s15], [sflag:$0x3] =	stream.indirect.gather [hbm4b:s2+s10], $0x80, s28, s10, $0xb8;
	[tilespmem:$0x12800] =	vst v63  }
0x5f: {  	_ =	swait.ge [sflag:s16], $0x4000  }
0x60: {  	[sflag:s16] =	ssyncset.done $0x0  }
0x61: {  	s28 =	sadd.s32 $0x1680, s25;
	[sflag:s16] =	ssyncadd.s32 $0xFFFFC000  }
0x62: {  	[hbm4b:s4+s10] =	stream.indirect.scatter [tilespmem:s12], [sflag:$0x6], $0x80, s28, s10, $0xb8;
	[tilespmem:$0x12800] =	vst v63  }
0x63: {  	_ =	swait.ge [sflag:s30], $0x4000  }
0x64: {  	[sflag:s30] =	ssyncset.done $0x0  }
0x65: {  	s28 =	sadd.s32 $0x380, s25;
	[sflag:s30] =	ssyncadd.s32 $0xFFFFC000  }
0x66: {  	[tilespmem:s19], [sflag:$0x4] =	stream.indirect.gather [hbm4b:s2+s10], $0x80, s28, s10, $0xb8;
	[tilespmem:$0x12800] =	vst v63  }
0x67: {  	_ =	swait.ge [sflag:s20], $0x4000  }
0x68: {  	[sflag:s20] =	ssyncset.done $0x0  }
0x69: {  	s28 =	sadd.s32 $0x1700, s25;
	[sflag:s20] =	ssyncadd.s32 $0xFFFFC000  }
0x6a: {  	[hbm4b:s4+s10] =	stream.indirect.scatter [tilespmem:s15], [sflag:$0x7], $0x80, s28, s10, $0xb8;
	[tilespmem:$0x12800] =	vst v63  }
0x6b: {  	_ =	swait.ge [sflag:s22], $0x4000  }
0x6c: {  	[sflag:s22] =	ssyncset.done $0x0  }
0x6d: {  	s28 =	sadd.s32 $0x400, s25;
	[sflag:s22] =	ssyncadd.s32 $0xFFFFC000  }
0x6e: {  	[tilespmem:s11], [sflag:$0x1] =	stream.indirect.gather [hbm4b:s2+s10], $0x80, s28, s10, $0xb8;
	[tilespmem:$0x12800] =	vst v63  }
0x6f: {  	_ =	swait.ge [sflag:s24], $0x4000  }
0x70: {  	[sflag:s24] =	ssyncset.done $0x0  }
.Ltmp0:
0x71: {  	s28 =	sadd.s32 $0x1780, s25;
	[sflag:s24] =	ssyncadd.s32 $0xFFFFC000;
	(pc) =	sbr.rel @p0 .LBB2_2-.Ltmp0, $4  }
0x72: {  	[hbm4b:s4+s10] =	stream.indirect.scatter [tilespmem:s19], [sflag:$0x8], $0x80, s28, s10, $0xb8;
	[tilespmem:$0x12800] =	vst v63  }
0x73: {  	_ =	swait.ge [sflag:s26], $0x4000  }
0x74: {  	[sflag:s26] =	ssyncset.done $0x0  }
0x75: {  	s25 =	sadd.s32 $0x480, s25;
	[sflag:s26] =	ssyncadd.s32 $0xFFFFC000  }
0x76: {  	[tilespmem:s12], [sflag:$0x2] =	stream.indirect.gather [hbm4b:s2+s10], $0x80, s25, s10, $0xb8;
	[tilespmem:$0x12800] =	vst v63  }
0x77: {  	_ =	swait.ge [sflag:s13], $0x4000  }
0x78: {  	[sflag:s13] =	ssyncset.done $0x0  }
0x79: {  	[sflag:s13] =	ssyncadd.s32 $0xFFFFC000  }
0x7a: {  	[hbm4b:s4+s10] =	stream.indirect.scatter [tilespmem:s11], [sflag:$0x5], $0x80, s31, s10, $0xb8;
	[tilespmem:$0x12800] =	vst v63  }
0x7b: {  	_ =	swait.ge [sflag:s29], $0x4000  }
0x7c: {  	[sflag:s29] =	ssyncset.done $0x0  }
0x7d: {  	[sflag:s29] =	ssyncadd.s32 $0xFFFFC000  }
0x7e: {  	[tilespmem:s15], [sflag:$0x3] =	stream.indirect.gather [hbm4b:s2+s10], $0x80, s1, s10, $0xb8;
	[tilespmem:$0x12800] =	vst v63  }
0x7f: {  	_ =	swait.ge [sflag:s16], $0x4000  }
0x80: {  	[sflag:s16] =	ssyncset.done $0x0  }
0x81: {  	[sflag:s16] =	ssyncadd.s32 $0xFFFFC000  }
0x82: {  	[hbm4b:s4+s10] =	stream.indirect.scatter [tilespmem:s12], [sflag:$0x6], $0x80, s0, s10, $0xb8;
	[tilespmem:$0x12800] =	vst v63  }
0x83: {  	_ =	swait.ge [sflag:s30], $0x4000  }
0x84: {  	[sflag:s30] =	ssyncset.done $0x0  }
0x85: {  	[sflag:s30] =	ssyncadd.s32 $0xFFFFC000  }
0x86: {  	[tilespmem:s19], [sflag:$0x4] =	stream.indirect.gather [hbm4b:s2+s10], $0x80, s14, s10, $0xb8;
	[tilespmem:$0x12800] =	vst v63  }
0x87: {  	_ =	swait.ge [sflag:s20], $0x4000  }
0x88: {  	[sflag:s20] =	ssyncset.done $0x0  }
0x89: {  	[sflag:s20] =	ssyncadd.s32 $0xFFFFC000  }
0x8a: {  	[hbm4b:s4+s10] =	stream.indirect.scatter [tilespmem:s15], [sflag:$0x7], $0x80, s17, s10, $0xb8;
	[tilespmem:$0x12800] =	vst v63  }
0x8b: {  	_ =	swait.ge [sflag:s22], $0x4000  }
0x8c: {  	[sflag:s22] =	ssyncset.done $0x0  }
0x8d: {  	[sflag:s22] =	ssyncadd.s32 $0xFFFFC000  }
0x8e: {  	_ =	swait.ge [sflag:s24], $0x4000  }
0x8f: {  	[sflag:s24] =	ssyncset.done $0x0  }
0x90: {  	[sflag:s24] =	ssyncadd.s32 $0xFFFFC000  }
0x91: {  	[hbm4b:s4+s10] =	stream.indirect.scatter [tilespmem:s19], [sflag:$0x8], $0x80, s18, s10, $0xb8;
	[tilespmem:$0x12800] =	vst v63  }
0x92: {  	_ =	swait.ge [sflag:s26], $0x4000  }
0x93: {  	[sflag:s26] =	ssyncset.done $0x0  }
0x94: {  	s21 =	sadd.s32 $0x1, s21;
	[sflag:s26] =	ssyncadd.s32 $0xFFFFC000  }
0x95: {  	p0 =	sne.s32 s21, s7;
	_ =	swait.ge [sflag:s29], $0x4000  }
.Ltmp1:
0x96: {  	[sflag:s29] =	ssyncset.done $0x0;
	(pc) =	sbr.rel @p0 .LBB2_1-.Ltmp1, $4  }
0x97: {  	[sflag:s29] =	ssyncadd.s32 $0xFFFFC000  }
0x98: {  	_ =	swait.ge [sflag:s30], $0x4000  }
0x99: {  	[sflag:s30] =	ssyncset.done $0x0  }
0x9a: {  	[sflag:s30] =	ssyncadd.s32 $0xFFFFC000  }
0x9b: {  	_ =	sfence.sel $0x180000  }
0x9c: {  	[bflag:$0x0] =	sbarrier.arrive $0xFFFF  }
0x9d: {  	_ =	strace $0x90000047  }
0x9e: {  	s0 =	stileid.u32;
	[bflag:$0x2] =	sbarrier.arrive $0xFFFF  }
0x9f: {  	p0 =	sne.s32 s0, $0x0;
	s0 =	rddreg [dreg:$0x2]  }
0xa0: {  	s0 =	sadd.s32 @!p0 $0x100000, s0  }
0xa1: {  	[sflag:s0] =	ssyncadd.tile.s32 @!p0 $0x1;
	_ =	shalt  }
.Lfunc_end2:
_tile_overlayer_lowered:
.L_overlay_start_2:
0xa2: {  	(tag) =	ssettag $0x2  }
0xa3: {  	s0 =	rddreg [dreg:$0x0];
	s2 =	stileid.u32  }
0xa4: {  	s1 =	rddreg [dreg:$0x1];
	p0 =	sne.s32 s2, $0x0  }
0xa5: {  	s3 =	rddreg [dreg:$0x2];
	[bflag:$0x3] =	sbarrier.arrive $0xFFFF;
	s2 =	simm.s32 @!p0 $0x1C09  }
0xa6: {  	[timem:s3], [sflag:s2] =	dma.local @!p0 [hbm:s0], s1  }
0xa7: {  	s0 =	simm.s32 @!p0 $0x9  }
0xa8: {  	_ =	swait.ge @!p0 [sflag:s0], s1  }
0xa9: {  	s1 =	ssub.s32 @!p0 $0x0, s1;
	[sflag:s0] =	ssyncset.done @!p0 $0x0  }
0xaa: {  	[sflag:s0] =	ssyncadd.s32 @!p0 s1  }
0xab: {  	[bflag:$0x3] =	sbarrier.arrive $0xFFFF  }
0xac: {  	_ =	shalt  }

</sc_bundles>
